<compile_context>
chip_gen: v7x
topology: tpu7x:2x2x1
jax: 0.10.2.dev20260603
libtpu: 0.0.44.dev20260713+nightly
codegen_flags: <defaults>
</compile_context>

<pallas_src>
import functools

import jax
import jax.numpy as jnp
import numpy as np
from jax import lax
from jax.experimental import pallas as pl
from jax.experimental.pallas import tpu as pltpu
from jax.experimental.pallas import tpu_sc as plsc

N = 10000
E = 160000
D = 128
NR = 8
NK = 9

NC, NS, L = 2, 16, 16
NW = NC * NS
EP = 163840
EPW = EP // NW
CB = 128
NCHUNK = EPW // CB
RP_STRIDE = 624
RP_SIZE = 640

_SM = np.array([[0.0, -0.05, -0.2, -0.1, -0.25, -0.02, -0.2, -0.05, 0.0],
                [0.0, -0.0011, -0.0022, -0.0022, 0.0, -0.00044, -0.0011, -0.0011, 0.0]],
               dtype=np.float32)
_SB = np.array([1.0, 1.0, 0.7, 1.0, 1.0, 0.22, 0.9, 0.35, 0.0], dtype=np.float32)
import ml_dtypes as _mld
_SMB = _SM.astype(_mld.bfloat16).astype(np.float32)

_mesh = plsc.VectorSubcoreMesh(core_axis_name="c", subcore_axis_name="s",
                               num_cores=NC, num_subcores=NS)


def _shuf(v, idx):
    dn = lax.GatherDimensionNumbers(offset_dims=(), collapsed_slice_dims=(0,),
                                    start_index_map=(0,))
    return lax.gather(v, idx[:, None], dn, (1,),
                      mode=lax.GatherScatterMode.PROMISE_IN_BOUNDS)



def _mm_body(x_ref, w_ref, b_ref, o_ref):
    o_ref[0] = (jax.lax.dot_general(x_ref[...].astype(jnp.bfloat16),
                                    w_ref[0].astype(jnp.bfloat16),
                                    (((1,), (0,)), ((), ())),
                                    preferred_element_type=jnp.float32)
                + b_ref[0])


def _tables(x, W, b):
    TN = 400
    return pl.pallas_call(
        _mm_body,
        grid=(N // TN, NR),
        in_specs=[
            pl.BlockSpec((TN, D), lambda i, r: (i, 0)),
            pl.BlockSpec((1, D, D), lambda i, r: (r, 0, 0)),
            pl.BlockSpec((1, 1, D), lambda i, r: (r, 0, 0)),
        ],
        out_specs=pl.BlockSpec((1, TN, D), lambda i, r: (r, i, 0)),
        out_shape=jax.ShapeDtypeStruct((NR, N, D), jnp.float32),
    )(x, W, b.reshape(NR, 1, D))



@functools.partial(
    pl.kernel,
    out_type=(jax.ShapeDtypeStruct((EP,), jnp.float32),
              jax.ShapeDtypeStruct((EP,), jnp.float32)),
    mesh=_mesh,
    scratch_types=[
        pltpu.VMEM((CB,), jnp.int32),
        pltpu.VMEM((CB,), jnp.int32),
        pltpu.VMEM((CB,), jnp.int32),
        pltpu.VMEM((CB,), jnp.int32),
        pltpu.VMEM((CB, D), jnp.float32),
        pltpu.VMEM((CB, D), jnp.float32),
        pltpu.VMEM((CB, D), jnp.float32),
        pltpu.VMEM((CB, D), jnp.float32),
        pltpu.VMEM((CB,), jnp.float32),
        pltpu.VMEM((CB,), jnp.float32),
        pltpu.SemaphoreType.DMA,
        pltpu.SemaphoreType.DMA,
        pltpu.SemaphoreType.DMA,
        pltpu.SemaphoreType.DMA,
    ],
)
def _geom(feat_hbm, src_hbm, dst_hbm, x1sq_hbm, d0_hbm,
          srcva, dstva, srcvb, dstvb, rsa, rda, rsb, rdb, ox, od,
          sem1, sem2, sem3, sem4):
    wid = lax.axis_index("s") * NC + lax.axis_index("c")
    base = wid * EPW

    lane = lax.iota(jnp.int32, L)
    zero = jnp.zeros((L,), jnp.int32)

    def compute(rs, rd, off):
        def group(g, _):
            def edge(e, carry):
                resv, d0v = carry
                i = g * L + e
                acc0 = jnp.zeros((L,), jnp.float32)
                acc1 = jnp.zeros((L,), jnp.float32)
                t0 = None
                for j in range(D // L):
                    t = rd[i, pl.ds(j * L, L)] - rs[i, pl.ds(j * L, L)]
                    if j == 0:
                        t0 = t
                    if j % 2 == 0:
                        acc0 = acc0 + t * t
                    else:
                        acc1 = acc1 + t * t
                s = acc0 + acc1
                for k in (8, 4, 2, 1):
                    s = s + _shuf(s, lane ^ k)
                d0b = _shuf(t0, zero)
                m = lane == e
                return jnp.where(m, s, resv), jnp.where(m, d0b, d0v)

            z = jnp.zeros((L,), jnp.float32)
            resv, d0v = lax.fori_loop(0, L, edge, (z, z))
            ox[pl.ds(g * L, L)] = resv
            od[pl.ds(g * L, L)] = d0v
            return 0

        lax.fori_loop(0, CB // L, group, 0)
        pltpu.sync_copy(ox, x1sq_hbm.at[pl.ds(off, CB)])
        pltpu.sync_copy(od, d0_hbm.at[pl.ds(off, CB)])

    def pair(pi, _):
        offa = base + (2 * pi) * CB
        offb = offa + CB
        pltpu.sync_copy(src_hbm.at[pl.ds(offa, CB)], srcva)
        pltpu.sync_copy(dst_hbm.at[pl.ds(offa, CB)], dstva)
        cpa1 = pltpu.async_copy(feat_hbm.at[srcva], rsa, sem1)
        cpa2 = pltpu.async_copy(feat_hbm.at[dstva], rda, sem2)
        pltpu.sync_copy(src_hbm.at[pl.ds(offb, CB)], srcvb)
        pltpu.sync_copy(dst_hbm.at[pl.ds(offb, CB)], dstvb)
        cpb1 = pltpu.async_copy(feat_hbm.at[srcvb], rsb, sem3)
        cpb2 = pltpu.async_copy(feat_hbm.at[dstvb], rdb, sem4)
        cpa1.wait()
        cpa2.wait()
        compute(rsa, rda, offa)
        cpb1.wait()
        cpb2.wait()
        compute(rsb, rdb, offb)
        return 0

    lax.fori_loop(0, NCHUNK // 2, pair, 0)



_BR = 128
_NROW = EP // 128


def _acos(x):
    ax = jnp.abs(x)
    p = np.float32(-0.0012624911)
    for c in (0.0066700901, -0.0170881256, 0.0308918810, -0.0501743046,
              0.0889789874, -0.2145988016, 1.5707963050):
        p = p * ax + np.float32(c)
    r = jnp.sqrt(jnp.maximum(1.0 - ax, 0.0)) * p
    return jnp.where(x < 0, np.float32(np.pi) - r, r)


def _coup_body(x1sq_ref, d0_ref, src_ref, dst_ref, et_ref,
               c_ref, gidx_ref, a2_ref, r_ref):
    pid = pl.program_id(0)
    x1 = jnp.sqrt(x1sq_ref[...])
    cos = jnp.clip(d0_ref[...] / (x1 + 1e-8), -1.0, 1.0)
    x2 = _acos(cos) * np.float32(180.0 / np.pi)
    l1 = [jnp.exp(-(x1 - m) ** 2 * np.float32(1.0 / 1.125)) for m in (0.0, 2.0, 4.0)]
    l2 = [jnp.exp(-(x2 - m) ** 2 * np.float32(1.0 / 1800.0)) for m in (0.0, 90.0, 180.0)]
    tvs = [jnp.minimum(l1[a], l2[b]) for a in range(3) for b in range(3)]
    x1b = x1.astype(jnp.bfloat16).astype(jnp.float32)
    x2b = x2.astype(jnp.bfloat16).astype(jnp.float32)
    num = jnp.zeros_like(x1)
    den = jnp.zeros_like(x1)
    for k in range(NK):
        cons = x1b * float(_SMB[0, k]) + x2b * float(_SMB[1, k]) + float(_SB[k])
        num = num + tvs[k] * cons
        den = den + tvs[k]
    coup = num / den

    src = src_ref[...]
    dst = dst_ref[...]
    et = et_ref[...]
    grow = pid * _BR + lax.broadcasted_iota(jnp.int32, (_BR, 128), 0)
    is_pad = grow >= (E // 128)
    is_id = (src < 2) & (dst < 2) & jnp.logical_not(is_pad)
    c_ref[...] = jnp.where(is_id | is_pad, 0.0, coup)
    gidx_ref[...] = et * N + src

    a2 = jnp.zeros((2, 2 * NK), jnp.float32)
    r2 = jnp.zeros((2, NR), jnp.float32)
    arow = lax.broadcasted_iota(jnp.int32, (2, 2 * NK), 0)
    acol = lax.broadcasted_iota(jnp.int32, (2, 2 * NK), 1)
    rrow = lax.broadcasted_iota(jnp.int32, (2, NR), 0)
    rcol = lax.broadcasted_iota(jnp.int32, (2, NR), 1)
    for d in range(2):
        md = is_id & (dst == d)
        for s in range(2):
            m = md & (src == s)
            for k in range(NK):
                sc = jnp.sum(jnp.where(m, tvs[k], 0.0))
                a2 = a2 + jnp.where((arow == d) & (acol == k * 2 + s), sc, 0.0)
        for r in range(NR):
            sc = jnp.sum(jnp.where(md & (et == r), 1.0, 0.0))
            r2 = r2 + jnp.where((rrow == d) & (rcol == r), sc, 0.0)

    @pl.when(pid == 0)
    def _():
        a2_ref[...] = a2
        r_ref[...] = r2

    @pl.when(pid != 0)
    def _():
        a2_ref[...] += a2
        r_ref[...] += r2


def _coupling(x1sq, d0, srcp, dstp, etp):
    grid = (_NROW // _BR,)
    bs = lambda: pl.BlockSpec((_BR, 128), lambda i: (i, 0))
    small = lambda shp: pl.BlockSpec(shp, lambda i: tuple(0 for _ in shp))
    return pl.pallas_call(
        _coup_body,
        grid=grid,
        in_specs=[bs(), bs(), bs(), bs(), bs()],
        out_specs=[bs(), bs(), small((2, 2 * NK)), small((2, NR))],
        out_shape=[jax.ShapeDtypeStruct((_NROW, 128), jnp.float32),
                   jax.ShapeDtypeStruct((_NROW, 128), jnp.int32),
                   jax.ShapeDtypeStruct((2, 2 * NK), jnp.float32),
                   jax.ShapeDtypeStruct((2, NR), jnp.float32)],
    )(x1sq.reshape(_NROW, 128), d0.reshape(_NROW, 128),
      srcp.reshape(_NROW, 128), dstp.reshape(_NROW, 128), etp.reshape(_NROW, 128))



@functools.partial(
    pl.kernel,
    out_type=jax.ShapeDtypeStruct((NC * N, D), jnp.float32),
    mesh=_mesh,
    scratch_types=[
        pltpu.VMEM((CB,), jnp.int32),
        pltpu.VMEM((CB,), jnp.int32),
        pltpu.VMEM((CB,), jnp.float32),
        pltpu.VMEM((CB,), jnp.int32),
        pltpu.VMEM((CB,), jnp.int32),
        pltpu.VMEM((CB,), jnp.float32),
        pltpu.VMEM((CB, D), jnp.float32),
        pltpu.VMEM((CB, D), jnp.float32),
        pltpu.VMEM_SHARED((N, D), jnp.float32),
        pltpu.SemaphoreType.DMA,
        pltpu.SemaphoreType.DMA,
    ],
)
def _scatter(table_hbm, gidx_hbm, dst_hbm, c_hbm, zeros_hbm, out_hbm,
             gva, dva, cva, gvb, dvb, cvb, rowsa, rowsb, acc, sema, semb):
    cid = lax.axis_index("c")
    sid = lax.axis_index("s")
    wid = sid * NC + cid
    base = wid * EPW

    pltpu.sync_copy(zeros_hbm, acc.at[pl.ds(sid * RP_STRIDE, RP_SIZE)])
    plsc.subcore_barrier()

    def scale_scatter(rows, cv, dv):
        def group(g, _):
            cvec = cv[pl.ds(g * L, L)]

            def sub(e, _):
                i = g * L + e
                c = _shuf(cvec, jnp.full((L,), e, jnp.int32))
                for j in range(D // L):
                    sl = pl.ds(j * L, L)
                    rows[i, sl] = rows[i, sl] * c
                return 0

            lax.fori_loop(0, L, sub, 0)
            return 0

        lax.fori_loop(0, CB // L, group, 0)
        pltpu.sync_copy(rows, acc.at[dv], add=True)

    def pair(pi, _):
        offa = base + (2 * pi) * CB
        offb = offa + CB
        pltpu.sync_copy(gidx_hbm.at[pl.ds(offa, CB)], gva)
        pltpu.sync_copy(dst_hbm.at[pl.ds(offa, CB)], dva)
        pltpu.sync_copy(c_hbm.at[pl.ds(offa, CB)], cva)
        cpa = pltpu.async_copy(table_hbm.at[gva], rowsa, sema)
        pltpu.sync_copy(gidx_hbm.at[pl.ds(offb, CB)], gvb)
        pltpu.sync_copy(dst_hbm.at[pl.ds(offb, CB)], dvb)
        pltpu.sync_copy(c_hbm.at[pl.ds(offb, CB)], cvb)
        cpb = pltpu.async_copy(table_hbm.at[gvb], rowsb, semb)
        cpa.wait()
        scale_scatter(rowsa, cva, dva)
        cpb.wait()
        scale_scatter(rowsb, cvb, dvb)
        return 0

    lax.fori_loop(0, NCHUNK // 2, pair, 0)
    plsc.subcore_barrier()
    pltpu.sync_copy(acc.at[pl.ds(sid * RP_STRIDE, RP_SIZE)],
                    out_hbm.at[pl.ds(cid * N + sid * RP_STRIDE, RP_SIZE)])



def _smallmm_body(x_ref, w_ref, o_ref):
    o_ref[0] = jax.lax.dot_general(x_ref[...].astype(jnp.bfloat16),
                                   w_ref[0].astype(jnp.bfloat16),
                                   (((1,), (0,)), ((), ())),
                                   preferred_element_type=jnp.float32)


def _smallmm(x01, Wr):
    return pl.pallas_call(
        _smallmm_body,
        grid=(NK,),
        in_specs=[pl.BlockSpec((2, D), lambda k: (0, 0)),
                  pl.BlockSpec((1, D, D), lambda k: (k, 0, 0))],
        out_specs=pl.BlockSpec((1, 2, D), lambda k: (k, 0, 0)),
        out_shape=jax.ShapeDtypeStruct((NK, 2, D), jnp.float32),
    )(x01, Wr)



_CBR = 1000


def _combine_body(do_tanh, p0_ref, p1_ref, a2_ref, r_ref, b_ref, hwrf_ref, o_ref):
    pid = pl.program_id(0)
    x = p0_ref[...] + p1_ref[...]
    idc = (jax.lax.dot_general(a2_ref[...], hwrf_ref[...], (((1,), (0,)), ((), ())),
                               preferred_element_type=jnp.float32)
           + jax.lax.dot_general(r_ref[...], b_ref[...], (((1,), (0,)), ((), ())),
                                 preferred_element_type=jnp.float32))
    rowi = lax.broadcasted_iota(jnp.int32, (_CBR, D), 0)
    first = pid == 0
    x = x + jnp.where(first & (rowi == 0), idc[0:1], 0.0)
    x = x + jnp.where(first & (rowi == 1), idc[1:2], 0.0)
    o_ref[...] = jnp.tanh(x) if do_tanh else x


def _combine(p0, p1, a2, r2, b, hwrf, do_tanh):
    bs = pl.BlockSpec((_CBR, D), lambda i: (i, 0))
    small = lambda shp: pl.BlockSpec(shp, lambda i: tuple(0 for _ in shp))
    return pl.pallas_call(
        functools.partial(_combine_body, do_tanh),
        grid=(N // _CBR,),
        in_specs=[bs, bs, small((2, 2 * NK)), small((2, NR)),
                  small((NR, D)), small((2 * NK, D))],
        out_specs=bs,
        out_shape=jax.ShapeDtypeStruct((N, D), jnp.float32),
    )(p0, p1, a2, r2, b, hwrf)



def kernel(feat, edge_index, etypes, edge_sg_ID, W1, b1, Wr1, W2, b2, Wr2):
    src = edge_index[0].astype(jnp.int32)
    dst = edge_index[1].astype(jnp.int32)
    etypes = etypes.astype(jnp.int32)
    padn = EP - E
    srcp = jnp.pad(src, (0, padn))
    dstp = jnp.pad(dst, (0, padn))
    etp = jnp.pad(etypes, (0, padn))
    zeros = jnp.zeros((RP_SIZE, D), jnp.float32)

    x1sq, d0 = _geom(feat, srcp, dstp)
    c, gidx, a2, r2 = _coupling(x1sq, d0, srcp, dstp, etp)
    c = c.reshape(EP)
    gidx = gidx.reshape(EP)

    t1 = _tables(feat, W1, b1).reshape(NR * N, D)
    p = _scatter(t1, gidx, dstp, c, zeros)
    hwrf1 = _smallmm(feat[0:2], Wr1).reshape(2 * NK, D)
    h = _combine(p[0:N], p[N:2 * N], a2, r2, b1, hwrf1, True)

    t2 = _tables(h, W2, b2).reshape(NR * N, D)
    p2 = _scatter(t2, gidx, dstp, c, zeros)
    hwrf2 = _smallmm(h[0:2], Wr2).reshape(2 * NK, D)
    out = _combine(p2[0:N], p2[N:2 * N], a2, r2, b2, hwrf2, False)
    return out[:, None, :]

# --- scband reference (transcript-rebuilt; emitter-appended) ---
"""Pipeline reference for scband-fuzzy-rgcn-9620726743247 (READ-ONLY COPY).

The authoritative reference and input builder live on the scoring server;
editing this copy changes nothing except your own understanding.
"""

import jax, jax.numpy as jnp
import numpy as np

N_NODES = 10000
N_EDGES = 160000
D_IN = 128
D_H = 128
D_OUT = 128
NUM_RELS = 8
NUM_RULES = 9

SUB_MAT = jnp.array([[0.0, -0.05, -0.2, -0.1, -0.25, -0.02, -0.2, -0.05, 0.0],
                     [0.0, -0.0011, -0.0022, -0.0022, 0.0, -0.00044, -0.0011, -0.0011, 0.0]], dtype=jnp.float32)
SUB_BIAS = jnp.array([1.0, 1.0, 0.7, 1.0, 1.0, 0.22, 0.9, 0.35, 0.0], dtype=jnp.float32)


def _gauss(x, mean, sigma):
    return jnp.exp(-(x - mean) ** 2.0 / (2.0 * sigma ** 2.0))


def _ante_generator(vec):
    # x1: distance-like antecedent, x2: angle-like antecedent (degrees)
    x1 = jnp.linalg.norm(vec, axis=-1, keepdims=True)
    cosang = jnp.clip(vec[:, 0:1] / (x1 + 1e-8), -1.0, 1.0)
    x2 = jnp.degrees(jnp.arccos(cosang))
    return x1, x2


def _ts_fuzzy(feat, src, dst):
    vec = feat[dst] - feat[src]  # (E, d)
    x1, x2 = _ante_generator(vec)  # (E,1) each
    l1s, l1m, l1l = _gauss(x1, 0.0, 0.75), _gauss(x1, 2.0, 0.75), _gauss(x1, 4.0, 0.75)
    l2s, l2m, l2l = _gauss(x2, 0.0, 30.0), _gauss(x2, 90.0, 30.0), _gauss(x2, 180.0, 30.0)
    tv = jnp.stack([jnp.minimum(l1s, l2s), jnp.minimum(l1s, l2m), jnp.minimum(l1s, l2l),
                    jnp.minimum(l1m, l2s), jnp.minimum(l1m, l2m), jnp.minimum(l1m, l2l),
                    jnp.minimum(l1l, l2s), jnp.minimum(l1l, l2m), jnp.minimum(l1l, l2l)], axis=2)  # (E,1,9)
    prem = jnp.stack([x1, x2], axis=2).reshape(-1, 2).astype(jnp.float32)  # (E,2)
    cons = (prem @ SUB_MAT + SUB_BIAS).reshape(x1.shape[0], 1, NUM_RULES)  # (E,1,9)
    coupling = jnp.sum(tv * cons, axis=2) / jnp.sum(tv, axis=2)  # (E,1)
    return coupling[:, 0], tv.reshape(-1, NUM_RULES)


def _fuzzy_layer(feat, W, b, Wr, src, dst, etypes, coupling, ante, is_id, n_nodes):
    # Standard relational branch: msg_e = coupling_e * (h_src @ W[rel_e])
    hW = jnp.einsum('ni,rio->nro', feat, W)  # (N, num_rels, out)
    msg_rel = hW[src, etypes]  # (E, out)
    # Fuzzy-rule branch (used for subgraph-ID edges): msg_e = h_src @ (sum_k ante_ek * Wr_k)
    hWr = jnp.einsum('ni,kio->nko', feat, Wr)  # (N, num_rules, out)
    msg_ante = jnp.zeros_like(msg_rel)
    for k in range(Wr.shape[0]):
        msg_ante = msg_ante + ante[:, k:k + 1] * hWr[:, k][src]
    c = jnp.where(is_id, 1.0, coupling)  # coupling_degrees[ID] = 1.0
    msg = jnp.where(is_id[:, None], msg_ante, c[:, None] * msg_rel)
    msg = msg + c[:, None] * b[etypes]
    return jax.ops.segment_sum(msg, dst, num_segments=n_nodes)


def setup_inputs(seed: int = 0):
    key = jax.random.key(seed)
    ks = jax.random.split(key, 10)
    feat = jax.random.uniform(ks[0], (N_NODES, D_IN), dtype=jnp.float32)
    edge_index = jax.random.randint(ks[1], (2, N_EDGES), 0, N_NODES)
    etypes = jax.random.randint(ks[2], (N_EDGES,), 0, NUM_RELS)
    edge_sg_ID = jax.random.randint(ks[3], (1,), 0, N_EDGES)
    gain = 5.0 / 3.0  # calculate_gain('tanh')
    def xavier(k, shape):
        fi, fo = shape[-2], shape[-1]
        lim = gain * np.sqrt(6.0 / (fi + fo))
        return jax.random.uniform(k, shape, minval=-lim, maxval=lim, dtype=jnp.float32)
    W1 = xavier(ks[4], (NUM_RELS, D_IN, D_H))
    Wr1 = xavier(ks[5], (NUM_RULES, D_IN, D_H))
    b1 = jnp.zeros((NUM_RELS, D_H), dtype=jnp.float32)
    W2 = xavier(ks[6], (NUM_RELS, D_H, D_OUT))
    Wr2 = xavier(ks[7], (NUM_RULES, D_H, D_OUT))
    b2 = jnp.zeros((NUM_RELS, D_OUT), dtype=jnp.float32)
    return {"feat": feat, "edge_index": edge_index, "etypes": etypes, "edge_sg_ID": edge_sg_ID,
            "W1": W1, "b1": b1, "Wr1": Wr1, "W2": W2, "b2": b2, "Wr2": Wr2}


def reference(feat, edge_index, etypes, edge_sg_ID, W1, b1, Wr1, W2, b2, Wr2):
    src = edge_index[0]
    dst = edge_index[1]
    # TSFuzzyLayer: computed once on input features, reused by both RGCN layers
    coupling, ante = _ts_fuzzy(feat, src, dst)
    # dgl.node_subgraph(g, [0, 1]): edges whose endpoints are both in {0, 1}
    is_id = (src < 2) & (dst < 2)
    h = jnp.tanh(_fuzzy_layer(feat, W1, b1, Wr1, src, dst, etypes, coupling, ante, is_id, N_NODES))
    out = _fuzzy_layer(h, W2, b2, Wr2, src, dst, etypes, coupling, ante, is_id, N_NODES)
    return out[:, None, :]  # dgl fn.sum of (E,1,out) msgs yields (N,1,out)

if __name__ == "__main__":
    import jax
    _d = setup_inputs()
    print(jax.jit(kernel)(*tuple(_d.values())))

</pallas_src>

<mosaic_0001>
#map = affine_map<(d0, d1) -> (0, 0)>
#map1 = affine_map<(d0, d1) -> (0)>
module attributes {stable_mosaic.version = 14 : i64} {
  func.func @_geom(%arg0: i32, %arg1: i32, %arg2: memref<10000x128xf32, #tpu.memory_space<hbm>>, %arg3: memref<163840xi32, #tpu.memory_space<hbm>>, %arg4: memref<163840xi32, #tpu.memory_space<hbm>>, %arg5: memref<163840xf32, #tpu.memory_space<hbm>>, %arg6: memref<163840xf32, #tpu.memory_space<hbm>>, %arg7: memref<128xi32, #tpu.memory_space<vmem>>, %arg8: memref<128xi32, #tpu.memory_space<vmem>>, %arg9: memref<128xi32, #tpu.memory_space<vmem>>, %arg10: memref<128xi32, #tpu.memory_space<vmem>>, %arg11: memref<128x128xf32, #tpu.memory_space<vmem>>, %arg12: memref<128x128xf32, #tpu.memory_space<vmem>>, %arg13: memref<128x128xf32, #tpu.memory_space<vmem>>, %arg14: memref<128x128xf32, #tpu.memory_space<vmem>>, %arg15: memref<128xf32, #tpu.memory_space<vmem>>, %arg16: memref<128xf32, #tpu.memory_space<vmem>>, %arg17: memref<!tpu.dma_semaphore, #tpu.memory_space<semaphore_mem>>, %arg18: memref<!tpu.dma_semaphore, #tpu.memory_space<semaphore_mem>>, %arg19: memref<!tpu.dma_semaphore, #tpu.memory_space<semaphore_mem>>, %arg20: memref<!tpu.dma_semaphore, #tpu.memory_space<semaphore_mem>>) attributes {dimension_semantics = [#tpu.dimension_semantics<core_parallel>, #tpu.dimension_semantics<subcore_parallel>], iteration_bounds = array<i64: 2, 16>, scalar_prefetch = 0 : i64, scratch_operands = 14 : i64, tpu.core_type = #tpu.core_type<sc_vector_subcore>, window_params = [{transform_indices = #map}, {transform_indices = #map1}, {transform_indices = #map1}, {transform_indices = #map1}, {transform_indices = #map1}]} {
    %mul3A = arith.constant 2 : i32
    %mul3A_0 = arith.muli %arg1, %mul3A : i32
    %add3A = arith.addi %mul3A_0, %arg0 : i32
    %mul3A_1 = arith.constant 5120 : i32
    %mul3A_2 = arith.muli %add3A, %mul3A_1 : i32
    %iota3A = tpu.iota {dimensions = array<i32: 0>} : vector<16xi32>
    %broadcast_in_dim3A = arith.constant 0 : i32
    %broadcast_in_dim3A_3 = vector.broadcast %broadcast_in_dim3A : i32 to vector<16xi32>
    %scan3A = arith.constant 0 : i32
    %scan3A_4 = arith.constant 0 : i32
    %scan3A_5 = arith.constant 20 : i32
    %scan3A_6 = arith.addi %scan3A_4, %scan3A_5 : i32
    %scan3A_7 = arith.constant 1 : i32
    %scan3A_8 = scf.for %scan3A_10 = %scan3A_4 to %scan3A_6 step %scan3A_7 iter_args(%scan3A_11 = %scan3A) -> (i32)  : i32 {
      %mul3A_12 = arith.constant 2 : i32
      %mul3A_13 = arith.muli %mul3A_12, %scan3A_10 : i32
      %mul3A_14 = arith.constant 128 : i32
      %mul3A_15 = arith.muli %mul3A_13, %mul3A_14 : i32
      %add3A_16 = arith.addi %mul3A_2, %mul3A_15 : i32
      %add3A_17 = arith.constant 128 : i32
      %add3A_18 = arith.addi %add3A_16, %add3A_17 : i32
      "tpu.region"() ({
        %run_scoped3A = tpu.sem_alloc : memref<!tpu.dma_semaphore, #tpu.memory_space<semaphore_mem>>
        %dma_start3A_56 = tpu.memref_slice %arg3[%add3A_16] : memref<163840xi32, #tpu.memory_space<hbm>> -> memref<128xi32, #tpu.memory_space<hbm>>
        %dma_start3A_57 = tpu.memref_slice %arg3[%add3A_16] : memref<163840xi32, #tpu.memory_space<hbm>> -> memref<128xi32, #tpu.memory_space<hbm>>
        tpu.enqueue_dma source(%dma_start3A_57 : memref<128xi32, #tpu.memory_space<hbm>>) target(%arg7 : memref<128xi32, #tpu.memory_space<vmem>>) target_semaphore(%run_scoped3A : memref<!tpu.dma_semaphore, #tpu.memory_space<semaphore_mem>>)
        %dma_wait3A_58 = tpu.memref_slice %arg3[%add3A_16] : memref<163840xi32, #tpu.memory_space<hbm>> -> memref<128xi32, #tpu.memory_space<hbm>>
        %dma_wait3A_59 = tpu.memref_slice %arg3[%add3A_16] : memref<163840xi32, #tpu.memory_space<hbm>> -> memref<128xi32, #tpu.memory_space<hbm>>
        tpu.wait_dma2 semaphore(%run_scoped3A : memref<!tpu.dma_semaphore, #tpu.memory_space<semaphore_mem>>) src(%dma_wait3A_59 : memref<128xi32, #tpu.memory_space<hbm>>) dst(%arg7 : memref<128xi32, #tpu.memory_space<vmem>>)
        tpu.yield
      }) : () -> ()
      "tpu.region"() ({
        %run_scoped3A = tpu.sem_alloc : memref<!tpu.dma_semaphore, #tpu.memory_space<semaphore_mem>>
        %dma_start3A_56 = tpu.memref_slice %arg4[%add3A_16] : memref<163840xi32, #tpu.memory_space<hbm>> -> memref<128xi32, #tpu.memory_space<hbm>>
        %dma_start3A_57 = tpu.memref_slice %arg4[%add3A_16] : memref<163840xi32, #tpu.memory_space<hbm>> -> memref<128xi32, #tpu.memory_space<hbm>>
        tpu.enqueue_dma source(%dma_start3A_57 : memref<128xi32, #tpu.memory_space<hbm>>) target(%arg8 : memref<128xi32, #tpu.memory_space<vmem>>) target_semaphore(%run_scoped3A : memref<!tpu.dma_semaphore, #tpu.memory_space<semaphore_mem>>)
        %dma_wait3A_58 = tpu.memref_slice %arg4[%add3A_16] : memref<163840xi32, #tpu.memory_space<hbm>> -> memref<128xi32, #tpu.memory_space<hbm>>
        %dma_wait3A_59 = tpu.memref_slice %arg4[%add3A_16] : memref<163840xi32, #tpu.memory_space<hbm>> -> memref<128xi32, #tpu.memory_space<hbm>>
        tpu.wait_dma2 semaphore(%run_scoped3A : memref<!tpu.dma_semaphore, #tpu.memory_space<semaphore_mem>>) src(%dma_wait3A_59 : memref<128xi32, #tpu.memory_space<hbm>>) dst(%arg8 : memref<128xi32, #tpu.memory_space<vmem>>)
        tpu.yield
      }) : () -> ()
      %dma_start3A = arith.constant 0 : i32
      %dma_start3A_19 = arith.constant 0 : i32
      %dma_start3A_20 = tpu.memref_slice %arg2[%dma_start3A, %dma_start3A_19] : memref<10000x128xf32, #tpu.memory_space<hbm>> -> memref<10000x128xf32, #tpu.memory_space<hbm>>
      tpu.enqueue_indirect_dma source(%dma_start3A_20 : memref<10000x128xf32, #tpu.memory_space<hbm>>) target(%arg11 : memref<128x128xf32, #tpu.memory_space<vmem>>) offsets(%arg7 : memref<128xi32, #tpu.memory_space<vmem>>) semaphore(%arg17 : memref<!tpu.dma_semaphore, #tpu.memory_space<semaphore_mem>>)
      %dma_start3A_21 = arith.constant 0 : i32
      %dma_start3A_22 = arith.constant 0 : i32
      %dma_start3A_23 = tpu.memref_slice %arg2[%dma_start3A_21, %dma_start3A_22] : memref<10000x128xf32, #tpu.memory_space<hbm>> -> memref<10000x128xf32, #tpu.memory_space<hbm>>
      tpu.enqueue_indirect_dma source(%dma_start3A_23 : memref<10000x128xf32, #tpu.memory_space<hbm>>) target(%arg12 : memref<128x128xf32, #tpu.memory_space<vmem>>) offsets(%arg8 : memref<128xi32, #tpu.memory_space<vmem>>) semaphore(%arg18 : memref<!tpu.dma_semaphore, #tpu.memory_space<semaphore_mem>>)
      "tpu.region"() ({
        %run_scoped3A = tpu.sem_alloc : memref<!tpu.dma_semaphore, #tpu.memory_space<semaphore_mem>>
        %dma_start3A_56 = tpu.memref_slice %arg3[%add3A_18] : memref<163840xi32, #tpu.memory_space<hbm>> -> memref<128xi32, #tpu.memory_space<hbm>>
        %dma_start3A_57 = tpu.memref_slice %arg3[%add3A_18] : memref<163840xi32, #tpu.memory_space<hbm>> -> memref<128xi32, #tpu.memory_space<hbm>>
        tpu.enqueue_dma source(%dma_start3A_57 : memref<128xi32, #tpu.memory_space<hbm>>) target(%arg9 : memref<128xi32, #tpu.memory_space<vmem>>) target_semaphore(%run_scoped3A : memref<!tpu.dma_semaphore, #tpu.memory_space<semaphore_mem>>)
        %dma_wait3A_58 = tpu.memref_slice %arg3[%add3A_18] : memref<163840xi32, #tpu.memory_space<hbm>> -> memref<128xi32, #tpu.memory_space<hbm>>
        %dma_wait3A_59 = tpu.memref_slice %arg3[%add3A_18] : memref<163840xi32, #tpu.memory_space<hbm>> -> memref<128xi32, #tpu.memory_space<hbm>>
        tpu.wait_dma2 semaphore(%run_scoped3A : memref<!tpu.dma_semaphore, #tpu.memory_space<semaphore_mem>>) src(%dma_wait3A_59 : memref<128xi32, #tpu.memory_space<hbm>>) dst(%arg9 : memref<128xi32, #tpu.memory_space<vmem>>)
        tpu.yield
      }) : () -> ()
      "tpu.region"() ({
        %run_scoped3A = tpu.sem_alloc : memref<!tpu.dma_semaphore, #tpu.memory_space<semaphore_mem>>
        %dma_start3A_56 = tpu.memref_slice %arg4[%add3A_18] : memref<163840xi32, #tpu.memory_space<hbm>> -> memref<128xi32, #tpu.memory_space<hbm>>
        %dma_start3A_57 = tpu.memref_slice %arg4[%add3A_18] : memref<163840xi32, #tpu.memory_space<hbm>> -> memref<128xi32, #tpu.memory_space<hbm>>
        tpu.enqueue_dma source(%dma_start3A_57 : memref<128xi32, #tpu.memory_space<hbm>>) target(%arg10 : memref<128xi32, #tpu.memory_space<vmem>>) target_semaphore(%run_scoped3A : memref<!tpu.dma_semaphore, #tpu.memory_space<semaphore_mem>>)
        %dma_wait3A_58 = tpu.memref_slice %arg4[%add3A_18] : memref<163840xi32, #tpu.memory_space<hbm>> -> memref<128xi32, #tpu.memory_space<hbm>>
        %dma_wait3A_59 = tpu.memref_slice %arg4[%add3A_18] : memref<163840xi32, #tpu.memory_space<hbm>> -> memref<128xi32, #tpu.memory_space<hbm>>
        tpu.wait_dma2 semaphore(%run_scoped3A : memref<!tpu.dma_semaphore, #tpu.memory_space<semaphore_mem>>) src(%dma_wait3A_59 : memref<128xi32, #tpu.memory_space<hbm>>) dst(%arg10 : memref<128xi32, #tpu.memory_space<vmem>>)
        tpu.yield
      }) : () -> ()
      %dma_start3A_24 = arith.constant 0 : i32
      %dma_start3A_25 = arith.constant 0 : i32
      %dma_start3A_26 = tpu.memref_slice %arg2[%dma_start3A_24, %dma_start3A_25] : memref<10000x128xf32, #tpu.memory_space<hbm>> -> memref<10000x128xf32, #tpu.memory_space<hbm>>
      tpu.enqueue_indirect_dma source(%dma_start3A_26 : memref<10000x128xf32, #tpu.memory_space<hbm>>) target(%arg13 : memref<128x128xf32, #tpu.memory_space<vmem>>) offsets(%arg9 : memref<128xi32, #tpu.memory_space<vmem>>) semaphore(%arg19 : memref<!tpu.dma_semaphore, #tpu.memory_space<semaphore_mem>>)
      %dma_start3A_27 = arith.constant 0 : i32
      %dma_start3A_28 = arith.constant 0 : i32
      %dma_start3A_29 = tpu.memref_slice %arg2[%dma_start3A_27, %dma_start3A_28] : memref<10000x128xf32, #tpu.memory_space<hbm>> -> memref<10000x128xf32, #tpu.memory_space<hbm>>
      tpu.enqueue_indirect_dma source(%dma_start3A_29 : memref<10000x128xf32, #tpu.memory_space<hbm>>) target(%arg14 : memref<128x128xf32, #tpu.memory_space<vmem>>) offsets(%arg10 : memref<128xi32, #tpu.memory_space<vmem>>) semaphore(%arg20 : memref<!tpu.dma_semaphore, #tpu.memory_space<semaphore_mem>>)
      %dma_wait3A = arith.constant 0 : i32
      %dma_wait3A_30 = arith.constant 0 : i32
      %dma_wait3A_31 = tpu.memref_slice %arg2[%dma_wait3A, %dma_wait3A_30] : memref<10000x128xf32, #tpu.memory_space<hbm>> -> memref<10000x128xf32, #tpu.memory_space<hbm>>
      tpu.wait_indirect_dma semaphore(%arg17 : memref<!tpu.dma_semaphore, #tpu.memory_space<semaphore_mem>>) src(%dma_wait3A_31 : memref<10000x128xf32, #tpu.memory_space<hbm>>) dst(%arg11 : memref<128x128xf32, #tpu.memory_space<vmem>>)
      %dma_wait3A_32 = arith.constant 0 : i32
      %dma_wait3A_33 = arith.constant 0 : i32
      %dma_wait3A_34 = tpu.memref_slice %arg2[%dma_wait3A_32, %dma_wait3A_33] : memref<10000x128xf32, #tpu.memory_space<hbm>> -> memref<10000x128xf32, #tpu.memory_space<hbm>>
      tpu.wait_indirect_dma semaphore(%arg18 : memref<!tpu.dma_semaphore, #tpu.memory_space<semaphore_mem>>) src(%dma_wait3A_34 : memref<10000x128xf32, #tpu.memory_space<hbm>>) dst(%arg12 : memref<128x128xf32, #tpu.memory_space<vmem>>)
      %scan3A_35 = arith.constant 0 : i32
      %scan3A_36 = arith.constant 0 : i32
      %scan3A_37 = arith.constant 8 : i32
      %scan3A_38 = arith.addi %scan3A_36, %scan3A_37 : i32
      %scan3A_39 = arith.constant 1 : i32
      %scan3A_40 = scf.for %scan3A_56 = %scan3A_36 to %scan3A_38 step %scan3A_39 iter_args(%scan3A_57 = %scan3A_35) -> (i32)  : i32 {
        %broadcast_in_dim3A_58 = arith.constant 0.000000e+00 : f32
        %broadcast_in_dim3A_59 = vector.broadcast %broadcast_in_dim3A_58 : f32 to vector<16xf32>
        %scan3A_60 = arith.constant 0 : i32
        %scan3A_61 = arith.constant 16 : i32
        %scan3A_62 = arith.addi %scan3A_60, %scan3A_61 : i32
        %scan3A_63 = arith.constant 1 : i32
        %scan3A_64:2 = scf.for %scan3A_78 = %scan3A_60 to %scan3A_62 step %scan3A_63 iter_args(%scan3A_79 = %broadcast_in_dim3A_59, %scan3A_80 = %broadcast_in_dim3A_59) -> (vector<16xf32>, vector<16xf32>)  : i32 {
          %mul3A_81 = arith.constant 16 : i32
          %mul3A_82 = arith.muli %scan3A_56, %mul3A_81 : i32
          %add3A_83 = arith.addi %mul3A_82, %scan3A_78 : i32
          %broadcast_in_dim3A_84 = arith.constant 0.000000e+00 : f32
          %broadcast_in_dim3A_85 = vector.broadcast %broadcast_in_dim3A_84 : f32 to vector<16xf32>
          %broadcast_in_dim3A_86 = arith.constant 0.000000e+00 : f32
          %broadcast_in_dim3A_87 = vector.broadcast %broadcast_in_dim3A_86 : f32 to vector<16xf32>
          %get3A = arith.index_cast %add3A_83 : i32 to index
          %get3A_88 = arith.constant 0 : index
          %get3A_89 = tpu.vector_load %arg12[%get3A, %get3A_88] {strides = array<i32>} : memref<128x128xf32, #tpu.memory_space<vmem>>, vector<1x16xf32>,
          %get3A_90 = vector.shape_cast %get3A_89 : vector<1x16xf32> to vector<16xf32>
          %get3A_91 = arith.index_cast %add3A_83 : i32 to index
          %get3A_92 = arith.constant 0 : index
          %get3A_93 = tpu.vector_load %arg11[%get3A_91, %get3A_92] {strides = array<i32>} : memref<128x128xf32, #tpu.memory_space<vmem>>, vector<1x16xf32>,
          %get3A_94 = vector.shape_cast %get3A_93 : vector<1x16xf32> to vector<16xf32>
          %sub3A = arith.subf %get3A_90, %get3A_94 : vector<16xf32>
          %mul3A_95 = arith.mulf %sub3A, %sub3A : vector<16xf32>
          %add3A_96 = arith.addf %broadcast_in_dim3A_85, %mul3A_95 : vector<16xf32>
          %get3A_97 = arith.index_cast %add3A_83 : i32 to index
          %get3A_98 = arith.constant 16 : index
          %get3A_99 = tpu.vector_load %arg12[%get3A_97, %get3A_98] {strides = array<i32>} : memref<128x128xf32, #tpu.memory_space<vmem>>, vector<1x16xf32>,
          %get3A_100 = vector.shape_cast %get3A_99 : vector<1x16xf32> to vector<16xf32>
          %get3A_101 = arith.index_cast %add3A_83 : i32 to index
          %get3A_102 = arith.constant 16 : index
          %get3A_103 = tpu.vector_load %arg11[%get3A_101, %get3A_102] {strides = array<i32>} : memref<128x128xf32, #tpu.memory_space<vmem>>, vector<1x16xf32>,
          %get3A_104 = vector.shape_cast %get3A_103 : vector<1x16xf32> to vector<16xf32>
          %sub3A_105 = arith.subf %get3A_100, %get3A_104 : vector<16xf32>
          %mul3A_106 = arith.mulf %sub3A_105, %sub3A_105 : vector<16xf32>
          %add3A_107 = arith.addf %broadcast_in_dim3A_87, %mul3A_106 : vector<16xf32>
          %get3A_108 = arith.index_cast %add3A_83 : i32 to index
          %get3A_109 = arith.constant 32 : index
          %get3A_110 = tpu.vector_load %arg12[%get3A_108, %get3A_109] {strides = array<i32>} : memref<128x128xf32, #tpu.memory_space<vmem>>, vector<1x16xf32>,
          %get3A_111 = vector.shape_cast %get3A_110 : vector<1x16xf32> to vector<16xf32>
          %get3A_112 = arith.index_cast %add3A_83 : i32 to index
          %get3A_113 = arith.constant 32 : index
          %get3A_114 = tpu.vector_load %arg11[%get3A_112, %get3A_113] {strides = array<i32>} : memref<128x128xf32, #tpu.memory_space<vmem>>, vector<1x16xf32>,
          %get3A_115 = vector.shape_cast %get3A_114 : vector<1x16xf32> to vector<16xf32>
          %sub3A_116 = arith.subf %get3A_111, %get3A_115 : vector<16xf32>
          %mul3A_117 = arith.mulf %sub3A_116, %sub3A_116 : vector<16xf32>
          %add3A_118 = arith.addf %add3A_96, %mul3A_117 : vector<16xf32>
          %get3A_119 = arith.index_cast %add3A_83 : i32 to index
          %get3A_120 = arith.constant 48 : index
          %get3A_121 = tpu.vector_load %arg12[%get3A_119, %get3A_120] {strides = array<i32>} : memref<128x128xf32, #tpu.memory_space<vmem>>, vector<1x16xf32>,
          %get3A_122 = vector.shape_cast %get3A_121 : vector<1x16xf32> to vector<16xf32>
          %get3A_123 = arith.index_cast %add3A_83 : i32 to index
          %get3A_124 = arith.constant 48 : index
          %get3A_125 = tpu.vector_load %arg11[%get3A_123, %get3A_124] {strides = array<i32>} : memref<128x128xf32, #tpu.memory_space<vmem>>, vector<1x16xf32>,
          %get3A_126 = vector.shape_cast %get3A_125 : vector<1x16xf32> to vector<16xf32>
          %sub3A_127 = arith.subf %get3A_122, %get3A_126 : vector<16xf32>
          %mul3A_128 = arith.mulf %sub3A_127, %sub3A_127 : vector<16xf32>
          %add3A_129 = arith.addf %add3A_107, %mul3A_128 : vector<16xf32>
          %get3A_130 = arith.index_cast %add3A_83 : i32 to index
          %get3A_131 = arith.constant 64 : index
          %get3A_132 = tpu.vector_load %arg12[%get3A_130, %get3A_131] {strides = array<i32>} : memref<128x128xf32, #tpu.memory_space<vmem>>, vector<1x16xf32>,
          %get3A_133 = vector.shape_cast %get3A_132 : vector<1x16xf32> to vector<16xf32>
          %get3A_134 = arith.index_cast %add3A_83 : i32 to index
          %get3A_135 = arith.constant 64 : index
          %get3A_136 = tpu.vector_load %arg11[%get3A_134, %get3A_135] {strides = array<i32>} : memref<128x128xf32, #tpu.memory_space<vmem>>, vector<1x16xf32>,
          %get3A_137 = vector.shape_cast %get3A_136 : vector<1x16xf32> to vector<16xf32>
          %sub3A_138 = arith.subf %get3A_133, %get3A_137 : vector<16xf32>
          %mul3A_139 = arith.mulf %sub3A_138, %sub3A_138 : vector<16xf32>
          %add3A_140 = arith.addf %add3A_118, %mul3A_139 : vector<16xf32>
          %get3A_141 = arith.index_cast %add3A_83 : i32 to index
          %get3A_142 = arith.constant 80 : index
          %get3A_143 = tpu.vector_load %arg12[%get3A_141, %get3A_142] {strides = array<i32>} : memref<128x128xf32, #tpu.memory_space<vmem>>, vector<1x16xf32>,
          %get3A_144 = vector.shape_cast %get3A_143 : vector<1x16xf32> to vector<16xf32>
          %get3A_145 = arith.index_cast %add3A_83 : i32 to index
          %get3A_146 = arith.constant 80 : index
          %get3A_147 = tpu.vector_load %arg11[%get3A_145, %get3A_146] {strides = array<i32>} : memref<128x128xf32, #tpu.memory_space<vmem>>, vector<1x16xf32>,
          %get3A_148 = vector.shape_cast %get3A_147 : vector<1x16xf32> to vector<16xf32>
          %sub3A_149 = arith.subf %get3A_144, %get3A_148 : vector<16xf32>
          %mul3A_150 = arith.mulf %sub3A_149, %sub3A_149 : vector<16xf32>
          %add3A_151 = arith.addf %add3A_129, %mul3A_150 : vector<16xf32>
          %get3A_152 = arith.index_cast %add3A_83 : i32 to index
          %get3A_153 = arith.constant 96 : index
          %get3A_154 = tpu.vector_load %arg12[%get3A_152, %get3A_153] {strides = array<i32>} : memref<128x128xf32, #tpu.memory_space<vmem>>, vector<1x16xf32>,
          %get3A_155 = vector.shape_cast %get3A_154 : vector<1x16xf32> to vector<16xf32>
          %get3A_156 = arith.index_cast %add3A_83 : i32 to index
          %get3A_157 = arith.constant 96 : index
          %get3A_158 = tpu.vector_load %arg11[%get3A_156, %get3A_157] {strides = array<i32>} : memref<128x128xf32, #tpu.memory_space<vmem>>, vector<1x16xf32>,
          %get3A_159 = vector.shape_cast %get3A_158 : vector<1x16xf32> to vector<16xf32>
          %sub3A_160 = arith.subf %get3A_155, %get3A_159 : vector<16xf32>
          %mul3A_161 = arith.mulf %sub3A_160, %sub3A_160 : vector<16xf32>
          %add3A_162 = arith.addf %add3A_140, %mul3A_161 : vector<16xf32>
          %get3A_163 = arith.index_cast %add3A_83 : i32 to index
          %get3A_164 = arith.constant 112 : index
          %get3A_165 = tpu.vector_load %arg12[%get3A_163, %get3A_164] {strides = array<i32>} : memref<128x128xf32, #tpu.memory_space<vmem>>, vector<1x16xf32>,
          %get3A_166 = vector.shape_cast %get3A_165 : vector<1x16xf32> to vector<16xf32>
          %get3A_167 = arith.index_cast %add3A_83 : i32 to index
          %get3A_168 = arith.constant 112 : index
          %get3A_169 = tpu.vector_load %arg11[%get3A_167, %get3A_168] {strides = array<i32>} : memref<128x128xf32, #tpu.memory_space<vmem>>, vector<1x16xf32>,
          %get3A_170 = vector.shape_cast %get3A_169 : vector<1x16xf32> to vector<16xf32>
          %sub3A_171 = arith.subf %get3A_166, %get3A_170 : vector<16xf32>
          %mul3A_172 = arith.mulf %sub3A_171, %sub3A_171 : vector<16xf32>
          %add3A_173 = arith.addf %add3A_151, %mul3A_172 : vector<16xf32>
          %add3A_174 = arith.addf %add3A_162, %add3A_173 : vector<16xf32>
          %xor3A = arith.constant 8 : i32
          %xor3A_175 = vector.broadcast %xor3A : i32 to vector<16xi32>
          %xor3A_176 = arith.xori %iota3A, %xor3A_175 : vector<16xi32>
          %broadcast_in_dim3A_177 = vector.shape_cast %xor3A_176 : vector<16xi32> to vector<16x1xi32>
          %gather3A = vector.shape_cast %broadcast_in_dim3A_177 : vector<16x1xi32> to vector<16xi32>
          %gather3A_178 = tpu.dynamic_gather %add3A_174[%gather3A] in [0] : vector<16xf32>, vector<16xi32> -> vector<16xf32>
          %add3A_179 = arith.addf %add3A_174, %gather3A_178 : vector<16xf32>
          %xor3A_180 = arith.constant 4 : i32
          %xor3A_181 = vector.broadcast %xor3A_180 : i32 to vector<16xi32>
          %xor3A_182 = arith.xori %iota3A, %xor3A_181 : vector<16xi32>
          %broadcast_in_dim3A_183 = vector.shape_cast %xor3A_182 : vector<16xi32> to vector<16x1xi32>
          %gather3A_184 = vector.shape_cast %broadcast_in_dim3A_183 : vector<16x1xi32> to vector<16xi32>
          %gather3A_185 = tpu.dynamic_gather %add3A_179[%gather3A_184] in [0] : vector<16xf32>, vector<16xi32> -> vector<16xf32>
          %add3A_186 = arith.addf %add3A_179, %gather3A_185 : vector<16xf32>
          %xor3A_187 = arith.constant 2 : i32
          %xor3A_188 = vector.broadcast %xor3A_187 : i32 to vector<16xi32>
          %xor3A_189 = arith.xori %iota3A, %xor3A_188 : vector<16xi32>
          %broadcast_in_dim3A_190 = vector.shape_cast %xor3A_189 : vector<16xi32> to vector<16x1xi32>
          %gather3A_191 = vector.shape_cast %broadcast_in_dim3A_190 : vector<16x1xi32> to vector<16xi32>
          %gather3A_192 = tpu.dynamic_gather %add3A_186[%gather3A_191] in [0] : vector<16xf32>, vector<16xi32> -> vector<16xf32>
          %add3A_193 = arith.addf %add3A_186, %gather3A_192 : vector<16xf32>
          %xor3A_194 = arith.constant 1 : i32
          %xor3A_195 = vector.broadcast %xor3A_194 : i32 to vector<16xi32>
          %xor3A_196 = arith.xori %iota3A, %xor3A_195 : vector<16xi32>
          %broadcast_in_dim3A_197 = vector.shape_cast %xor3A_196 : vector<16xi32> to vector<16x1xi32>
          %gather3A_198 = vector.shape_cast %broadcast_in_dim3A_197 : vector<16x1xi32> to vector<16xi32>
          %gather3A_199 = tpu.dynamic_gather %add3A_193[%gather3A_198] in [0] : vector<16xf32>, vector<16xi32> -> vector<16xf32>
          %add3A_200 = arith.addf %add3A_193, %gather3A_199 : vector<16xf32>
          %broadcast_in_dim3A_201 = vector.shape_cast %broadcast_in_dim3A_3 : vector<16xi32> to vector<16x1xi32>
          %gather3A_202 = vector.shape_cast %broadcast_in_dim3A_201 : vector<16x1xi32> to vector<16xi32>
          %gather3A_203 = tpu.dynamic_gather %sub3A[%gather3A_202] in [0] : vector<16xf32>, vector<16xi32> -> vector<16xf32>
          %eq3A = vector.broadcast %scan3A_78 : i32 to vector<16xi32>
          %eq3A_204 = arith.cmpi eq, %iota3A, %eq3A : vector<16xi32>
          %select_n3A = arith.select %eq3A_204, %add3A_200, %scan3A_79 : vector<16xi1>, vector<16xf32>
          %select_n3A_205 = arith.select %eq3A_204, %gather3A_203, %scan3A_80 : vector<16xi1>, vector<16xf32>
          scf.yield %select_n3A, %select_n3A_205 : vector<16xf32>, vector<16xf32>
        }
        %scan3A_65 = arith.constant 16 : i32
        %mul3A_66 = arith.constant 16 : i32
        %mul3A_67 = arith.muli %scan3A_56, %mul3A_66 : i32
        %swap3A = arith.index_cast %mul3A_67 : i32 to index
        %swap3A_68 = tpu.vector_load %arg15[%swap3A] {strides = array<i32>} : memref<128xf32, #tpu.memory_space<vmem>>, vector<16xf32>,
        %swap3A_69 = vector.shape_cast %swap3A_68 : vector<16xf32> to vector<16xf32>
        %swap3A_70 = vector.shape_cast %scan3A_64#0 : vector<16xf32> to vector<16xf32>
        tpu.vector_store %arg15[%swap3A], %swap3A_70 {strides = array<i32>} : memref<128xf32, #tpu.memory_space<vmem>>, vector<16xf32>,
        %mul3A_71 = arith.constant 16 : i32
        %mul3A_72 = arith.muli %scan3A_56, %mul3A_71 : i32
        %swap3A_73 = arith.index_cast %mul3A_72 : i32 to index
        %swap3A_74 = tpu.vector_load %arg16[%swap3A_73] {strides = array<i32>} : memref<128xf32, #tpu.memory_space<vmem>>, vector<16xf32>,
        %swap3A_75 = vector.shape_cast %swap3A_74 : vector<16xf32> to vector<16xf32>
        %swap3A_76 = vector.shape_cast %scan3A_64#1 : vector<16xf32> to vector<16xf32>
        tpu.vector_store %arg16[%swap3A_73], %swap3A_76 {strides = array<i32>} : memref<128xf32, #tpu.memory_space<vmem>>, vector<16xf32>,
        %scan3A_77 = arith.constant 0 : i32
        scf.yield %scan3A_77 : i32
      }
      %scan3A_41 = arith.constant 8 : i32
      "tpu.region"() ({
        %run_scoped3A = tpu.sem_alloc : memref<!tpu.dma_semaphore, #tpu.memory_space<semaphore_mem>>
        %dma_start3A_56 = tpu.memref_slice %arg5[%add3A_16] : memref<163840xf32, #tpu.memory_space<hbm>> -> memref<128xf32, #tpu.memory_space<hbm>>
        %dma_start3A_57 = tpu.memref_slice %arg5[%add3A_16] : memref<163840xf32, #tpu.memory_space<hbm>> -> memref<128xf32, #tpu.memory_space<hbm>>
        tpu.enqueue_dma source(%arg15 : memref<128xf32, #tpu.memory_space<vmem>>) target(%dma_start3A_57 : memref<128xf32, #tpu.memory_space<hbm>>) target_semaphore(%run_scoped3A : memref<!tpu.dma_semaphore, #tpu.memory_space<semaphore_mem>>)
        %dma_wait3A_58 = tpu.memref_slice %arg5[%add3A_16] : memref<163840xf32, #tpu.memory_space<hbm>> -> memref<128xf32, #tpu.memory_space<hbm>>
        %dma_wait3A_59 = tpu.memref_slice %arg5[%add3A_16] : memref<163840xf32, #tpu.memory_space<hbm>> -> memref<128xf32, #tpu.memory_space<hbm>>
        tpu.wait_dma2 semaphore(%run_scoped3A : memref<!tpu.dma_semaphore, #tpu.memory_space<semaphore_mem>>) src(%arg15 : memref<128xf32, #tpu.memory_space<vmem>>) dst(%dma_wait3A_59 : memref<128xf32, #tpu.memory_space<hbm>>)
        tpu.yield
      }) : () -> ()
      "tpu.region"() ({
        %run_scoped3A = tpu.sem_alloc : memref<!tpu.dma_semaphore, #tpu.memory_space<semaphore_mem>>
        %dma_start3A_56 = tpu.memref_slice %arg6[%add3A_16] : memref<163840xf32, #tpu.memory_space<hbm>> -> memref<128xf32, #tpu.memory_space<hbm>>
        %dma_start3A_57 = tpu.memref_slice %arg6[%add3A_16] : memref<163840xf32, #tpu.memory_space<hbm>> -> memref<128xf32, #tpu.memory_space<hbm>>
        tpu.enqueue_dma source(%arg16 : memref<128xf32, #tpu.memory_space<vmem>>) target(%dma_start3A_57 : memref<128xf32, #tpu.memory_space<hbm>>) target_semaphore(%run_scoped3A : memref<!tpu.dma_semaphore, #tpu.memory_space<semaphore_mem>>)
        %dma_wait3A_58 = tpu.memref_slice %arg6[%add3A_16] : memref<163840xf32, #tpu.memory_space<hbm>> -> memref<128xf32, #tpu.memory_space<hbm>>
        %dma_wait3A_59 = tpu.memref_slice %arg6[%add3A_16] : memref<163840xf32, #tpu.memory_space<hbm>> -> memref<128xf32, #tpu.memory_space<hbm>>
        tpu.wait_dma2 semaphore(%run_scoped3A : memref<!tpu.dma_semaphore, #tpu.memory_space<semaphore_mem>>) src(%arg16 : memref<128xf32, #tpu.memory_space<vmem>>) dst(%dma_wait3A_59 : memref<128xf32, #tpu.memory_space<hbm>>)
        tpu.yield
      }) : () -> ()
      %dma_wait3A_42 = arith.constant 0 : i32
      %dma_wait3A_43 = arith.constant 0 : i32
      %dma_wait3A_44 = tpu.memref_slice %arg2[%dma_wait3A_42, %dma_wait3A_43] : memref<10000x128xf32, #tpu.memory_space<hbm>> -> memref<10000x128xf32, #tpu.memory_space<hbm>>
      tpu.wait_indirect_dma semaphore(%arg19 : memref<!tpu.dma_semaphore, #tpu.memory_space<semaphore_mem>>) src(%dma_wait3A_44 : memref<10000x128xf32, #tpu.memory_space<hbm>>) dst(%arg13 : memref<128x128xf32, #tpu.memory_space<vmem>>)
      %dma_wait3A_45 = arith.constant 0 : i32
      %dma_wait3A_46 = arith.constant 0 : i32
      %dma_wait3A_47 = tpu.memref_slice %arg2[%dma_wait3A_45, %dma_wait3A_46] : memref<10000x128xf32, #tpu.memory_space<hbm>> -> memref<10000x128xf32, #tpu.memory_space<hbm>>
      tpu.wait_indirect_dma semaphore(%arg20 : memref<!tpu.dma_semaphore, #tpu.memory_space<semaphore_mem>>) src(%dma_wait3A_47 : memref<10000x128xf32, #tpu.memory_space<hbm>>) dst(%arg14 : memref<128x128xf32, #tpu.memory_space<vmem>>)
      %scan3A_48 = arith.constant 0 : i32
      %scan3A_49 = arith.constant 0 : i32
      %scan3A_50 = arith.constant 8 : i32
      %scan3A_51 = arith.addi %scan3A_49, %scan3A_50 : i32
      %scan3A_52 = arith.constant 1 : i32
      %scan3A_53 = scf.for %scan3A_56 = %scan3A_49 to %scan3A_51 step %scan3A_52 iter_args(%scan3A_57 = %scan3A_48) -> (i32)  : i32 {
        %broadcast_in_dim3A_58 = arith.constant 0.000000e+00 : f32
        %broadcast_in_dim3A_59 = vector.broadcast %broadcast_in_dim3A_58 : f32 to vector<16xf32>
        %scan3A_60 = arith.constant 0 : i32
        %scan3A_61 = arith.constant 16 : i32
        %scan3A_62 = arith.addi %scan3A_60, %scan3A_61 : i32
        %scan3A_63 = arith.constant 1 : i32
        %scan3A_64:2 = scf.for %scan3A_78 = %scan3A_60 to %scan3A_62 step %scan3A_63 iter_args(%scan3A_79 = %broadcast_in_dim3A_59, %scan3A_80 = %broadcast_in_dim3A_59) -> (vector<16xf32>, vector<16xf32>)  : i32 {
          %mul3A_81 = arith.constant 16 : i32
          %mul3A_82 = arith.muli %scan3A_56, %mul3A_81 : i32
          %add3A_83 = arith.addi %mul3A_82, %scan3A_78 : i32
          %broadcast_in_dim3A_84 = arith.constant 0.000000e+00 : f32
          %broadcast_in_dim3A_85 = vector.broadcast %broadcast_in_dim3A_84 : f32 to vector<16xf32>
          %broadcast_in_dim3A_86 = arith.constant 0.000000e+00 : f32
          %broadcast_in_dim3A_87 = vector.broadcast %broadcast_in_dim3A_86 : f32 to vector<16xf32>
          %get3A = arith.index_cast %add3A_83 : i32 to index
          %get3A_88 = arith.constant 0 : index
          %get3A_89 = tpu.vector_load %arg14[%get3A, %get3A_88] {strides = array<i32>} : memref<128x128xf32, #tpu.memory_space<vmem>>, vector<1x16xf32>,
          %get3A_90 = vector.shape_cast %get3A_89 : vector<1x16xf32> to vector<16xf32>
          %get3A_91 = arith.index_cast %add3A_83 : i32 to index
          %get3A_92 = arith.constant 0 : index
          %get3A_93 = tpu.vector_load %arg13[%get3A_91, %get3A_92] {strides = array<i32>} : memref<128x128xf32, #tpu.memory_space<vmem>>, vector<1x16xf32>,
          %get3A_94 = vector.shape_cast %get3A_93 : vector<1x16xf32> to vector<16xf32>
          %sub3A = arith.subf %get3A_90, %get3A_94 : vector<16xf32>
          %mul3A_95 = arith.mulf %sub3A, %sub3A : vector<16xf32>
          %add3A_96 = arith.addf %broadcast_in_dim3A_85, %mul3A_95 : vector<16xf32>
          %get3A_97 = arith.index_cast %add3A_83 : i32 to index
          %get3A_98 = arith.constant 16 : index
          %get3A_99 = tpu.vector_load %arg14[%get3A_97, %get3A_98] {strides = array<i32>} : memref<128x128xf32, #tpu.memory_space<vmem>>, vector<1x16xf32>,
          %get3A_100 = vector.shape_cast %get3A_99 : vector<1x16xf32> to vector<16xf32>
          %get3A_101 = arith.index_cast %add3A_83 : i32 to index
          %get3A_102 = arith.constant 16 : index
          %get3A_103 = tpu.vector_load %arg13[%get3A_101, %get3A_102] {strides = array<i32>} : memref<128x128xf32, #tpu.memory_space<vmem>>, vector<1x16xf32>,
          %get3A_104 = vector.shape_cast %get3A_103 : vector<1x16xf32> to vector<16xf32>
          %sub3A_105 = arith.subf %get3A_100, %get3A_104 : vector<16xf32>
          %mul3A_106 = arith.mulf %sub3A_105, %sub3A_105 : vector<16xf32>
          %add3A_107 = arith.addf %broadcast_in_dim3A_87, %mul3A_106 : vector<16xf32>
          %get3A_108 = arith.index_cast %add3A_83 : i32 to index
          %get3A_109 = arith.constant 32 : index
          %get3A_110 = tpu.vector_load %arg14[%get3A_108, %get3A_109] {strides = array<i32>} : memref<128x128xf32, #tpu.memory_space<vmem>>, vector<1x16xf32>,
          %get3A_111 = vector.shape_cast %get3A_110 : vector<1x16xf32> to vector<16xf32>
          %get3A_112 = arith.index_cast %add3A_83 : i32 to index
          %get3A_113 = arith.constant 32 : index
          %get3A_114 = tpu.vector_load %arg13[%get3A_112, %get3A_113] {strides = array<i32>} : memref<128x128xf32, #tpu.memory_space<vmem>>, vector<1x16xf32>,
          %get3A_115 = vector.shape_cast %get3A_114 : vector<1x16xf32> to vector<16xf32>
          %sub3A_116 = arith.subf %get3A_111, %get3A_115 : vector<16xf32>
          %mul3A_117 = arith.mulf %sub3A_116, %sub3A_116 : vector<16xf32>
          %add3A_118 = arith.addf %add3A_96, %mul3A_117 : vector<16xf32>
          %get3A_119 = arith.index_cast %add3A_83 : i32 to index
          %get3A_120 = arith.constant 48 : index
          %get3A_121 = tpu.vector_load %arg14[%get3A_119, %get3A_120] {strides = array<i32>} : memref<128x128xf32, #tpu.memory_space<vmem>>, vector<1x16xf32>,
          %get3A_122 = vector.shape_cast %get3A_121 : vector<1x16xf32> to vector<16xf32>
          %get3A_123 = arith.index_cast %add3A_83 : i32 to index
          %get3A_124 = arith.constant 48 : index
          %get3A_125 = tpu.vector_load %arg13[%get3A_123, %get3A_124] {strides = array<i32>} : memref<128x128xf32, #tpu.memory_space<vmem>>, vector<1x16xf32>,
          %get3A_126 = vector.shape_cast %get3A_125 : vector<1x16xf32> to vector<16xf32>
          %sub3A_127 = arith.subf %get3A_122, %get3A_126 : vector<16xf32>
          %mul3A_128 = arith.mulf %sub3A_127, %sub3A_127 : vector<16xf32>
          %add3A_129 = arith.addf %add3A_107, %mul3A_128 : vector<16xf32>
          %get3A_130 = arith.index_cast %add3A_83 : i32 to index
          %get3A_131 = arith.constant 64 : index
          %get3A_132 = tpu.vector_load %arg14[%get3A_130, %get3A_131] {strides = array<i32>} : memref<128x128xf32, #tpu.memory_space<vmem>>, vector<1x16xf32>,
          %get3A_133 = vector.shape_cast %get3A_132 : vector<1x16xf32> to vector<16xf32>
          %get3A_134 = arith.index_cast %add3A_83 : i32 to index
          %get3A_135 = arith.constant 64 : index
          %get3A_136 = tpu.vector_load %arg13[%get3A_134, %get3A_135] {strides = array<i32>} : memref<128x128xf32, #tpu.memory_space<vmem>>, vector<1x16xf32>,
          %get3A_137 = vector.shape_cast %get3A_136 : vector<1x16xf32> to vector<16xf32>
          %sub3A_138 = arith.subf %get3A_133, %get3A_137 : vector<16xf32>
          %mul3A_139 = arith.mulf %sub3A_138, %sub3A_138 : vector<16xf32>
          %add3A_140 = arith.addf %add3A_118, %mul3A_139 : vector<16xf32>
          %get3A_141 = arith.index_cast %add3A_83 : i32 to index
          %get3A_142 = arith.constant 80 : index
          %get3A_143 = tpu.vector_load %arg14[%get3A_141, %get3A_142] {strides = array<i32>} : memref<128x128xf32, #tpu.memory_space<vmem>>, vector<1x16xf32>,
          %get3A_144 = vector.shape_cast %get3A_143 : vector<1x16xf32> to vector<16xf32>
          %get3A_145 = arith.index_cast %add3A_83 : i32 to index
          %get3A_146 = arith.constant 80 : index
          %get3A_147 = tpu.vector_load %arg13[%get3A_145, %get3A_146] {strides = array<i32>} : memref<128x128xf32, #tpu.memory_space<vmem>>, vector<1x16xf32>,
          %get3A_148 = vector.shape_cast %get3A_147 : vector<1x16xf32> to vector<16xf32>
          %sub3A_149 = arith.subf %get3A_144, %get3A_148 : vector<16xf32>
          %mul3A_150 = arith.mulf %sub3A_149, %sub3A_149 : vector<16xf32>
          %add3A_151 = arith.addf %add3A_129, %mul3A_150 : vector<16xf32>
          %get3A_152 = arith.index_cast %add3A_83 : i32 to index
          %get3A_153 = arith.constant 96 : index
          %get3A_154 = tpu.vector_load %arg14[%get3A_152, %get3A_153] {strides = array<i32>} : memref<128x128xf32, #tpu.memory_space<vmem>>, vector<1x16xf32>,
          %get3A_155 = vector.shape_cast %get3A_154 : vector<1x16xf32> to vector<16xf32>
          %get3A_156 = arith.index_cast %add3A_83 : i32 to index
          %get3A_157 = arith.constant 96 : index
          %get3A_158 = tpu.vector_load %arg13[%get3A_156, %get3A_157] {strides = array<i32>} : memref<128x128xf32, #tpu.memory_space<vmem>>, vector<1x16xf32>,
          %get3A_159 = vector.shape_cast %get3A_158 : vector<1x16xf32> to vector<16xf32>
          %sub3A_160 = arith.subf %get3A_155, %get3A_159 : vector<16xf32>
          %mul3A_161 = arith.mulf %sub3A_160, %sub3A_160 : vector<16xf32>
          %add3A_162 = arith.addf %add3A_140, %mul3A_161 : vector<16xf32>
          %get3A_163 = arith.index_cast %add3A_83 : i32 to index
          %get3A_164 = arith.constant 112 : index
          %get3A_165 = tpu.vector_load %arg14[%get3A_163, %get3A_164] {strides = array<i32>} : memref<128x128xf32, #tpu.memory_space<vmem>>, vector<1x16xf32>,
          %get3A_166 = vector.shape_cast %get3A_165 : vector<1x16xf32> to vector<16xf32>
          %get3A_167 = arith.index_cast %add3A_83 : i32 to index
          %get3A_168 = arith.constant 112 : index
          %get3A_169 = tpu.vector_load %arg13[%get3A_167, %get3A_168] {strides = array<i32>} : memref<128x128xf32, #tpu.memory_space<vmem>>, vector<1x16xf32>,
          %get3A_170 = vector.shape_cast %get3A_169 : vector<1x16xf32> to vector<16xf32>
          %sub3A_171 = arith.subf %get3A_166, %get3A_170 : vector<16xf32>
          %mul3A_172 = arith.mulf %sub3A_171, %sub3A_171 : vector<16xf32>
          %add3A_173 = arith.addf %add3A_151, %mul3A_172 : vector<16xf32>
          %add3A_174 = arith.addf %add3A_162, %add3A_173 : vector<16xf32>
          %xor3A = arith.constant 8 : i32
          %xor3A_175 = vector.broadcast %xor3A : i32 to vector<16xi32>
          %xor3A_176 = arith.xori %iota3A, %xor3A_175 : vector<16xi32>
          %broadcast_in_dim3A_177 = vector.shape_cast %xor3A_176 : vector<16xi32> to vector<16x1xi32>
          %gather3A = vector.shape_cast %broadcast_in_dim3A_177 : vector<16x1xi32> to vector<16xi32>
          %gather3A_178 = tpu.dynamic_gather %add3A_174[%gather3A] in [0] : vector<16xf32>, vector<16xi32> -> vector<16xf32>
          %add3A_179 = arith.addf %add3A_174, %gather3A_178 : vector<16xf32>
          %xor3A_180 = arith.constant 4 : i32
          %xor3A_181 = vector.broadcast %xor3A_180 : i32 to vector<16xi32>
          %xor3A_182 = arith.xori %iota3A, %xor3A_181 : vector<16xi32>
          %broadcast_in_dim3A_183 = vector.shape_cast %xor3A_182 : vector<16xi32> to vector<16x1xi32>
          %gather3A_184 = vector.shape_cast %broadcast_in_dim3A_183 : vector<16x1xi32> to vector<16xi32>
          %gather3A_185 = tpu.dynamic_gather %add3A_179[%gather3A_184] in [0] : vector<16xf32>, vector<16xi32> -> vector<16xf32>
          %add3A_186 = arith.addf %add3A_179, %gather3A_185 : vector<16xf32>
          %xor3A_187 = arith.constant 2 : i32
          %xor3A_188 = vector.broadcast %xor3A_187 : i32 to vector<16xi32>
          %xor3A_189 = arith.xori %iota3A, %xor3A_188 : vector<16xi32>
          %broadcast_in_dim3A_190 = vector.shape_cast %xor3A_189 : vector<16xi32> to vector<16x1xi32>
          %gather3A_191 = vector.shape_cast %broadcast_in_dim3A_190 : vector<16x1xi32> to vector<16xi32>
          %gather3A_192 = tpu.dynamic_gather %add3A_186[%gather3A_191] in [0] : vector<16xf32>, vector<16xi32> -> vector<16xf32>
          %add3A_193 = arith.addf %add3A_186, %gather3A_192 : vector<16xf32>
          %xor3A_194 = arith.constant 1 : i32
          %xor3A_195 = vector.broadcast %xor3A_194 : i32 to vector<16xi32>
          %xor3A_196 = arith.xori %iota3A, %xor3A_195 : vector<16xi32>
          %broadcast_in_dim3A_197 = vector.shape_cast %xor3A_196 : vector<16xi32> to vector<16x1xi32>
          %gather3A_198 = vector.shape_cast %broadcast_in_dim3A_197 : vector<16x1xi32> to vector<16xi32>
          %gather3A_199 = tpu.dynamic_gather %add3A_193[%gather3A_198] in [0] : vector<16xf32>, vector<16xi32> -> vector<16xf32>
          %add3A_200 = arith.addf %add3A_193, %gather3A_199 : vector<16xf32>
          %broadcast_in_dim3A_201 = vector.shape_cast %broadcast_in_dim3A_3 : vector<16xi32> to vector<16x1xi32>
          %gather3A_202 = vector.shape_cast %broadcast_in_dim3A_201 : vector<16x1xi32> to vector<16xi32>
          %gather3A_203 = tpu.dynamic_gather %sub3A[%gather3A_202] in [0] : vector<16xf32>, vector<16xi32> -> vector<16xf32>
          %eq3A = vector.broadcast %scan3A_78 : i32 to vector<16xi32>
          %eq3A_204 = arith.cmpi eq, %iota3A, %eq3A : vector<16xi32>
          %select_n3A = arith.select %eq3A_204, %add3A_200, %scan3A_79 : vector<16xi1>, vector<16xf32>
          %select_n3A_205 = arith.select %eq3A_204, %gather3A_203, %scan3A_80 : vector<16xi1>, vector<16xf32>
          scf.yield %select_n3A, %select_n3A_205 : vector<16xf32>, vector<16xf32>
        }
        %scan3A_65 = arith.constant 16 : i32
        %mul3A_66 = arith.constant 16 : i32
        %mul3A_67 = arith.muli %scan3A_56, %mul3A_66 : i32
        %swap3A = arith.index_cast %mul3A_67 : i32 to index
        %swap3A_68 = tpu.vector_load %arg15[%swap3A] {strides = array<i32>} : memref<128xf32, #tpu.memory_space<vmem>>, vector<16xf32>,
        %swap3A_69 = vector.shape_cast %swap3A_68 : vector<16xf32> to vector<16xf32>
        %swap3A_70 = vector.shape_cast %scan3A_64#0 : vector<16xf32> to vector<16xf32>
        tpu.vector_store %arg15[%swap3A], %swap3A_70 {strides = array<i32>} : memref<128xf32, #tpu.memory_space<vmem>>, vector<16xf32>,
        %mul3A_71 = arith.constant 16 : i32
        %mul3A_72 = arith.muli %scan3A_56, %mul3A_71 : i32
        %swap3A_73 = arith.index_cast %mul3A_72 : i32 to index
        %swap3A_74 = tpu.vector_load %arg16[%swap3A_73] {strides = array<i32>} : memref<128xf32, #tpu.memory_space<vmem>>, vector<16xf32>,
        %swap3A_75 = vector.shape_cast %swap3A_74 : vector<16xf32> to vector<16xf32>
        %swap3A_76 = vector.shape_cast %scan3A_64#1 : vector<16xf32> to vector<16xf32>
        tpu.vector_store %arg16[%swap3A_73], %swap3A_76 {strides = array<i32>} : memref<128xf32, #tpu.memory_space<vmem>>, vector<16xf32>,
        %scan3A_77 = arith.constant 0 : i32
        scf.yield %scan3A_77 : i32
      }
      %scan3A_54 = arith.constant 8 : i32
      "tpu.region"() ({
        %run_scoped3A = tpu.sem_alloc : memref<!tpu.dma_semaphore, #tpu.memory_space<semaphore_mem>>
        %dma_start3A_56 = tpu.memref_slice %arg5[%add3A_18] : memref<163840xf32, #tpu.memory_space<hbm>> -> memref<128xf32, #tpu.memory_space<hbm>>
        %dma_start3A_57 = tpu.memref_slice %arg5[%add3A_18] : memref<163840xf32, #tpu.memory_space<hbm>> -> memref<128xf32, #tpu.memory_space<hbm>>
        tpu.enqueue_dma source(%arg15 : memref<128xf32, #tpu.memory_space<vmem>>) target(%dma_start3A_57 : memref<128xf32, #tpu.memory_space<hbm>>) target_semaphore(%run_scoped3A : memref<!tpu.dma_semaphore, #tpu.memory_space<semaphore_mem>>)
        %dma_wait3A_58 = tpu.memref_slice %arg5[%add3A_18] : memref<163840xf32, #tpu.memory_space<hbm>> -> memref<128xf32, #tpu.memory_space<hbm>>
        %dma_wait3A_59 = tpu.memref_slice %arg5[%add3A_18] : memref<163840xf32, #tpu.memory_space<hbm>> -> memref<128xf32, #tpu.memory_space<hbm>>
        tpu.wait_dma2 semaphore(%run_scoped3A : memref<!tpu.dma_semaphore, #tpu.memory_space<semaphore_mem>>) src(%arg15 : memref<128xf32, #tpu.memory_space<vmem>>) dst(%dma_wait3A_59 : memref<128xf32, #tpu.memory_space<hbm>>)
        tpu.yield
      }) : () -> ()
      "tpu.region"() ({
        %run_scoped3A = tpu.sem_alloc : memref<!tpu.dma_semaphore, #tpu.memory_space<semaphore_mem>>
        %dma_start3A_56 = tpu.memref_slice %arg6[%add3A_18] : memref<163840xf32, #tpu.memory_space<hbm>> -> memref<128xf32, #tpu.memory_space<hbm>>
        %dma_start3A_57 = tpu.memref_slice %arg6[%add3A_18] : memref<163840xf32, #tpu.memory_space<hbm>> -> memref<128xf32, #tpu.memory_space<hbm>>
        tpu.enqueue_dma source(%arg16 : memref<128xf32, #tpu.memory_space<vmem>>) target(%dma_start3A_57 : memref<128xf32, #tpu.memory_space<hbm>>) target_semaphore(%run_scoped3A : memref<!tpu.dma_semaphore, #tpu.memory_space<semaphore_mem>>)
        %dma_wait3A_58 = tpu.memref_slice %arg6[%add3A_18] : memref<163840xf32, #tpu.memory_space<hbm>> -> memref<128xf32, #tpu.memory_space<hbm>>
        %dma_wait3A_59 = tpu.memref_slice %arg6[%add3A_18] : memref<163840xf32, #tpu.memory_space<hbm>> -> memref<128xf32, #tpu.memory_space<hbm>>
        tpu.wait_dma2 semaphore(%run_scoped3A : memref<!tpu.dma_semaphore, #tpu.memory_space<semaphore_mem>>) src(%arg16 : memref<128xf32, #tpu.memory_space<vmem>>) dst(%dma_wait3A_59 : memref<128xf32, #tpu.memory_space<hbm>>)
        tpu.yield
      }) : () -> ()
      %scan3A_55 = arith.constant 0 : i32
      scf.yield %scan3A_55 : i32
    }
    %scan3A_9 = arith.constant 20 : i32
    return
  }
}

#map = affine_map<(d0, d1) -> (0, 0)>
#map1 = affine_map<(d0, d1) -> (0)>
module attributes {stable_mosaic.version = 14 : i64} {
  func.func @_scatter(%arg0: i32, %arg1: i32, %arg2: memref<80000x128xf32, #tpu.memory_space<hbm>>, %arg3: memref<163840xi32, #tpu.memory_space<hbm>>, %arg4: memref<163840xi32, #tpu.memory_space<hbm>>, %arg5: memref<163840xf32, #tpu.memory_space<hbm>>, %arg6: memref<640x128xf32, #tpu.memory_space<hbm>>, %arg7: memref<20000x128xf32, #tpu.memory_space<hbm>>, %arg8: memref<128xi32, #tpu.memory_space<vmem>>, %arg9: memref<128xi32, #tpu.memory_space<vmem>>, %arg10: memref<128xf32, #tpu.memory_space<vmem>>, %arg11: memref<128xi32, #tpu.memory_space<vmem>>, %arg12: memref<128xi32, #tpu.memory_space<vmem>>, %arg13: memref<128xf32, #tpu.memory_space<vmem>>, %arg14: memref<128x128xf32, #tpu.memory_space<vmem>>, %arg15: memref<128x128xf32, #tpu.memory_space<vmem>>, %arg16: memref<10000x128xf32, #tpu.memory_space<vmem_shared>>, %arg17: memref<!tpu.dma_semaphore, #tpu.memory_space<semaphore_mem>>, %arg18: memref<!tpu.dma_semaphore, #tpu.memory_space<semaphore_mem>>) attributes {dimension_semantics = [#tpu.dimension_semantics<core_parallel>, #tpu.dimension_semantics<subcore_parallel>], iteration_bounds = array<i64: 2, 16>, scalar_prefetch = 0 : i64, scratch_operands = 11 : i64, tpu.core_type = #tpu.core_type<sc_vector_subcore>, window_params = [{transform_indices = #map}, {transform_indices = #map1}, {transform_indices = #map1}, {transform_indices = #map1}, {transform_indices = #map}, {transform_indices = #map}]} {
    %mul3A = arith.constant 2 : i32
    %mul3A_0 = arith.muli %arg1, %mul3A : i32
    %add3A = arith.addi %mul3A_0, %arg0 : i32
    %mul3A_1 = arith.constant 5120 : i32
    %mul3A_2 = arith.muli %add3A, %mul3A_1 : i32
    %mul3A_3 = arith.constant 624 : i32
    %mul3A_4 = arith.muli %arg1, %mul3A_3 : i32
    "tpu.region"() ({
      %run_scoped3A = tpu.sem_alloc : memref<!tpu.dma_semaphore, #tpu.memory_space<semaphore_mem>>
      %dma_start3A = arith.constant 0 : i32
      %dma_start3A_19 = tpu.memref_slice %arg16[%mul3A_4, %dma_start3A] : memref<10000x128xf32, #tpu.memory_space<vmem_shared>> -> memref<640x128xf32, #tpu.memory_space<vmem_shared>>
      tpu.enqueue_dma source(%arg6 : memref<640x128xf32, #tpu.memory_space<hbm>>) target(%dma_start3A_19 : memref<640x128xf32, #tpu.memory_space<vmem_shared>>) target_semaphore(%run_scoped3A : memref<!tpu.dma_semaphore, #tpu.memory_space<semaphore_mem>>)
      %dma_wait3A = arith.constant 0 : i32
      %dma_wait3A_20 = tpu.memref_slice %arg16[%mul3A_4, %dma_wait3A] : memref<10000x128xf32, #tpu.memory_space<vmem_shared>> -> memref<640x128xf32, #tpu.memory_space<vmem_shared>>
      tpu.wait_dma2 semaphore(%run_scoped3A : memref<!tpu.dma_semaphore, #tpu.memory_space<semaphore_mem>>) src(%arg6 : memref<640x128xf32, #tpu.memory_space<hbm>>) dst(%dma_wait3A_20 : memref<640x128xf32, #tpu.memory_space<vmem_shared>>)
      tpu.yield
    }) : () -> ()
    %barrier3A = arith.constant 0 : index
    tpu.barrier barrier_id(%barrier3A)
    %scan3A = arith.constant 0 : i32
    %scan3A_5 = arith.constant 0 : i32
    %scan3A_6 = arith.constant 20 : i32
    %scan3A_7 = arith.addi %scan3A_5, %scan3A_6 : i32
    %scan3A_8 = arith.constant 1 : i32
    %scan3A_9 = scf.for %scan3A_19 = %scan3A_5 to %scan3A_7 step %scan3A_8 iter_args(%scan3A_20 = %scan3A) -> (i32)  : i32 {
      %mul3A_21 = arith.constant 2 : i32
      %mul3A_22 = arith.muli %mul3A_21, %scan3A_19 : i32
      %mul3A_23 = arith.constant 128 : i32
      %mul3A_24 = arith.muli %mul3A_22, %mul3A_23 : i32
      %add3A_25 = arith.addi %mul3A_2, %mul3A_24 : i32
      %add3A_26 = arith.constant 128 : i32
      %add3A_27 = arith.addi %add3A_25, %add3A_26 : i32
      "tpu.region"() ({
        %run_scoped3A = tpu.sem_alloc : memref<!tpu.dma_semaphore, #tpu.memory_space<semaphore_mem>>
        %dma_start3A_53 = tpu.memref_slice %arg3[%add3A_25] : memref<163840xi32, #tpu.memory_space<hbm>> -> memref<128xi32, #tpu.memory_space<hbm>>
        %dma_start3A_54 = tpu.memref_slice %arg3[%add3A_25] : memref<163840xi32, #tpu.memory_space<hbm>> -> memref<128xi32, #tpu.memory_space<hbm>>
        tpu.enqueue_dma source(%dma_start3A_54 : memref<128xi32, #tpu.memory_space<hbm>>) target(%arg8 : memref<128xi32, #tpu.memory_space<vmem>>) target_semaphore(%run_scoped3A : memref<!tpu.dma_semaphore, #tpu.memory_space<semaphore_mem>>)
        %dma_wait3A_55 = tpu.memref_slice %arg3[%add3A_25] : memref<163840xi32, #tpu.memory_space<hbm>> -> memref<128xi32, #tpu.memory_space<hbm>>
        %dma_wait3A_56 = tpu.memref_slice %arg3[%add3A_25] : memref<163840xi32, #tpu.memory_space<hbm>> -> memref<128xi32, #tpu.memory_space<hbm>>
        tpu.wait_dma2 semaphore(%run_scoped3A : memref<!tpu.dma_semaphore, #tpu.memory_space<semaphore_mem>>) src(%dma_wait3A_56 : memref<128xi32, #tpu.memory_space<hbm>>) dst(%arg8 : memref<128xi32, #tpu.memory_space<vmem>>)
        tpu.yield
      }) : () -> ()
      "tpu.region"() ({
        %run_scoped3A = tpu.sem_alloc : memref<!tpu.dma_semaphore, #tpu.memory_space<semaphore_mem>>
        %dma_start3A_53 = tpu.memref_slice %arg4[%add3A_25] : memref<163840xi32, #tpu.memory_space<hbm>> -> memref<128xi32, #tpu.memory_space<hbm>>
        %dma_start3A_54 = tpu.memref_slice %arg4[%add3A_25] : memref<163840xi32, #tpu.memory_space<hbm>> -> memref<128xi32, #tpu.memory_space<hbm>>
        tpu.enqueue_dma source(%dma_start3A_54 : memref<128xi32, #tpu.memory_space<hbm>>) target(%arg9 : memref<128xi32, #tpu.memory_space<vmem>>) target_semaphore(%run_scoped3A : memref<!tpu.dma_semaphore, #tpu.memory_space<semaphore_mem>>)
        %dma_wait3A_55 = tpu.memref_slice %arg4[%add3A_25] : memref<163840xi32, #tpu.memory_space<hbm>> -> memref<128xi32, #tpu.memory_space<hbm>>
        %dma_wait3A_56 = tpu.memref_slice %arg4[%add3A_25] : memref<163840xi32, #tpu.memory_space<hbm>> -> memref<128xi32, #tpu.memory_space<hbm>>
        tpu.wait_dma2 semaphore(%run_scoped3A : memref<!tpu.dma_semaphore, #tpu.memory_space<semaphore_mem>>) src(%dma_wait3A_56 : memref<128xi32, #tpu.memory_space<hbm>>) dst(%arg9 : memref<128xi32, #tpu.memory_space<vmem>>)
        tpu.yield
      }) : () -> ()
      "tpu.region"() ({
        %run_scoped3A = tpu.sem_alloc : memref<!tpu.dma_semaphore, #tpu.memory_space<semaphore_mem>>
        %dma_start3A_53 = tpu.memref_slice %arg5[%add3A_25] : memref<163840xf32, #tpu.memory_space<hbm>> -> memref<128xf32, #tpu.memory_space<hbm>>
        %dma_start3A_54 = tpu.memref_slice %arg5[%add3A_25] : memref<163840xf32, #tpu.memory_space<hbm>> -> memref<128xf32, #tpu.memory_space<hbm>>
        tpu.enqueue_dma source(%dma_start3A_54 : memref<128xf32, #tpu.memory_space<hbm>>) target(%arg10 : memref<128xf32, #tpu.memory_space<vmem>>) target_semaphore(%run_scoped3A : memref<!tpu.dma_semaphore, #tpu.memory_space<semaphore_mem>>)
        %dma_wait3A_55 = tpu.memref_slice %arg5[%add3A_25] : memref<163840xf32, #tpu.memory_space<hbm>> -> memref<128xf32, #tpu.memory_space<hbm>>
        %dma_wait3A_56 = tpu.memref_slice %arg5[%add3A_25] : memref<163840xf32, #tpu.memory_space<hbm>> -> memref<128xf32, #tpu.memory_space<hbm>>
        tpu.wait_dma2 semaphore(%run_scoped3A : memref<!tpu.dma_semaphore, #tpu.memory_space<semaphore_mem>>) src(%dma_wait3A_56 : memref<128xf32, #tpu.memory_space<hbm>>) dst(%arg10 : memref<128xf32, #tpu.memory_space<vmem>>)
        tpu.yield
      }) : () -> ()
      %dma_start3A = arith.constant 0 : i32
      %dma_start3A_28 = arith.constant 0 : i32
      %dma_start3A_29 = tpu.memref_slice %arg2[%dma_start3A, %dma_start3A_28] : memref<80000x128xf32, #tpu.memory_space<hbm>> -> memref<80000x128xf32, #tpu.memory_space<hbm>>
      tpu.enqueue_indirect_dma source(%dma_start3A_29 : memref<80000x128xf32, #tpu.memory_space<hbm>>) target(%arg14 : memref<128x128xf32, #tpu.memory_space<vmem>>) offsets(%arg8 : memref<128xi32, #tpu.memory_space<vmem>>) semaphore(%arg17 : memref<!tpu.dma_semaphore, #tpu.memory_space<semaphore_mem>>)
      "tpu.region"() ({
        %run_scoped3A = tpu.sem_alloc : memref<!tpu.dma_semaphore, #tpu.memory_space<semaphore_mem>>
        %dma_start3A_53 = tpu.memref_slice %arg3[%add3A_27] : memref<163840xi32, #tpu.memory_space<hbm>> -> memref<128xi32, #tpu.memory_space<hbm>>
        %dma_start3A_54 = tpu.memref_slice %arg3[%add3A_27] : memref<163840xi32, #tpu.memory_space<hbm>> -> memref<128xi32, #tpu.memory_space<hbm>>
        tpu.enqueue_dma source(%dma_start3A_54 : memref<128xi32, #tpu.memory_space<hbm>>) target(%arg11 : memref<128xi32, #tpu.memory_space<vmem>>) target_semaphore(%run_scoped3A : memref<!tpu.dma_semaphore, #tpu.memory_space<semaphore_mem>>)
        %dma_wait3A_55 = tpu.memref_slice %arg3[%add3A_27] : memref<163840xi32, #tpu.memory_space<hbm>> -> memref<128xi32, #tpu.memory_space<hbm>>
        %dma_wait3A_56 = tpu.memref_slice %arg3[%add3A_27] : memref<163840xi32, #tpu.memory_space<hbm>> -> memref<128xi32, #tpu.memory_space<hbm>>
        tpu.wait_dma2 semaphore(%run_scoped3A : memref<!tpu.dma_semaphore, #tpu.memory_space<semaphore_mem>>) src(%dma_wait3A_56 : memref<128xi32, #tpu.memory_space<hbm>>) dst(%arg11 : memref<128xi32, #tpu.memory_space<vmem>>)
        tpu.yield
      }) : () -> ()
      "tpu.region"() ({
        %run_scoped3A = tpu.sem_alloc : memref<!tpu.dma_semaphore, #tpu.memory_space<semaphore_mem>>
        %dma_start3A_53 = tpu.memref_slice %arg4[%add3A_27] : memref<163840xi32, #tpu.memory_space<hbm>> -> memref<128xi32, #tpu.memory_space<hbm>>
        %dma_start3A_54 = tpu.memref_slice %arg4[%add3A_27] : memref<163840xi32, #tpu.memory_space<hbm>> -> memref<128xi32, #tpu.memory_space<hbm>>
        tpu.enqueue_dma source(%dma_start3A_54 : memref<128xi32, #tpu.memory_space<hbm>>) target(%arg12 : memref<128xi32, #tpu.memory_space<vmem>>) target_semaphore(%run_scoped3A : memref<!tpu.dma_semaphore, #tpu.memory_space<semaphore_mem>>)
        %dma_wait3A_55 = tpu.memref_slice %arg4[%add3A_27] : memref<163840xi32, #tpu.memory_space<hbm>> -> memref<128xi32, #tpu.memory_space<hbm>>
        %dma_wait3A_56 = tpu.memref_slice %arg4[%add3A_27] : memref<163840xi32, #tpu.memory_space<hbm>> -> memref<128xi32, #tpu.memory_space<hbm>>
        tpu.wait_dma2 semaphore(%run_scoped3A : memref<!tpu.dma_semaphore, #tpu.memory_space<semaphore_mem>>) src(%dma_wait3A_56 : memref<128xi32, #tpu.memory_space<hbm>>) dst(%arg12 : memref<128xi32, #tpu.memory_space<vmem>>)
        tpu.yield
      }) : () -> ()
      "tpu.region"() ({
        %run_scoped3A = tpu.sem_alloc : memref<!tpu.dma_semaphore, #tpu.memory_space<semaphore_mem>>
        %dma_start3A_53 = tpu.memref_slice %arg5[%add3A_27] : memref<163840xf32, #tpu.memory_space<hbm>> -> memref<128xf32, #tpu.memory_space<hbm>>
        %dma_start3A_54 = tpu.memref_slice %arg5[%add3A_27] : memref<163840xf32, #tpu.memory_space<hbm>> -> memref<128xf32, #tpu.memory_space<hbm>>
        tpu.enqueue_dma source(%dma_start3A_54 : memref<128xf32, #tpu.memory_space<hbm>>) target(%arg13 : memref<128xf32, #tpu.memory_space<vmem>>) target_semaphore(%run_scoped3A : memref<!tpu.dma_semaphore, #tpu.memory_space<semaphore_mem>>)
        %dma_wait3A_55 = tpu.memref_slice %arg5[%add3A_27] : memref<163840xf32, #tpu.memory_space<hbm>> -> memref<128xf32, #tpu.memory_space<hbm>>
        %dma_wait3A_56 = tpu.memref_slice %arg5[%add3A_27] : memref<163840xf32, #tpu.memory_space<hbm>> -> memref<128xf32, #tpu.memory_space<hbm>>
        tpu.wait_dma2 semaphore(%run_scoped3A : memref<!tpu.dma_semaphore, #tpu.memory_space<semaphore_mem>>) src(%dma_wait3A_56 : memref<128xf32, #tpu.memory_space<hbm>>) dst(%arg13 : memref<128xf32, #tpu.memory_space<vmem>>)
        tpu.yield
      }) : () -> ()
      %dma_start3A_30 = arith.constant 0 : i32
      %dma_start3A_31 = arith.constant 0 : i32
      %dma_start3A_32 = tpu.memref_slice %arg2[%dma_start3A_30, %dma_start3A_31] : memref<80000x128xf32, #tpu.memory_space<hbm>> -> memref<80000x128xf32, #tpu.memory_space<hbm>>
      tpu.enqueue_indirect_dma source(%dma_start3A_32 : memref<80000x128xf32, #tpu.memory_space<hbm>>) target(%arg15 : memref<128x128xf32, #tpu.memory_space<vmem>>) offsets(%arg11 : memref<128xi32, #tpu.memory_space<vmem>>) semaphore(%arg18 : memref<!tpu.dma_semaphore, #tpu.memory_space<semaphore_mem>>)
      %dma_wait3A = arith.constant 0 : i32
      %dma_wait3A_33 = arith.constant 0 : i32
      %dma_wait3A_34 = tpu.memref_slice %arg2[%dma_wait3A, %dma_wait3A_33] : memref<80000x128xf32, #tpu.memory_space<hbm>> -> memref<80000x128xf32, #tpu.memory_space<hbm>>
      tpu.wait_indirect_dma semaphore(%arg17 : memref<!tpu.dma_semaphore, #tpu.memory_space<semaphore_mem>>) src(%dma_wait3A_34 : memref<80000x128xf32, #tpu.memory_space<hbm>>) dst(%arg14 : memref<128x128xf32, #tpu.memory_space<vmem>>)
      %scan3A_35 = arith.constant 0 : i32
      %scan3A_36 = arith.constant 0 : i32
      %scan3A_37 = arith.constant 8 : i32
      %scan3A_38 = arith.addi %scan3A_36, %scan3A_37 : i32
      %scan3A_39 = arith.constant 1 : i32
      %scan3A_40 = scf.for %scan3A_53 = %scan3A_36 to %scan3A_38 step %scan3A_39 iter_args(%scan3A_54 = %scan3A_35) -> (i32)  : i32 {
        %mul3A_55 = arith.constant 16 : i32
        %mul3A_56 = arith.muli %scan3A_53, %mul3A_55 : i32
        %get3A = arith.index_cast %mul3A_56 : i32 to index
        %get3A_57 = tpu.vector_load %arg10[%get3A] {strides = array<i32>} : memref<128xf32, #tpu.memory_space<vmem>>, vector<16xf32>,
        %get3A_58 = vector.shape_cast %get3A_57 : vector<16xf32> to vector<16xf32>
        %scan3A_59 = arith.constant 0 : i32
        %scan3A_60 = arith.constant 0 : i32
        %scan3A_61 = arith.constant 16 : i32
        %scan3A_62 = arith.addi %scan3A_60, %scan3A_61 : i32
        %scan3A_63 = arith.constant 1 : i32
        %scan3A_64 = scf.for %scan3A_67 = %scan3A_60 to %scan3A_62 step %scan3A_63 iter_args(%scan3A_68 = %scan3A_59) -> (i32)  : i32 {
          %mul3A_69 = arith.constant 16 : i32
          %mul3A_70 = arith.muli %scan3A_53, %mul3A_69 : i32
          %add3A_71 = arith.addi %mul3A_70, %scan3A_67 : i32
          %broadcast_in_dim3A = vector.broadcast %scan3A_67 : i32 to vector<16xi32>
          %broadcast_in_dim3A_72 = vector.shape_cast %broadcast_in_dim3A : vector<16xi32> to vector<16x1xi32>
          %gather3A = vector.shape_cast %broadcast_in_dim3A_72 : vector<16x1xi32> to vector<16xi32>
          %gather3A_73 = tpu.dynamic_gather %get3A_58[%gather3A] in [0] : vector<16xf32>, vector<16xi32> -> vector<16xf32>
          %get3A_74 = arith.index_cast %add3A_71 : i32 to index
          %get3A_75 = arith.constant 0 : index
          %get3A_76 = tpu.vector_load %arg14[%get3A_74, %get3A_75] {strides = array<i32>} : memref<128x128xf32, #tpu.memory_space<vmem>>, vector<1x16xf32>,
          %get3A_77 = vector.shape_cast %get3A_76 : vector<1x16xf32> to vector<16xf32>
          %mul3A_78 = arith.mulf %get3A_77, %gather3A_73 : vector<16xf32>
          %swap3A = arith.index_cast %add3A_71 : i32 to index
          %swap3A_79 = arith.constant 0 : index
          %swap3A_80 = tpu.vector_load %arg14[%swap3A, %swap3A_79] {strides = array<i32>} : memref<128x128xf32, #tpu.memory_space<vmem>>, vector<1x16xf32>,
          %swap3A_81 = vector.shape_cast %swap3A_80 : vector<1x16xf32> to vector<16xf32>
          %swap3A_82 = vector.shape_cast %mul3A_78 : vector<16xf32> to vector<1x16xf32>
          tpu.vector_store %arg14[%swap3A, %swap3A_79], %swap3A_82 {strides = array<i32>} : memref<128x128xf32, #tpu.memory_space<vmem>>, vector<1x16xf32>,
          %get3A_83 = arith.index_cast %add3A_71 : i32 to index
          %get3A_84 = arith.constant 16 : index
          %get3A_85 = tpu.vector_load %arg14[%get3A_83, %get3A_84] {strides = array<i32>} : memref<128x128xf32, #tpu.memory_space<vmem>>, vector<1x16xf32>,
          %get3A_86 = vector.shape_cast %get3A_85 : vector<1x16xf32> to vector<16xf32>
          %mul3A_87 = arith.mulf %get3A_86, %gather3A_73 : vector<16xf32>
          %swap3A_88 = arith.index_cast %add3A_71 : i32 to index
          %swap3A_89 = arith.constant 16 : index
          %swap3A_90 = tpu.vector_load %arg14[%swap3A_88, %swap3A_89] {strides = array<i32>} : memref<128x128xf32, #tpu.memory_space<vmem>>, vector<1x16xf32>,
          %swap3A_91 = vector.shape_cast %swap3A_90 : vector<1x16xf32> to vector<16xf32>
          %swap3A_92 = vector.shape_cast %mul3A_87 : vector<16xf32> to vector<1x16xf32>
          tpu.vector_store %arg14[%swap3A_88, %swap3A_89], %swap3A_92 {strides = array<i32>} : memref<128x128xf32, #tpu.memory_space<vmem>>, vector<1x16xf32>,
          %get3A_93 = arith.index_cast %add3A_71 : i32 to index
          %get3A_94 = arith.constant 32 : index
          %get3A_95 = tpu.vector_load %arg14[%get3A_93, %get3A_94] {strides = array<i32>} : memref<128x128xf32, #tpu.memory_space<vmem>>, vector<1x16xf32>,
          %get3A_96 = vector.shape_cast %get3A_95 : vector<1x16xf32> to vector<16xf32>
          %mul3A_97 = arith.mulf %get3A_96, %gather3A_73 : vector<16xf32>
          %swap3A_98 = arith.index_cast %add3A_71 : i32 to index
          %swap3A_99 = arith.constant 32 : index
          %swap3A_100 = tpu.vector_load %arg14[%swap3A_98, %swap3A_99] {strides = array<i32>} : memref<128x128xf32, #tpu.memory_space<vmem>>, vector<1x16xf32>,
          %swap3A_101 = vector.shape_cast %swap3A_100 : vector<1x16xf32> to vector<16xf32>
          %swap3A_102 = vector.shape_cast %mul3A_97 : vector<16xf32> to vector<1x16xf32>
          tpu.vector_store %arg14[%swap3A_98, %swap3A_99], %swap3A_102 {strides = array<i32>} : memref<128x128xf32, #tpu.memory_space<vmem>>, vector<1x16xf32>,
          %get3A_103 = arith.index_cast %add3A_71 : i32 to index
          %get3A_104 = arith.constant 48 : index
          %get3A_105 = tpu.vector_load %arg14[%get3A_103, %get3A_104] {strides = array<i32>} : memref<128x128xf32, #tpu.memory_space<vmem>>, vector<1x16xf32>,
          %get3A_106 = vector.shape_cast %get3A_105 : vector<1x16xf32> to vector<16xf32>
          %mul3A_107 = arith.mulf %get3A_106, %gather3A_73 : vector<16xf32>
          %swap3A_108 = arith.index_cast %add3A_71 : i32 to index
          %swap3A_109 = arith.constant 48 : index
          %swap3A_110 = tpu.vector_load %arg14[%swap3A_108, %swap3A_109] {strides = array<i32>} : memref<128x128xf32, #tpu.memory_space<vmem>>, vector<1x16xf32>,
          %swap3A_111 = vector.shape_cast %swap3A_110 : vector<1x16xf32> to vector<16xf32>
          %swap3A_112 = vector.shape_cast %mul3A_107 : vector<16xf32> to vector<1x16xf32>
          tpu.vector_store %arg14[%swap3A_108, %swap3A_109], %swap3A_112 {strides = array<i32>} : memref<128x128xf32, #tpu.memory_space<vmem>>, vector<1x16xf32>,
          %get3A_113 = arith.index_cast %add3A_71 : i32 to index
          %get3A_114 = arith.constant 64 : index
          %get3A_115 = tpu.vector_load %arg14[%get3A_113, %get3A_114] {strides = array<i32>} : memref<128x128xf32, #tpu.memory_space<vmem>>, vector<1x16xf32>,
          %get3A_116 = vector.shape_cast %get3A_115 : vector<1x16xf32> to vector<16xf32>
          %mul3A_117 = arith.mulf %get3A_116, %gather3A_73 : vector<16xf32>
          %swap3A_118 = arith.index_cast %add3A_71 : i32 to index
          %swap3A_119 = arith.constant 64 : index
          %swap3A_120 = tpu.vector_load %arg14[%swap3A_118, %swap3A_119] {strides = array<i32>} : memref<128x128xf32, #tpu.memory_space<vmem>>, vector<1x16xf32>,
          %swap3A_121 = vector.shape_cast %swap3A_120 : vector<1x16xf32> to vector<16xf32>
          %swap3A_122 = vector.shape_cast %mul3A_117 : vector<16xf32> to vector<1x16xf32>
          tpu.vector_store %arg14[%swap3A_118, %swap3A_119], %swap3A_122 {strides = array<i32>} : memref<128x128xf32, #tpu.memory_space<vmem>>, vector<1x16xf32>,
          %get3A_123 = arith.index_cast %add3A_71 : i32 to index
          %get3A_124 = arith.constant 80 : index
          %get3A_125 = tpu.vector_load %arg14[%get3A_123, %get3A_124] {strides = array<i32>} : memref<128x128xf32, #tpu.memory_space<vmem>>, vector<1x16xf32>,
          %get3A_126 = vector.shape_cast %get3A_125 : vector<1x16xf32> to vector<16xf32>
          %mul3A_127 = arith.mulf %get3A_126, %gather3A_73 : vector<16xf32>
          %swap3A_128 = arith.index_cast %add3A_71 : i32 to index
          %swap3A_129 = arith.constant 80 : index
          %swap3A_130 = tpu.vector_load %arg14[%swap3A_128, %swap3A_129] {strides = array<i32>} : memref<128x128xf32, #tpu.memory_space<vmem>>, vector<1x16xf32>,
          %swap3A_131 = vector.shape_cast %swap3A_130 : vector<1x16xf32> to vector<16xf32>
          %swap3A_132 = vector.shape_cast %mul3A_127 : vector<16xf32> to vector<1x16xf32>
          tpu.vector_store %arg14[%swap3A_128, %swap3A_129], %swap3A_132 {strides = array<i32>} : memref<128x128xf32, #tpu.memory_space<vmem>>, vector<1x16xf32>,
          %get3A_133 = arith.index_cast %add3A_71 : i32 to index
          %get3A_134 = arith.constant 96 : index
          %get3A_135 = tpu.vector_load %arg14[%get3A_133, %get3A_134] {strides = array<i32>} : memref<128x128xf32, #tpu.memory_space<vmem>>, vector<1x16xf32>,
          %get3A_136 = vector.shape_cast %get3A_135 : vector<1x16xf32> to vector<16xf32>
          %mul3A_137 = arith.mulf %get3A_136, %gather3A_73 : vector<16xf32>
          %swap3A_138 = arith.index_cast %add3A_71 : i32 to index
          %swap3A_139 = arith.constant 96 : index
          %swap3A_140 = tpu.vector_load %arg14[%swap3A_138, %swap3A_139] {strides = array<i32>} : memref<128x128xf32, #tpu.memory_space<vmem>>, vector<1x16xf32>,
          %swap3A_141 = vector.shape_cast %swap3A_140 : vector<1x16xf32> to vector<16xf32>
          %swap3A_142 = vector.shape_cast %mul3A_137 : vector<16xf32> to vector<1x16xf32>
          tpu.vector_store %arg14[%swap3A_138, %swap3A_139], %swap3A_142 {strides = array<i32>} : memref<128x128xf32, #tpu.memory_space<vmem>>, vector<1x16xf32>,
          %get3A_143 = arith.index_cast %add3A_71 : i32 to index
          %get3A_144 = arith.constant 112 : index
          %get3A_145 = tpu.vector_load %arg14[%get3A_143, %get3A_144] {strides = array<i32>} : memref<128x128xf32, #tpu.memory_space<vmem>>, vector<1x16xf32>,
          %get3A_146 = vector.shape_cast %get3A_145 : vector<1x16xf32> to vector<16xf32>
          %mul3A_147 = arith.mulf %get3A_146, %gather3A_73 : vector<16xf32>
          %swap3A_148 = arith.index_cast %add3A_71 : i32 to index
          %swap3A_149 = arith.constant 112 : index
          %swap3A_150 = tpu.vector_load %arg14[%swap3A_148, %swap3A_149] {strides = array<i32>} : memref<128x128xf32, #tpu.memory_space<vmem>>, vector<1x16xf32>,
          %swap3A_151 = vector.shape_cast %swap3A_150 : vector<1x16xf32> to vector<16xf32>
          %swap3A_152 = vector.shape_cast %mul3A_147 : vector<16xf32> to vector<1x16xf32>
          tpu.vector_store %arg14[%swap3A_148, %swap3A_149], %swap3A_152 {strides = array<i32>} : memref<128x128xf32, #tpu.memory_space<vmem>>, vector<1x16xf32>,
          %scan3A_153 = arith.constant 0 : i32
          scf.yield %scan3A_153 : i32
        }
        %scan3A_65 = arith.constant 16 : i32
        %scan3A_66 = arith.constant 0 : i32
        scf.yield %scan3A_66 : i32
      }
      %scan3A_41 = arith.constant 8 : i32
      "tpu.region"() ({
        %run_scoped3A = tpu.sem_alloc : memref<!tpu.dma_semaphore, #tpu.memory_space<semaphore_mem>>
        %dma_start3A_53 = arith.constant 0 : i32
        %dma_start3A_54 = arith.constant 0 : i32
        %dma_start3A_55 = tpu.memref_slice %arg16[%dma_start3A_53, %dma_start3A_54] : memref<10000x128xf32, #tpu.memory_space<vmem_shared>> -> memref<10000x128xf32, #tpu.memory_space<vmem_shared>>
        tpu.enqueue_indirect_dma source(%arg14 : memref<128x128xf32, #tpu.memory_space<vmem>>) target(%dma_start3A_55 : memref<10000x128xf32, #tpu.memory_space<vmem_shared>>) offsets(%arg9 : memref<128xi32, #tpu.memory_space<vmem>>) semaphore(%run_scoped3A : memref<!tpu.dma_semaphore, #tpu.memory_space<semaphore_mem>>) {add = true}
        %dma_wait3A_56 = arith.constant 0 : i32
        %dma_wait3A_57 = arith.constant 0 : i32
        %dma_wait3A_58 = tpu.memref_slice %arg16[%dma_wait3A_56, %dma_wait3A_57] : memref<10000x128xf32, #tpu.memory_space<vmem_shared>> -> memref<10000x128xf32, #tpu.memory_space<vmem_shared>>
        tpu.wait_indirect_dma semaphore(%run_scoped3A : memref<!tpu.dma_semaphore, #tpu.memory_space<semaphore_mem>>) src(%arg14 : memref<128x128xf32, #tpu.memory_space<vmem>>) dst(%dma_wait3A_58 : memref<10000x128xf32, #tpu.memory_space<vmem_shared>>)
        tpu.yield
      }) : () -> ()
      %dma_wait3A_42 = arith.constant 0 : i32
      %dma_wait3A_43 = arith.constant 0 : i32
      %dma_wait3A_44 = tpu.memref_slice %arg2[%dma_wait3A_42, %dma_wait3A_43] : memref<80000x128xf32, #tpu.memory_space<hbm>> -> memref<80000x128xf32, #tpu.memory_space<hbm>>
      tpu.wait_indirect_dma semaphore(%arg18 : memref<!tpu.dma_semaphore, #tpu.memory_space<semaphore_mem>>) src(%dma_wait3A_44 : memref<80000x128xf32, #tpu.memory_space<hbm>>) dst(%arg15 : memref<128x128xf32, #tpu.memory_space<vmem>>)
      %scan3A_45 = arith.constant 0 : i32
      %scan3A_46 = arith.constant 0 : i32
      %scan3A_47 = arith.constant 8 : i32
      %scan3A_48 = arith.addi %scan3A_46, %scan3A_47 : i32
      %scan3A_49 = arith.constant 1 : i32
      %scan3A_50 = scf.for %scan3A_53 = %scan3A_46 to %scan3A_48 step %scan3A_49 iter_args(%scan3A_54 = %scan3A_45) -> (i32)  : i32 {
        %mul3A_55 = arith.constant 16 : i32
        %mul3A_56 = arith.muli %scan3A_53, %mul3A_55 : i32
        %get3A = arith.index_cast %mul3A_56 : i32 to index
        %get3A_57 = tpu.vector_load %arg13[%get3A] {strides = array<i32>} : memref<128xf32, #tpu.memory_space<vmem>>, vector<16xf32>,
        %get3A_58 = vector.shape_cast %get3A_57 : vector<16xf32> to vector<16xf32>
        %scan3A_59 = arith.constant 0 : i32
        %scan3A_60 = arith.constant 0 : i32
        %scan3A_61 = arith.constant 16 : i32
        %scan3A_62 = arith.addi %scan3A_60, %scan3A_61 : i32
        %scan3A_63 = arith.constant 1 : i32
        %scan3A_64 = scf.for %scan3A_67 = %scan3A_60 to %scan3A_62 step %scan3A_63 iter_args(%scan3A_68 = %scan3A_59) -> (i32)  : i32 {
          %mul3A_69 = arith.constant 16 : i32
          %mul3A_70 = arith.muli %scan3A_53, %mul3A_69 : i32
          %add3A_71 = arith.addi %mul3A_70, %scan3A_67 : i32
          %broadcast_in_dim3A = vector.broadcast %scan3A_67 : i32 to vector<16xi32>
          %broadcast_in_dim3A_72 = vector.shape_cast %broadcast_in_dim3A : vector<16xi32> to vector<16x1xi32>
          %gather3A = vector.shape_cast %broadcast_in_dim3A_72 : vector<16x1xi32> to vector<16xi32>
          %gather3A_73 = tpu.dynamic_gather %get3A_58[%gather3A] in [0] : vector<16xf32>, vector<16xi32> -> vector<16xf32>
          %get3A_74 = arith.index_cast %add3A_71 : i32 to index
          %get3A_75 = arith.constant 0 : index
          %get3A_76 = tpu.vector_load %arg15[%get3A_74, %get3A_75] {strides = array<i32>} : memref<128x128xf32, #tpu.memory_space<vmem>>, vector<1x16xf32>,
          %get3A_77 = vector.shape_cast %get3A_76 : vector<1x16xf32> to vector<16xf32>
          %mul3A_78 = arith.mulf %get3A_77, %gather3A_73 : vector<16xf32>
          %swap3A = arith.index_cast %add3A_71 : i32 to index
          %swap3A_79 = arith.constant 0 : index
          %swap3A_80 = tpu.vector_load %arg15[%swap3A, %swap3A_79] {strides = array<i32>} : memref<128x128xf32, #tpu.memory_space<vmem>>, vector<1x16xf32>,
          %swap3A_81 = vector.shape_cast %swap3A_80 : vector<1x16xf32> to vector<16xf32>
          %swap3A_82 = vector.shape_cast %mul3A_78 : vector<16xf32> to vector<1x16xf32>
          tpu.vector_store %arg15[%swap3A, %swap3A_79], %swap3A_82 {strides = array<i32>} : memref<128x128xf32, #tpu.memory_space<vmem>>, vector<1x16xf32>,
          %get3A_83 = arith.index_cast %add3A_71 : i32 to index
          %get3A_84 = arith.constant 16 : index
          %get3A_85 = tpu.vector_load %arg15[%get3A_83, %get3A_84] {strides = array<i32>} : memref<128x128xf32, #tpu.memory_space<vmem>>, vector<1x16xf32>,
          %get3A_86 = vector.shape_cast %get3A_85 : vector<1x16xf32> to vector<16xf32>
          %mul3A_87 = arith.mulf %get3A_86, %gather3A_73 : vector<16xf32>
          %swap3A_88 = arith.index_cast %add3A_71 : i32 to index
          %swap3A_89 = arith.constant 16 : index
          %swap3A_90 = tpu.vector_load %arg15[%swap3A_88, %swap3A_89] {strides = array<i32>} : memref<128x128xf32, #tpu.memory_space<vmem>>, vector<1x16xf32>,
          %swap3A_91 = vector.shape_cast %swap3A_90 : vector<1x16xf32> to vector<16xf32>
          %swap3A_92 = vector.shape_cast %mul3A_87 : vector<16xf32> to vector<1x16xf32>
          tpu.vector_store %arg15[%swap3A_88, %swap3A_89], %swap3A_92 {strides = array<i32>} : memref<128x128xf32, #tpu.memory_space<vmem>>, vector<1x16xf32>,
          %get3A_93 = arith.index_cast %add3A_71 : i32 to index
          %get3A_94 = arith.constant 32 : index
          %get3A_95 = tpu.vector_load %arg15[%get3A_93, %get3A_94] {strides = array<i32>} : memref<128x128xf32, #tpu.memory_space<vmem>>, vector<1x16xf32>,
          %get3A_96 = vector.shape_cast %get3A_95 : vector<1x16xf32> to vector<16xf32>
          %mul3A_97 = arith.mulf %get3A_96, %gather3A_73 : vector<16xf32>
          %swap3A_98 = arith.index_cast %add3A_71 : i32 to index
          %swap3A_99 = arith.constant 32 : index
          %swap3A_100 = tpu.vector_load %arg15[%swap3A_98, %swap3A_99] {strides = array<i32>} : memref<128x128xf32, #tpu.memory_space<vmem>>, vector<1x16xf32>,
          %swap3A_101 = vector.shape_cast %swap3A_100 : vector<1x16xf32> to vector<16xf32>
          %swap3A_102 = vector.shape_cast %mul3A_97 : vector<16xf32> to vector<1x16xf32>
          tpu.vector_store %arg15[%swap3A_98, %swap3A_99], %swap3A_102 {strides = array<i32>} : memref<128x128xf32, #tpu.memory_space<vmem>>, vector<1x16xf32>,
          %get3A_103 = arith.index_cast %add3A_71 : i32 to index
          %get3A_104 = arith.constant 48 : index
          %get3A_105 = tpu.vector_load %arg15[%get3A_103, %get3A_104] {strides = array<i32>} : memref<128x128xf32, #tpu.memory_space<vmem>>, vector<1x16xf32>,
          %get3A_106 = vector.shape_cast %get3A_105 : vector<1x16xf32> to vector<16xf32>
          %mul3A_107 = arith.mulf %get3A_106, %gather3A_73 : vector<16xf32>
          %swap3A_108 = arith.index_cast %add3A_71 : i32 to index
          %swap3A_109 = arith.constant 48 : index
          %swap3A_110 = tpu.vector_load %arg15[%swap3A_108, %swap3A_109] {strides = array<i32>} : memref<128x128xf32, #tpu.memory_space<vmem>>, vector<1x16xf32>,
          %swap3A_111 = vector.shape_cast %swap3A_110 : vector<1x16xf32> to vector<16xf32>
          %swap3A_112 = vector.shape_cast %mul3A_107 : vector<16xf32> to vector<1x16xf32>
          tpu.vector_store %arg15[%swap3A_108, %swap3A_109], %swap3A_112 {strides = array<i32>} : memref<128x128xf32, #tpu.memory_space<vmem>>, vector<1x16xf32>,
          %get3A_113 = arith.index_cast %add3A_71 : i32 to index
          %get3A_114 = arith.constant 64 : index
          %get3A_115 = tpu.vector_load %arg15[%get3A_113, %get3A_114] {strides = array<i32>} : memref<128x128xf32, #tpu.memory_space<vmem>>, vector<1x16xf32>,
          %get3A_116 = vector.shape_cast %get3A_115 : vector<1x16xf32> to vector<16xf32>
          %mul3A_117 = arith.mulf %get3A_116, %gather3A_73 : vector<16xf32>
          %swap3A_118 = arith.index_cast %add3A_71 : i32 to index
          %swap3A_119 = arith.constant 64 : index
          %swap3A_120 = tpu.vector_load %arg15[%swap3A_118, %swap3A_119] {strides = array<i32>} : memref<128x128xf32, #tpu.memory_space<vmem>>, vector<1x16xf32>,
          %swap3A_121 = vector.shape_cast %swap3A_120 : vector<1x16xf32> to vector<16xf32>
          %swap3A_122 = vector.shape_cast %mul3A_117 : vector<16xf32> to vector<1x16xf32>
          tpu.vector_store %arg15[%swap3A_118, %swap3A_119], %swap3A_122 {strides = array<i32>} : memref<128x128xf32, #tpu.memory_space<vmem>>, vector<1x16xf32>,
          %get3A_123 = arith.index_cast %add3A_71 : i32 to index
          %get3A_124 = arith.constant 80 : index
          %get3A_125 = tpu.vector_load %arg15[%get3A_123, %get3A_124] {strides = array<i32>} : memref<128x128xf32, #tpu.memory_space<vmem>>, vector<1x16xf32>,
          %get3A_126 = vector.shape_cast %get3A_125 : vector<1x16xf32> to vector<16xf32>
          %mul3A_127 = arith.mulf %get3A_126, %gather3A_73 : vector<16xf32>
          %swap3A_128 = arith.index_cast %add3A_71 : i32 to index
          %swap3A_129 = arith.constant 80 : index
          %swap3A_130 = tpu.vector_load %arg15[%swap3A_128, %swap3A_129] {strides = array<i32>} : memref<128x128xf32, #tpu.memory_space<vmem>>, vector<1x16xf32>,
          %swap3A_131 = vector.shape_cast %swap3A_130 : vector<1x16xf32> to vector<16xf32>
          %swap3A_132 = vector.shape_cast %mul3A_127 : vector<16xf32> to vector<1x16xf32>
          tpu.vector_store %arg15[%swap3A_128, %swap3A_129], %swap3A_132 {strides = array<i32>} : memref<128x128xf32, #tpu.memory_space<vmem>>, vector<1x16xf32>,
          %get3A_133 = arith.index_cast %add3A_71 : i32 to index
          %get3A_134 = arith.constant 96 : index
          %get3A_135 = tpu.vector_load %arg15[%get3A_133, %get3A_134] {strides = array<i32>} : memref<128x128xf32, #tpu.memory_space<vmem>>, vector<1x16xf32>,
          %get3A_136 = vector.shape_cast %get3A_135 : vector<1x16xf32> to vector<16xf32>
          %mul3A_137 = arith.mulf %get3A_136, %gather3A_73 : vector<16xf32>
          %swap3A_138 = arith.index_cast %add3A_71 : i32 to index
          %swap3A_139 = arith.constant 96 : index
          %swap3A_140 = tpu.vector_load %arg15[%swap3A_138, %swap3A_139] {strides = array<i32>} : memref<128x128xf32, #tpu.memory_space<vmem>>, vector<1x16xf32>,
          %swap3A_141 = vector.shape_cast %swap3A_140 : vector<1x16xf32> to vector<16xf32>
          %swap3A_142 = vector.shape_cast %mul3A_137 : vector<16xf32> to vector<1x16xf32>
          tpu.vector_store %arg15[%swap3A_138, %swap3A_139], %swap3A_142 {strides = array<i32>} : memref<128x128xf32, #tpu.memory_space<vmem>>, vector<1x16xf32>,
          %get3A_143 = arith.index_cast %add3A_71 : i32 to index
          %get3A_144 = arith.constant 112 : index
          %get3A_145 = tpu.vector_load %arg15[%get3A_143, %get3A_144] {strides = array<i32>} : memref<128x128xf32, #tpu.memory_space<vmem>>, vector<1x16xf32>,
          %get3A_146 = vector.shape_cast %get3A_145 : vector<1x16xf32> to vector<16xf32>
          %mul3A_147 = arith.mulf %get3A_146, %gather3A_73 : vector<16xf32>
          %swap3A_148 = arith.index_cast %add3A_71 : i32 to index
          %swap3A_149 = arith.constant 112 : index
          %swap3A_150 = tpu.vector_load %arg15[%swap3A_148, %swap3A_149] {strides = array<i32>} : memref<128x128xf32, #tpu.memory_space<vmem>>, vector<1x16xf32>,
          %swap3A_151 = vector.shape_cast %swap3A_150 : vector<1x16xf32> to vector<16xf32>
          %swap3A_152 = vector.shape_cast %mul3A_147 : vector<16xf32> to vector<1x16xf32>
          tpu.vector_store %arg15[%swap3A_148, %swap3A_149], %swap3A_152 {strides = array<i32>} : memref<128x128xf32, #tpu.memory_space<vmem>>, vector<1x16xf32>,
          %scan3A_153 = arith.constant 0 : i32
          scf.yield %scan3A_153 : i32
        }
        %scan3A_65 = arith.constant 16 : i32
        %scan3A_66 = arith.constant 0 : i32
        scf.yield %scan3A_66 : i32
      }
      %scan3A_51 = arith.constant 8 : i32
      "tpu.region"() ({
        %run_scoped3A = tpu.sem_alloc : memref<!tpu.dma_semaphore, #tpu.memory_space<semaphore_mem>>
        %dma_start3A_53 = arith.constant 0 : i32
        %dma_start3A_54 = arith.constant 0 : i32
        %dma_start3A_55 = tpu.memref_slice %arg16[%dma_start3A_53, %dma_start3A_54] : memref<10000x128xf32, #tpu.memory_space<vmem_shared>> -> memref<10000x128xf32, #tpu.memory_space<vmem_shared>>
        tpu.enqueue_indirect_dma source(%arg15 : memref<128x128xf32, #tpu.memory_space<vmem>>) target(%dma_start3A_55 : memref<10000x128xf32, #tpu.memory_space<vmem_shared>>) offsets(%arg12 : memref<128xi32, #tpu.memory_space<vmem>>) semaphore(%run_scoped3A : memref<!tpu.dma_semaphore, #tpu.memory_space<semaphore_mem>>) {add = true}
        %dma_wait3A_56 = arith.constant 0 : i32
        %dma_wait3A_57 = arith.constant 0 : i32
        %dma_wait3A_58 = tpu.memref_slice %arg16[%dma_wait3A_56, %dma_wait3A_57] : memref<10000x128xf32, #tpu.memory_space<vmem_shared>> -> memref<10000x128xf32, #tpu.memory_space<vmem_shared>>
        tpu.wait_indirect_dma semaphore(%run_scoped3A : memref<!tpu.dma_semaphore, #tpu.memory_space<semaphore_mem>>) src(%arg15 : memref<128x128xf32, #tpu.memory_space<vmem>>) dst(%dma_wait3A_58 : memref<10000x128xf32, #tpu.memory_space<vmem_shared>>)
        tpu.yield
      }) : () -> ()
      %scan3A_52 = arith.constant 0 : i32
      scf.yield %scan3A_52 : i32
    }
    %scan3A_10 = arith.constant 20 : i32
    %barrier3A_11 = arith.constant 0 : index
    tpu.barrier barrier_id(%barrier3A_11)
    %mul3A_12 = arith.constant 624 : i32
    %mul3A_13 = arith.muli %arg1, %mul3A_12 : i32
    %mul3A_14 = arith.constant 10000 : i32
    %mul3A_15 = arith.muli %arg0, %mul3A_14 : i32
    %mul3A_16 = arith.constant 624 : i32
    %mul3A_17 = arith.muli %arg1, %mul3A_16 : i32
    %add3A_18 = arith.addi %mul3A_15, %mul3A_17 : i32
    "tpu.region"() ({
      %run_scoped3A = tpu.sem_alloc : memref<!tpu.dma_semaphore, #tpu.memory_space<semaphore_mem>>
      %dma_start3A = arith.constant 0 : i32
      %dma_start3A_19 = tpu.memref_slice %arg7[%add3A_18, %dma_start3A] : memref<20000x128xf32, #tpu.memory_space<hbm>> -> memref<640x128xf32, #tpu.memory_space<hbm>>
      %dma_start3A_20 = arith.constant 0 : i32
      %dma_start3A_21 = tpu.memref_slice %arg16[%mul3A_13, %dma_start3A_20] : memref<10000x128xf32, #tpu.memory_space<vmem_shared>> -> memref<640x128xf32, #tpu.memory_space<vmem_shared>>
      tpu.enqueue_dma source(%dma_start3A_21 : memref<640x128xf32, #tpu.memory_space<vmem_shared>>) target(%dma_start3A_19 : memref<640x128xf32, #tpu.memory_space<hbm>>) target_semaphore(%run_scoped3A : memref<!tpu.dma_semaphore, #tpu.memory_space<semaphore_mem>>)
      %dma_wait3A = arith.constant 0 : i32
      %dma_wait3A_22 = tpu.memref_slice %arg7[%add3A_18, %dma_wait3A] : memref<20000x128xf32, #tpu.memory_space<hbm>> -> memref<640x128xf32, #tpu.memory_space<hbm>>
      %dma_wait3A_23 = arith.constant 0 : i32
      %dma_wait3A_24 = tpu.memref_slice %arg16[%mul3A_13, %dma_wait3A_23] : memref<10000x128xf32, #tpu.memory_space<vmem_shared>> -> memref<640x128xf32, #tpu.memory_space<vmem_shared>>
      tpu.wait_dma2 semaphore(%run_scoped3A : memref<!tpu.dma_semaphore, #tpu.memory_space<semaphore_mem>>) src(%dma_wait3A_24 : memref<640x128xf32, #tpu.memory_space<vmem_shared>>) dst(%dma_wait3A_22 : memref<640x128xf32, #tpu.memory_space<hbm>>)
      tpu.yield
    }) : () -> ()
    return
  }
}

#map = affine_map<(d0, d1) -> (0, 0)>
#map1 = affine_map<(d0, d1) -> (0)>
module attributes {stable_mosaic.version = 14 : i64} {
  func.func @_scatter(%arg0: i32, %arg1: i32, %arg2: memref<80000x128xf32, #tpu.memory_space<hbm>>, %arg3: memref<163840xi32, #tpu.memory_space<hbm>>, %arg4: memref<163840xi32, #tpu.memory_space<hbm>>, %arg5: memref<163840xf32, #tpu.memory_space<hbm>>, %arg6: memref<640x128xf32, #tpu.memory_space<hbm>>, %arg7: memref<20000x128xf32, #tpu.memory_space<hbm>>, %arg8: memref<128xi32, #tpu.memory_space<vmem>>, %arg9: memref<128xi32, #tpu.memory_space<vmem>>, %arg10: memref<128xf32, #tpu.memory_space<vmem>>, %arg11: memref<128xi32, #tpu.memory_space<vmem>>, %arg12: memref<128xi32, #tpu.memory_space<vmem>>, %arg13: memref<128xf32, #tpu.memory_space<vmem>>, %arg14: memref<128x128xf32, #tpu.memory_space<vmem>>, %arg15: memref<128x128xf32, #tpu.memory_space<vmem>>, %arg16: memref<10000x128xf32, #tpu.memory_space<vmem_shared>>, %arg17: memref<!tpu.dma_semaphore, #tpu.memory_space<semaphore_mem>>, %arg18: memref<!tpu.dma_semaphore, #tpu.memory_space<semaphore_mem>>) attributes {dimension_semantics = [#tpu.dimension_semantics<core_parallel>, #tpu.dimension_semantics<subcore_parallel>], iteration_bounds = array<i64: 2, 16>, scalar_prefetch = 0 : i64, scratch_operands = 11 : i64, tpu.core_type = #tpu.core_type<sc_vector_subcore>, window_params = [{transform_indices = #map}, {transform_indices = #map1}, {transform_indices = #map1}, {transform_indices = #map1}, {transform_indices = #map}, {transform_indices = #map}]} {
    %mul3A = arith.constant 2 : i32
    %mul3A_0 = arith.muli %arg1, %mul3A : i32
    %add3A = arith.addi %mul3A_0, %arg0 : i32
    %mul3A_1 = arith.constant 5120 : i32
    %mul3A_2 = arith.muli %add3A, %mul3A_1 : i32
    %mul3A_3 = arith.constant 624 : i32
    %mul3A_4 = arith.muli %arg1, %mul3A_3 : i32
    "tpu.region"() ({
      %run_scoped3A = tpu.sem_alloc : memref<!tpu.dma_semaphore, #tpu.memory_space<semaphore_mem>>
      %dma_start3A = arith.constant 0 : i32
      %dma_start3A_19 = tpu.memref_slice %arg16[%mul3A_4, %dma_start3A] : memref<10000x128xf32, #tpu.memory_space<vmem_shared>> -> memref<640x128xf32, #tpu.memory_space<vmem_shared>>
      tpu.enqueue_dma source(%arg6 : memref<640x128xf32, #tpu.memory_space<hbm>>) target(%dma_start3A_19 : memref<640x128xf32, #tpu.memory_space<vmem_shared>>) target_semaphore(%run_scoped3A : memref<!tpu.dma_semaphore, #tpu.memory_space<semaphore_mem>>)
      %dma_wait3A = arith.constant 0 : i32
      %dma_wait3A_20 = tpu.memref_slice %arg16[%mul3A_4, %dma_wait3A] : memref<10000x128xf32, #tpu.memory_space<vmem_shared>> -> memref<640x128xf32, #tpu.memory_space<vmem_shared>>
      tpu.wait_dma2 semaphore(%run_scoped3A : memref<!tpu.dma_semaphore, #tpu.memory_space<semaphore_mem>>) src(%arg6 : memref<640x128xf32, #tpu.memory_space<hbm>>) dst(%dma_wait3A_20 : memref<640x128xf32, #tpu.memory_space<vmem_shared>>)
      tpu.yield
    }) : () -> ()
    %barrier3A = arith.constant 0 : index
    tpu.barrier barrier_id(%barrier3A)
    %scan3A = arith.constant 0 : i32
    %scan3A_5 = arith.constant 0 : i32
    %scan3A_6 = arith.constant 20 : i32
    %scan3A_7 = arith.addi %scan3A_5, %scan3A_6 : i32
    %scan3A_8 = arith.constant 1 : i32
    %scan3A_9 = scf.for %scan3A_19 = %scan3A_5 to %scan3A_7 step %scan3A_8 iter_args(%scan3A_20 = %scan3A) -> (i32)  : i32 {
      %mul3A_21 = arith.constant 2 : i32
      %mul3A_22 = arith.muli %mul3A_21, %scan3A_19 : i32
      %mul3A_23 = arith.constant 128 : i32
      %mul3A_24 = arith.muli %mul3A_22, %mul3A_23 : i32
      %add3A_25 = arith.addi %mul3A_2, %mul3A_24 : i32
      %add3A_26 = arith.constant 128 : i32
      %add3A_27 = arith.addi %add3A_25, %add3A_26 : i32
      "tpu.region"() ({
        %run_scoped3A = tpu.sem_alloc : memref<!tpu.dma_semaphore, #tpu.memory_space<semaphore_mem>>
        %dma_start3A_53 = tpu.memref_slice %arg3[%add3A_25] : memref<163840xi32, #tpu.memory_space<hbm>> -> memref<128xi32, #tpu.memory_space<hbm>>
        %dma_start3A_54 = tpu.memref_slice %arg3[%add3A_25] : memref<163840xi32, #tpu.memory_space<hbm>> -> memref<128xi32, #tpu.memory_space<hbm>>
        tpu.enqueue_dma source(%dma_start3A_54 : memref<128xi32, #tpu.memory_space<hbm>>) target(%arg8 : memref<128xi32, #tpu.memory_space<vmem>>) target_semaphore(%run_scoped3A : memref<!tpu.dma_semaphore, #tpu.memory_space<semaphore_mem>>)
        %dma_wait3A_55 = tpu.memref_slice %arg3[%add3A_25] : memref<163840xi32, #tpu.memory_space<hbm>> -> memref<128xi32, #tpu.memory_space<hbm>>
        %dma_wait3A_56 = tpu.memref_slice %arg3[%add3A_25] : memref<163840xi32, #tpu.memory_space<hbm>> -> memref<128xi32, #tpu.memory_space<hbm>>
        tpu.wait_dma2 semaphore(%run_scoped3A : memref<!tpu.dma_semaphore, #tpu.memory_space<semaphore_mem>>) src(%dma_wait3A_56 : memref<128xi32, #tpu.memory_space<hbm>>) dst(%arg8 : memref<128xi32, #tpu.memory_space<vmem>>)
        tpu.yield
      }) : () -> ()
      "tpu.region"() ({
        %run_scoped3A = tpu.sem_alloc : memref<!tpu.dma_semaphore, #tpu.memory_space<semaphore_mem>>
        %dma_start3A_53 = tpu.memref_slice %arg4[%add3A_25] : memref<163840xi32, #tpu.memory_space<hbm>> -> memref<128xi32, #tpu.memory_space<hbm>>
        %dma_start3A_54 = tpu.memref_slice %arg4[%add3A_25] : memref<163840xi32, #tpu.memory_space<hbm>> -> memref<128xi32, #tpu.memory_space<hbm>>
        tpu.enqueue_dma source(%dma_start3A_54 : memref<128xi32, #tpu.memory_space<hbm>>) target(%arg9 : memref<128xi32, #tpu.memory_space<vmem>>) target_semaphore(%run_scoped3A : memref<!tpu.dma_semaphore, #tpu.memory_space<semaphore_mem>>)
        %dma_wait3A_55 = tpu.memref_slice %arg4[%add3A_25] : memref<163840xi32, #tpu.memory_space<hbm>> -> memref<128xi32, #tpu.memory_space<hbm>>
        %dma_wait3A_56 = tpu.memref_slice %arg4[%add3A_25] : memref<163840xi32, #tpu.memory_space<hbm>> -> memref<128xi32, #tpu.memory_space<hbm>>
        tpu.wait_dma2 semaphore(%run_scoped3A : memref<!tpu.dma_semaphore, #tpu.memory_space<semaphore_mem>>) src(%dma_wait3A_56 : memref<128xi32, #tpu.memory_space<hbm>>) dst(%arg9 : memref<128xi32, #tpu.memory_space<vmem>>)
        tpu.yield
      }) : () -> ()
      "tpu.region"() ({
        %run_scoped3A = tpu.sem_alloc : memref<!tpu.dma_semaphore, #tpu.memory_space<semaphore_mem>>
        %dma_start3A_53 = tpu.memref_slice %arg5[%add3A_25] : memref<163840xf32, #tpu.memory_space<hbm>> -> memref<128xf32, #tpu.memory_space<hbm>>
        %dma_start3A_54 = tpu.memref_slice %arg5[%add3A_25] : memref<163840xf32, #tpu.memory_space<hbm>> -> memref<128xf32, #tpu.memory_space<hbm>>
        tpu.enqueue_dma source(%dma_start3A_54 : memref<128xf32, #tpu.memory_space<hbm>>) target(%arg10 : memref<128xf32, #tpu.memory_space<vmem>>) target_semaphore(%run_scoped3A : memref<!tpu.dma_semaphore, #tpu.memory_space<semaphore_mem>>)
        %dma_wait3A_55 = tpu.memref_slice %arg5[%add3A_25] : memref<163840xf32, #tpu.memory_space<hbm>> -> memref<128xf32, #tpu.memory_space<hbm>>
        %dma_wait3A_56 = tpu.memref_slice %arg5[%add3A_25] : memref<163840xf32, #tpu.memory_space<hbm>> -> memref<128xf32, #tpu.memory_space<hbm>>
        tpu.wait_dma2 semaphore(%run_scoped3A : memref<!tpu.dma_semaphore, #tpu.memory_space<semaphore_mem>>) src(%dma_wait3A_56 : memref<128xf32, #tpu.memory_space<hbm>>) dst(%arg10 : memref<128xf32, #tpu.memory_space<vmem>>)
        tpu.yield
      }) : () -> ()
      %dma_start3A = arith.constant 0 : i32
      %dma_start3A_28 = arith.constant 0 : i32
      %dma_start3A_29 = tpu.memref_slice %arg2[%dma_start3A, %dma_start3A_28] : memref<80000x128xf32, #tpu.memory_space<hbm>> -> memref<80000x128xf32, #tpu.memory_space<hbm>>
      tpu.enqueue_indirect_dma source(%dma_start3A_29 : memref<80000x128xf32, #tpu.memory_space<hbm>>) target(%arg14 : memref<128x128xf32, #tpu.memory_space<vmem>>) offsets(%arg8 : memref<128xi32, #tpu.memory_space<vmem>>) semaphore(%arg17 : memref<!tpu.dma_semaphore, #tpu.memory_space<semaphore_mem>>)
      "tpu.region"() ({
        %run_scoped3A = tpu.sem_alloc : memref<!tpu.dma_semaphore, #tpu.memory_space<semaphore_mem>>
        %dma_start3A_53 = tpu.memref_slice %arg3[%add3A_27] : memref<163840xi32, #tpu.memory_space<hbm>> -> memref<128xi32, #tpu.memory_space<hbm>>
        %dma_start3A_54 = tpu.memref_slice %arg3[%add3A_27] : memref<163840xi32, #tpu.memory_space<hbm>> -> memref<128xi32, #tpu.memory_space<hbm>>
        tpu.enqueue_dma source(%dma_start3A_54 : memref<128xi32, #tpu.memory_space<hbm>>) target(%arg11 : memref<128xi32, #tpu.memory_space<vmem>>) target_semaphore(%run_scoped3A : memref<!tpu.dma_semaphore, #tpu.memory_space<semaphore_mem>>)
        %dma_wait3A_55 = tpu.memref_slice %arg3[%add3A_27] : memref<163840xi32, #tpu.memory_space<hbm>> -> memref<128xi32, #tpu.memory_space<hbm>>
        %dma_wait3A_56 = tpu.memref_slice %arg3[%add3A_27] : memref<163840xi32, #tpu.memory_space<hbm>> -> memref<128xi32, #tpu.memory_space<hbm>>
        tpu.wait_dma2 semaphore(%run_scoped3A : memref<!tpu.dma_semaphore, #tpu.memory_space<semaphore_mem>>) src(%dma_wait3A_56 : memref<128xi32, #tpu.memory_space<hbm>>) dst(%arg11 : memref<128xi32, #tpu.memory_space<vmem>>)
        tpu.yield
      }) : () -> ()
      "tpu.region"() ({
        %run_scoped3A = tpu.sem_alloc : memref<!tpu.dma_semaphore, #tpu.memory_space<semaphore_mem>>
        %dma_start3A_53 = tpu.memref_slice %arg4[%add3A_27] : memref<163840xi32, #tpu.memory_space<hbm>> -> memref<128xi32, #tpu.memory_space<hbm>>
        %dma_start3A_54 = tpu.memref_slice %arg4[%add3A_27] : memref<163840xi32, #tpu.memory_space<hbm>> -> memref<128xi32, #tpu.memory_space<hbm>>
        tpu.enqueue_dma source(%dma_start3A_54 : memref<128xi32, #tpu.memory_space<hbm>>) target(%arg12 : memref<128xi32, #tpu.memory_space<vmem>>) target_semaphore(%run_scoped3A : memref<!tpu.dma_semaphore, #tpu.memory_space<semaphore_mem>>)
        %dma_wait3A_55 = tpu.memref_slice %arg4[%add3A_27] : memref<163840xi32, #tpu.memory_space<hbm>> -> memref<128xi32, #tpu.memory_space<hbm>>
        %dma_wait3A_56 = tpu.memref_slice %arg4[%add3A_27] : memref<163840xi32, #tpu.memory_space<hbm>> -> memref<128xi32, #tpu.memory_space<hbm>>
        tpu.wait_dma2 semaphore(%run_scoped3A : memref<!tpu.dma_semaphore, #tpu.memory_space<semaphore_mem>>) src(%dma_wait3A_56 : memref<128xi32, #tpu.memory_space<hbm>>) dst(%arg12 : memref<128xi32, #tpu.memory_space<vmem>>)
        tpu.yield
      }) : () -> ()
      "tpu.region"() ({
        %run_scoped3A = tpu.sem_alloc : memref<!tpu.dma_semaphore, #tpu.memory_space<semaphore_mem>>
        %dma_start3A_53 = tpu.memref_slice %arg5[%add3A_27] : memref<163840xf32, #tpu.memory_space<hbm>> -> memref<128xf32, #tpu.memory_space<hbm>>
        %dma_start3A_54 = tpu.memref_slice %arg5[%add3A_27] : memref<163840xf32, #tpu.memory_space<hbm>> -> memref<128xf32, #tpu.memory_space<hbm>>
        tpu.enqueue_dma source(%dma_start3A_54 : memref<128xf32, #tpu.memory_space<hbm>>) target(%arg13 : memref<128xf32, #tpu.memory_space<vmem>>) target_semaphore(%run_scoped3A : memref<!tpu.dma_semaphore, #tpu.memory_space<semaphore_mem>>)
        %dma_wait3A_55 = tpu.memref_slice %arg5[%add3A_27] : memref<163840xf32, #tpu.memory_space<hbm>> -> memref<128xf32, #tpu.memory_space<hbm>>
        %dma_wait3A_56 = tpu.memref_slice %arg5[%add3A_27] : memref<163840xf32, #tpu.memory_space<hbm>> -> memref<128xf32, #tpu.memory_space<hbm>>
        tpu.wait_dma2 semaphore(%run_scoped3A : memref<!tpu.dma_semaphore, #tpu.memory_space<semaphore_mem>>) src(%dma_wait3A_56 : memref<128xf32, #tpu.memory_space<hbm>>) dst(%arg13 : memref<128xf32, #tpu.memory_space<vmem>>)
        tpu.yield
      }) : () -> ()
      %dma_start3A_30 = arith.constant 0 : i32
      %dma_start3A_31 = arith.constant 0 : i32
      %dma_start3A_32 = tpu.memref_slice %arg2[%dma_start3A_30, %dma_start3A_31] : memref<80000x128xf32, #tpu.memory_space<hbm>> -> memref<80000x128xf32, #tpu.memory_space<hbm>>
      tpu.enqueue_indirect_dma source(%dma_start3A_32 : memref<80000x128xf32, #tpu.memory_space<hbm>>) target(%arg15 : memref<128x128xf32, #tpu.memory_space<vmem>>) offsets(%arg11 : memref<128xi32, #tpu.memory_space<vmem>>) semaphore(%arg18 : memref<!tpu.dma_semaphore, #tpu.memory_space<semaphore_mem>>)
      %dma_wait3A = arith.constant 0 : i32
      %dma_wait3A_33 = arith.constant 0 : i32
      %dma_wait3A_34 = tpu.memref_slice %arg2[%dma_wait3A, %dma_wait3A_33] : memref<80000x128xf32, #tpu.memory_space<hbm>> -> memref<80000x128xf32, #tpu.memory_space<hbm>>
      tpu.wait_indirect_dma semaphore(%arg17 : memref<!tpu.dma_semaphore, #tpu.memory_space<semaphore_mem>>) src(%dma_wait3A_34 : memref<80000x128xf32, #tpu.memory_space<hbm>>) dst(%arg14 : memref<128x128xf32, #tpu.memory_space<vmem>>)
      %scan3A_35 = arith.constant 0 : i32
      %scan3A_36 = arith.constant 0 : i32
      %scan3A_37 = arith.constant 8 : i32
      %scan3A_38 = arith.addi %scan3A_36, %scan3A_37 : i32
      %scan3A_39 = arith.constant 1 : i32
      %scan3A_40 = scf.for %scan3A_53 = %scan3A_36 to %scan3A_38 step %scan3A_39 iter_args(%scan3A_54 = %scan3A_35) -> (i32)  : i32 {
        %mul3A_55 = arith.constant 16 : i32
        %mul3A_56 = arith.muli %scan3A_53, %mul3A_55 : i32
        %get3A = arith.index_cast %mul3A_56 : i32 to index
        %get3A_57 = tpu.vector_load %arg10[%get3A] {strides = array<i32>} : memref<128xf32, #tpu.memory_space<vmem>>, vector<16xf32>,
        %get3A_58 = vector.shape_cast %get3A_57 : vector<16xf32> to vector<16xf32>
        %scan3A_59 = arith.constant 0 : i32
        %scan3A_60 = arith.constant 0 : i32
        %scan3A_61 = arith.constant 16 : i32
        %scan3A_62 = arith.addi %scan3A_60, %scan3A_61 : i32
        %scan3A_63 = arith.constant 1 : i32
        %scan3A_64 = scf.for %scan3A_67 = %scan3A_60 to %scan3A_62 step %scan3A_63 iter_args(%scan3A_68 = %scan3A_59) -> (i32)  : i32 {
          %mul3A_69 = arith.constant 16 : i32
          %mul3A_70 = arith.muli %scan3A_53, %mul3A_69 : i32
          %add3A_71 = arith.addi %mul3A_70, %scan3A_67 : i32
          %broadcast_in_dim3A = vector.broadcast %scan3A_67 : i32 to vector<16xi32>
          %broadcast_in_dim3A_72 = vector.shape_cast %broadcast_in_dim3A : vector<16xi32> to vector<16x1xi32>
          %gather3A = vector.shape_cast %broadcast_in_dim3A_72 : vector<16x1xi32> to vector<16xi32>
          %gather3A_73 = tpu.dynamic_gather %get3A_58[%gather3A] in [0] : vector<16xf32>, vector<16xi32> -> vector<16xf32>
          %get3A_74 = arith.index_cast %add3A_71 : i32 to index
          %get3A_75 = arith.constant 0 : index
          %get3A_76 = tpu.vector_load %arg14[%get3A_74, %get3A_75] {strides = array<i32>} : memref<128x128xf32, #tpu.memory_space<vmem>>, vector<1x16xf32>,
          %get3A_77 = vector.shape_cast %get3A_76 : vector<1x16xf32> to vector<16xf32>
          %mul3A_78 = arith.mulf %get3A_77, %gather3A_73 : vector<16xf32>
          %swap3A = arith.index_cast %add3A_71 : i32 to index
          %swap3A_79 = arith.constant 0 : index
          %swap3A_80 = tpu.vector_load %arg14[%swap3A, %swap3A_79] {strides = array<i32>} : memref<128x128xf32, #tpu.memory_space<vmem>>, vector<1x16xf32>,
          %swap3A_81 = vector.shape_cast %swap3A_80 : vector<1x16xf32> to vector<16xf32>
          %swap3A_82 = vector.shape_cast %mul3A_78 : vector<16xf32> to vector<1x16xf32>
          tpu.vector_store %arg14[%swap3A, %swap3A_79], %swap3A_82 {strides = array<i32>} : memref<128x128xf32, #tpu.memory_space<vmem>>, vector<1x16xf32>,
          %get3A_83 = arith.index_cast %add3A_71 : i32 to index
          %get3A_84 = arith.constant 16 : index
          %get3A_85 = tpu.vector_load %arg14[%get3A_83, %get3A_84] {strides = array<i32>} : memref<128x128xf32, #tpu.memory_space<vmem>>, vector<1x16xf32>,
          %get3A_86 = vector.shape_cast %get3A_85 : vector<1x16xf32> to vector<16xf32>
          %mul3A_87 = arith.mulf %get3A_86, %gather3A_73 : vector<16xf32>
          %swap3A_88 = arith.index_cast %add3A_71 : i32 to index
          %swap3A_89 = arith.constant 16 : index
          %swap3A_90 = tpu.vector_load %arg14[%swap3A_88, %swap3A_89] {strides = array<i32>} : memref<128x128xf32, #tpu.memory_space<vmem>>, vector<1x16xf32>,
          %swap3A_91 = vector.shape_cast %swap3A_90 : vector<1x16xf32> to vector<16xf32>
          %swap3A_92 = vector.shape_cast %mul3A_87 : vector<16xf32> to vector<1x16xf32>
          tpu.vector_store %arg14[%swap3A_88, %swap3A_89], %swap3A_92 {strides = array<i32>} : memref<128x128xf32, #tpu.memory_space<vmem>>, vector<1x16xf32>,
          %get3A_93 = arith.index_cast %add3A_71 : i32 to index
          %get3A_94 = arith.constant 32 : index
          %get3A_95 = tpu.vector_load %arg14[%get3A_93, %get3A_94] {strides = array<i32>} : memref<128x128xf32, #tpu.memory_space<vmem>>, vector<1x16xf32>,
          %get3A_96 = vector.shape_cast %get3A_95 : vector<1x16xf32> to vector<16xf32>
          %mul3A_97 = arith.mulf %get3A_96, %gather3A_73 : vector<16xf32>
          %swap3A_98 = arith.index_cast %add3A_71 : i32 to index
          %swap3A_99 = arith.constant 32 : index
          %swap3A_100 = tpu.vector_load %arg14[%swap3A_98, %swap3A_99] {strides = array<i32>} : memref<128x128xf32, #tpu.memory_space<vmem>>, vector<1x16xf32>,
          %swap3A_101 = vector.shape_cast %swap3A_100 : vector<1x16xf32> to vector<16xf32>
          %swap3A_102 = vector.shape_cast %mul3A_97 : vector<16xf32> to vector<1x16xf32>
          tpu.vector_store %arg14[%swap3A_98, %swap3A_99], %swap3A_102 {strides = array<i32>} : memref<128x128xf32, #tpu.memory_space<vmem>>, vector<1x16xf32>,
          %get3A_103 = arith.index_cast %add3A_71 : i32 to index
          %get3A_104 = arith.constant 48 : index
          %get3A_105 = tpu.vector_load %arg14[%get3A_103, %get3A_104] {strides = array<i32>} : memref<128x128xf32, #tpu.memory_space<vmem>>, vector<1x16xf32>,
          %get3A_106 = vector.shape_cast %get3A_105 : vector<1x16xf32> to vector<16xf32>
          %mul3A_107 = arith.mulf %get3A_106, %gather3A_73 : vector<16xf32>
          %swap3A_108 = arith.index_cast %add3A_71 : i32 to index
          %swap3A_109 = arith.constant 48 : index
          %swap3A_110 = tpu.vector_load %arg14[%swap3A_108, %swap3A_109] {strides = array<i32>} : memref<128x128xf32, #tpu.memory_space<vmem>>, vector<1x16xf32>,
          %swap3A_111 = vector.shape_cast %swap3A_110 : vector<1x16xf32> to vector<16xf32>
          %swap3A_112 = vector.shape_cast %mul3A_107 : vector<16xf32> to vector<1x16xf32>
          tpu.vector_store %arg14[%swap3A_108, %swap3A_109], %swap3A_112 {strides = array<i32>} : memref<128x128xf32, #tpu.memory_space<vmem>>, vector<1x16xf32>,
          %get3A_113 = arith.index_cast %add3A_71 : i32 to index
          %get3A_114 = arith.constant 64 : index
          %get3A_115 = tpu.vector_load %arg14[%get3A_113, %get3A_114] {strides = array<i32>} : memref<128x128xf32, #tpu.memory_space<vmem>>, vector<1x16xf32>,
          %get3A_116 = vector.shape_cast %get3A_115 : vector<1x16xf32> to vector<16xf32>
          %mul3A_117 = arith.mulf %get3A_116, %gather3A_73 : vector<16xf32>
          %swap3A_118 = arith.index_cast %add3A_71 : i32 to index
          %swap3A_119 = arith.constant 64 : index
          %swap3A_120 = tpu.vector_load %arg14[%swap3A_118, %swap3A_119] {strides = array<i32>} : memref<128x128xf32, #tpu.memory_space<vmem>>, vector<1x16xf32>,
          %swap3A_121 = vector.shape_cast %swap3A_120 : vector<1x16xf32> to vector<16xf32>
          %swap3A_122 = vector.shape_cast %mul3A_117 : vector<16xf32> to vector<1x16xf32>
          tpu.vector_store %arg14[%swap3A_118, %swap3A_119], %swap3A_122 {strides = array<i32>} : memref<128x128xf32, #tpu.memory_space<vmem>>, vector<1x16xf32>,
          %get3A_123 = arith.index_cast %add3A_71 : i32 to index
          %get3A_124 = arith.constant 80 : index
          %get3A_125 = tpu.vector_load %arg14[%get3A_123, %get3A_124] {strides = array<i32>} : memref<128x128xf32, #tpu.memory_space<vmem>>, vector<1x16xf32>,
          %get3A_126 = vector.shape_cast %get3A_125 : vector<1x16xf32> to vector<16xf32>
          %mul3A_127 = arith.mulf %get3A_126, %gather3A_73 : vector<16xf32>
          %swap3A_128 = arith.index_cast %add3A_71 : i32 to index
          %swap3A_129 = arith.constant 80 : index
          %swap3A_130 = tpu.vector_load %arg14[%swap3A_128, %swap3A_129] {strides = array<i32>} : memref<128x128xf32, #tpu.memory_space<vmem>>, vector<1x16xf32>,
          %swap3A_131 = vector.shape_cast %swap3A_130 : vector<1x16xf32> to vector<16xf32>
          %swap3A_132 = vector.shape_cast %mul3A_127 : vector<16xf32> to vector<1x16xf32>
          tpu.vector_store %arg14[%swap3A_128, %swap3A_129], %swap3A_132 {strides = array<i32>} : memref<128x128xf32, #tpu.memory_space<vmem>>, vector<1x16xf32>,
          %get3A_133 = arith.index_cast %add3A_71 : i32 to index
          %get3A_134 = arith.constant 96 : index
          %get3A_135 = tpu.vector_load %arg14[%get3A_133, %get3A_134] {strides = array<i32>} : memref<128x128xf32, #tpu.memory_space<vmem>>, vector<1x16xf32>,
          %get3A_136 = vector.shape_cast %get3A_135 : vector<1x16xf32> to vector<16xf32>
          %mul3A_137 = arith.mulf %get3A_136, %gather3A_73 : vector<16xf32>
          %swap3A_138 = arith.index_cast %add3A_71 : i32 to index
          %swap3A_139 = arith.constant 96 : index
          %swap3A_140 = tpu.vector_load %arg14[%swap3A_138, %swap3A_139] {strides = array<i32>} : memref<128x128xf32, #tpu.memory_space<vmem>>, vector<1x16xf32>,
          %swap3A_141 = vector.shape_cast %swap3A_140 : vector<1x16xf32> to vector<16xf32>
          %swap3A_142 = vector.shape_cast %mul3A_137 : vector<16xf32> to vector<1x16xf32>
          tpu.vector_store %arg14[%swap3A_138, %swap3A_139], %swap3A_142 {strides = array<i32>} : memref<128x128xf32, #tpu.memory_space<vmem>>, vector<1x16xf32>,
          %get3A_143 = arith.index_cast %add3A_71 : i32 to index
          %get3A_144 = arith.constant 112 : index
          %get3A_145 = tpu.vector_load %arg14[%get3A_143, %get3A_144] {strides = array<i32>} : memref<128x128xf32, #tpu.memory_space<vmem>>, vector<1x16xf32>,
          %get3A_146 = vector.shape_cast %get3A_145 : vector<1x16xf32> to vector<16xf32>
          %mul3A_147 = arith.mulf %get3A_146, %gather3A_73 : vector<16xf32>
          %swap3A_148 = arith.index_cast %add3A_71 : i32 to index
          %swap3A_149 = arith.constant 112 : index
          %swap3A_150 = tpu.vector_load %arg14[%swap3A_148, %swap3A_149] {strides = array<i32>} : memref<128x128xf32, #tpu.memory_space<vmem>>, vector<1x16xf32>,
          %swap3A_151 = vector.shape_cast %swap3A_150 : vector<1x16xf32> to vector<16xf32>
          %swap3A_152 = vector.shape_cast %mul3A_147 : vector<16xf32> to vector<1x16xf32>
          tpu.vector_store %arg14[%swap3A_148, %swap3A_149], %swap3A_152 {strides = array<i32>} : memref<128x128xf32, #tpu.memory_space<vmem>>, vector<1x16xf32>,
          %scan3A_153 = arith.constant 0 : i32
          scf.yield %scan3A_153 : i32
        }
        %scan3A_65 = arith.constant 16 : i32
        %scan3A_66 = arith.constant 0 : i32
        scf.yield %scan3A_66 : i32
      }
      %scan3A_41 = arith.constant 8 : i32
      "tpu.region"() ({
        %run_scoped3A = tpu.sem_alloc : memref<!tpu.dma_semaphore, #tpu.memory_space<semaphore_mem>>
        %dma_start3A_53 = arith.constant 0 : i32
        %dma_start3A_54 = arith.constant 0 : i32
        %dma_start3A_55 = tpu.memref_slice %arg16[%dma_start3A_53, %dma_start3A_54] : memref<10000x128xf32, #tpu.memory_space<vmem_shared>> -> memref<10000x128xf32, #tpu.memory_space<vmem_shared>>
        tpu.enqueue_indirect_dma source(%arg14 : memref<128x128xf32, #tpu.memory_space<vmem>>) target(%dma_start3A_55 : memref<10000x128xf32, #tpu.memory_space<vmem_shared>>) offsets(%arg9 : memref<128xi32, #tpu.memory_space<vmem>>) semaphore(%run_scoped3A : memref<!tpu.dma_semaphore, #tpu.memory_space<semaphore_mem>>) {add = true}
        %dma_wait3A_56 = arith.constant 0 : i32
        %dma_wait3A_57 = arith.constant 0 : i32
        %dma_wait3A_58 = tpu.memref_slice %arg16[%dma_wait3A_56, %dma_wait3A_57] : memref<10000x128xf32, #tpu.memory_space<vmem_shared>> -> memref<10000x128xf32, #tpu.memory_space<vmem_shared>>
        tpu.wait_indirect_dma semaphore(%run_scoped3A : memref<!tpu.dma_semaphore, #tpu.memory_space<semaphore_mem>>) src(%arg14 : memref<128x128xf32, #tpu.memory_space<vmem>>) dst(%dma_wait3A_58 : memref<10000x128xf32, #tpu.memory_space<vmem_shared>>)
        tpu.yield
      }) : () -> ()
      %dma_wait3A_42 = arith.constant 0 : i32
      %dma_wait3A_43 = arith.constant 0 : i32
      %dma_wait3A_44 = tpu.memref_slice %arg2[%dma_wait3A_42, %dma_wait3A_43] : memref<80000x128xf32, #tpu.memory_space<hbm>> -> memref<80000x128xf32, #tpu.memory_space<hbm>>
      tpu.wait_indirect_dma semaphore(%arg18 : memref<!tpu.dma_semaphore, #tpu.memory_space<semaphore_mem>>) src(%dma_wait3A_44 : memref<80000x128xf32, #tpu.memory_space<hbm>>) dst(%arg15 : memref<128x128xf32, #tpu.memory_space<vmem>>)
      %scan3A_45 = arith.constant 0 : i32
      %scan3A_46 = arith.constant 0 : i32
      %scan3A_47 = arith.constant 8 : i32
      %scan3A_48 = arith.addi %scan3A_46, %scan3A_47 : i32
      %scan3A_49 = arith.constant 1 : i32
      %scan3A_50 = scf.for %scan3A_53 = %scan3A_46 to %scan3A_48 step %scan3A_49 iter_args(%scan3A_54 = %scan3A_45) -> (i32)  : i32 {
        %mul3A_55 = arith.constant 16 : i32
        %mul3A_56 = arith.muli %scan3A_53, %mul3A_55 : i32
        %get3A = arith.index_cast %mul3A_56 : i32 to index
        %get3A_57 = tpu.vector_load %arg13[%get3A] {strides = array<i32>} : memref<128xf32, #tpu.memory_space<vmem>>, vector<16xf32>,
        %get3A_58 = vector.shape_cast %get3A_57 : vector<16xf32> to vector<16xf32>
        %scan3A_59 = arith.constant 0 : i32
        %scan3A_60 = arith.constant 0 : i32
        %scan3A_61 = arith.constant 16 : i32
        %scan3A_62 = arith.addi %scan3A_60, %scan3A_61 : i32
        %scan3A_63 = arith.constant 1 : i32
        %scan3A_64 = scf.for %scan3A_67 = %scan3A_60 to %scan3A_62 step %scan3A_63 iter_args(%scan3A_68 = %scan3A_59) -> (i32)  : i32 {
          %mul3A_69 = arith.constant 16 : i32
          %mul3A_70 = arith.muli %scan3A_53, %mul3A_69 : i32
          %add3A_71 = arith.addi %mul3A_70, %scan3A_67 : i32
          %broadcast_in_dim3A = vector.broadcast %scan3A_67 : i32 to vector<16xi32>
          %broadcast_in_dim3A_72 = vector.shape_cast %broadcast_in_dim3A : vector<16xi32> to vector<16x1xi32>
          %gather3A = vector.shape_cast %broadcast_in_dim3A_72 : vector<16x1xi32> to vector<16xi32>
          %gather3A_73 = tpu.dynamic_gather %get3A_58[%gather3A] in [0] : vector<16xf32>, vector<16xi32> -> vector<16xf32>
          %get3A_74 = arith.index_cast %add3A_71 : i32 to index
          %get3A_75 = arith.constant 0 : index
          %get3A_76 = tpu.vector_load %arg15[%get3A_74, %get3A_75] {strides = array<i32>} : memref<128x128xf32, #tpu.memory_space<vmem>>, vector<1x16xf32>,
          %get3A_77 = vector.shape_cast %get3A_76 : vector<1x16xf32> to vector<16xf32>
          %mul3A_78 = arith.mulf %get3A_77, %gather3A_73 : vector<16xf32>
          %swap3A = arith.index_cast %add3A_71 : i32 to index
          %swap3A_79 = arith.constant 0 : index
          %swap3A_80 = tpu.vector_load %arg15[%swap3A, %swap3A_79] {strides = array<i32>} : memref<128x128xf32, #tpu.memory_space<vmem>>, vector<1x16xf32>,
          %swap3A_81 = vector.shape_cast %swap3A_80 : vector<1x16xf32> to vector<16xf32>
          %swap3A_82 = vector.shape_cast %mul3A_78 : vector<16xf32> to vector<1x16xf32>
          tpu.vector_store %arg15[%swap3A, %swap3A_79], %swap3A_82 {strides = array<i32>} : memref<128x128xf32, #tpu.memory_space<vmem>>, vector<1x16xf32>,
          %get3A_83 = arith.index_cast %add3A_71 : i32 to index
          %get3A_84 = arith.constant 16 : index
          %get3A_85 = tpu.vector_load %arg15[%get3A_83, %get3A_84] {strides = array<i32>} : memref<128x128xf32, #tpu.memory_space<vmem>>, vector<1x16xf32>,
          %get3A_86 = vector.shape_cast %get3A_85 : vector<1x16xf32> to vector<16xf32>
          %mul3A_87 = arith.mulf %get3A_86, %gather3A_73 : vector<16xf32>
          %swap3A_88 = arith.index_cast %add3A_71 : i32 to index
          %swap3A_89 = arith.constant 16 : index
          %swap3A_90 = tpu.vector_load %arg15[%swap3A_88, %swap3A_89] {strides = array<i32>} : memref<128x128xf32, #tpu.memory_space<vmem>>, vector<1x16xf32>,
          %swap3A_91 = vector.shape_cast %swap3A_90 : vector<1x16xf32> to vector<16xf32>
          %swap3A_92 = vector.shape_cast %mul3A_87 : vector<16xf32> to vector<1x16xf32>
          tpu.vector_store %arg15[%swap3A_88, %swap3A_89], %swap3A_92 {strides = array<i32>} : memref<128x128xf32, #tpu.memory_space<vmem>>, vector<1x16xf32>,
          %get3A_93 = arith.index_cast %add3A_71 : i32 to index
          %get3A_94 = arith.constant 32 : index
          %get3A_95 = tpu.vector_load %arg15[%get3A_93, %get3A_94] {strides = array<i32>} : memref<128x128xf32, #tpu.memory_space<vmem>>, vector<1x16xf32>,
          %get3A_96 = vector.shape_cast %get3A_95 : vector<1x16xf32> to vector<16xf32>
          %mul3A_97 = arith.mulf %get3A_96, %gather3A_73 : vector<16xf32>
          %swap3A_98 = arith.index_cast %add3A_71 : i32 to index
          %swap3A_99 = arith.constant 32 : index
          %swap3A_100 = tpu.vector_load %arg15[%swap3A_98, %swap3A_99] {strides = array<i32>} : memref<128x128xf32, #tpu.memory_space<vmem>>, vector<1x16xf32>,
          %swap3A_101 = vector.shape_cast %swap3A_100 : vector<1x16xf32> to vector<16xf32>
          %swap3A_102 = vector.shape_cast %mul3A_97 : vector<16xf32> to vector<1x16xf32>
          tpu.vector_store %arg15[%swap3A_98, %swap3A_99], %swap3A_102 {strides = array<i32>} : memref<128x128xf32, #tpu.memory_space<vmem>>, vector<1x16xf32>,
          %get3A_103 = arith.index_cast %add3A_71 : i32 to index
          %get3A_104 = arith.constant 48 : index
          %get3A_105 = tpu.vector_load %arg15[%get3A_103, %get3A_104] {strides = array<i32>} : memref<128x128xf32, #tpu.memory_space<vmem>>, vector<1x16xf32>,
          %get3A_106 = vector.shape_cast %get3A_105 : vector<1x16xf32> to vector<16xf32>
          %mul3A_107 = arith.mulf %get3A_106, %gather3A_73 : vector<16xf32>
          %swap3A_108 = arith.index_cast %add3A_71 : i32 to index
          %swap3A_109 = arith.constant 48 : index
          %swap3A_110 = tpu.vector_load %arg15[%swap3A_108, %swap3A_109] {strides = array<i32>} : memref<128x128xf32, #tpu.memory_space<vmem>>, vector<1x16xf32>,
          %swap3A_111 = vector.shape_cast %swap3A_110 : vector<1x16xf32> to vector<16xf32>
          %swap3A_112 = vector.shape_cast %mul3A_107 : vector<16xf32> to vector<1x16xf32>
          tpu.vector_store %arg15[%swap3A_108, %swap3A_109], %swap3A_112 {strides = array<i32>} : memref<128x128xf32, #tpu.memory_space<vmem>>, vector<1x16xf32>,
          %get3A_113 = arith.index_cast %add3A_71 : i32 to index
          %get3A_114 = arith.constant 64 : index
          %get3A_115 = tpu.vector_load %arg15[%get3A_113, %get3A_114] {strides = array<i32>} : memref<128x128xf32, #tpu.memory_space<vmem>>, vector<1x16xf32>,
          %get3A_116 = vector.shape_cast %get3A_115 : vector<1x16xf32> to vector<16xf32>
          %mul3A_117 = arith.mulf %get3A_116, %gather3A_73 : vector<16xf32>
          %swap3A_118 = arith.index_cast %add3A_71 : i32 to index
          %swap3A_119 = arith.constant 64 : index
          %swap3A_120 = tpu.vector_load %arg15[%swap3A_118, %swap3A_119] {strides = array<i32>} : memref<128x128xf32, #tpu.memory_space<vmem>>, vector<1x16xf32>,
          %swap3A_121 = vector.shape_cast %swap3A_120 : vector<1x16xf32> to vector<16xf32>
          %swap3A_122 = vector.shape_cast %mul3A_117 : vector<16xf32> to vector<1x16xf32>
          tpu.vector_store %arg15[%swap3A_118, %swap3A_119], %swap3A_122 {strides = array<i32>} : memref<128x128xf32, #tpu.memory_space<vmem>>, vector<1x16xf32>,
          %get3A_123 = arith.index_cast %add3A_71 : i32 to index
          %get3A_124 = arith.constant 80 : index
          %get3A_125 = tpu.vector_load %arg15[%get3A_123, %get3A_124] {strides = array<i32>} : memref<128x128xf32, #tpu.memory_space<vmem>>, vector<1x16xf32>,
          %get3A_126 = vector.shape_cast %get3A_125 : vector<1x16xf32> to vector<16xf32>
          %mul3A_127 = arith.mulf %get3A_126, %gather3A_73 : vector<16xf32>
          %swap3A_128 = arith.index_cast %add3A_71 : i32 to index
          %swap3A_129 = arith.constant 80 : index
          %swap3A_130 = tpu.vector_load %arg15[%swap3A_128, %swap3A_129] {strides = array<i32>} : memref<128x128xf32, #tpu.memory_space<vmem>>, vector<1x16xf32>,
          %swap3A_131 = vector.shape_cast %swap3A_130 : vector<1x16xf32> to vector<16xf32>
          %swap3A_132 = vector.shape_cast %mul3A_127 : vector<16xf32> to vector<1x16xf32>
          tpu.vector_store %arg15[%swap3A_128, %swap3A_129], %swap3A_132 {strides = array<i32>} : memref<128x128xf32, #tpu.memory_space<vmem>>, vector<1x16xf32>,
          %get3A_133 = arith.index_cast %add3A_71 : i32 to index
          %get3A_134 = arith.constant 96 : index
          %get3A_135 = tpu.vector_load %arg15[%get3A_133, %get3A_134] {strides = array<i32>} : memref<128x128xf32, #tpu.memory_space<vmem>>, vector<1x16xf32>,
          %get3A_136 = vector.shape_cast %get3A_135 : vector<1x16xf32> to vector<16xf32>
          %mul3A_137 = arith.mulf %get3A_136, %gather3A_73 : vector<16xf32>
          %swap3A_138 = arith.index_cast %add3A_71 : i32 to index
          %swap3A_139 = arith.constant 96 : index
          %swap3A_140 = tpu.vector_load %arg15[%swap3A_138, %swap3A_139] {strides = array<i32>} : memref<128x128xf32, #tpu.memory_space<vmem>>, vector<1x16xf32>,
          %swap3A_141 = vector.shape_cast %swap3A_140 : vector<1x16xf32> to vector<16xf32>
          %swap3A_142 = vector.shape_cast %mul3A_137 : vector<16xf32> to vector<1x16xf32>
          tpu.vector_store %arg15[%swap3A_138, %swap3A_139], %swap3A_142 {strides = array<i32>} : memref<128x128xf32, #tpu.memory_space<vmem>>, vector<1x16xf32>,
          %get3A_143 = arith.index_cast %add3A_71 : i32 to index
          %get3A_144 = arith.constant 112 : index
          %get3A_145 = tpu.vector_load %arg15[%get3A_143, %get3A_144] {strides = array<i32>} : memref<128x128xf32, #tpu.memory_space<vmem>>, vector<1x16xf32>,
          %get3A_146 = vector.shape_cast %get3A_145 : vector<1x16xf32> to vector<16xf32>
          %mul3A_147 = arith.mulf %get3A_146, %gather3A_73 : vector<16xf32>
          %swap3A_148 = arith.index_cast %add3A_71 : i32 to index
          %swap3A_149 = arith.constant 112 : index
          %swap3A_150 = tpu.vector_load %arg15[%swap3A_148, %swap3A_149] {strides = array<i32>} : memref<128x128xf32, #tpu.memory_space<vmem>>, vector<1x16xf32>,
          %swap3A_151 = vector.shape_cast %swap3A_150 : vector<1x16xf32> to vector<16xf32>
          %swap3A_152 = vector.shape_cast %mul3A_147 : vector<16xf32> to vector<1x16xf32>
          tpu.vector_store %arg15[%swap3A_148, %swap3A_149], %swap3A_152 {strides = array<i32>} : memref<128x128xf32, #tpu.memory_space<vmem>>, vector<1x16xf32>,
          %scan3A_153 = arith.constant 0 : i32
          scf.yield %scan3A_153 : i32
        }
        %scan3A_65 = arith.constant 16 : i32
        %scan3A_66 = arith.constant 0 : i32
        scf.yield %scan3A_66 : i32
      }
      %scan3A_51 = arith.constant 8 : i32
      "tpu.region"() ({
        %run_scoped3A = tpu.sem_alloc : memref<!tpu.dma_semaphore, #tpu.memory_space<semaphore_mem>>
        %dma_start3A_53 = arith.constant 0 : i32
        %dma_start3A_54 = arith.constant 0 : i32
        %dma_start3A_55 = tpu.memref_slice %arg16[%dma_start3A_53, %dma_start3A_54] : memref<10000x128xf32, #tpu.memory_space<vmem_shared>> -> memref<10000x128xf32, #tpu.memory_space<vmem_shared>>
        tpu.enqueue_indirect_dma source(%arg15 : memref<128x128xf32, #tpu.memory_space<vmem>>) target(%dma_start3A_55 : memref<10000x128xf32, #tpu.memory_space<vmem_shared>>) offsets(%arg12 : memref<128xi32, #tpu.memory_space<vmem>>) semaphore(%run_scoped3A : memref<!tpu.dma_semaphore, #tpu.memory_space<semaphore_mem>>) {add = true}
        %dma_wait3A_56 = arith.constant 0 : i32
        %dma_wait3A_57 = arith.constant 0 : i32
        %dma_wait3A_58 = tpu.memref_slice %arg16[%dma_wait3A_56, %dma_wait3A_57] : memref<10000x128xf32, #tpu.memory_space<vmem_shared>> -> memref<10000x128xf32, #tpu.memory_space<vmem_shared>>
        tpu.wait_indirect_dma semaphore(%run_scoped3A : memref<!tpu.dma_semaphore, #tpu.memory_space<semaphore_mem>>) src(%arg15 : memref<128x128xf32, #tpu.memory_space<vmem>>) dst(%dma_wait3A_58 : memref<10000x128xf32, #tpu.memory_space<vmem_shared>>)
        tpu.yield
      }) : () -> ()
      %scan3A_52 = arith.constant 0 : i32
      scf.yield %scan3A_52 : i32
    }
    %scan3A_10 = arith.constant 20 : i32
    %barrier3A_11 = arith.constant 0 : index
    tpu.barrier barrier_id(%barrier3A_11)
    %mul3A_12 = arith.constant 624 : i32
    %mul3A_13 = arith.muli %arg1, %mul3A_12 : i32
    %mul3A_14 = arith.constant 10000 : i32
    %mul3A_15 = arith.muli %arg0, %mul3A_14 : i32
    %mul3A_16 = arith.constant 624 : i32
    %mul3A_17 = arith.muli %arg1, %mul3A_16 : i32
    %add3A_18 = arith.addi %mul3A_15, %mul3A_17 : i32
    "tpu.region"() ({
      %run_scoped3A = tpu.sem_alloc : memref<!tpu.dma_semaphore, #tpu.memory_space<semaphore_mem>>
      %dma_start3A = arith.constant 0 : i32
      %dma_start3A_19 = tpu.memref_slice %arg7[%add3A_18, %dma_start3A] : memref<20000x128xf32, #tpu.memory_space<hbm>> -> memref<640x128xf32, #tpu.memory_space<hbm>>
      %dma_start3A_20 = arith.constant 0 : i32
      %dma_start3A_21 = tpu.memref_slice %arg16[%mul3A_13, %dma_start3A_20] : memref<10000x128xf32, #tpu.memory_space<vmem_shared>> -> memref<640x128xf32, #tpu.memory_space<vmem_shared>>
      tpu.enqueue_dma source(%dma_start3A_21 : memref<640x128xf32, #tpu.memory_space<vmem_shared>>) target(%dma_start3A_19 : memref<640x128xf32, #tpu.memory_space<hbm>>) target_semaphore(%run_scoped3A : memref<!tpu.dma_semaphore, #tpu.memory_space<semaphore_mem>>)
      %dma_wait3A = arith.constant 0 : i32
      %dma_wait3A_22 = tpu.memref_slice %arg7[%add3A_18, %dma_wait3A] : memref<20000x128xf32, #tpu.memory_space<hbm>> -> memref<640x128xf32, #tpu.memory_space<hbm>>
      %dma_wait3A_23 = arith.constant 0 : i32
      %dma_wait3A_24 = tpu.memref_slice %arg16[%mul3A_13, %dma_wait3A_23] : memref<10000x128xf32, #tpu.memory_space<vmem_shared>> -> memref<640x128xf32, #tpu.memory_space<vmem_shared>>
      tpu.wait_dma2 semaphore(%run_scoped3A : memref<!tpu.dma_semaphore, #tpu.memory_space<semaphore_mem>>) src(%dma_wait3A_24 : memref<640x128xf32, #tpu.memory_space<vmem_shared>>) dst(%dma_wait3A_22 : memref<640x128xf32, #tpu.memory_space<hbm>>)
      tpu.yield
    }) : () -> ()
    return
  }
}

module attributes {stable_mosaic.version = 14 : i64} {
  func.func @_mm_body(%arg0: i32, %arg1: i32, %arg2: memref<400x128xf32, #tpu.memory_space<vmem>>, %arg3: memref<1x128x128xf32, #tpu.memory_space<vmem>>, %arg4: memref<1x1x128xf32, #tpu.memory_space<vmem>>, %arg5: memref<1x400x128xf32, #tpu.memory_space<vmem>>) attributes {dimension_semantics = [#tpu.dimension_semantics<arbitrary>, #tpu.dimension_semantics<arbitrary>], iteration_bounds = array<i64: 25, 8>, scalar_prefetch = 0 : i64, scratch_operands = 0 : i64, tpu.core_type = #tpu.core_type<tc>, window_params = [{transform_indices = @transform_0, window_bounds = array<i64: 400, 128>}, {transform_indices = @transform_1, window_bounds = array<i64: 1, 128, 128>}, {transform_indices = @transform_2, window_bounds = array<i64: 1, 1, 128>}, {transform_indices = @transform_3, window_bounds = array<i64: 1, 400, 128>}]} {
    %get3A = arith.constant 0 : index
    %get3A_0 = arith.constant 0 : index
    %get3A_1 = vector.load %arg2[%get3A, %get3A_0] : memref<400x128xf32, #tpu.memory_space<vmem>>, vector<400x128xf32>
    %convert_element_type3A = arith.truncf %get3A_1 : vector<400x128xf32> to vector<400x128xbf16>
    %get3A_2 = arith.constant 0 : index
    %get3A_3 = arith.constant 0 : index
    %get3A_4 = arith.constant 0 : index
    %get3A_5 = vector.load %arg3[%get3A_2, %get3A_3, %get3A_4] : memref<1x128x128xf32, #tpu.memory_space<vmem>>, vector<1x128x128xf32>
    %get3A_6 = vector.shape_cast %get3A_5 : vector<1x128x128xf32> to vector<128x128xf32>
    %convert_element_type3A_7 = arith.truncf %get3A_6 : vector<128x128xf32> to vector<128x128xbf16>
    %dot_general3A = arith.constant dense<0.000000e+00> : vector<400x128xf32>
    %dot_general3A_8 = tpu.matmul %convert_element_type3A, %convert_element_type3A_7, %dot_general3A {dimension_numbers = #tpu.dot_dimension_numbers<[1], [0], [0], [1], [0, 0, 1, 1], [], []>, transpose_lhs_hint = false} : vector<400x128xbf16>, vector<128x128xbf16>, vector<400x128xf32> -> vector<400x128xf32>
    %get3A_9 = arith.constant 0 : index
    %get3A_10 = arith.constant 0 : index
    %get3A_11 = arith.constant 0 : index
    %get3A_12 = vector.load %arg4[%get3A_9, %get3A_10, %get3A_11] : memref<1x1x128xf32, #tpu.memory_space<vmem>>, vector<1x1x128xf32>
    %get3A_13 = vector.shape_cast %get3A_12 : vector<1x1x128xf32> to vector<1x128xf32>
    %add3A = vector.broadcast %get3A_13 : vector<1x128xf32> to vector<400x128xf32>
    %add3A_14 = arith.addf %dot_general3A_8, %add3A : vector<400x128xf32>
    %swap3A = arith.constant 0 : index
    %swap3A_15 = arith.constant 0 : index
    %swap3A_16 = arith.constant 0 : index
    %swap3A_17 = vector.load %arg5[%swap3A, %swap3A_15, %swap3A_16] : memref<1x400x128xf32, #tpu.memory_space<vmem>>, vector<1x400x128xf32>
    %swap3A_18 = vector.shape_cast %swap3A_17 : vector<1x400x128xf32> to vector<400x128xf32>
    %swap3A_19 = vector.shape_cast %add3A_14 : vector<400x128xf32> to vector<1x400x128xf32>
    tpu.vector_store %arg5[%swap3A, %swap3A_15, %swap3A_16], %swap3A_19 {strides = array<i32>} : memref<1x400x128xf32, #tpu.memory_space<vmem>>, vector<1x400x128xf32>,
    return
  }
  func.func @transform_0(%arg0: i32, %arg1: i32) -> (i32, i32) {
    %c0_i32 = arith.constant 0 : i32
    %c0_i32_0 = arith.constant 0 : i32
    return %arg0, %c0_i32 : i32, i32
  }
  func.func @transform_1(%arg0: i32, %arg1: i32) -> (i32, i32, i32) {
    %c0_i32 = arith.constant 0 : i32
    %c0_i32_0 = arith.constant 0 : i32
    %c0_i32_1 = arith.constant 0 : i32
    return %arg1, %c0_i32, %c0_i32_0 : i32, i32, i32
  }
  func.func @transform_2(%arg0: i32, %arg1: i32) -> (i32, i32, i32) {
    %c0_i32 = arith.constant 0 : i32
    %c0_i32_0 = arith.constant 0 : i32
    %c0_i32_1 = arith.constant 0 : i32
    return %arg1, %c0_i32, %c0_i32_0 : i32, i32, i32
  }
  func.func @transform_3(%arg0: i32, %arg1: i32) -> (i32, i32, i32) {
    %c0_i32 = arith.constant 0 : i32
    %c0_i32_0 = arith.constant 0 : i32
    return %arg1, %arg0, %c0_i32 : i32, i32, i32
  }
}

module attributes {stable_mosaic.version = 14 : i64} {
  func.func @_smallmm_body(%arg0: i32, %arg1: memref<2x128xf32, #tpu.memory_space<vmem>>, %arg2: memref<1x128x128xf32, #tpu.memory_space<vmem>>, %arg3: memref<1x2x128xf32, #tpu.memory_space<vmem>>) attributes {dimension_semantics = [#tpu.dimension_semantics<arbitrary>], iteration_bounds = array<i64: 9>, scalar_prefetch = 0 : i64, scratch_operands = 0 : i64, tpu.core_type = #tpu.core_type<tc>, window_params = [{pipeline_mode = #tpu.pipeline_mode<synchronous>, transform_indices = @transform_0, window_bounds = array<i64: 2, 128>}, {transform_indices = @transform_1, window_bounds = array<i64: 1, 128, 128>}, {transform_indices = @transform_2, window_bounds = array<i64: 1, 2, 128>}]} {
    %get3A = arith.constant 0 : index
    %get3A_0 = arith.constant 0 : index
    %get3A_1 = vector.load %arg1[%get3A, %get3A_0] : memref<2x128xf32, #tpu.memory_space<vmem>>, vector<2x128xf32>
    %convert_element_type3A = arith.truncf %get3A_1 : vector<2x128xf32> to vector<2x128xbf16>
    %get3A_2 = arith.constant 0 : index
    %get3A_3 = arith.constant 0 : index
    %get3A_4 = arith.constant 0 : index
    %get3A_5 = vector.load %arg2[%get3A_2, %get3A_3, %get3A_4] : memref<1x128x128xf32, #tpu.memory_space<vmem>>, vector<1x128x128xf32>
    %get3A_6 = vector.shape_cast %get3A_5 : vector<1x128x128xf32> to vector<128x128xf32>
    %convert_element_type3A_7 = arith.truncf %get3A_6 : vector<128x128xf32> to vector<128x128xbf16>
    %dot_general3A = arith.constant dense<0.000000e+00> : vector<2x128xf32>
    %dot_general3A_8 = tpu.matmul %convert_element_type3A, %convert_element_type3A_7, %dot_general3A {dimension_numbers = #tpu.dot_dimension_numbers<[1], [0], [0], [1], [0, 0, 1, 1], [], []>, transpose_lhs_hint = false} : vector<2x128xbf16>, vector<128x128xbf16>, vector<2x128xf32> -> vector<2x128xf32>
    %swap3A = arith.constant 0 : index
    %swap3A_9 = arith.constant 0 : index
    %swap3A_10 = arith.constant 0 : index
    %swap3A_11 = vector.load %arg3[%swap3A, %swap3A_9, %swap3A_10] : memref<1x2x128xf32, #tpu.memory_space<vmem>>, vector<1x2x128xf32>
    %swap3A_12 = vector.shape_cast %swap3A_11 : vector<1x2x128xf32> to vector<2x128xf32>
    %swap3A_13 = vector.shape_cast %dot_general3A_8 : vector<2x128xf32> to vector<1x2x128xf32>
    tpu.vector_store %arg3[%swap3A, %swap3A_9, %swap3A_10], %swap3A_13 {strides = array<i32>} : memref<1x2x128xf32, #tpu.memory_space<vmem>>, vector<1x2x128xf32>,
    return
  }
  func.func @transform_0(%arg0: i32) -> (i32, i32) {
    %c0_i32 = arith.constant 0 : i32
    %c0_i32_0 = arith.constant 0 : i32
    %c0_i32_1 = arith.constant 0 : i32
    return %c0_i32, %c0_i32_0 : i32, i32
  }
  func.func @transform_1(%arg0: i32) -> (i32, i32, i32) {
    %c0_i32 = arith.constant 0 : i32
    %c0_i32_0 = arith.constant 0 : i32
    %c0_i32_1 = arith.constant 0 : i32
    return %arg0, %c0_i32, %c0_i32_0 : i32, i32, i32
  }
  func.func @transform_2(%arg0: i32) -> (i32, i32, i32) {
    %c0_i32 = arith.constant 0 : i32
    %c0_i32_0 = arith.constant 0 : i32
    %c0_i32_1 = arith.constant 0 : i32
    return %arg0, %c0_i32, %c0_i32_0 : i32, i32, i32
  }
}

module attributes {stable_mosaic.version = 14 : i64} {
  func.func @_coup_body(%arg0: i32, %arg1: memref<128x128xf32, #tpu.memory_space<vmem>>, %arg2: memref<128x128xf32, #tpu.memory_space<vmem>>, %arg3: memref<128x128xi32, #tpu.memory_space<vmem>>, %arg4: memref<128x128xi32, #tpu.memory_space<vmem>>, %arg5: memref<128x128xi32, #tpu.memory_space<vmem>>, %arg6: memref<128x128xf32, #tpu.memory_space<vmem>>, %arg7: memref<128x128xi32, #tpu.memory_space<vmem>>, %arg8: memref<2x18xf32, #tpu.memory_space<vmem>>, %arg9: memref<2x8xf32, #tpu.memory_space<vmem>>) attributes {dimension_semantics = [#tpu.dimension_semantics<arbitrary>], iteration_bounds = array<i64: 10>, scalar_prefetch = 0 : i64, scratch_operands = 0 : i64, tpu.core_type = #tpu.core_type<tc>, window_params = [{transform_indices = @transform_0, window_bounds = array<i64: 128, 128>}, {transform_indices = @transform_1, window_bounds = array<i64: 128, 128>}, {transform_indices = @transform_2, window_bounds = array<i64: 128, 128>}, {transform_indices = @transform_3, window_bounds = array<i64: 128, 128>}, {transform_indices = @transform_4, window_bounds = array<i64: 128, 128>}, {transform_indices = @transform_5, window_bounds = array<i64: 128, 128>}, {transform_indices = @transform_6, window_bounds = array<i64: 128, 128>}, {pipeline_mode = #tpu.pipeline_mode<synchronous>, transform_indices = @transform_7, window_bounds = array<i64: 2, 18>}, {pipeline_mode = #tpu.pipeline_mode<synchronous>, transform_indices = @transform_8, window_bounds = array<i64: 2, 8>}]} {
    %get3A = arith.constant 0 : index
    %get3A_0 = arith.constant 0 : index
    %get3A_1 = vector.load %arg1[%get3A, %get3A_0] : memref<128x128xf32, #tpu.memory_space<vmem>>, vector<128x128xf32>
    %sqrt3A = math.sqrt %get3A_1 : vector<128x128xf32>
    %get3A_2 = arith.constant 0 : index
    %get3A_3 = arith.constant 0 : index
    %get3A_4 = vector.load %arg2[%get3A_2, %get3A_3] : memref<128x128xf32, #tpu.memory_space<vmem>>, vector<128x128xf32>
    %add3A = arith.constant 9.99999993E-9 : f32
    %add3A_5 = vector.broadcast %add3A : f32 to vector<128x128xf32>
    %add3A_6 = arith.addf %sqrt3A, %add3A_5 : vector<128x128xf32>
    %div3A = arith.divf %get3A_4, %add3A_6 : vector<128x128xf32>
    %jit3A = arith.constant -1.000000e+00 : f32
    %jit3A_7 = arith.constant 1.000000e+00 : f32
    %max3A = vector.broadcast %jit3A : f32 to vector<128x128xf32>
    %max3A_8 = arith.maximumf %max3A, %div3A : vector<128x128xf32>
    %min3A = vector.broadcast %jit3A_7 : f32 to vector<128x128xf32>
    %min3A_9 = arith.minimumf %min3A, %max3A_8 : vector<128x128xf32>
    %abs3A = math.absf %min3A_9 : vector<128x128xf32>
    %mul3A = arith.constant -0.0012624911 : f32
    %mul3A_10 = vector.broadcast %mul3A : f32 to vector<128x128xf32>
    %mul3A_11 = arith.mulf %mul3A_10, %abs3A : vector<128x128xf32>
    %add3A_12 = arith.constant 6.670090e-03 : f32
    %add3A_13 = vector.broadcast %add3A_12 : f32 to vector<128x128xf32>
    %add3A_14 = arith.addf %mul3A_11, %add3A_13 : vector<128x128xf32>
    %mul3A_15 = arith.mulf %add3A_14, %abs3A : vector<128x128xf32>
    %add3A_16 = arith.constant -0.0170881264 : f32
    %add3A_17 = vector.broadcast %add3A_16 : f32 to vector<128x128xf32>
    %add3A_18 = arith.addf %mul3A_15, %add3A_17 : vector<128x128xf32>
    %mul3A_19 = arith.mulf %add3A_18, %abs3A : vector<128x128xf32>
    %add3A_20 = arith.constant 0.0308918804 : f32
    %add3A_21 = vector.broadcast %add3A_20 : f32 to vector<128x128xf32>
    %add3A_22 = arith.addf %mul3A_19, %add3A_21 : vector<128x128xf32>
    %mul3A_23 = arith.mulf %add3A_22, %abs3A : vector<128x128xf32>
    %add3A_24 = arith.constant -0.0501743034 : f32
    %add3A_25 = vector.broadcast %add3A_24 : f32 to vector<128x128xf32>
    %add3A_26 = arith.addf %mul3A_23, %add3A_25 : vector<128x128xf32>
    %mul3A_27 = arith.mulf %add3A_26, %abs3A : vector<128x128xf32>
    %add3A_28 = arith.constant 0.0889789909 : f32
    %add3A_29 = vector.broadcast %add3A_28 : f32 to vector<128x128xf32>
    %add3A_30 = arith.addf %mul3A_27, %add3A_29 : vector<128x128xf32>
    %mul3A_31 = arith.mulf %add3A_30, %abs3A : vector<128x128xf32>
    %add3A_32 = arith.constant -0.214598805 : f32
    %add3A_33 = vector.broadcast %add3A_32 : f32 to vector<128x128xf32>
    %add3A_34 = arith.addf %mul3A_31, %add3A_33 : vector<128x128xf32>
    %mul3A_35 = arith.mulf %add3A_34, %abs3A : vector<128x128xf32>
    %add3A_36 = arith.constant 1.57079625 : f32
    %add3A_37 = vector.broadcast %add3A_36 : f32 to vector<128x128xf32>
    %add3A_38 = arith.addf %mul3A_35, %add3A_37 : vector<128x128xf32>
    %sub3A = arith.constant 1.000000e+00 : f32
    %sub3A_39 = vector.broadcast %sub3A : f32 to vector<128x128xf32>
    %sub3A_40 = arith.subf %sub3A_39, %abs3A : vector<128x128xf32>
    %max3A_41 = arith.constant 0.000000e+00 : f32
    %max3A_42 = vector.broadcast %max3A_41 : f32 to vector<128x128xf32>
    %max3A_43 = arith.maximumf %sub3A_40, %max3A_42 : vector<128x128xf32>
    %sqrt3A_44 = math.sqrt %max3A_43 : vector<128x128xf32>
    %mul3A_45 = arith.mulf %sqrt3A_44, %add3A_38 : vector<128x128xf32>
    %lt3A = arith.constant 0.000000e+00 : f32
    %lt3A_46 = vector.broadcast %lt3A : f32 to vector<128x128xf32>
    %lt3A_47 = arith.cmpf olt, %min3A_9, %lt3A_46 : vector<128x128xf32>
    %sub3A_48 = arith.constant 3.14159274 : f32
    %sub3A_49 = vector.broadcast %sub3A_48 : f32 to vector<128x128xf32>
    %sub3A_50 = arith.subf %sub3A_49, %mul3A_45 : vector<128x128xf32>
    %select_n3A = arith.select %lt3A_47, %sub3A_50, %mul3A_45 : vector<128x128xi1>, vector<128x128xf32>
    %mul3A_51 = arith.constant 57.2957802 : f32
    %mul3A_52 = vector.broadcast %mul3A_51 : f32 to vector<128x128xf32>
    %mul3A_53 = arith.mulf %select_n3A, %mul3A_52 : vector<128x128xf32>
    %sub3A_54 = arith.constant 0.000000e+00 : f32
    %sub3A_55 = vector.broadcast %sub3A_54 : f32 to vector<128x128xf32>
    %sub3A_56 = arith.subf %sqrt3A, %sub3A_55 : vector<128x128xf32>
    %integer_pow3A = arith.mulf %sub3A_56, %sub3A_56 : vector<128x128xf32>
    %neg3A = arith.constant 0.000000e+00 : f32
    %neg3A_57 = vector.broadcast %neg3A : f32 to vector<128x128xf32>
    %neg3A_58 = arith.subf %neg3A_57, %integer_pow3A : vector<128x128xf32>
    %mul3A_59 = arith.constant 0.888888895 : f32
    %mul3A_60 = vector.broadcast %mul3A_59 : f32 to vector<128x128xf32>
    %mul3A_61 = arith.mulf %neg3A_58, %mul3A_60 : vector<128x128xf32>
    %exp3A = math.exp %mul3A_61 : vector<128x128xf32>
    %sub3A_62 = arith.constant 2.000000e+00 : f32
    %sub3A_63 = vector.broadcast %sub3A_62 : f32 to vector<128x128xf32>
    %sub3A_64 = arith.subf %sqrt3A, %sub3A_63 : vector<128x128xf32>
    %integer_pow3A_65 = arith.mulf %sub3A_64, %sub3A_64 : vector<128x128xf32>
    %neg3A_66 = arith.constant 0.000000e+00 : f32
    %neg3A_67 = vector.broadcast %neg3A_66 : f32 to vector<128x128xf32>
    %neg3A_68 = arith.subf %neg3A_67, %integer_pow3A_65 : vector<128x128xf32>
    %mul3A_69 = arith.constant 0.888888895 : f32
    %mul3A_70 = vector.broadcast %mul3A_69 : f32 to vector<128x128xf32>
    %mul3A_71 = arith.mulf %neg3A_68, %mul3A_70 : vector<128x128xf32>
    %exp3A_72 = math.exp %mul3A_71 : vector<128x128xf32>
    %sub3A_73 = arith.constant 4.000000e+00 : f32
    %sub3A_74 = vector.broadcast %sub3A_73 : f32 to vector<128x128xf32>
    %sub3A_75 = arith.subf %sqrt3A, %sub3A_74 : vector<128x128xf32>
    %integer_pow3A_76 = arith.mulf %sub3A_75, %sub3A_75 : vector<128x128xf32>
    %neg3A_77 = arith.constant 0.000000e+00 : f32
    %neg3A_78 = vector.broadcast %neg3A_77 : f32 to vector<128x128xf32>
    %neg3A_79 = arith.subf %neg3A_78, %integer_pow3A_76 : vector<128x128xf32>
    %mul3A_80 = arith.constant 0.888888895 : f32
    %mul3A_81 = vector.broadcast %mul3A_80 : f32 to vector<128x128xf32>
    %mul3A_82 = arith.mulf %neg3A_79, %mul3A_81 : vector<128x128xf32>
    %exp3A_83 = math.exp %mul3A_82 : vector<128x128xf32>
    %sub3A_84 = arith.constant 0.000000e+00 : f32
    %sub3A_85 = vector.broadcast %sub3A_84 : f32 to vector<128x128xf32>
    %sub3A_86 = arith.subf %mul3A_53, %sub3A_85 : vector<128x128xf32>
    %integer_pow3A_87 = arith.mulf %sub3A_86, %sub3A_86 : vector<128x128xf32>
    %neg3A_88 = arith.constant 0.000000e+00 : f32
    %neg3A_89 = vector.broadcast %neg3A_88 : f32 to vector<128x128xf32>
    %neg3A_90 = arith.subf %neg3A_89, %integer_pow3A_87 : vector<128x128xf32>
    %mul3A_91 = arith.constant 5.55555569E-4 : f32
    %mul3A_92 = vector.broadcast %mul3A_91 : f32 to vector<128x128xf32>
    %mul3A_93 = arith.mulf %neg3A_90, %mul3A_92 : vector<128x128xf32>
    %exp3A_94 = math.exp %mul3A_93 : vector<128x128xf32>
    %sub3A_95 = arith.constant 9.000000e+01 : f32
    %sub3A_96 = vector.broadcast %sub3A_95 : f32 to vector<128x128xf32>
    %sub3A_97 = arith.subf %mul3A_53, %sub3A_96 : vector<128x128xf32>
    %integer_pow3A_98 = arith.mulf %sub3A_97, %sub3A_97 : vector<128x128xf32>
    %neg3A_99 = arith.constant 0.000000e+00 : f32
    %neg3A_100 = vector.broadcast %neg3A_99 : f32 to vector<128x128xf32>
    %neg3A_101 = arith.subf %neg3A_100, %integer_pow3A_98 : vector<128x128xf32>
    %mul3A_102 = arith.constant 5.55555569E-4 : f32
    %mul3A_103 = vector.broadcast %mul3A_102 : f32 to vector<128x128xf32>
    %mul3A_104 = arith.mulf %neg3A_101, %mul3A_103 : vector<128x128xf32>
    %exp3A_105 = math.exp %mul3A_104 : vector<128x128xf32>
    %sub3A_106 = arith.constant 1.800000e+02 : f32
    %sub3A_107 = vector.broadcast %sub3A_106 : f32 to vector<128x128xf32>
    %sub3A_108 = arith.subf %mul3A_53, %sub3A_107 : vector<128x128xf32>
    %integer_pow3A_109 = arith.mulf %sub3A_108, %sub3A_108 : vector<128x128xf32>
    %neg3A_110 = arith.constant 0.000000e+00 : f32
    %neg3A_111 = vector.broadcast %neg3A_110 : f32 to vector<128x128xf32>
    %neg3A_112 = arith.subf %neg3A_111, %integer_pow3A_109 : vector<128x128xf32>
    %mul3A_113 = arith.constant 5.55555569E-4 : f32
    %mul3A_114 = vector.broadcast %mul3A_113 : f32 to vector<128x128xf32>
    %mul3A_115 = arith.mulf %neg3A_112, %mul3A_114 : vector<128x128xf32>
    %exp3A_116 = math.exp %mul3A_115 : vector<128x128xf32>
    %min3A_117 = arith.minimumf %exp3A, %exp3A_94 : vector<128x128xf32>
    %min3A_118 = arith.minimumf %exp3A, %exp3A_105 : vector<128x128xf32>
    %min3A_119 = arith.minimumf %exp3A, %exp3A_116 : vector<128x128xf32>
    %min3A_120 = arith.minimumf %exp3A_72, %exp3A_94 : vector<128x128xf32>
    %min3A_121 = arith.minimumf %exp3A_72, %exp3A_105 : vector<128x128xf32>
    %min3A_122 = arith.minimumf %exp3A_72, %exp3A_116 : vector<128x128xf32>
    %min3A_123 = arith.minimumf %exp3A_83, %exp3A_94 : vector<128x128xf32>
    %min3A_124 = arith.minimumf %exp3A_83, %exp3A_105 : vector<128x128xf32>
    %min3A_125 = arith.minimumf %exp3A_83, %exp3A_116 : vector<128x128xf32>
    %convert_element_type3A = arith.truncf %sqrt3A : vector<128x128xf32> to vector<128x128xbf16>
    %convert_element_type3A_126 = arith.extf %convert_element_type3A : vector<128x128xbf16> to vector<128x128xf32>
    %convert_element_type3A_127 = arith.truncf %mul3A_53 : vector<128x128xf32> to vector<128x128xbf16>
    %convert_element_type3A_128 = arith.extf %convert_element_type3A_127 : vector<128x128xbf16> to vector<128x128xf32>
    %broadcast_in_dim3A = arith.constant 0.000000e+00 : f32
    %broadcast_in_dim3A_129 = vector.broadcast %broadcast_in_dim3A : f32 to vector<128x128xf32>
    %broadcast_in_dim3A_130 = arith.constant 0.000000e+00 : f32
    %broadcast_in_dim3A_131 = vector.broadcast %broadcast_in_dim3A_130 : f32 to vector<128x128xf32>
    %mul3A_132 = arith.constant 0.000000e+00 : f32
    %mul3A_133 = vector.broadcast %mul3A_132 : f32 to vector<128x128xf32>
    %mul3A_134 = arith.mulf %convert_element_type3A_126, %mul3A_133 : vector<128x128xf32>
    %mul3A_135 = arith.constant 0.000000e+00 : f32
    %mul3A_136 = vector.broadcast %mul3A_135 : f32 to vector<128x128xf32>
    %mul3A_137 = arith.mulf %convert_element_type3A_128, %mul3A_136 : vector<128x128xf32>
    %add3A_138 = arith.addf %mul3A_134, %mul3A_137 : vector<128x128xf32>
    %add3A_139 = arith.constant 1.000000e+00 : f32
    %add3A_140 = vector.broadcast %add3A_139 : f32 to vector<128x128xf32>
    %add3A_141 = arith.addf %add3A_138, %add3A_140 : vector<128x128xf32>
    %mul3A_142 = arith.mulf %min3A_117, %add3A_141 : vector<128x128xf32>
    %add3A_143 = arith.addf %broadcast_in_dim3A_129, %mul3A_142 : vector<128x128xf32>
    %add3A_144 = arith.addf %broadcast_in_dim3A_131, %min3A_117 : vector<128x128xf32>
    %mul3A_145 = arith.constant -0.0500488281 : f32
    %mul3A_146 = vector.broadcast %mul3A_145 : f32 to vector<128x128xf32>
    %mul3A_147 = arith.mulf %convert_element_type3A_126, %mul3A_146 : vector<128x128xf32>
    %mul3A_148 = arith.constant -0.00109863281 : f32
    %mul3A_149 = vector.broadcast %mul3A_148 : f32 to vector<128x128xf32>
    %mul3A_150 = arith.mulf %convert_element_type3A_128, %mul3A_149 : vector<128x128xf32>
    %add3A_151 = arith.addf %mul3A_147, %mul3A_150 : vector<128x128xf32>
    %add3A_152 = arith.constant 1.000000e+00 : f32
    %add3A_153 = vector.broadcast %add3A_152 : f32 to vector<128x128xf32>
    %add3A_154 = arith.addf %add3A_151, %add3A_153 : vector<128x128xf32>
    %mul3A_155 = arith.mulf %min3A_118, %add3A_154 : vector<128x128xf32>
    %add3A_156 = arith.addf %add3A_143, %mul3A_155 : vector<128x128xf32>
    %add3A_157 = arith.addf %add3A_144, %min3A_118 : vector<128x128xf32>
    %mul3A_158 = arith.constant -0.200195313 : f32
    %mul3A_159 = vector.broadcast %mul3A_158 : f32 to vector<128x128xf32>
    %mul3A_160 = arith.mulf %convert_element_type3A_126, %mul3A_159 : vector<128x128xf32>
    %mul3A_161 = arith.constant -0.00219726563 : f32
    %mul3A_162 = vector.broadcast %mul3A_161 : f32 to vector<128x128xf32>
    %mul3A_163 = arith.mulf %convert_element_type3A_128, %mul3A_162 : vector<128x128xf32>
    %add3A_164 = arith.addf %mul3A_160, %mul3A_163 : vector<128x128xf32>
    %add3A_165 = arith.constant 0.699999988 : f32
    %add3A_166 = vector.broadcast %add3A_165 : f32 to vector<128x128xf32>
    %add3A_167 = arith.addf %add3A_164, %add3A_166 : vector<128x128xf32>
    %mul3A_168 = arith.mulf %min3A_119, %add3A_167 : vector<128x128xf32>
    %add3A_169 = arith.addf %add3A_156, %mul3A_168 : vector<128x128xf32>
    %add3A_170 = arith.addf %add3A_157, %min3A_119 : vector<128x128xf32>
    %mul3A_171 = arith.constant -0.100097656 : f32
    %mul3A_172 = vector.broadcast %mul3A_171 : f32 to vector<128x128xf32>
    %mul3A_173 = arith.mulf %convert_element_type3A_126, %mul3A_172 : vector<128x128xf32>
    %mul3A_174 = arith.constant -0.00219726563 : f32
    %mul3A_175 = vector.broadcast %mul3A_174 : f32 to vector<128x128xf32>
    %mul3A_176 = arith.mulf %convert_element_type3A_128, %mul3A_175 : vector<128x128xf32>
    %add3A_177 = arith.addf %mul3A_173, %mul3A_176 : vector<128x128xf32>
    %add3A_178 = arith.constant 1.000000e+00 : f32
    %add3A_179 = vector.broadcast %add3A_178 : f32 to vector<128x128xf32>
    %add3A_180 = arith.addf %add3A_177, %add3A_179 : vector<128x128xf32>
    %mul3A_181 = arith.mulf %min3A_120, %add3A_180 : vector<128x128xf32>
    %add3A_182 = arith.addf %add3A_169, %mul3A_181 : vector<128x128xf32>
    %add3A_183 = arith.addf %add3A_170, %min3A_120 : vector<128x128xf32>
    %mul3A_184 = arith.constant -2.500000e-01 : f32
    %mul3A_185 = vector.broadcast %mul3A_184 : f32 to vector<128x128xf32>
    %mul3A_186 = arith.mulf %convert_element_type3A_126, %mul3A_185 : vector<128x128xf32>
    %mul3A_187 = arith.constant 0.000000e+00 : f32
    %mul3A_188 = vector.broadcast %mul3A_187 : f32 to vector<128x128xf32>
    %mul3A_189 = arith.mulf %convert_element_type3A_128, %mul3A_188 : vector<128x128xf32>
    %add3A_190 = arith.addf %mul3A_186, %mul3A_189 : vector<128x128xf32>
    %add3A_191 = arith.constant 1.000000e+00 : f32
    %add3A_192 = vector.broadcast %add3A_191 : f32 to vector<128x128xf32>
    %add3A_193 = arith.addf %add3A_190, %add3A_192 : vector<128x128xf32>
    %mul3A_194 = arith.mulf %min3A_121, %add3A_193 : vector<128x128xf32>
    %add3A_195 = arith.addf %add3A_182, %mul3A_194 : vector<128x128xf32>
    %add3A_196 = arith.addf %add3A_183, %min3A_121 : vector<128x128xf32>
    %mul3A_197 = arith.constant -0.0200195313 : f32
    %mul3A_198 = vector.broadcast %mul3A_197 : f32 to vector<128x128xf32>
    %mul3A_199 = arith.mulf %convert_element_type3A_126, %mul3A_198 : vector<128x128xf32>
    %mul3A_200 = arith.constant -4.40597534E-4 : f32
    %mul3A_201 = vector.broadcast %mul3A_200 : f32 to vector<128x128xf32>
    %mul3A_202 = arith.mulf %convert_element_type3A_128, %mul3A_201 : vector<128x128xf32>
    %add3A_203 = arith.addf %mul3A_199, %mul3A_202 : vector<128x128xf32>
    %add3A_204 = arith.constant 2.200000e-01 : f32
    %add3A_205 = vector.broadcast %add3A_204 : f32 to vector<128x128xf32>
    %add3A_206 = arith.addf %add3A_203, %add3A_205 : vector<128x128xf32>
    %mul3A_207 = arith.mulf %min3A_122, %add3A_206 : vector<128x128xf32>
    %add3A_208 = arith.addf %add3A_195, %mul3A_207 : vector<128x128xf32>
    %add3A_209 = arith.addf %add3A_196, %min3A_122 : vector<128x128xf32>
    %mul3A_210 = arith.constant -0.200195313 : f32
    %mul3A_211 = vector.broadcast %mul3A_210 : f32 to vector<128x128xf32>
    %mul3A_212 = arith.mulf %convert_element_type3A_126, %mul3A_211 : vector<128x128xf32>
    %mul3A_213 = arith.constant -0.00109863281 : f32
    %mul3A_214 = vector.broadcast %mul3A_213 : f32 to vector<128x128xf32>
    %mul3A_215 = arith.mulf %convert_element_type3A_128, %mul3A_214 : vector<128x128xf32>
    %add3A_216 = arith.addf %mul3A_212, %mul3A_215 : vector<128x128xf32>
    %add3A_217 = arith.constant 0.899999976 : f32
    %add3A_218 = vector.broadcast %add3A_217 : f32 to vector<128x128xf32>
    %add3A_219 = arith.addf %add3A_216, %add3A_218 : vector<128x128xf32>
    %mul3A_220 = arith.mulf %min3A_123, %add3A_219 : vector<128x128xf32>
    %add3A_221 = arith.addf %add3A_208, %mul3A_220 : vector<128x128xf32>
    %add3A_222 = arith.addf %add3A_209, %min3A_123 : vector<128x128xf32>
    %mul3A_223 = arith.constant -0.0500488281 : f32
    %mul3A_224 = vector.broadcast %mul3A_223 : f32 to vector<128x128xf32>
    %mul3A_225 = arith.mulf %convert_element_type3A_126, %mul3A_224 : vector<128x128xf32>
    %mul3A_226 = arith.constant -0.00109863281 : f32
    %mul3A_227 = vector.broadcast %mul3A_226 : f32 to vector<128x128xf32>
    %mul3A_228 = arith.mulf %convert_element_type3A_128, %mul3A_227 : vector<128x128xf32>
    %add3A_229 = arith.addf %mul3A_225, %mul3A_228 : vector<128x128xf32>
    %add3A_230 = arith.constant 3.500000e-01 : f32
    %add3A_231 = vector.broadcast %add3A_230 : f32 to vector<128x128xf32>
    %add3A_232 = arith.addf %add3A_229, %add3A_231 : vector<128x128xf32>
    %mul3A_233 = arith.mulf %min3A_124, %add3A_232 : vector<128x128xf32>
    %add3A_234 = arith.addf %add3A_221, %mul3A_233 : vector<128x128xf32>
    %add3A_235 = arith.addf %add3A_222, %min3A_124 : vector<128x128xf32>
    %mul3A_236 = arith.constant 0.000000e+00 : f32
    %mul3A_237 = vector.broadcast %mul3A_236 : f32 to vector<128x128xf32>
    %mul3A_238 = arith.mulf %convert_element_type3A_126, %mul3A_237 : vector<128x128xf32>
    %mul3A_239 = arith.constant 0.000000e+00 : f32
    %mul3A_240 = vector.broadcast %mul3A_239 : f32 to vector<128x128xf32>
    %mul3A_241 = arith.mulf %convert_element_type3A_128, %mul3A_240 : vector<128x128xf32>
    %add3A_242 = arith.addf %mul3A_238, %mul3A_241 : vector<128x128xf32>
    %add3A_243 = arith.constant 0.000000e+00 : f32
    %add3A_244 = vector.broadcast %add3A_243 : f32 to vector<128x128xf32>
    %add3A_245 = arith.addf %add3A_242, %add3A_244 : vector<128x128xf32>
    %mul3A_246 = arith.mulf %min3A_125, %add3A_245 : vector<128x128xf32>
    %add3A_247 = arith.addf %add3A_234, %mul3A_246 : vector<128x128xf32>
    %add3A_248 = arith.addf %add3A_235, %min3A_125 : vector<128x128xf32>
    %div3A_249 = arith.divf %add3A_247, %add3A_248 : vector<128x128xf32>
    %get3A_250 = arith.constant 0 : index
    %get3A_251 = arith.constant 0 : index
    %get3A_252 = vector.load %arg3[%get3A_250, %get3A_251] : memref<128x128xi32, #tpu.memory_space<vmem>>, vector<128x128xi32>
    %get3A_253 = arith.constant 0 : index
    %get3A_254 = arith.constant 0 : index
    %get3A_255 = vector.load %arg4[%get3A_253, %get3A_254] : memref<128x128xi32, #tpu.memory_space<vmem>>, vector<128x128xi32>
    %get3A_256 = arith.constant 0 : index
    %get3A_257 = arith.constant 0 : index
    %get3A_258 = vector.load %arg5[%get3A_256, %get3A_257] : memref<128x128xi32, #tpu.memory_space<vmem>>, vector<128x128xi32>
    %mul3A_259 = arith.constant 128 : i32
    %mul3A_260 = arith.muli %arg0, %mul3A_259 : i32
    %iota3A = tpu.iota {dimensions = array<i32: 0>} : vector<128x128xi32>
    %add3A_261 = vector.broadcast %mul3A_260 : i32 to vector<128x128xi32>
    %add3A_262 = arith.addi %add3A_261, %iota3A : vector<128x128xi32>
    %ge3A = arith.constant 1250 : i32
    %ge3A_263 = vector.broadcast %ge3A : i32 to vector<128x128xi32>
    %ge3A_264 = arith.cmpi sge, %add3A_262, %ge3A_263 : vector<128x128xi32>
    %lt3A_265 = arith.constant 2 : i32
    %lt3A_266 = vector.broadcast %lt3A_265 : i32 to vector<128x128xi32>
    %lt3A_267 = arith.cmpi slt, %get3A_252, %lt3A_266 : vector<128x128xi32>
    %lt3A_268 = arith.constant 2 : i32
    %lt3A_269 = vector.broadcast %lt3A_268 : i32 to vector<128x128xi32>
    %lt3A_270 = arith.cmpi slt, %get3A_255, %lt3A_269 : vector<128x128xi32>
    %and3A = arith.andi %lt3A_267, %lt3A_270 : vector<128x128xi1>
    %not3A = arith.constant dense<true> : vector<128x128xi1>
    %not3A_271 = arith.xori %ge3A_264, %not3A : vector<128x128xi1>
    %and3A_272 = arith.andi %and3A, %not3A_271 : vector<128x128xi1>
    %or3A = arith.ori %and3A_272, %ge3A_264 : vector<128x128xi1>
    %jit3A_273 = arith.constant 0.000000e+00 : f32
    %broadcast_in_dim3A_274 = vector.broadcast %jit3A_273 : f32 to vector<128x128xf32>
    %select_n3A_275 = arith.select %or3A, %broadcast_in_dim3A_274, %div3A_249 : vector<128x128xi1>, vector<128x128xf32>
    %swap3A = arith.constant 0 : index
    %swap3A_276 = arith.constant 0 : index
    %swap3A_277 = vector.load %arg6[%swap3A, %swap3A_276] : memref<128x128xf32, #tpu.memory_space<vmem>>, vector<128x128xf32>
    tpu.vector_store %arg6[%swap3A, %swap3A_276], %select_n3A_275 {strides = array<i32>} : memref<128x128xf32, #tpu.memory_space<vmem>>, vector<128x128xf32>,
    %mul3A_278 = arith.constant 10000 : i32
    %mul3A_279 = vector.broadcast %mul3A_278 : i32 to vector<128x128xi32>
    %mul3A_280 = arith.muli %get3A_258, %mul3A_279 : vector<128x128xi32>
    %add3A_281 = arith.addi %mul3A_280, %get3A_252 : vector<128x128xi32>
    %swap3A_282 = arith.constant 0 : index
    %swap3A_283 = arith.constant 0 : index
    %swap3A_284 = vector.load %arg7[%swap3A_282, %swap3A_283] : memref<128x128xi32, #tpu.memory_space<vmem>>, vector<128x128xi32>
    tpu.vector_store %arg7[%swap3A_282, %swap3A_283], %add3A_281 {strides = array<i32>} : memref<128x128xi32, #tpu.memory_space<vmem>>, vector<128x128xi32>,
    %broadcast_in_dim3A_285 = arith.constant 0.000000e+00 : f32
    %broadcast_in_dim3A_286 = vector.broadcast %broadcast_in_dim3A_285 : f32 to vector<2x18xf32>
    %broadcast_in_dim3A_287 = arith.constant 0.000000e+00 : f32
    %broadcast_in_dim3A_288 = vector.broadcast %broadcast_in_dim3A_287 : f32 to vector<2x8xf32>
    %iota3A_289 = tpu.iota {dimensions = array<i32: 0>} : vector<2x18xi32>
    %iota3A_290 = tpu.iota {dimensions = array<i32: 1>} : vector<2x18xi32>
    %iota3A_291 = tpu.iota {dimensions = array<i32: 0>} : vector<2x8xi32>
    %iota3A_292 = tpu.iota {dimensions = array<i32: 1>} : vector<2x8xi32>
    %eq3A = arith.constant 0 : i32
    %eq3A_293 = vector.broadcast %eq3A : i32 to vector<128x128xi32>
    %eq3A_294 = arith.cmpi eq, %get3A_255, %eq3A_293 : vector<128x128xi32>
    %and3A_295 = arith.andi %and3A_272, %eq3A_294 : vector<128x128xi1>
    %eq3A_296 = arith.constant 0 : i32
    %eq3A_297 = vector.broadcast %eq3A_296 : i32 to vector<128x128xi32>
    %eq3A_298 = arith.cmpi eq, %get3A_252, %eq3A_297 : vector<128x128xi32>
    %and3A_299 = arith.andi %and3A_295, %eq3A_298 : vector<128x128xi1>
    %jit3A_300 = arith.constant 0.000000e+00 : f32
    %broadcast_in_dim3A_301 = vector.broadcast %jit3A_300 : f32 to vector<128x128xf32>
    %select_n3A_302 = arith.select %and3A_299, %min3A_117, %broadcast_in_dim3A_301 : vector<128x128xi1>, vector<128x128xf32>
    %reduce_sum3A = vector.shape_cast %select_n3A_302 : vector<128x128xf32> to vector<1x128x128xf32>
    %reduce_sum3A_303 = arith.constant dense<0.000000e+00> : vector<1xf32>
    %reduce_sum3A_304 = vector.multi_reduction <add>, %reduce_sum3A, %reduce_sum3A_303 [1, 2] : vector<1x128x128xf32> to vector<1xf32>
    %reduce_sum3A_305 = vector.shape_cast %reduce_sum3A_304 : vector<1xf32> to vector<1x1x1xf32>
    %reduce_sum3A_306 = vector.extract %reduce_sum3A_305[0, 0, 0] : f32 from vector<1x1x1xf32>
    %eq3A_307 = arith.constant 0 : i32
    %eq3A_308 = vector.broadcast %eq3A_307 : i32 to vector<2x18xi32>
    %eq3A_309 = arith.cmpi eq, %iota3A_289, %eq3A_308 : vector<2x18xi32>
    %eq3A_310 = arith.constant 0 : i32
    %eq3A_311 = vector.broadcast %eq3A_310 : i32 to vector<2x18xi32>
    %eq3A_312 = arith.cmpi eq, %iota3A_290, %eq3A_311 : vector<2x18xi32>
    %and3A_313 = arith.andi %eq3A_309, %eq3A_312 : vector<2x18xi1>
    %jit3A_314 = arith.constant 0.000000e+00 : f32
    %broadcast_in_dim3A_315 = vector.broadcast %reduce_sum3A_306 : f32 to vector<2x18xf32>
    %broadcast_in_dim3A_316 = vector.broadcast %jit3A_314 : f32 to vector<2x18xf32>
    %select_n3A_317 = arith.select %and3A_313, %broadcast_in_dim3A_315, %broadcast_in_dim3A_316 : vector<2x18xi1>, vector<2x18xf32>
    %add3A_318 = arith.addf %broadcast_in_dim3A_286, %select_n3A_317 : vector<2x18xf32>
    %jit3A_319 = arith.constant 0.000000e+00 : f32
    %broadcast_in_dim3A_320 = vector.broadcast %jit3A_319 : f32 to vector<128x128xf32>
    %select_n3A_321 = arith.select %and3A_299, %min3A_118, %broadcast_in_dim3A_320 : vector<128x128xi1>, vector<128x128xf32>
    %reduce_sum3A_322 = vector.shape_cast %select_n3A_321 : vector<128x128xf32> to vector<1x128x128xf32>
    %reduce_sum3A_323 = arith.constant dense<0.000000e+00> : vector<1xf32>
    %reduce_sum3A_324 = vector.multi_reduction <add>, %reduce_sum3A_322, %reduce_sum3A_323 [1, 2] : vector<1x128x128xf32> to vector<1xf32>
    %reduce_sum3A_325 = vector.shape_cast %reduce_sum3A_324 : vector<1xf32> to vector<1x1x1xf32>
    %reduce_sum3A_326 = vector.extract %reduce_sum3A_325[0, 0, 0] : f32 from vector<1x1x1xf32>
    %eq3A_327 = arith.constant 0 : i32
    %eq3A_328 = vector.broadcast %eq3A_327 : i32 to vector<2x18xi32>
    %eq3A_329 = arith.cmpi eq, %iota3A_289, %eq3A_328 : vector<2x18xi32>
    %eq3A_330 = arith.constant 2 : i32
    %eq3A_331 = vector.broadcast %eq3A_330 : i32 to vector<2x18xi32>
    %eq3A_332 = arith.cmpi eq, %iota3A_290, %eq3A_331 : vector<2x18xi32>
    %and3A_333 = arith.andi %eq3A_329, %eq3A_332 : vector<2x18xi1>
    %jit3A_334 = arith.constant 0.000000e+00 : f32
    %broadcast_in_dim3A_335 = vector.broadcast %reduce_sum3A_326 : f32 to vector<2x18xf32>
    %broadcast_in_dim3A_336 = vector.broadcast %jit3A_334 : f32 to vector<2x18xf32>
    %select_n3A_337 = arith.select %and3A_333, %broadcast_in_dim3A_335, %broadcast_in_dim3A_336 : vector<2x18xi1>, vector<2x18xf32>
    %add3A_338 = arith.addf %add3A_318, %select_n3A_337 : vector<2x18xf32>
    %jit3A_339 = arith.constant 0.000000e+00 : f32
    %broadcast_in_dim3A_340 = vector.broadcast %jit3A_339 : f32 to vector<128x128xf32>
    %select_n3A_341 = arith.select %and3A_299, %min3A_119, %broadcast_in_dim3A_340 : vector<128x128xi1>, vector<128x128xf32>
    %reduce_sum3A_342 = vector.shape_cast %select_n3A_341 : vector<128x128xf32> to vector<1x128x128xf32>
    %reduce_sum3A_343 = arith.constant dense<0.000000e+00> : vector<1xf32>
    %reduce_sum3A_344 = vector.multi_reduction <add>, %reduce_sum3A_342, %reduce_sum3A_343 [1, 2] : vector<1x128x128xf32> to vector<1xf32>
    %reduce_sum3A_345 = vector.shape_cast %reduce_sum3A_344 : vector<1xf32> to vector<1x1x1xf32>
    %reduce_sum3A_346 = vector.extract %reduce_sum3A_345[0, 0, 0] : f32 from vector<1x1x1xf32>
    %eq3A_347 = arith.constant 0 : i32
    %eq3A_348 = vector.broadcast %eq3A_347 : i32 to vector<2x18xi32>
    %eq3A_349 = arith.cmpi eq, %iota3A_289, %eq3A_348 : vector<2x18xi32>
    %eq3A_350 = arith.constant 4 : i32
    %eq3A_351 = vector.broadcast %eq3A_350 : i32 to vector<2x18xi32>
    %eq3A_352 = arith.cmpi eq, %iota3A_290, %eq3A_351 : vector<2x18xi32>
    %and3A_353 = arith.andi %eq3A_349, %eq3A_352 : vector<2x18xi1>
    %jit3A_354 = arith.constant 0.000000e+00 : f32
    %broadcast_in_dim3A_355 = vector.broadcast %reduce_sum3A_346 : f32 to vector<2x18xf32>
    %broadcast_in_dim3A_356 = vector.broadcast %jit3A_354 : f32 to vector<2x18xf32>
    %select_n3A_357 = arith.select %and3A_353, %broadcast_in_dim3A_355, %broadcast_in_dim3A_356 : vector<2x18xi1>, vector<2x18xf32>
    %add3A_358 = arith.addf %add3A_338, %select_n3A_357 : vector<2x18xf32>
    %jit3A_359 = arith.constant 0.000000e+00 : f32
    %broadcast_in_dim3A_360 = vector.broadcast %jit3A_359 : f32 to vector<128x128xf32>
    %select_n3A_361 = arith.select %and3A_299, %min3A_120, %broadcast_in_dim3A_360 : vector<128x128xi1>, vector<128x128xf32>
    %reduce_sum3A_362 = vector.shape_cast %select_n3A_361 : vector<128x128xf32> to vector<1x128x128xf32>
    %reduce_sum3A_363 = arith.constant dense<0.000000e+00> : vector<1xf32>
    %reduce_sum3A_364 = vector.multi_reduction <add>, %reduce_sum3A_362, %reduce_sum3A_363 [1, 2] : vector<1x128x128xf32> to vector<1xf32>
    %reduce_sum3A_365 = vector.shape_cast %reduce_sum3A_364 : vector<1xf32> to vector<1x1x1xf32>
    %reduce_sum3A_366 = vector.extract %reduce_sum3A_365[0, 0, 0] : f32 from vector<1x1x1xf32>
    %eq3A_367 = arith.constant 0 : i32
    %eq3A_368 = vector.broadcast %eq3A_367 : i32 to vector<2x18xi32>
    %eq3A_369 = arith.cmpi eq, %iota3A_289, %eq3A_368 : vector<2x18xi32>
    %eq3A_370 = arith.constant 6 : i32
    %eq3A_371 = vector.broadcast %eq3A_370 : i32 to vector<2x18xi32>
    %eq3A_372 = arith.cmpi eq, %iota3A_290, %eq3A_371 : vector<2x18xi32>
    %and3A_373 = arith.andi %eq3A_369, %eq3A_372 : vector<2x18xi1>
    %jit3A_374 = arith.constant 0.000000e+00 : f32
    %broadcast_in_dim3A_375 = vector.broadcast %reduce_sum3A_366 : f32 to vector<2x18xf32>
    %broadcast_in_dim3A_376 = vector.broadcast %jit3A_374 : f32 to vector<2x18xf32>
    %select_n3A_377 = arith.select %and3A_373, %broadcast_in_dim3A_375, %broadcast_in_dim3A_376 : vector<2x18xi1>, vector<2x18xf32>
    %add3A_378 = arith.addf %add3A_358, %select_n3A_377 : vector<2x18xf32>
    %jit3A_379 = arith.constant 0.000000e+00 : f32
    %broadcast_in_dim3A_380 = vector.broadcast %jit3A_379 : f32 to vector<128x128xf32>
    %select_n3A_381 = arith.select %and3A_299, %min3A_121, %broadcast_in_dim3A_380 : vector<128x128xi1>, vector<128x128xf32>
    %reduce_sum3A_382 = vector.shape_cast %select_n3A_381 : vector<128x128xf32> to vector<1x128x128xf32>
    %reduce_sum3A_383 = arith.constant dense<0.000000e+00> : vector<1xf32>
    %reduce_sum3A_384 = vector.multi_reduction <add>, %reduce_sum3A_382, %reduce_sum3A_383 [1, 2] : vector<1x128x128xf32> to vector<1xf32>
    %reduce_sum3A_385 = vector.shape_cast %reduce_sum3A_384 : vector<1xf32> to vector<1x1x1xf32>
    %reduce_sum3A_386 = vector.extract %reduce_sum3A_385[0, 0, 0] : f32 from vector<1x1x1xf32>
    %eq3A_387 = arith.constant 0 : i32
    %eq3A_388 = vector.broadcast %eq3A_387 : i32 to vector<2x18xi32>
    %eq3A_389 = arith.cmpi eq, %iota3A_289, %eq3A_388 : vector<2x18xi32>
    %eq3A_390 = arith.constant 8 : i32
    %eq3A_391 = vector.broadcast %eq3A_390 : i32 to vector<2x18xi32>
    %eq3A_392 = arith.cmpi eq, %iota3A_290, %eq3A_391 : vector<2x18xi32>
    %and3A_393 = arith.andi %eq3A_389, %eq3A_392 : vector<2x18xi1>
    %jit3A_394 = arith.constant 0.000000e+00 : f32
    %broadcast_in_dim3A_395 = vector.broadcast %reduce_sum3A_386 : f32 to vector<2x18xf32>
    %broadcast_in_dim3A_396 = vector.broadcast %jit3A_394 : f32 to vector<2x18xf32>
    %select_n3A_397 = arith.select %and3A_393, %broadcast_in_dim3A_395, %broadcast_in_dim3A_396 : vector<2x18xi1>, vector<2x18xf32>
    %add3A_398 = arith.addf %add3A_378, %select_n3A_397 : vector<2x18xf32>
    %jit3A_399 = arith.constant 0.000000e+00 : f32
    %broadcast_in_dim3A_400 = vector.broadcast %jit3A_399 : f32 to vector<128x128xf32>
    %select_n3A_401 = arith.select %and3A_299, %min3A_122, %broadcast_in_dim3A_400 : vector<128x128xi1>, vector<128x128xf32>
    %reduce_sum3A_402 = vector.shape_cast %select_n3A_401 : vector<128x128xf32> to vector<1x128x128xf32>
    %reduce_sum3A_403 = arith.constant dense<0.000000e+00> : vector<1xf32>
    %reduce_sum3A_404 = vector.multi_reduction <add>, %reduce_sum3A_402, %reduce_sum3A_403 [1, 2] : vector<1x128x128xf32> to vector<1xf32>
    %reduce_sum3A_405 = vector.shape_cast %reduce_sum3A_404 : vector<1xf32> to vector<1x1x1xf32>
    %reduce_sum3A_406 = vector.extract %reduce_sum3A_405[0, 0, 0] : f32 from vector<1x1x1xf32>
    %eq3A_407 = arith.constant 0 : i32
    %eq3A_408 = vector.broadcast %eq3A_407 : i32 to vector<2x18xi32>
    %eq3A_409 = arith.cmpi eq, %iota3A_289, %eq3A_408 : vector<2x18xi32>
    %eq3A_410 = arith.constant 10 : i32
    %eq3A_411 = vector.broadcast %eq3A_410 : i32 to vector<2x18xi32>
    %eq3A_412 = arith.cmpi eq, %iota3A_290, %eq3A_411 : vector<2x18xi32>
    %and3A_413 = arith.andi %eq3A_409, %eq3A_412 : vector<2x18xi1>
    %jit3A_414 = arith.constant 0.000000e+00 : f32
    %broadcast_in_dim3A_415 = vector.broadcast %reduce_sum3A_406 : f32 to vector<2x18xf32>
    %broadcast_in_dim3A_416 = vector.broadcast %jit3A_414 : f32 to vector<2x18xf32>
    %select_n3A_417 = arith.select %and3A_413, %broadcast_in_dim3A_415, %broadcast_in_dim3A_416 : vector<2x18xi1>, vector<2x18xf32>
    %add3A_418 = arith.addf %add3A_398, %select_n3A_417 : vector<2x18xf32>
    %jit3A_419 = arith.constant 0.000000e+00 : f32
    %broadcast_in_dim3A_420 = vector.broadcast %jit3A_419 : f32 to vector<128x128xf32>
    %select_n3A_421 = arith.select %and3A_299, %min3A_123, %broadcast_in_dim3A_420 : vector<128x128xi1>, vector<128x128xf32>
    %reduce_sum3A_422 = vector.shape_cast %select_n3A_421 : vector<128x128xf32> to vector<1x128x128xf32>
    %reduce_sum3A_423 = arith.constant dense<0.000000e+00> : vector<1xf32>
    %reduce_sum3A_424 = vector.multi_reduction <add>, %reduce_sum3A_422, %reduce_sum3A_423 [1, 2] : vector<1x128x128xf32> to vector<1xf32>
    %reduce_sum3A_425 = vector.shape_cast %reduce_sum3A_424 : vector<1xf32> to vector<1x1x1xf32>
    %reduce_sum3A_426 = vector.extract %reduce_sum3A_425[0, 0, 0] : f32 from vector<1x1x1xf32>
    %eq3A_427 = arith.constant 0 : i32
    %eq3A_428 = vector.broadcast %eq3A_427 : i32 to vector<2x18xi32>
    %eq3A_429 = arith.cmpi eq, %iota3A_289, %eq3A_428 : vector<2x18xi32>
    %eq3A_430 = arith.constant 12 : i32
    %eq3A_431 = vector.broadcast %eq3A_430 : i32 to vector<2x18xi32>
    %eq3A_432 = arith.cmpi eq, %iota3A_290, %eq3A_431 : vector<2x18xi32>
    %and3A_433 = arith.andi %eq3A_429, %eq3A_432 : vector<2x18xi1>
    %jit3A_434 = arith.constant 0.000000e+00 : f32
    %broadcast_in_dim3A_435 = vector.broadcast %reduce_sum3A_426 : f32 to vector<2x18xf32>
    %broadcast_in_dim3A_436 = vector.broadcast %jit3A_434 : f32 to vector<2x18xf32>
    %select_n3A_437 = arith.select %and3A_433, %broadcast_in_dim3A_435, %broadcast_in_dim3A_436 : vector<2x18xi1>, vector<2x18xf32>
    %add3A_438 = arith.addf %add3A_418, %select_n3A_437 : vector<2x18xf32>
    %jit3A_439 = arith.constant 0.000000e+00 : f32
    %broadcast_in_dim3A_440 = vector.broadcast %jit3A_439 : f32 to vector<128x128xf32>
    %select_n3A_441 = arith.select %and3A_299, %min3A_124, %broadcast_in_dim3A_440 : vector<128x128xi1>, vector<128x128xf32>
    %reduce_sum3A_442 = vector.shape_cast %select_n3A_441 : vector<128x128xf32> to vector<1x128x128xf32>
    %reduce_sum3A_443 = arith.constant dense<0.000000e+00> : vector<1xf32>
    %reduce_sum3A_444 = vector.multi_reduction <add>, %reduce_sum3A_442, %reduce_sum3A_443 [1, 2] : vector<1x128x128xf32> to vector<1xf32>
    %reduce_sum3A_445 = vector.shape_cast %reduce_sum3A_444 : vector<1xf32> to vector<1x1x1xf32>
    %reduce_sum3A_446 = vector.extract %reduce_sum3A_445[0, 0, 0] : f32 from vector<1x1x1xf32>
    %eq3A_447 = arith.constant 0 : i32
    %eq3A_448 = vector.broadcast %eq3A_447 : i32 to vector<2x18xi32>
    %eq3A_449 = arith.cmpi eq, %iota3A_289, %eq3A_448 : vector<2x18xi32>
    %eq3A_450 = arith.constant 14 : i32
    %eq3A_451 = vector.broadcast %eq3A_450 : i32 to vector<2x18xi32>
    %eq3A_452 = arith.cmpi eq, %iota3A_290, %eq3A_451 : vector<2x18xi32>
    %and3A_453 = arith.andi %eq3A_449, %eq3A_452 : vector<2x18xi1>
    %jit3A_454 = arith.constant 0.000000e+00 : f32
    %broadcast_in_dim3A_455 = vector.broadcast %reduce_sum3A_446 : f32 to vector<2x18xf32>
    %broadcast_in_dim3A_456 = vector.broadcast %jit3A_454 : f32 to vector<2x18xf32>
    %select_n3A_457 = arith.select %and3A_453, %broadcast_in_dim3A_455, %broadcast_in_dim3A_456 : vector<2x18xi1>, vector<2x18xf32>
    %add3A_458 = arith.addf %add3A_438, %select_n3A_457 : vector<2x18xf32>
    %jit3A_459 = arith.constant 0.000000e+00 : f32
    %broadcast_in_dim3A_460 = vector.broadcast %jit3A_459 : f32 to vector<128x128xf32>
    %select_n3A_461 = arith.select %and3A_299, %min3A_125, %broadcast_in_dim3A_460 : vector<128x128xi1>, vector<128x128xf32>
    %reduce_sum3A_462 = vector.shape_cast %select_n3A_461 : vector<128x128xf32> to vector<1x128x128xf32>
    %reduce_sum3A_463 = arith.constant dense<0.000000e+00> : vector<1xf32>
    %reduce_sum3A_464 = vector.multi_reduction <add>, %reduce_sum3A_462, %reduce_sum3A_463 [1, 2] : vector<1x128x128xf32> to vector<1xf32>
    %reduce_sum3A_465 = vector.shape_cast %reduce_sum3A_464 : vector<1xf32> to vector<1x1x1xf32>
    %reduce_sum3A_466 = vector.extract %reduce_sum3A_465[0, 0, 0] : f32 from vector<1x1x1xf32>
    %eq3A_467 = arith.constant 0 : i32
    %eq3A_468 = vector.broadcast %eq3A_467 : i32 to vector<2x18xi32>
    %eq3A_469 = arith.cmpi eq, %iota3A_289, %eq3A_468 : vector<2x18xi32>
    %eq3A_470 = arith.constant 16 : i32
    %eq3A_471 = vector.broadcast %eq3A_470 : i32 to vector<2x18xi32>
    %eq3A_472 = arith.cmpi eq, %iota3A_290, %eq3A_471 : vector<2x18xi32>
    %and3A_473 = arith.andi %eq3A_469, %eq3A_472 : vector<2x18xi1>
    %jit3A_474 = arith.constant 0.000000e+00 : f32
    %broadcast_in_dim3A_475 = vector.broadcast %reduce_sum3A_466 : f32 to vector<2x18xf32>
    %broadcast_in_dim3A_476 = vector.broadcast %jit3A_474 : f32 to vector<2x18xf32>
    %select_n3A_477 = arith.select %and3A_473, %broadcast_in_dim3A_475, %broadcast_in_dim3A_476 : vector<2x18xi1>, vector<2x18xf32>
    %add3A_478 = arith.addf %add3A_458, %select_n3A_477 : vector<2x18xf32>
    %eq3A_479 = arith.constant 1 : i32
    %eq3A_480 = vector.broadcast %eq3A_479 : i32 to vector<128x128xi32>
    %eq3A_481 = arith.cmpi eq, %get3A_252, %eq3A_480 : vector<128x128xi32>
    %and3A_482 = arith.andi %and3A_295, %eq3A_481 : vector<128x128xi1>
    %jit3A_483 = arith.constant 0.000000e+00 : f32
    %broadcast_in_dim3A_484 = vector.broadcast %jit3A_483 : f32 to vector<128x128xf32>
    %select_n3A_485 = arith.select %and3A_482, %min3A_117, %broadcast_in_dim3A_484 : vector<128x128xi1>, vector<128x128xf32>
    %reduce_sum3A_486 = vector.shape_cast %select_n3A_485 : vector<128x128xf32> to vector<1x128x128xf32>
    %reduce_sum3A_487 = arith.constant dense<0.000000e+00> : vector<1xf32>
    %reduce_sum3A_488 = vector.multi_reduction <add>, %reduce_sum3A_486, %reduce_sum3A_487 [1, 2] : vector<1x128x128xf32> to vector<1xf32>
    %reduce_sum3A_489 = vector.shape_cast %reduce_sum3A_488 : vector<1xf32> to vector<1x1x1xf32>
    %reduce_sum3A_490 = vector.extract %reduce_sum3A_489[0, 0, 0] : f32 from vector<1x1x1xf32>
    %eq3A_491 = arith.constant 0 : i32
    %eq3A_492 = vector.broadcast %eq3A_491 : i32 to vector<2x18xi32>
    %eq3A_493 = arith.cmpi eq, %iota3A_289, %eq3A_492 : vector<2x18xi32>
    %eq3A_494 = arith.constant 1 : i32
    %eq3A_495 = vector.broadcast %eq3A_494 : i32 to vector<2x18xi32>
    %eq3A_496 = arith.cmpi eq, %iota3A_290, %eq3A_495 : vector<2x18xi32>
    %and3A_497 = arith.andi %eq3A_493, %eq3A_496 : vector<2x18xi1>
    %jit3A_498 = arith.constant 0.000000e+00 : f32
    %broadcast_in_dim3A_499 = vector.broadcast %reduce_sum3A_490 : f32 to vector<2x18xf32>
    %broadcast_in_dim3A_500 = vector.broadcast %jit3A_498 : f32 to vector<2x18xf32>
    %select_n3A_501 = arith.select %and3A_497, %broadcast_in_dim3A_499, %broadcast_in_dim3A_500 : vector<2x18xi1>, vector<2x18xf32>
    %add3A_502 = arith.addf %add3A_478, %select_n3A_501 : vector<2x18xf32>
    %jit3A_503 = arith.constant 0.000000e+00 : f32
    %broadcast_in_dim3A_504 = vector.broadcast %jit3A_503 : f32 to vector<128x128xf32>
    %select_n3A_505 = arith.select %and3A_482, %min3A_118, %broadcast_in_dim3A_504 : vector<128x128xi1>, vector<128x128xf32>
    %reduce_sum3A_506 = vector.shape_cast %select_n3A_505 : vector<128x128xf32> to vector<1x128x128xf32>
    %reduce_sum3A_507 = arith.constant dense<0.000000e+00> : vector<1xf32>
    %reduce_sum3A_508 = vector.multi_reduction <add>, %reduce_sum3A_506, %reduce_sum3A_507 [1, 2] : vector<1x128x128xf32> to vector<1xf32>
    %reduce_sum3A_509 = vector.shape_cast %reduce_sum3A_508 : vector<1xf32> to vector<1x1x1xf32>
    %reduce_sum3A_510 = vector.extract %reduce_sum3A_509[0, 0, 0] : f32 from vector<1x1x1xf32>
    %eq3A_511 = arith.constant 0 : i32
    %eq3A_512 = vector.broadcast %eq3A_511 : i32 to vector<2x18xi32>
    %eq3A_513 = arith.cmpi eq, %iota3A_289, %eq3A_512 : vector<2x18xi32>
    %eq3A_514 = arith.constant 3 : i32
    %eq3A_515 = vector.broadcast %eq3A_514 : i32 to vector<2x18xi32>
    %eq3A_516 = arith.cmpi eq, %iota3A_290, %eq3A_515 : vector<2x18xi32>
    %and3A_517 = arith.andi %eq3A_513, %eq3A_516 : vector<2x18xi1>
    %jit3A_518 = arith.constant 0.000000e+00 : f32
    %broadcast_in_dim3A_519 = vector.broadcast %reduce_sum3A_510 : f32 to vector<2x18xf32>
    %broadcast_in_dim3A_520 = vector.broadcast %jit3A_518 : f32 to vector<2x18xf32>
    %select_n3A_521 = arith.select %and3A_517, %broadcast_in_dim3A_519, %broadcast_in_dim3A_520 : vector<2x18xi1>, vector<2x18xf32>
    %add3A_522 = arith.addf %add3A_502, %select_n3A_521 : vector<2x18xf32>
    %jit3A_523 = arith.constant 0.000000e+00 : f32
    %broadcast_in_dim3A_524 = vector.broadcast %jit3A_523 : f32 to vector<128x128xf32>
    %select_n3A_525 = arith.select %and3A_482, %min3A_119, %broadcast_in_dim3A_524 : vector<128x128xi1>, vector<128x128xf32>
    %reduce_sum3A_526 = vector.shape_cast %select_n3A_525 : vector<128x128xf32> to vector<1x128x128xf32>
    %reduce_sum3A_527 = arith.constant dense<0.000000e+00> : vector<1xf32>
    %reduce_sum3A_528 = vector.multi_reduction <add>, %reduce_sum3A_526, %reduce_sum3A_527 [1, 2] : vector<1x128x128xf32> to vector<1xf32>
    %reduce_sum3A_529 = vector.shape_cast %reduce_sum3A_528 : vector<1xf32> to vector<1x1x1xf32>
    %reduce_sum3A_530 = vector.extract %reduce_sum3A_529[0, 0, 0] : f32 from vector<1x1x1xf32>
    %eq3A_531 = arith.constant 0 : i32
    %eq3A_532 = vector.broadcast %eq3A_531 : i32 to vector<2x18xi32>
    %eq3A_533 = arith.cmpi eq, %iota3A_289, %eq3A_532 : vector<2x18xi32>
    %eq3A_534 = arith.constant 5 : i32
    %eq3A_535 = vector.broadcast %eq3A_534 : i32 to vector<2x18xi32>
    %eq3A_536 = arith.cmpi eq, %iota3A_290, %eq3A_535 : vector<2x18xi32>
    %and3A_537 = arith.andi %eq3A_533, %eq3A_536 : vector<2x18xi1>
    %jit3A_538 = arith.constant 0.000000e+00 : f32
    %broadcast_in_dim3A_539 = vector.broadcast %reduce_sum3A_530 : f32 to vector<2x18xf32>
    %broadcast_in_dim3A_540 = vector.broadcast %jit3A_538 : f32 to vector<2x18xf32>
    %select_n3A_541 = arith.select %and3A_537, %broadcast_in_dim3A_539, %broadcast_in_dim3A_540 : vector<2x18xi1>, vector<2x18xf32>
    %add3A_542 = arith.addf %add3A_522, %select_n3A_541 : vector<2x18xf32>
    %jit3A_543 = arith.constant 0.000000e+00 : f32
    %broadcast_in_dim3A_544 = vector.broadcast %jit3A_543 : f32 to vector<128x128xf32>
    %select_n3A_545 = arith.select %and3A_482, %min3A_120, %broadcast_in_dim3A_544 : vector<128x128xi1>, vector<128x128xf32>
    %reduce_sum3A_546 = vector.shape_cast %select_n3A_545 : vector<128x128xf32> to vector<1x128x128xf32>
    %reduce_sum3A_547 = arith.constant dense<0.000000e+00> : vector<1xf32>
    %reduce_sum3A_548 = vector.multi_reduction <add>, %reduce_sum3A_546, %reduce_sum3A_547 [1, 2] : vector<1x128x128xf32> to vector<1xf32>
    %reduce_sum3A_549 = vector.shape_cast %reduce_sum3A_548 : vector<1xf32> to vector<1x1x1xf32>
    %reduce_sum3A_550 = vector.extract %reduce_sum3A_549[0, 0, 0] : f32 from vector<1x1x1xf32>
    %eq3A_551 = arith.constant 0 : i32
    %eq3A_552 = vector.broadcast %eq3A_551 : i32 to vector<2x18xi32>
    %eq3A_553 = arith.cmpi eq, %iota3A_289, %eq3A_552 : vector<2x18xi32>
    %eq3A_554 = arith.constant 7 : i32
    %eq3A_555 = vector.broadcast %eq3A_554 : i32 to vector<2x18xi32>
    %eq3A_556 = arith.cmpi eq, %iota3A_290, %eq3A_555 : vector<2x18xi32>
    %and3A_557 = arith.andi %eq3A_553, %eq3A_556 : vector<2x18xi1>
    %jit3A_558 = arith.constant 0.000000e+00 : f32
    %broadcast_in_dim3A_559 = vector.broadcast %reduce_sum3A_550 : f32 to vector<2x18xf32>
    %broadcast_in_dim3A_560 = vector.broadcast %jit3A_558 : f32 to vector<2x18xf32>
    %select_n3A_561 = arith.select %and3A_557, %broadcast_in_dim3A_559, %broadcast_in_dim3A_560 : vector<2x18xi1>, vector<2x18xf32>
    %add3A_562 = arith.addf %add3A_542, %select_n3A_561 : vector<2x18xf32>
    %jit3A_563 = arith.constant 0.000000e+00 : f32
    %broadcast_in_dim3A_564 = vector.broadcast %jit3A_563 : f32 to vector<128x128xf32>
    %select_n3A_565 = arith.select %and3A_482, %min3A_121, %broadcast_in_dim3A_564 : vector<128x128xi1>, vector<128x128xf32>
    %reduce_sum3A_566 = vector.shape_cast %select_n3A_565 : vector<128x128xf32> to vector<1x128x128xf32>
    %reduce_sum3A_567 = arith.constant dense<0.000000e+00> : vector<1xf32>
    %reduce_sum3A_568 = vector.multi_reduction <add>, %reduce_sum3A_566, %reduce_sum3A_567 [1, 2] : vector<1x128x128xf32> to vector<1xf32>
    %reduce_sum3A_569 = vector.shape_cast %reduce_sum3A_568 : vector<1xf32> to vector<1x1x1xf32>
    %reduce_sum3A_570 = vector.extract %reduce_sum3A_569[0, 0, 0] : f32 from vector<1x1x1xf32>
    %eq3A_571 = arith.constant 0 : i32
    %eq3A_572 = vector.broadcast %eq3A_571 : i32 to vector<2x18xi32>
    %eq3A_573 = arith.cmpi eq, %iota3A_289, %eq3A_572 : vector<2x18xi32>
    %eq3A_574 = arith.constant 9 : i32
    %eq3A_575 = vector.broadcast %eq3A_574 : i32 to vector<2x18xi32>
    %eq3A_576 = arith.cmpi eq, %iota3A_290, %eq3A_575 : vector<2x18xi32>
    %and3A_577 = arith.andi %eq3A_573, %eq3A_576 : vector<2x18xi1>
    %jit3A_578 = arith.constant 0.000000e+00 : f32
    %broadcast_in_dim3A_579 = vector.broadcast %reduce_sum3A_570 : f32 to vector<2x18xf32>
    %broadcast_in_dim3A_580 = vector.broadcast %jit3A_578 : f32 to vector<2x18xf32>
    %select_n3A_581 = arith.select %and3A_577, %broadcast_in_dim3A_579, %broadcast_in_dim3A_580 : vector<2x18xi1>, vector<2x18xf32>
    %add3A_582 = arith.addf %add3A_562, %select_n3A_581 : vector<2x18xf32>
    %jit3A_583 = arith.constant 0.000000e+00 : f32
    %broadcast_in_dim3A_584 = vector.broadcast %jit3A_583 : f32 to vector<128x128xf32>
    %select_n3A_585 = arith.select %and3A_482, %min3A_122, %broadcast_in_dim3A_584 : vector<128x128xi1>, vector<128x128xf32>
    %reduce_sum3A_586 = vector.shape_cast %select_n3A_585 : vector<128x128xf32> to vector<1x128x128xf32>
    %reduce_sum3A_587 = arith.constant dense<0.000000e+00> : vector<1xf32>
    %reduce_sum3A_588 = vector.multi_reduction <add>, %reduce_sum3A_586, %reduce_sum3A_587 [1, 2] : vector<1x128x128xf32> to vector<1xf32>
    %reduce_sum3A_589 = vector.shape_cast %reduce_sum3A_588 : vector<1xf32> to vector<1x1x1xf32>
    %reduce_sum3A_590 = vector.extract %reduce_sum3A_589[0, 0, 0] : f32 from vector<1x1x1xf32>
    %eq3A_591 = arith.constant 0 : i32
    %eq3A_592 = vector.broadcast %eq3A_591 : i32 to vector<2x18xi32>
    %eq3A_593 = arith.cmpi eq, %iota3A_289, %eq3A_592 : vector<2x18xi32>
    %eq3A_594 = arith.constant 11 : i32
    %eq3A_595 = vector.broadcast %eq3A_594 : i32 to vector<2x18xi32>
    %eq3A_596 = arith.cmpi eq, %iota3A_290, %eq3A_595 : vector<2x18xi32>
    %and3A_597 = arith.andi %eq3A_593, %eq3A_596 : vector<2x18xi1>
    %jit3A_598 = arith.constant 0.000000e+00 : f32
    %broadcast_in_dim3A_599 = vector.broadcast %reduce_sum3A_590 : f32 to vector<2x18xf32>
    %broadcast_in_dim3A_600 = vector.broadcast %jit3A_598 : f32 to vector<2x18xf32>
    %select_n3A_601 = arith.select %and3A_597, %broadcast_in_dim3A_599, %broadcast_in_dim3A_600 : vector<2x18xi1>, vector<2x18xf32>
    %add3A_602 = arith.addf %add3A_582, %select_n3A_601 : vector<2x18xf32>
    %jit3A_603 = arith.constant 0.000000e+00 : f32
    %broadcast_in_dim3A_604 = vector.broadcast %jit3A_603 : f32 to vector<128x128xf32>
    %select_n3A_605 = arith.select %and3A_482, %min3A_123, %broadcast_in_dim3A_604 : vector<128x128xi1>, vector<128x128xf32>
    %reduce_sum3A_606 = vector.shape_cast %select_n3A_605 : vector<128x128xf32> to vector<1x128x128xf32>
    %reduce_sum3A_607 = arith.constant dense<0.000000e+00> : vector<1xf32>
    %reduce_sum3A_608 = vector.multi_reduction <add>, %reduce_sum3A_606, %reduce_sum3A_607 [1, 2] : vector<1x128x128xf32> to vector<1xf32>
    %reduce_sum3A_609 = vector.shape_cast %reduce_sum3A_608 : vector<1xf32> to vector<1x1x1xf32>
    %reduce_sum3A_610 = vector.extract %reduce_sum3A_609[0, 0, 0] : f32 from vector<1x1x1xf32>
    %eq3A_611 = arith.constant 0 : i32
    %eq3A_612 = vector.broadcast %eq3A_611 : i32 to vector<2x18xi32>
    %eq3A_613 = arith.cmpi eq, %iota3A_289, %eq3A_612 : vector<2x18xi32>
    %eq3A_614 = arith.constant 13 : i32
    %eq3A_615 = vector.broadcast %eq3A_614 : i32 to vector<2x18xi32>
    %eq3A_616 = arith.cmpi eq, %iota3A_290, %eq3A_615 : vector<2x18xi32>
    %and3A_617 = arith.andi %eq3A_613, %eq3A_616 : vector<2x18xi1>
    %jit3A_618 = arith.constant 0.000000e+00 : f32
    %broadcast_in_dim3A_619 = vector.broadcast %reduce_sum3A_610 : f32 to vector<2x18xf32>
    %broadcast_in_dim3A_620 = vector.broadcast %jit3A_618 : f32 to vector<2x18xf32>
    %select_n3A_621 = arith.select %and3A_617, %broadcast_in_dim3A_619, %broadcast_in_dim3A_620 : vector<2x18xi1>, vector<2x18xf32>
    %add3A_622 = arith.addf %add3A_602, %select_n3A_621 : vector<2x18xf32>
    %jit3A_623 = arith.constant 0.000000e+00 : f32
    %broadcast_in_dim3A_624 = vector.broadcast %jit3A_623 : f32 to vector<128x128xf32>
    %select_n3A_625 = arith.select %and3A_482, %min3A_124, %broadcast_in_dim3A_624 : vector<128x128xi1>, vector<128x128xf32>
    %reduce_sum3A_626 = vector.shape_cast %select_n3A_625 : vector<128x128xf32> to vector<1x128x128xf32>
    %reduce_sum3A_627 = arith.constant dense<0.000000e+00> : vector<1xf32>
    %reduce_sum3A_628 = vector.multi_reduction <add>, %reduce_sum3A_626, %reduce_sum3A_627 [1, 2] : vector<1x128x128xf32> to vector<1xf32>
    %reduce_sum3A_629 = vector.shape_cast %reduce_sum3A_628 : vector<1xf32> to vector<1x1x1xf32>
    %reduce_sum3A_630 = vector.extract %reduce_sum3A_629[0, 0, 0] : f32 from vector<1x1x1xf32>
    %eq3A_631 = arith.constant 0 : i32
    %eq3A_632 = vector.broadcast %eq3A_631 : i32 to vector<2x18xi32>
    %eq3A_633 = arith.cmpi eq, %iota3A_289, %eq3A_632 : vector<2x18xi32>
    %eq3A_634 = arith.constant 15 : i32
    %eq3A_635 = vector.broadcast %eq3A_634 : i32 to vector<2x18xi32>
    %eq3A_636 = arith.cmpi eq, %iota3A_290, %eq3A_635 : vector<2x18xi32>
    %and3A_637 = arith.andi %eq3A_633, %eq3A_636 : vector<2x18xi1>
    %jit3A_638 = arith.constant 0.000000e+00 : f32
    %broadcast_in_dim3A_639 = vector.broadcast %reduce_sum3A_630 : f32 to vector<2x18xf32>
    %broadcast_in_dim3A_640 = vector.broadcast %jit3A_638 : f32 to vector<2x18xf32>
    %select_n3A_641 = arith.select %and3A_637, %broadcast_in_dim3A_639, %broadcast_in_dim3A_640 : vector<2x18xi1>, vector<2x18xf32>
    %add3A_642 = arith.addf %add3A_622, %select_n3A_641 : vector<2x18xf32>
    %jit3A_643 = arith.constant 0.000000e+00 : f32
    %broadcast_in_dim3A_644 = vector.broadcast %jit3A_643 : f32 to vector<128x128xf32>
    %select_n3A_645 = arith.select %and3A_482, %min3A_125, %broadcast_in_dim3A_644 : vector<128x128xi1>, vector<128x128xf32>
    %reduce_sum3A_646 = vector.shape_cast %select_n3A_645 : vector<128x128xf32> to vector<1x128x128xf32>
    %reduce_sum3A_647 = arith.constant dense<0.000000e+00> : vector<1xf32>
    %reduce_sum3A_648 = vector.multi_reduction <add>, %reduce_sum3A_646, %reduce_sum3A_647 [1, 2] : vector<1x128x128xf32> to vector<1xf32>
    %reduce_sum3A_649 = vector.shape_cast %reduce_sum3A_648 : vector<1xf32> to vector<1x1x1xf32>
    %reduce_sum3A_650 = vector.extract %reduce_sum3A_649[0, 0, 0] : f32 from vector<1x1x1xf32>
    %eq3A_651 = arith.constant 0 : i32
    %eq3A_652 = vector.broadcast %eq3A_651 : i32 to vector<2x18xi32>
    %eq3A_653 = arith.cmpi eq, %iota3A_289, %eq3A_652 : vector<2x18xi32>
    %eq3A_654 = arith.constant 17 : i32
    %eq3A_655 = vector.broadcast %eq3A_654 : i32 to vector<2x18xi32>
    %eq3A_656 = arith.cmpi eq, %iota3A_290, %eq3A_655 : vector<2x18xi32>
    %and3A_657 = arith.andi %eq3A_653, %eq3A_656 : vector<2x18xi1>
    %jit3A_658 = arith.constant 0.000000e+00 : f32
    %broadcast_in_dim3A_659 = vector.broadcast %reduce_sum3A_650 : f32 to vector<2x18xf32>
    %broadcast_in_dim3A_660 = vector.broadcast %jit3A_658 : f32 to vector<2x18xf32>
    %select_n3A_661 = arith.select %and3A_657, %broadcast_in_dim3A_659, %broadcast_in_dim3A_660 : vector<2x18xi1>, vector<2x18xf32>
    %add3A_662 = arith.addf %add3A_642, %select_n3A_661 : vector<2x18xf32>
    %eq3A_663 = arith.constant 0 : i32
    %eq3A_664 = vector.broadcast %eq3A_663 : i32 to vector<128x128xi32>
    %eq3A_665 = arith.cmpi eq, %get3A_258, %eq3A_664 : vector<128x128xi32>
    %and3A_666 = arith.andi %and3A_295, %eq3A_665 : vector<128x128xi1>
    %jit3A_667 = arith.constant 1.000000e+00 : f32
    %jit3A_668 = arith.constant 0.000000e+00 : f32
    %broadcast_in_dim3A_669 = vector.broadcast %jit3A_667 : f32 to vector<128x128xf32>
    %broadcast_in_dim3A_670 = vector.broadcast %jit3A_668 : f32 to vector<128x128xf32>
    %select_n3A_671 = arith.select %and3A_666, %broadcast_in_dim3A_669, %broadcast_in_dim3A_670 : vector<128x128xi1>, vector<128x128xf32>
    %reduce_sum3A_672 = vector.shape_cast %select_n3A_671 : vector<128x128xf32> to vector<1x128x128xf32>
    %reduce_sum3A_673 = arith.constant dense<0.000000e+00> : vector<1xf32>
    %reduce_sum3A_674 = vector.multi_reduction <add>, %reduce_sum3A_672, %reduce_sum3A_673 [1, 2] : vector<1x128x128xf32> to vector<1xf32>
    %reduce_sum3A_675 = vector.shape_cast %reduce_sum3A_674 : vector<1xf32> to vector<1x1x1xf32>
    %reduce_sum3A_676 = vector.extract %reduce_sum3A_675[0, 0, 0] : f32 from vector<1x1x1xf32>
    %eq3A_677 = arith.constant 0 : i32
    %eq3A_678 = vector.broadcast %eq3A_677 : i32 to vector<2x8xi32>
    %eq3A_679 = arith.cmpi eq, %iota3A_291, %eq3A_678 : vector<2x8xi32>
    %eq3A_680 = arith.constant 0 : i32
    %eq3A_681 = vector.broadcast %eq3A_680 : i32 to vector<2x8xi32>
    %eq3A_682 = arith.cmpi eq, %iota3A_292, %eq3A_681 : vector<2x8xi32>
    %and3A_683 = arith.andi %eq3A_679, %eq3A_682 : vector<2x8xi1>
    %jit3A_684 = arith.constant 0.000000e+00 : f32
    %broadcast_in_dim3A_685 = vector.broadcast %reduce_sum3A_676 : f32 to vector<2x8xf32>
    %broadcast_in_dim3A_686 = vector.broadcast %jit3A_684 : f32 to vector<2x8xf32>
    %select_n3A_687 = arith.select %and3A_683, %broadcast_in_dim3A_685, %broadcast_in_dim3A_686 : vector<2x8xi1>, vector<2x8xf32>
    %add3A_688 = arith.addf %broadcast_in_dim3A_288, %select_n3A_687 : vector<2x8xf32>
    %eq3A_689 = arith.constant 1 : i32
    %eq3A_690 = vector.broadcast %eq3A_689 : i32 to vector<128x128xi32>
    %eq3A_691 = arith.cmpi eq, %get3A_258, %eq3A_690 : vector<128x128xi32>
    %and3A_692 = arith.andi %and3A_295, %eq3A_691 : vector<128x128xi1>
    %jit3A_693 = arith.constant 1.000000e+00 : f32
    %jit3A_694 = arith.constant 0.000000e+00 : f32
    %broadcast_in_dim3A_695 = vector.broadcast %jit3A_693 : f32 to vector<128x128xf32>
    %broadcast_in_dim3A_696 = vector.broadcast %jit3A_694 : f32 to vector<128x128xf32>
    %select_n3A_697 = arith.select %and3A_692, %broadcast_in_dim3A_695, %broadcast_in_dim3A_696 : vector<128x128xi1>, vector<128x128xf32>
    %reduce_sum3A_698 = vector.shape_cast %select_n3A_697 : vector<128x128xf32> to vector<1x128x128xf32>
    %reduce_sum3A_699 = arith.constant dense<0.000000e+00> : vector<1xf32>
    %reduce_sum3A_700 = vector.multi_reduction <add>, %reduce_sum3A_698, %reduce_sum3A_699 [1, 2] : vector<1x128x128xf32> to vector<1xf32>
    %reduce_sum3A_701 = vector.shape_cast %reduce_sum3A_700 : vector<1xf32> to vector<1x1x1xf32>
    %reduce_sum3A_702 = vector.extract %reduce_sum3A_701[0, 0, 0] : f32 from vector<1x1x1xf32>
    %eq3A_703 = arith.constant 0 : i32
    %eq3A_704 = vector.broadcast %eq3A_703 : i32 to vector<2x8xi32>
    %eq3A_705 = arith.cmpi eq, %iota3A_291, %eq3A_704 : vector<2x8xi32>
    %eq3A_706 = arith.constant 1 : i32
    %eq3A_707 = vector.broadcast %eq3A_706 : i32 to vector<2x8xi32>
    %eq3A_708 = arith.cmpi eq, %iota3A_292, %eq3A_707 : vector<2x8xi32>
    %and3A_709 = arith.andi %eq3A_705, %eq3A_708 : vector<2x8xi1>
    %jit3A_710 = arith.constant 0.000000e+00 : f32
    %broadcast_in_dim3A_711 = vector.broadcast %reduce_sum3A_702 : f32 to vector<2x8xf32>
    %broadcast_in_dim3A_712 = vector.broadcast %jit3A_710 : f32 to vector<2x8xf32>
    %select_n3A_713 = arith.select %and3A_709, %broadcast_in_dim3A_711, %broadcast_in_dim3A_712 : vector<2x8xi1>, vector<2x8xf32>
    %add3A_714 = arith.addf %add3A_688, %select_n3A_713 : vector<2x8xf32>
    %eq3A_715 = arith.constant 2 : i32
    %eq3A_716 = vector.broadcast %eq3A_715 : i32 to vector<128x128xi32>
    %eq3A_717 = arith.cmpi eq, %get3A_258, %eq3A_716 : vector<128x128xi32>
    %and3A_718 = arith.andi %and3A_295, %eq3A_717 : vector<128x128xi1>
    %jit3A_719 = arith.constant 1.000000e+00 : f32
    %jit3A_720 = arith.constant 0.000000e+00 : f32
    %broadcast_in_dim3A_721 = vector.broadcast %jit3A_719 : f32 to vector<128x128xf32>
    %broadcast_in_dim3A_722 = vector.broadcast %jit3A_720 : f32 to vector<128x128xf32>
    %select_n3A_723 = arith.select %and3A_718, %broadcast_in_dim3A_721, %broadcast_in_dim3A_722 : vector<128x128xi1>, vector<128x128xf32>
    %reduce_sum3A_724 = vector.shape_cast %select_n3A_723 : vector<128x128xf32> to vector<1x128x128xf32>
    %reduce_sum3A_725 = arith.constant dense<0.000000e+00> : vector<1xf32>
    %reduce_sum3A_726 = vector.multi_reduction <add>, %reduce_sum3A_724, %reduce_sum3A_725 [1, 2] : vector<1x128x128xf32> to vector<1xf32>
    %reduce_sum3A_727 = vector.shape_cast %reduce_sum3A_726 : vector<1xf32> to vector<1x1x1xf32>
    %reduce_sum3A_728 = vector.extract %reduce_sum3A_727[0, 0, 0] : f32 from vector<1x1x1xf32>
    %eq3A_729 = arith.constant 0 : i32
    %eq3A_730 = vector.broadcast %eq3A_729 : i32 to vector<2x8xi32>
    %eq3A_731 = arith.cmpi eq, %iota3A_291, %eq3A_730 : vector<2x8xi32>
    %eq3A_732 = arith.constant 2 : i32
    %eq3A_733 = vector.broadcast %eq3A_732 : i32 to vector<2x8xi32>
    %eq3A_734 = arith.cmpi eq, %iota3A_292, %eq3A_733 : vector<2x8xi32>
    %and3A_735 = arith.andi %eq3A_731, %eq3A_734 : vector<2x8xi1>
    %jit3A_736 = arith.constant 0.000000e+00 : f32
    %broadcast_in_dim3A_737 = vector.broadcast %reduce_sum3A_728 : f32 to vector<2x8xf32>
    %broadcast_in_dim3A_738 = vector.broadcast %jit3A_736 : f32 to vector<2x8xf32>
    %select_n3A_739 = arith.select %and3A_735, %broadcast_in_dim3A_737, %broadcast_in_dim3A_738 : vector<2x8xi1>, vector<2x8xf32>
    %add3A_740 = arith.addf %add3A_714, %select_n3A_739 : vector<2x8xf32>
    %eq3A_741 = arith.constant 3 : i32
    %eq3A_742 = vector.broadcast %eq3A_741 : i32 to vector<128x128xi32>
    %eq3A_743 = arith.cmpi eq, %get3A_258, %eq3A_742 : vector<128x128xi32>
    %and3A_744 = arith.andi %and3A_295, %eq3A_743 : vector<128x128xi1>
    %jit3A_745 = arith.constant 1.000000e+00 : f32
    %jit3A_746 = arith.constant 0.000000e+00 : f32
    %broadcast_in_dim3A_747 = vector.broadcast %jit3A_745 : f32 to vector<128x128xf32>
    %broadcast_in_dim3A_748 = vector.broadcast %jit3A_746 : f32 to vector<128x128xf32>
    %select_n3A_749 = arith.select %and3A_744, %broadcast_in_dim3A_747, %broadcast_in_dim3A_748 : vector<128x128xi1>, vector<128x128xf32>
    %reduce_sum3A_750 = vector.shape_cast %select_n3A_749 : vector<128x128xf32> to vector<1x128x128xf32>
    %reduce_sum3A_751 = arith.constant dense<0.000000e+00> : vector<1xf32>
    %reduce_sum3A_752 = vector.multi_reduction <add>, %reduce_sum3A_750, %reduce_sum3A_751 [1, 2] : vector<1x128x128xf32> to vector<1xf32>
    %reduce_sum3A_753 = vector.shape_cast %reduce_sum3A_752 : vector<1xf32> to vector<1x1x1xf32>
    %reduce_sum3A_754 = vector.extract %reduce_sum3A_753[0, 0, 0] : f32 from vector<1x1x1xf32>
    %eq3A_755 = arith.constant 0 : i32
    %eq3A_756 = vector.broadcast %eq3A_755 : i32 to vector<2x8xi32>
    %eq3A_757 = arith.cmpi eq, %iota3A_291, %eq3A_756 : vector<2x8xi32>
    %eq3A_758 = arith.constant 3 : i32
    %eq3A_759 = vector.broadcast %eq3A_758 : i32 to vector<2x8xi32>
    %eq3A_760 = arith.cmpi eq, %iota3A_292, %eq3A_759 : vector<2x8xi32>
    %and3A_761 = arith.andi %eq3A_757, %eq3A_760 : vector<2x8xi1>
    %jit3A_762 = arith.constant 0.000000e+00 : f32
    %broadcast_in_dim3A_763 = vector.broadcast %reduce_sum3A_754 : f32 to vector<2x8xf32>
    %broadcast_in_dim3A_764 = vector.broadcast %jit3A_762 : f32 to vector<2x8xf32>
    %select_n3A_765 = arith.select %and3A_761, %broadcast_in_dim3A_763, %broadcast_in_dim3A_764 : vector<2x8xi1>, vector<2x8xf32>
    %add3A_766 = arith.addf %add3A_740, %select_n3A_765 : vector<2x8xf32>
    %eq3A_767 = arith.constant 4 : i32
    %eq3A_768 = vector.broadcast %eq3A_767 : i32 to vector<128x128xi32>
    %eq3A_769 = arith.cmpi eq, %get3A_258, %eq3A_768 : vector<128x128xi32>
    %and3A_770 = arith.andi %and3A_295, %eq3A_769 : vector<128x128xi1>
    %jit3A_771 = arith.constant 1.000000e+00 : f32
    %jit3A_772 = arith.constant 0.000000e+00 : f32
    %broadcast_in_dim3A_773 = vector.broadcast %jit3A_771 : f32 to vector<128x128xf32>
    %broadcast_in_dim3A_774 = vector.broadcast %jit3A_772 : f32 to vector<128x128xf32>
    %select_n3A_775 = arith.select %and3A_770, %broadcast_in_dim3A_773, %broadcast_in_dim3A_774 : vector<128x128xi1>, vector<128x128xf32>
    %reduce_sum3A_776 = vector.shape_cast %select_n3A_775 : vector<128x128xf32> to vector<1x128x128xf32>
    %reduce_sum3A_777 = arith.constant dense<0.000000e+00> : vector<1xf32>
    %reduce_sum3A_778 = vector.multi_reduction <add>, %reduce_sum3A_776, %reduce_sum3A_777 [1, 2] : vector<1x128x128xf32> to vector<1xf32>
    %reduce_sum3A_779 = vector.shape_cast %reduce_sum3A_778 : vector<1xf32> to vector<1x1x1xf32>
    %reduce_sum3A_780 = vector.extract %reduce_sum3A_779[0, 0, 0] : f32 from vector<1x1x1xf32>
    %eq3A_781 = arith.constant 0 : i32
    %eq3A_782 = vector.broadcast %eq3A_781 : i32 to vector<2x8xi32>
    %eq3A_783 = arith.cmpi eq, %iota3A_291, %eq3A_782 : vector<2x8xi32>
    %eq3A_784 = arith.constant 4 : i32
    %eq3A_785 = vector.broadcast %eq3A_784 : i32 to vector<2x8xi32>
    %eq3A_786 = arith.cmpi eq, %iota3A_292, %eq3A_785 : vector<2x8xi32>
    %and3A_787 = arith.andi %eq3A_783, %eq3A_786 : vector<2x8xi1>
    %jit3A_788 = arith.constant 0.000000e+00 : f32
    %broadcast_in_dim3A_789 = vector.broadcast %reduce_sum3A_780 : f32 to vector<2x8xf32>
    %broadcast_in_dim3A_790 = vector.broadcast %jit3A_788 : f32 to vector<2x8xf32>
    %select_n3A_791 = arith.select %and3A_787, %broadcast_in_dim3A_789, %broadcast_in_dim3A_790 : vector<2x8xi1>, vector<2x8xf32>
    %add3A_792 = arith.addf %add3A_766, %select_n3A_791 : vector<2x8xf32>
    %eq3A_793 = arith.constant 5 : i32
    %eq3A_794 = vector.broadcast %eq3A_793 : i32 to vector<128x128xi32>
    %eq3A_795 = arith.cmpi eq, %get3A_258, %eq3A_794 : vector<128x128xi32>
    %and3A_796 = arith.andi %and3A_295, %eq3A_795 : vector<128x128xi1>
    %jit3A_797 = arith.constant 1.000000e+00 : f32
    %jit3A_798 = arith.constant 0.000000e+00 : f32
    %broadcast_in_dim3A_799 = vector.broadcast %jit3A_797 : f32 to vector<128x128xf32>
    %broadcast_in_dim3A_800 = vector.broadcast %jit3A_798 : f32 to vector<128x128xf32>
    %select_n3A_801 = arith.select %and3A_796, %broadcast_in_dim3A_799, %broadcast_in_dim3A_800 : vector<128x128xi1>, vector<128x128xf32>
    %reduce_sum3A_802 = vector.shape_cast %select_n3A_801 : vector<128x128xf32> to vector<1x128x128xf32>
    %reduce_sum3A_803 = arith.constant dense<0.000000e+00> : vector<1xf32>
    %reduce_sum3A_804 = vector.multi_reduction <add>, %reduce_sum3A_802, %reduce_sum3A_803 [1, 2] : vector<1x128x128xf32> to vector<1xf32>
    %reduce_sum3A_805 = vector.shape_cast %reduce_sum3A_804 : vector<1xf32> to vector<1x1x1xf32>
    %reduce_sum3A_806 = vector.extract %reduce_sum3A_805[0, 0, 0] : f32 from vector<1x1x1xf32>
    %eq3A_807 = arith.constant 0 : i32
    %eq3A_808 = vector.broadcast %eq3A_807 : i32 to vector<2x8xi32>
    %eq3A_809 = arith.cmpi eq, %iota3A_291, %eq3A_808 : vector<2x8xi32>
    %eq3A_810 = arith.constant 5 : i32
    %eq3A_811 = vector.broadcast %eq3A_810 : i32 to vector<2x8xi32>
    %eq3A_812 = arith.cmpi eq, %iota3A_292, %eq3A_811 : vector<2x8xi32>
    %and3A_813 = arith.andi %eq3A_809, %eq3A_812 : vector<2x8xi1>
    %jit3A_814 = arith.constant 0.000000e+00 : f32
    %broadcast_in_dim3A_815 = vector.broadcast %reduce_sum3A_806 : f32 to vector<2x8xf32>
    %broadcast_in_dim3A_816 = vector.broadcast %jit3A_814 : f32 to vector<2x8xf32>
    %select_n3A_817 = arith.select %and3A_813, %broadcast_in_dim3A_815, %broadcast_in_dim3A_816 : vector<2x8xi1>, vector<2x8xf32>
    %add3A_818 = arith.addf %add3A_792, %select_n3A_817 : vector<2x8xf32>
    %eq3A_819 = arith.constant 6 : i32
    %eq3A_820 = vector.broadcast %eq3A_819 : i32 to vector<128x128xi32>
    %eq3A_821 = arith.cmpi eq, %get3A_258, %eq3A_820 : vector<128x128xi32>
    %and3A_822 = arith.andi %and3A_295, %eq3A_821 : vector<128x128xi1>
    %jit3A_823 = arith.constant 1.000000e+00 : f32
    %jit3A_824 = arith.constant 0.000000e+00 : f32
    %broadcast_in_dim3A_825 = vector.broadcast %jit3A_823 : f32 to vector<128x128xf32>
    %broadcast_in_dim3A_826 = vector.broadcast %jit3A_824 : f32 to vector<128x128xf32>
    %select_n3A_827 = arith.select %and3A_822, %broadcast_in_dim3A_825, %broadcast_in_dim3A_826 : vector<128x128xi1>, vector<128x128xf32>
    %reduce_sum3A_828 = vector.shape_cast %select_n3A_827 : vector<128x128xf32> to vector<1x128x128xf32>
    %reduce_sum3A_829 = arith.constant dense<0.000000e+00> : vector<1xf32>
    %reduce_sum3A_830 = vector.multi_reduction <add>, %reduce_sum3A_828, %reduce_sum3A_829 [1, 2] : vector<1x128x128xf32> to vector<1xf32>
    %reduce_sum3A_831 = vector.shape_cast %reduce_sum3A_830 : vector<1xf32> to vector<1x1x1xf32>
    %reduce_sum3A_832 = vector.extract %reduce_sum3A_831[0, 0, 0] : f32 from vector<1x1x1xf32>
    %eq3A_833 = arith.constant 0 : i32
    %eq3A_834 = vector.broadcast %eq3A_833 : i32 to vector<2x8xi32>
    %eq3A_835 = arith.cmpi eq, %iota3A_291, %eq3A_834 : vector<2x8xi32>
    %eq3A_836 = arith.constant 6 : i32
    %eq3A_837 = vector.broadcast %eq3A_836 : i32 to vector<2x8xi32>
    %eq3A_838 = arith.cmpi eq, %iota3A_292, %eq3A_837 : vector<2x8xi32>
    %and3A_839 = arith.andi %eq3A_835, %eq3A_838 : vector<2x8xi1>
    %jit3A_840 = arith.constant 0.000000e+00 : f32
    %broadcast_in_dim3A_841 = vector.broadcast %reduce_sum3A_832 : f32 to vector<2x8xf32>
    %broadcast_in_dim3A_842 = vector.broadcast %jit3A_840 : f32 to vector<2x8xf32>
    %select_n3A_843 = arith.select %and3A_839, %broadcast_in_dim3A_841, %broadcast_in_dim3A_842 : vector<2x8xi1>, vector<2x8xf32>
    %add3A_844 = arith.addf %add3A_818, %select_n3A_843 : vector<2x8xf32>
    %eq3A_845 = arith.constant 7 : i32
    %eq3A_846 = vector.broadcast %eq3A_845 : i32 to vector<128x128xi32>
    %eq3A_847 = arith.cmpi eq, %get3A_258, %eq3A_846 : vector<128x128xi32>
    %and3A_848 = arith.andi %and3A_295, %eq3A_847 : vector<128x128xi1>
    %jit3A_849 = arith.constant 1.000000e+00 : f32
    %jit3A_850 = arith.constant 0.000000e+00 : f32
    %broadcast_in_dim3A_851 = vector.broadcast %jit3A_849 : f32 to vector<128x128xf32>
    %broadcast_in_dim3A_852 = vector.broadcast %jit3A_850 : f32 to vector<128x128xf32>
    %select_n3A_853 = arith.select %and3A_848, %broadcast_in_dim3A_851, %broadcast_in_dim3A_852 : vector<128x128xi1>, vector<128x128xf32>
    %reduce_sum3A_854 = vector.shape_cast %select_n3A_853 : vector<128x128xf32> to vector<1x128x128xf32>
    %reduce_sum3A_855 = arith.constant dense<0.000000e+00> : vector<1xf32>
    %reduce_sum3A_856 = vector.multi_reduction <add>, %reduce_sum3A_854, %reduce_sum3A_855 [1, 2] : vector<1x128x128xf32> to vector<1xf32>
    %reduce_sum3A_857 = vector.shape_cast %reduce_sum3A_856 : vector<1xf32> to vector<1x1x1xf32>
    %reduce_sum3A_858 = vector.extract %reduce_sum3A_857[0, 0, 0] : f32 from vector<1x1x1xf32>
    %eq3A_859 = arith.constant 0 : i32
    %eq3A_860 = vector.broadcast %eq3A_859 : i32 to vector<2x8xi32>
    %eq3A_861 = arith.cmpi eq, %iota3A_291, %eq3A_860 : vector<2x8xi32>
    %eq3A_862 = arith.constant 7 : i32
    %eq3A_863 = vector.broadcast %eq3A_862 : i32 to vector<2x8xi32>
    %eq3A_864 = arith.cmpi eq, %iota3A_292, %eq3A_863 : vector<2x8xi32>
    %and3A_865 = arith.andi %eq3A_861, %eq3A_864 : vector<2x8xi1>
    %jit3A_866 = arith.constant 0.000000e+00 : f32
    %broadcast_in_dim3A_867 = vector.broadcast %reduce_sum3A_858 : f32 to vector<2x8xf32>
    %broadcast_in_dim3A_868 = vector.broadcast %jit3A_866 : f32 to vector<2x8xf32>
    %select_n3A_869 = arith.select %and3A_865, %broadcast_in_dim3A_867, %broadcast_in_dim3A_868 : vector<2x8xi1>, vector<2x8xf32>
    %add3A_870 = arith.addf %add3A_844, %select_n3A_869 : vector<2x8xf32>
    %eq3A_871 = arith.constant 1 : i32
    %eq3A_872 = vector.broadcast %eq3A_871 : i32 to vector<128x128xi32>
    %eq3A_873 = arith.cmpi eq, %get3A_255, %eq3A_872 : vector<128x128xi32>
    %and3A_874 = arith.andi %and3A_272, %eq3A_873 : vector<128x128xi1>
    %eq3A_875 = arith.constant 0 : i32
    %eq3A_876 = vector.broadcast %eq3A_875 : i32 to vector<128x128xi32>
    %eq3A_877 = arith.cmpi eq, %get3A_252, %eq3A_876 : vector<128x128xi32>
    %and3A_878 = arith.andi %and3A_874, %eq3A_877 : vector<128x128xi1>
    %jit3A_879 = arith.constant 0.000000e+00 : f32
    %broadcast_in_dim3A_880 = vector.broadcast %jit3A_879 : f32 to vector<128x128xf32>
    %select_n3A_881 = arith.select %and3A_878, %min3A_117, %broadcast_in_dim3A_880 : vector<128x128xi1>, vector<128x128xf32>
    %reduce_sum3A_882 = vector.shape_cast %select_n3A_881 : vector<128x128xf32> to vector<1x128x128xf32>
    %reduce_sum3A_883 = arith.constant dense<0.000000e+00> : vector<1xf32>
    %reduce_sum3A_884 = vector.multi_reduction <add>, %reduce_sum3A_882, %reduce_sum3A_883 [1, 2] : vector<1x128x128xf32> to vector<1xf32>
    %reduce_sum3A_885 = vector.shape_cast %reduce_sum3A_884 : vector<1xf32> to vector<1x1x1xf32>
    %reduce_sum3A_886 = vector.extract %reduce_sum3A_885[0, 0, 0] : f32 from vector<1x1x1xf32>
    %eq3A_887 = arith.constant 1 : i32
    %eq3A_888 = vector.broadcast %eq3A_887 : i32 to vector<2x18xi32>
    %eq3A_889 = arith.cmpi eq, %iota3A_289, %eq3A_888 : vector<2x18xi32>
    %eq3A_890 = arith.constant 0 : i32
    %eq3A_891 = vector.broadcast %eq3A_890 : i32 to vector<2x18xi32>
    %eq3A_892 = arith.cmpi eq, %iota3A_290, %eq3A_891 : vector<2x18xi32>
    %and3A_893 = arith.andi %eq3A_889, %eq3A_892 : vector<2x18xi1>
    %jit3A_894 = arith.constant 0.000000e+00 : f32
    %broadcast_in_dim3A_895 = vector.broadcast %reduce_sum3A_886 : f32 to vector<2x18xf32>
    %broadcast_in_dim3A_896 = vector.broadcast %jit3A_894 : f32 to vector<2x18xf32>
    %select_n3A_897 = arith.select %and3A_893, %broadcast_in_dim3A_895, %broadcast_in_dim3A_896 : vector<2x18xi1>, vector<2x18xf32>
    %add3A_898 = arith.addf %add3A_662, %select_n3A_897 : vector<2x18xf32>
    %jit3A_899 = arith.constant 0.000000e+00 : f32
    %broadcast_in_dim3A_900 = vector.broadcast %jit3A_899 : f32 to vector<128x128xf32>
    %select_n3A_901 = arith.select %and3A_878, %min3A_118, %broadcast_in_dim3A_900 : vector<128x128xi1>, vector<128x128xf32>
    %reduce_sum3A_902 = vector.shape_cast %select_n3A_901 : vector<128x128xf32> to vector<1x128x128xf32>
    %reduce_sum3A_903 = arith.constant dense<0.000000e+00> : vector<1xf32>
    %reduce_sum3A_904 = vector.multi_reduction <add>, %reduce_sum3A_902, %reduce_sum3A_903 [1, 2] : vector<1x128x128xf32> to vector<1xf32>
    %reduce_sum3A_905 = vector.shape_cast %reduce_sum3A_904 : vector<1xf32> to vector<1x1x1xf32>
    %reduce_sum3A_906 = vector.extract %reduce_sum3A_905[0, 0, 0] : f32 from vector<1x1x1xf32>
    %eq3A_907 = arith.constant 1 : i32
    %eq3A_908 = vector.broadcast %eq3A_907 : i32 to vector<2x18xi32>
    %eq3A_909 = arith.cmpi eq, %iota3A_289, %eq3A_908 : vector<2x18xi32>
    %eq3A_910 = arith.constant 2 : i32
    %eq3A_911 = vector.broadcast %eq3A_910 : i32 to vector<2x18xi32>
    %eq3A_912 = arith.cmpi eq, %iota3A_290, %eq3A_911 : vector<2x18xi32>
    %and3A_913 = arith.andi %eq3A_909, %eq3A_912 : vector<2x18xi1>
    %jit3A_914 = arith.constant 0.000000e+00 : f32
    %broadcast_in_dim3A_915 = vector.broadcast %reduce_sum3A_906 : f32 to vector<2x18xf32>
    %broadcast_in_dim3A_916 = vector.broadcast %jit3A_914 : f32 to vector<2x18xf32>
    %select_n3A_917 = arith.select %and3A_913, %broadcast_in_dim3A_915, %broadcast_in_dim3A_916 : vector<2x18xi1>, vector<2x18xf32>
    %add3A_918 = arith.addf %add3A_898, %select_n3A_917 : vector<2x18xf32>
    %jit3A_919 = arith.constant 0.000000e+00 : f32
    %broadcast_in_dim3A_920 = vector.broadcast %jit3A_919 : f32 to vector<128x128xf32>
    %select_n3A_921 = arith.select %and3A_878, %min3A_119, %broadcast_in_dim3A_920 : vector<128x128xi1>, vector<128x128xf32>
    %reduce_sum3A_922 = vector.shape_cast %select_n3A_921 : vector<128x128xf32> to vector<1x128x128xf32>
    %reduce_sum3A_923 = arith.constant dense<0.000000e+00> : vector<1xf32>
    %reduce_sum3A_924 = vector.multi_reduction <add>, %reduce_sum3A_922, %reduce_sum3A_923 [1, 2] : vector<1x128x128xf32> to vector<1xf32>
    %reduce_sum3A_925 = vector.shape_cast %reduce_sum3A_924 : vector<1xf32> to vector<1x1x1xf32>
    %reduce_sum3A_926 = vector.extract %reduce_sum3A_925[0, 0, 0] : f32 from vector<1x1x1xf32>
    %eq3A_927 = arith.constant 1 : i32
    %eq3A_928 = vector.broadcast %eq3A_927 : i32 to vector<2x18xi32>
    %eq3A_929 = arith.cmpi eq, %iota3A_289, %eq3A_928 : vector<2x18xi32>
    %eq3A_930 = arith.constant 4 : i32
    %eq3A_931 = vector.broadcast %eq3A_930 : i32 to vector<2x18xi32>
    %eq3A_932 = arith.cmpi eq, %iota3A_290, %eq3A_931 : vector<2x18xi32>
    %and3A_933 = arith.andi %eq3A_929, %eq3A_932 : vector<2x18xi1>
    %jit3A_934 = arith.constant 0.000000e+00 : f32
    %broadcast_in_dim3A_935 = vector.broadcast %reduce_sum3A_926 : f32 to vector<2x18xf32>
    %broadcast_in_dim3A_936 = vector.broadcast %jit3A_934 : f32 to vector<2x18xf32>
    %select_n3A_937 = arith.select %and3A_933, %broadcast_in_dim3A_935, %broadcast_in_dim3A_936 : vector<2x18xi1>, vector<2x18xf32>
    %add3A_938 = arith.addf %add3A_918, %select_n3A_937 : vector<2x18xf32>
    %jit3A_939 = arith.constant 0.000000e+00 : f32
    %broadcast_in_dim3A_940 = vector.broadcast %jit3A_939 : f32 to vector<128x128xf32>
    %select_n3A_941 = arith.select %and3A_878, %min3A_120, %broadcast_in_dim3A_940 : vector<128x128xi1>, vector<128x128xf32>
    %reduce_sum3A_942 = vector.shape_cast %select_n3A_941 : vector<128x128xf32> to vector<1x128x128xf32>
    %reduce_sum3A_943 = arith.constant dense<0.000000e+00> : vector<1xf32>
    %reduce_sum3A_944 = vector.multi_reduction <add>, %reduce_sum3A_942, %reduce_sum3A_943 [1, 2] : vector<1x128x128xf32> to vector<1xf32>
    %reduce_sum3A_945 = vector.shape_cast %reduce_sum3A_944 : vector<1xf32> to vector<1x1x1xf32>
    %reduce_sum3A_946 = vector.extract %reduce_sum3A_945[0, 0, 0] : f32 from vector<1x1x1xf32>
    %eq3A_947 = arith.constant 1 : i32
    %eq3A_948 = vector.broadcast %eq3A_947 : i32 to vector<2x18xi32>
    %eq3A_949 = arith.cmpi eq, %iota3A_289, %eq3A_948 : vector<2x18xi32>
    %eq3A_950 = arith.constant 6 : i32
    %eq3A_951 = vector.broadcast %eq3A_950 : i32 to vector<2x18xi32>
    %eq3A_952 = arith.cmpi eq, %iota3A_290, %eq3A_951 : vector<2x18xi32>
    %and3A_953 = arith.andi %eq3A_949, %eq3A_952 : vector<2x18xi1>
    %jit3A_954 = arith.constant 0.000000e+00 : f32
    %broadcast_in_dim3A_955 = vector.broadcast %reduce_sum3A_946 : f32 to vector<2x18xf32>
    %broadcast_in_dim3A_956 = vector.broadcast %jit3A_954 : f32 to vector<2x18xf32>
    %select_n3A_957 = arith.select %and3A_953, %broadcast_in_dim3A_955, %broadcast_in_dim3A_956 : vector<2x18xi1>, vector<2x18xf32>
    %add3A_958 = arith.addf %add3A_938, %select_n3A_957 : vector<2x18xf32>
    %jit3A_959 = arith.constant 0.000000e+00 : f32
    %broadcast_in_dim3A_960 = vector.broadcast %jit3A_959 : f32 to vector<128x128xf32>
    %select_n3A_961 = arith.select %and3A_878, %min3A_121, %broadcast_in_dim3A_960 : vector<128x128xi1>, vector<128x128xf32>
    %reduce_sum3A_962 = vector.shape_cast %select_n3A_961 : vector<128x128xf32> to vector<1x128x128xf32>
    %reduce_sum3A_963 = arith.constant dense<0.000000e+00> : vector<1xf32>
    %reduce_sum3A_964 = vector.multi_reduction <add>, %reduce_sum3A_962, %reduce_sum3A_963 [1, 2] : vector<1x128x128xf32> to vector<1xf32>
    %reduce_sum3A_965 = vector.shape_cast %reduce_sum3A_964 : vector<1xf32> to vector<1x1x1xf32>
    %reduce_sum3A_966 = vector.extract %reduce_sum3A_965[0, 0, 0] : f32 from vector<1x1x1xf32>
    %eq3A_967 = arith.constant 1 : i32
    %eq3A_968 = vector.broadcast %eq3A_967 : i32 to vector<2x18xi32>
    %eq3A_969 = arith.cmpi eq, %iota3A_289, %eq3A_968 : vector<2x18xi32>
    %eq3A_970 = arith.constant 8 : i32
    %eq3A_971 = vector.broadcast %eq3A_970 : i32 to vector<2x18xi32>
    %eq3A_972 = arith.cmpi eq, %iota3A_290, %eq3A_971 : vector<2x18xi32>
    %and3A_973 = arith.andi %eq3A_969, %eq3A_972 : vector<2x18xi1>
    %jit3A_974 = arith.constant 0.000000e+00 : f32
    %broadcast_in_dim3A_975 = vector.broadcast %reduce_sum3A_966 : f32 to vector<2x18xf32>
    %broadcast_in_dim3A_976 = vector.broadcast %jit3A_974 : f32 to vector<2x18xf32>
    %select_n3A_977 = arith.select %and3A_973, %broadcast_in_dim3A_975, %broadcast_in_dim3A_976 : vector<2x18xi1>, vector<2x18xf32>
    %add3A_978 = arith.addf %add3A_958, %select_n3A_977 : vector<2x18xf32>
    %jit3A_979 = arith.constant 0.000000e+00 : f32
    %broadcast_in_dim3A_980 = vector.broadcast %jit3A_979 : f32 to vector<128x128xf32>
    %select_n3A_981 = arith.select %and3A_878, %min3A_122, %broadcast_in_dim3A_980 : vector<128x128xi1>, vector<128x128xf32>
    %reduce_sum3A_982 = vector.shape_cast %select_n3A_981 : vector<128x128xf32> to vector<1x128x128xf32>
    %reduce_sum3A_983 = arith.constant dense<0.000000e+00> : vector<1xf32>
    %reduce_sum3A_984 = vector.multi_reduction <add>, %reduce_sum3A_982, %reduce_sum3A_983 [1, 2] : vector<1x128x128xf32> to vector<1xf32>
    %reduce_sum3A_985 = vector.shape_cast %reduce_sum3A_984 : vector<1xf32> to vector<1x1x1xf32>
    %reduce_sum3A_986 = vector.extract %reduce_sum3A_985[0, 0, 0] : f32 from vector<1x1x1xf32>
    %eq3A_987 = arith.constant 1 : i32
    %eq3A_988 = vector.broadcast %eq3A_987 : i32 to vector<2x18xi32>
    %eq3A_989 = arith.cmpi eq, %iota3A_289, %eq3A_988 : vector<2x18xi32>
    %eq3A_990 = arith.constant 10 : i32
    %eq3A_991 = vector.broadcast %eq3A_990 : i32 to vector<2x18xi32>
    %eq3A_992 = arith.cmpi eq, %iota3A_290, %eq3A_991 : vector<2x18xi32>
    %and3A_993 = arith.andi %eq3A_989, %eq3A_992 : vector<2x18xi1>
    %jit3A_994 = arith.constant 0.000000e+00 : f32
    %broadcast_in_dim3A_995 = vector.broadcast %reduce_sum3A_986 : f32 to vector<2x18xf32>
    %broadcast_in_dim3A_996 = vector.broadcast %jit3A_994 : f32 to vector<2x18xf32>
    %select_n3A_997 = arith.select %and3A_993, %broadcast_in_dim3A_995, %broadcast_in_dim3A_996 : vector<2x18xi1>, vector<2x18xf32>
    %add3A_998 = arith.addf %add3A_978, %select_n3A_997 : vector<2x18xf32>
    %jit3A_999 = arith.constant 0.000000e+00 : f32
    %broadcast_in_dim3A_1000 = vector.broadcast %jit3A_999 : f32 to vector<128x128xf32>
    %select_n3A_1001 = arith.select %and3A_878, %min3A_123, %broadcast_in_dim3A_1000 : vector<128x128xi1>, vector<128x128xf32>
    %reduce_sum3A_1002 = vector.shape_cast %select_n3A_1001 : vector<128x128xf32> to vector<1x128x128xf32>
    %reduce_sum3A_1003 = arith.constant dense<0.000000e+00> : vector<1xf32>
    %reduce_sum3A_1004 = vector.multi_reduction <add>, %reduce_sum3A_1002, %reduce_sum3A_1003 [1, 2] : vector<1x128x128xf32> to vector<1xf32>
    %reduce_sum3A_1005 = vector.shape_cast %reduce_sum3A_1004 : vector<1xf32> to vector<1x1x1xf32>
    %reduce_sum3A_1006 = vector.extract %reduce_sum3A_1005[0, 0, 0] : f32 from vector<1x1x1xf32>
    %eq3A_1007 = arith.constant 1 : i32
    %eq3A_1008 = vector.broadcast %eq3A_1007 : i32 to vector<2x18xi32>
    %eq3A_1009 = arith.cmpi eq, %iota3A_289, %eq3A_1008 : vector<2x18xi32>
    %eq3A_1010 = arith.constant 12 : i32
    %eq3A_1011 = vector.broadcast %eq3A_1010 : i32 to vector<2x18xi32>
    %eq3A_1012 = arith.cmpi eq, %iota3A_290, %eq3A_1011 : vector<2x18xi32>
    %and3A_1013 = arith.andi %eq3A_1009, %eq3A_1012 : vector<2x18xi1>
    %jit3A_1014 = arith.constant 0.000000e+00 : f32
    %broadcast_in_dim3A_1015 = vector.broadcast %reduce_sum3A_1006 : f32 to vector<2x18xf32>
    %broadcast_in_dim3A_1016 = vector.broadcast %jit3A_1014 : f32 to vector<2x18xf32>
    %select_n3A_1017 = arith.select %and3A_1013, %broadcast_in_dim3A_1015, %broadcast_in_dim3A_1016 : vector<2x18xi1>, vector<2x18xf32>
    %add3A_1018 = arith.addf %add3A_998, %select_n3A_1017 : vector<2x18xf32>
    %jit3A_1019 = arith.constant 0.000000e+00 : f32
    %broadcast_in_dim3A_1020 = vector.broadcast %jit3A_1019 : f32 to vector<128x128xf32>
    %select_n3A_1021 = arith.select %and3A_878, %min3A_124, %broadcast_in_dim3A_1020 : vector<128x128xi1>, vector<128x128xf32>
    %reduce_sum3A_1022 = vector.shape_cast %select_n3A_1021 : vector<128x128xf32> to vector<1x128x128xf32>
    %reduce_sum3A_1023 = arith.constant dense<0.000000e+00> : vector<1xf32>
    %reduce_sum3A_1024 = vector.multi_reduction <add>, %reduce_sum3A_1022, %reduce_sum3A_1023 [1, 2] : vector<1x128x128xf32> to vector<1xf32>
    %reduce_sum3A_1025 = vector.shape_cast %reduce_sum3A_1024 : vector<1xf32> to vector<1x1x1xf32>
    %reduce_sum3A_1026 = vector.extract %reduce_sum3A_1025[0, 0, 0] : f32 from vector<1x1x1xf32>
    %eq3A_1027 = arith.constant 1 : i32
    %eq3A_1028 = vector.broadcast %eq3A_1027 : i32 to vector<2x18xi32>
    %eq3A_1029 = arith.cmpi eq, %iota3A_289, %eq3A_1028 : vector<2x18xi32>
    %eq3A_1030 = arith.constant 14 : i32
    %eq3A_1031 = vector.broadcast %eq3A_1030 : i32 to vector<2x18xi32>
    %eq3A_1032 = arith.cmpi eq, %iota3A_290, %eq3A_1031 : vector<2x18xi32>
    %and3A_1033 = arith.andi %eq3A_1029, %eq3A_1032 : vector<2x18xi1>
    %jit3A_1034 = arith.constant 0.000000e+00 : f32
    %broadcast_in_dim3A_1035 = vector.broadcast %reduce_sum3A_1026 : f32 to vector<2x18xf32>
    %broadcast_in_dim3A_1036 = vector.broadcast %jit3A_1034 : f32 to vector<2x18xf32>
    %select_n3A_1037 = arith.select %and3A_1033, %broadcast_in_dim3A_1035, %broadcast_in_dim3A_1036 : vector<2x18xi1>, vector<2x18xf32>
    %add3A_1038 = arith.addf %add3A_1018, %select_n3A_1037 : vector<2x18xf32>
    %jit3A_1039 = arith.constant 0.000000e+00 : f32
    %broadcast_in_dim3A_1040 = vector.broadcast %jit3A_1039 : f32 to vector<128x128xf32>
    %select_n3A_1041 = arith.select %and3A_878, %min3A_125, %broadcast_in_dim3A_1040 : vector<128x128xi1>, vector<128x128xf32>
    %reduce_sum3A_1042 = vector.shape_cast %select_n3A_1041 : vector<128x128xf32> to vector<1x128x128xf32>
    %reduce_sum3A_1043 = arith.constant dense<0.000000e+00> : vector<1xf32>
    %reduce_sum3A_1044 = vector.multi_reduction <add>, %reduce_sum3A_1042, %reduce_sum3A_1043 [1, 2] : vector<1x128x128xf32> to vector<1xf32>
    %reduce_sum3A_1045 = vector.shape_cast %reduce_sum3A_1044 : vector<1xf32> to vector<1x1x1xf32>
    %reduce_sum3A_1046 = vector.extract %reduce_sum3A_1045[0, 0, 0] : f32 from vector<1x1x1xf32>
    %eq3A_1047 = arith.constant 1 : i32
    %eq3A_1048 = vector.broadcast %eq3A_1047 : i32 to vector<2x18xi32>
    %eq3A_1049 = arith.cmpi eq, %iota3A_289, %eq3A_1048 : vector<2x18xi32>
    %eq3A_1050 = arith.constant 16 : i32
    %eq3A_1051 = vector.broadcast %eq3A_1050 : i32 to vector<2x18xi32>
    %eq3A_1052 = arith.cmpi eq, %iota3A_290, %eq3A_1051 : vector<2x18xi32>
    %and3A_1053 = arith.andi %eq3A_1049, %eq3A_1052 : vector<2x18xi1>
    %jit3A_1054 = arith.constant 0.000000e+00 : f32
    %broadcast_in_dim3A_1055 = vector.broadcast %reduce_sum3A_1046 : f32 to vector<2x18xf32>
    %broadcast_in_dim3A_1056 = vector.broadcast %jit3A_1054 : f32 to vector<2x18xf32>
    %select_n3A_1057 = arith.select %and3A_1053, %broadcast_in_dim3A_1055, %broadcast_in_dim3A_1056 : vector<2x18xi1>, vector<2x18xf32>
    %add3A_1058 = arith.addf %add3A_1038, %select_n3A_1057 : vector<2x18xf32>
    %eq3A_1059 = arith.constant 1 : i32
    %eq3A_1060 = vector.broadcast %eq3A_1059 : i32 to vector<128x128xi32>
    %eq3A_1061 = arith.cmpi eq, %get3A_252, %eq3A_1060 : vector<128x128xi32>
    %and3A_1062 = arith.andi %and3A_874, %eq3A_1061 : vector<128x128xi1>
    %jit3A_1063 = arith.constant 0.000000e+00 : f32
    %broadcast_in_dim3A_1064 = vector.broadcast %jit3A_1063 : f32 to vector<128x128xf32>
    %select_n3A_1065 = arith.select %and3A_1062, %min3A_117, %broadcast_in_dim3A_1064 : vector<128x128xi1>, vector<128x128xf32>
    %reduce_sum3A_1066 = vector.shape_cast %select_n3A_1065 : vector<128x128xf32> to vector<1x128x128xf32>
    %reduce_sum3A_1067 = arith.constant dense<0.000000e+00> : vector<1xf32>
    %reduce_sum3A_1068 = vector.multi_reduction <add>, %reduce_sum3A_1066, %reduce_sum3A_1067 [1, 2] : vector<1x128x128xf32> to vector<1xf32>
    %reduce_sum3A_1069 = vector.shape_cast %reduce_sum3A_1068 : vector<1xf32> to vector<1x1x1xf32>
    %reduce_sum3A_1070 = vector.extract %reduce_sum3A_1069[0, 0, 0] : f32 from vector<1x1x1xf32>
    %eq3A_1071 = arith.constant 1 : i32
    %eq3A_1072 = vector.broadcast %eq3A_1071 : i32 to vector<2x18xi32>
    %eq3A_1073 = arith.cmpi eq, %iota3A_289, %eq3A_1072 : vector<2x18xi32>
    %eq3A_1074 = arith.constant 1 : i32
    %eq3A_1075 = vector.broadcast %eq3A_1074 : i32 to vector<2x18xi32>
    %eq3A_1076 = arith.cmpi eq, %iota3A_290, %eq3A_1075 : vector<2x18xi32>
    %and3A_1077 = arith.andi %eq3A_1073, %eq3A_1076 : vector<2x18xi1>
    %jit3A_1078 = arith.constant 0.000000e+00 : f32
    %broadcast_in_dim3A_1079 = vector.broadcast %reduce_sum3A_1070 : f32 to vector<2x18xf32>
    %broadcast_in_dim3A_1080 = vector.broadcast %jit3A_1078 : f32 to vector<2x18xf32>
    %select_n3A_1081 = arith.select %and3A_1077, %broadcast_in_dim3A_1079, %broadcast_in_dim3A_1080 : vector<2x18xi1>, vector<2x18xf32>
    %add3A_1082 = arith.addf %add3A_1058, %select_n3A_1081 : vector<2x18xf32>
    %jit3A_1083 = arith.constant 0.000000e+00 : f32
    %broadcast_in_dim3A_1084 = vector.broadcast %jit3A_1083 : f32 to vector<128x128xf32>
    %select_n3A_1085 = arith.select %and3A_1062, %min3A_118, %broadcast_in_dim3A_1084 : vector<128x128xi1>, vector<128x128xf32>
    %reduce_sum3A_1086 = vector.shape_cast %select_n3A_1085 : vector<128x128xf32> to vector<1x128x128xf32>
    %reduce_sum3A_1087 = arith.constant dense<0.000000e+00> : vector<1xf32>
    %reduce_sum3A_1088 = vector.multi_reduction <add>, %reduce_sum3A_1086, %reduce_sum3A_1087 [1, 2] : vector<1x128x128xf32> to vector<1xf32>
    %reduce_sum3A_1089 = vector.shape_cast %reduce_sum3A_1088 : vector<1xf32> to vector<1x1x1xf32>
    %reduce_sum3A_1090 = vector.extract %reduce_sum3A_1089[0, 0, 0] : f32 from vector<1x1x1xf32>
    %eq3A_1091 = arith.constant 1 : i32
    %eq3A_1092 = vector.broadcast %eq3A_1091 : i32 to vector<2x18xi32>
    %eq3A_1093 = arith.cmpi eq, %iota3A_289, %eq3A_1092 : vector<2x18xi32>
    %eq3A_1094 = arith.constant 3 : i32
    %eq3A_1095 = vector.broadcast %eq3A_1094 : i32 to vector<2x18xi32>
    %eq3A_1096 = arith.cmpi eq, %iota3A_290, %eq3A_1095 : vector<2x18xi32>
    %and3A_1097 = arith.andi %eq3A_1093, %eq3A_1096 : vector<2x18xi1>
    %jit3A_1098 = arith.constant 0.000000e+00 : f32
    %broadcast_in_dim3A_1099 = vector.broadcast %reduce_sum3A_1090 : f32 to vector<2x18xf32>
    %broadcast_in_dim3A_1100 = vector.broadcast %jit3A_1098 : f32 to vector<2x18xf32>
    %select_n3A_1101 = arith.select %and3A_1097, %broadcast_in_dim3A_1099, %broadcast_in_dim3A_1100 : vector<2x18xi1>, vector<2x18xf32>
    %add3A_1102 = arith.addf %add3A_1082, %select_n3A_1101 : vector<2x18xf32>
    %jit3A_1103 = arith.constant 0.000000e+00 : f32
    %broadcast_in_dim3A_1104 = vector.broadcast %jit3A_1103 : f32 to vector<128x128xf32>
    %select_n3A_1105 = arith.select %and3A_1062, %min3A_119, %broadcast_in_dim3A_1104 : vector<128x128xi1>, vector<128x128xf32>
    %reduce_sum3A_1106 = vector.shape_cast %select_n3A_1105 : vector<128x128xf32> to vector<1x128x128xf32>
    %reduce_sum3A_1107 = arith.constant dense<0.000000e+00> : vector<1xf32>
    %reduce_sum3A_1108 = vector.multi_reduction <add>, %reduce_sum3A_1106, %reduce_sum3A_1107 [1, 2] : vector<1x128x128xf32> to vector<1xf32>
    %reduce_sum3A_1109 = vector.shape_cast %reduce_sum3A_1108 : vector<1xf32> to vector<1x1x1xf32>
    %reduce_sum3A_1110 = vector.extract %reduce_sum3A_1109[0, 0, 0] : f32 from vector<1x1x1xf32>
    %eq3A_1111 = arith.constant 1 : i32
    %eq3A_1112 = vector.broadcast %eq3A_1111 : i32 to vector<2x18xi32>
    %eq3A_1113 = arith.cmpi eq, %iota3A_289, %eq3A_1112 : vector<2x18xi32>
    %eq3A_1114 = arith.constant 5 : i32
    %eq3A_1115 = vector.broadcast %eq3A_1114 : i32 to vector<2x18xi32>
    %eq3A_1116 = arith.cmpi eq, %iota3A_290, %eq3A_1115 : vector<2x18xi32>
    %and3A_1117 = arith.andi %eq3A_1113, %eq3A_1116 : vector<2x18xi1>
    %jit3A_1118 = arith.constant 0.000000e+00 : f32
    %broadcast_in_dim3A_1119 = vector.broadcast %reduce_sum3A_1110 : f32 to vector<2x18xf32>
    %broadcast_in_dim3A_1120 = vector.broadcast %jit3A_1118 : f32 to vector<2x18xf32>
    %select_n3A_1121 = arith.select %and3A_1117, %broadcast_in_dim3A_1119, %broadcast_in_dim3A_1120 : vector<2x18xi1>, vector<2x18xf32>
    %add3A_1122 = arith.addf %add3A_1102, %select_n3A_1121 : vector<2x18xf32>
    %jit3A_1123 = arith.constant 0.000000e+00 : f32
    %broadcast_in_dim3A_1124 = vector.broadcast %jit3A_1123 : f32 to vector<128x128xf32>
    %select_n3A_1125 = arith.select %and3A_1062, %min3A_120, %broadcast_in_dim3A_1124 : vector<128x128xi1>, vector<128x128xf32>
    %reduce_sum3A_1126 = vector.shape_cast %select_n3A_1125 : vector<128x128xf32> to vector<1x128x128xf32>
    %reduce_sum3A_1127 = arith.constant dense<0.000000e+00> : vector<1xf32>
    %reduce_sum3A_1128 = vector.multi_reduction <add>, %reduce_sum3A_1126, %reduce_sum3A_1127 [1, 2] : vector<1x128x128xf32> to vector<1xf32>
    %reduce_sum3A_1129 = vector.shape_cast %reduce_sum3A_1128 : vector<1xf32> to vector<1x1x1xf32>
    %reduce_sum3A_1130 = vector.extract %reduce_sum3A_1129[0, 0, 0] : f32 from vector<1x1x1xf32>
    %eq3A_1131 = arith.constant 1 : i32
    %eq3A_1132 = vector.broadcast %eq3A_1131 : i32 to vector<2x18xi32>
    %eq3A_1133 = arith.cmpi eq, %iota3A_289, %eq3A_1132 : vector<2x18xi32>
    %eq3A_1134 = arith.constant 7 : i32
    %eq3A_1135 = vector.broadcast %eq3A_1134 : i32 to vector<2x18xi32>
    %eq3A_1136 = arith.cmpi eq, %iota3A_290, %eq3A_1135 : vector<2x18xi32>
    %and3A_1137 = arith.andi %eq3A_1133, %eq3A_1136 : vector<2x18xi1>
    %jit3A_1138 = arith.constant 0.000000e+00 : f32
    %broadcast_in_dim3A_1139 = vector.broadcast %reduce_sum3A_1130 : f32 to vector<2x18xf32>
    %broadcast_in_dim3A_1140 = vector.broadcast %jit3A_1138 : f32 to vector<2x18xf32>
    %select_n3A_1141 = arith.select %and3A_1137, %broadcast_in_dim3A_1139, %broadcast_in_dim3A_1140 : vector<2x18xi1>, vector<2x18xf32>
    %add3A_1142 = arith.addf %add3A_1122, %select_n3A_1141 : vector<2x18xf32>
    %jit3A_1143 = arith.constant 0.000000e+00 : f32
    %broadcast_in_dim3A_1144 = vector.broadcast %jit3A_1143 : f32 to vector<128x128xf32>
    %select_n3A_1145 = arith.select %and3A_1062, %min3A_121, %broadcast_in_dim3A_1144 : vector<128x128xi1>, vector<128x128xf32>
    %reduce_sum3A_1146 = vector.shape_cast %select_n3A_1145 : vector<128x128xf32> to vector<1x128x128xf32>
    %reduce_sum3A_1147 = arith.constant dense<0.000000e+00> : vector<1xf32>
    %reduce_sum3A_1148 = vector.multi_reduction <add>, %reduce_sum3A_1146, %reduce_sum3A_1147 [1, 2] : vector<1x128x128xf32> to vector<1xf32>
    %reduce_sum3A_1149 = vector.shape_cast %reduce_sum3A_1148 : vector<1xf32> to vector<1x1x1xf32>
    %reduce_sum3A_1150 = vector.extract %reduce_sum3A_1149[0, 0, 0] : f32 from vector<1x1x1xf32>
    %eq3A_1151 = arith.constant 1 : i32
    %eq3A_1152 = vector.broadcast %eq3A_1151 : i32 to vector<2x18xi32>
    %eq3A_1153 = arith.cmpi eq, %iota3A_289, %eq3A_1152 : vector<2x18xi32>
    %eq3A_1154 = arith.constant 9 : i32
    %eq3A_1155 = vector.broadcast %eq3A_1154 : i32 to vector<2x18xi32>
    %eq3A_1156 = arith.cmpi eq, %iota3A_290, %eq3A_1155 : vector<2x18xi32>
    %and3A_1157 = arith.andi %eq3A_1153, %eq3A_1156 : vector<2x18xi1>
    %jit3A_1158 = arith.constant 0.000000e+00 : f32
    %broadcast_in_dim3A_1159 = vector.broadcast %reduce_sum3A_1150 : f32 to vector<2x18xf32>
    %broadcast_in_dim3A_1160 = vector.broadcast %jit3A_1158 : f32 to vector<2x18xf32>
    %select_n3A_1161 = arith.select %and3A_1157, %broadcast_in_dim3A_1159, %broadcast_in_dim3A_1160 : vector<2x18xi1>, vector<2x18xf32>
    %add3A_1162 = arith.addf %add3A_1142, %select_n3A_1161 : vector<2x18xf32>
    %jit3A_1163 = arith.constant 0.000000e+00 : f32
    %broadcast_in_dim3A_1164 = vector.broadcast %jit3A_1163 : f32 to vector<128x128xf32>
    %select_n3A_1165 = arith.select %and3A_1062, %min3A_122, %broadcast_in_dim3A_1164 : vector<128x128xi1>, vector<128x128xf32>
    %reduce_sum3A_1166 = vector.shape_cast %select_n3A_1165 : vector<128x128xf32> to vector<1x128x128xf32>
    %reduce_sum3A_1167 = arith.constant dense<0.000000e+00> : vector<1xf32>
    %reduce_sum3A_1168 = vector.multi_reduction <add>, %reduce_sum3A_1166, %reduce_sum3A_1167 [1, 2] : vector<1x128x128xf32> to vector<1xf32>
    %reduce_sum3A_1169 = vector.shape_cast %reduce_sum3A_1168 : vector<1xf32> to vector<1x1x1xf32>
    %reduce_sum3A_1170 = vector.extract %reduce_sum3A_1169[0, 0, 0] : f32 from vector<1x1x1xf32>
    %eq3A_1171 = arith.constant 1 : i32
    %eq3A_1172 = vector.broadcast %eq3A_1171 : i32 to vector<2x18xi32>
    %eq3A_1173 = arith.cmpi eq, %iota3A_289, %eq3A_1172 : vector<2x18xi32>
    %eq3A_1174 = arith.constant 11 : i32
    %eq3A_1175 = vector.broadcast %eq3A_1174 : i32 to vector<2x18xi32>
    %eq3A_1176 = arith.cmpi eq, %iota3A_290, %eq3A_1175 : vector<2x18xi32>
    %and3A_1177 = arith.andi %eq3A_1173, %eq3A_1176 : vector<2x18xi1>
    %jit3A_1178 = arith.constant 0.000000e+00 : f32
    %broadcast_in_dim3A_1179 = vector.broadcast %reduce_sum3A_1170 : f32 to vector<2x18xf32>
    %broadcast_in_dim3A_1180 = vector.broadcast %jit3A_1178 : f32 to vector<2x18xf32>
    %select_n3A_1181 = arith.select %and3A_1177, %broadcast_in_dim3A_1179, %broadcast_in_dim3A_1180 : vector<2x18xi1>, vector<2x18xf32>
    %add3A_1182 = arith.addf %add3A_1162, %select_n3A_1181 : vector<2x18xf32>
    %jit3A_1183 = arith.constant 0.000000e+00 : f32
    %broadcast_in_dim3A_1184 = vector.broadcast %jit3A_1183 : f32 to vector<128x128xf32>
    %select_n3A_1185 = arith.select %and3A_1062, %min3A_123, %broadcast_in_dim3A_1184 : vector<128x128xi1>, vector<128x128xf32>
    %reduce_sum3A_1186 = vector.shape_cast %select_n3A_1185 : vector<128x128xf32> to vector<1x128x128xf32>
    %reduce_sum3A_1187 = arith.constant dense<0.000000e+00> : vector<1xf32>
    %reduce_sum3A_1188 = vector.multi_reduction <add>, %reduce_sum3A_1186, %reduce_sum3A_1187 [1, 2] : vector<1x128x128xf32> to vector<1xf32>
    %reduce_sum3A_1189 = vector.shape_cast %reduce_sum3A_1188 : vector<1xf32> to vector<1x1x1xf32>
    %reduce_sum3A_1190 = vector.extract %reduce_sum3A_1189[0, 0, 0] : f32 from vector<1x1x1xf32>
    %eq3A_1191 = arith.constant 1 : i32
    %eq3A_1192 = vector.broadcast %eq3A_1191 : i32 to vector<2x18xi32>
    %eq3A_1193 = arith.cmpi eq, %iota3A_289, %eq3A_1192 : vector<2x18xi32>
    %eq3A_1194 = arith.constant 13 : i32
    %eq3A_1195 = vector.broadcast %eq3A_1194 : i32 to vector<2x18xi32>
    %eq3A_1196 = arith.cmpi eq, %iota3A_290, %eq3A_1195 : vector<2x18xi32>
    %and3A_1197 = arith.andi %eq3A_1193, %eq3A_1196 : vector<2x18xi1>
    %jit3A_1198 = arith.constant 0.000000e+00 : f32
    %broadcast_in_dim3A_1199 = vector.broadcast %reduce_sum3A_1190 : f32 to vector<2x18xf32>
    %broadcast_in_dim3A_1200 = vector.broadcast %jit3A_1198 : f32 to vector<2x18xf32>
    %select_n3A_1201 = arith.select %and3A_1197, %broadcast_in_dim3A_1199, %broadcast_in_dim3A_1200 : vector<2x18xi1>, vector<2x18xf32>
    %add3A_1202 = arith.addf %add3A_1182, %select_n3A_1201 : vector<2x18xf32>
    %jit3A_1203 = arith.constant 0.000000e+00 : f32
    %broadcast_in_dim3A_1204 = vector.broadcast %jit3A_1203 : f32 to vector<128x128xf32>
    %select_n3A_1205 = arith.select %and3A_1062, %min3A_124, %broadcast_in_dim3A_1204 : vector<128x128xi1>, vector<128x128xf32>
    %reduce_sum3A_1206 = vector.shape_cast %select_n3A_1205 : vector<128x128xf32> to vector<1x128x128xf32>
    %reduce_sum3A_1207 = arith.constant dense<0.000000e+00> : vector<1xf32>
    %reduce_sum3A_1208 = vector.multi_reduction <add>, %reduce_sum3A_1206, %reduce_sum3A_1207 [1, 2] : vector<1x128x128xf32> to vector<1xf32>
    %reduce_sum3A_1209 = vector.shape_cast %reduce_sum3A_1208 : vector<1xf32> to vector<1x1x1xf32>
    %reduce_sum3A_1210 = vector.extract %reduce_sum3A_1209[0, 0, 0] : f32 from vector<1x1x1xf32>
    %eq3A_1211 = arith.constant 1 : i32
    %eq3A_1212 = vector.broadcast %eq3A_1211 : i32 to vector<2x18xi32>
    %eq3A_1213 = arith.cmpi eq, %iota3A_289, %eq3A_1212 : vector<2x18xi32>
    %eq3A_1214 = arith.constant 15 : i32
    %eq3A_1215 = vector.broadcast %eq3A_1214 : i32 to vector<2x18xi32>
    %eq3A_1216 = arith.cmpi eq, %iota3A_290, %eq3A_1215 : vector<2x18xi32>
    %and3A_1217 = arith.andi %eq3A_1213, %eq3A_1216 : vector<2x18xi1>
    %jit3A_1218 = arith.constant 0.000000e+00 : f32
    %broadcast_in_dim3A_1219 = vector.broadcast %reduce_sum3A_1210 : f32 to vector<2x18xf32>
    %broadcast_in_dim3A_1220 = vector.broadcast %jit3A_1218 : f32 to vector<2x18xf32>
    %select_n3A_1221 = arith.select %and3A_1217, %broadcast_in_dim3A_1219, %broadcast_in_dim3A_1220 : vector<2x18xi1>, vector<2x18xf32>
    %add3A_1222 = arith.addf %add3A_1202, %select_n3A_1221 : vector<2x18xf32>
    %jit3A_1223 = arith.constant 0.000000e+00 : f32
    %broadcast_in_dim3A_1224 = vector.broadcast %jit3A_1223 : f32 to vector<128x128xf32>
    %select_n3A_1225 = arith.select %and3A_1062, %min3A_125, %broadcast_in_dim3A_1224 : vector<128x128xi1>, vector<128x128xf32>
    %reduce_sum3A_1226 = vector.shape_cast %select_n3A_1225 : vector<128x128xf32> to vector<1x128x128xf32>
    %reduce_sum3A_1227 = arith.constant dense<0.000000e+00> : vector<1xf32>
    %reduce_sum3A_1228 = vector.multi_reduction <add>, %reduce_sum3A_1226, %reduce_sum3A_1227 [1, 2] : vector<1x128x128xf32> to vector<1xf32>
    %reduce_sum3A_1229 = vector.shape_cast %reduce_sum3A_1228 : vector<1xf32> to vector<1x1x1xf32>
    %reduce_sum3A_1230 = vector.extract %reduce_sum3A_1229[0, 0, 0] : f32 from vector<1x1x1xf32>
    %eq3A_1231 = arith.constant 1 : i32
    %eq3A_1232 = vector.broadcast %eq3A_1231 : i32 to vector<2x18xi32>
    %eq3A_1233 = arith.cmpi eq, %iota3A_289, %eq3A_1232 : vector<2x18xi32>
    %eq3A_1234 = arith.constant 17 : i32
    %eq3A_1235 = vector.broadcast %eq3A_1234 : i32 to vector<2x18xi32>
    %eq3A_1236 = arith.cmpi eq, %iota3A_290, %eq3A_1235 : vector<2x18xi32>
    %and3A_1237 = arith.andi %eq3A_1233, %eq3A_1236 : vector<2x18xi1>
    %jit3A_1238 = arith.constant 0.000000e+00 : f32
    %broadcast_in_dim3A_1239 = vector.broadcast %reduce_sum3A_1230 : f32 to vector<2x18xf32>
    %broadcast_in_dim3A_1240 = vector.broadcast %jit3A_1238 : f32 to vector<2x18xf32>
    %select_n3A_1241 = arith.select %and3A_1237, %broadcast_in_dim3A_1239, %broadcast_in_dim3A_1240 : vector<2x18xi1>, vector<2x18xf32>
    %add3A_1242 = arith.addf %add3A_1222, %select_n3A_1241 : vector<2x18xf32>
    %eq3A_1243 = arith.constant 0 : i32
    %eq3A_1244 = vector.broadcast %eq3A_1243 : i32 to vector<128x128xi32>
    %eq3A_1245 = arith.cmpi eq, %get3A_258, %eq3A_1244 : vector<128x128xi32>
    %and3A_1246 = arith.andi %and3A_874, %eq3A_1245 : vector<128x128xi1>
    %jit3A_1247 = arith.constant 1.000000e+00 : f32
    %jit3A_1248 = arith.constant 0.000000e+00 : f32
    %broadcast_in_dim3A_1249 = vector.broadcast %jit3A_1247 : f32 to vector<128x128xf32>
    %broadcast_in_dim3A_1250 = vector.broadcast %jit3A_1248 : f32 to vector<128x128xf32>
    %select_n3A_1251 = arith.select %and3A_1246, %broadcast_in_dim3A_1249, %broadcast_in_dim3A_1250 : vector<128x128xi1>, vector<128x128xf32>
    %reduce_sum3A_1252 = vector.shape_cast %select_n3A_1251 : vector<128x128xf32> to vector<1x128x128xf32>
    %reduce_sum3A_1253 = arith.constant dense<0.000000e+00> : vector<1xf32>
    %reduce_sum3A_1254 = vector.multi_reduction <add>, %reduce_sum3A_1252, %reduce_sum3A_1253 [1, 2] : vector<1x128x128xf32> to vector<1xf32>
    %reduce_sum3A_1255 = vector.shape_cast %reduce_sum3A_1254 : vector<1xf32> to vector<1x1x1xf32>
    %reduce_sum3A_1256 = vector.extract %reduce_sum3A_1255[0, 0, 0] : f32 from vector<1x1x1xf32>
    %eq3A_1257 = arith.constant 1 : i32
    %eq3A_1258 = vector.broadcast %eq3A_1257 : i32 to vector<2x8xi32>
    %eq3A_1259 = arith.cmpi eq, %iota3A_291, %eq3A_1258 : vector<2x8xi32>
    %eq3A_1260 = arith.constant 0 : i32
    %eq3A_1261 = vector.broadcast %eq3A_1260 : i32 to vector<2x8xi32>
    %eq3A_1262 = arith.cmpi eq, %iota3A_292, %eq3A_1261 : vector<2x8xi32>
    %and3A_1263 = arith.andi %eq3A_1259, %eq3A_1262 : vector<2x8xi1>
    %jit3A_1264 = arith.constant 0.000000e+00 : f32
    %broadcast_in_dim3A_1265 = vector.broadcast %reduce_sum3A_1256 : f32 to vector<2x8xf32>
    %broadcast_in_dim3A_1266 = vector.broadcast %jit3A_1264 : f32 to vector<2x8xf32>
    %select_n3A_1267 = arith.select %and3A_1263, %broadcast_in_dim3A_1265, %broadcast_in_dim3A_1266 : vector<2x8xi1>, vector<2x8xf32>
    %add3A_1268 = arith.addf %add3A_870, %select_n3A_1267 : vector<2x8xf32>
    %eq3A_1269 = arith.constant 1 : i32
    %eq3A_1270 = vector.broadcast %eq3A_1269 : i32 to vector<128x128xi32>
    %eq3A_1271 = arith.cmpi eq, %get3A_258, %eq3A_1270 : vector<128x128xi32>
    %and3A_1272 = arith.andi %and3A_874, %eq3A_1271 : vector<128x128xi1>
    %jit3A_1273 = arith.constant 1.000000e+00 : f32
    %jit3A_1274 = arith.constant 0.000000e+00 : f32
    %broadcast_in_dim3A_1275 = vector.broadcast %jit3A_1273 : f32 to vector<128x128xf32>
    %broadcast_in_dim3A_1276 = vector.broadcast %jit3A_1274 : f32 to vector<128x128xf32>
    %select_n3A_1277 = arith.select %and3A_1272, %broadcast_in_dim3A_1275, %broadcast_in_dim3A_1276 : vector<128x128xi1>, vector<128x128xf32>
    %reduce_sum3A_1278 = vector.shape_cast %select_n3A_1277 : vector<128x128xf32> to vector<1x128x128xf32>
    %reduce_sum3A_1279 = arith.constant dense<0.000000e+00> : vector<1xf32>
    %reduce_sum3A_1280 = vector.multi_reduction <add>, %reduce_sum3A_1278, %reduce_sum3A_1279 [1, 2] : vector<1x128x128xf32> to vector<1xf32>
    %reduce_sum3A_1281 = vector.shape_cast %reduce_sum3A_1280 : vector<1xf32> to vector<1x1x1xf32>
    %reduce_sum3A_1282 = vector.extract %reduce_sum3A_1281[0, 0, 0] : f32 from vector<1x1x1xf32>
    %eq3A_1283 = arith.constant 1 : i32
    %eq3A_1284 = vector.broadcast %eq3A_1283 : i32 to vector<2x8xi32>
    %eq3A_1285 = arith.cmpi eq, %iota3A_291, %eq3A_1284 : vector<2x8xi32>
    %eq3A_1286 = arith.constant 1 : i32
    %eq3A_1287 = vector.broadcast %eq3A_1286 : i32 to vector<2x8xi32>
    %eq3A_1288 = arith.cmpi eq, %iota3A_292, %eq3A_1287 : vector<2x8xi32>
    %and3A_1289 = arith.andi %eq3A_1285, %eq3A_1288 : vector<2x8xi1>
    %jit3A_1290 = arith.constant 0.000000e+00 : f32
    %broadcast_in_dim3A_1291 = vector.broadcast %reduce_sum3A_1282 : f32 to vector<2x8xf32>
    %broadcast_in_dim3A_1292 = vector.broadcast %jit3A_1290 : f32 to vector<2x8xf32>
    %select_n3A_1293 = arith.select %and3A_1289, %broadcast_in_dim3A_1291, %broadcast_in_dim3A_1292 : vector<2x8xi1>, vector<2x8xf32>
    %add3A_1294 = arith.addf %add3A_1268, %select_n3A_1293 : vector<2x8xf32>
    %eq3A_1295 = arith.constant 2 : i32
    %eq3A_1296 = vector.broadcast %eq3A_1295 : i32 to vector<128x128xi32>
    %eq3A_1297 = arith.cmpi eq, %get3A_258, %eq3A_1296 : vector<128x128xi32>
    %and3A_1298 = arith.andi %and3A_874, %eq3A_1297 : vector<128x128xi1>
    %jit3A_1299 = arith.constant 1.000000e+00 : f32
    %jit3A_1300 = arith.constant 0.000000e+00 : f32
    %broadcast_in_dim3A_1301 = vector.broadcast %jit3A_1299 : f32 to vector<128x128xf32>
    %broadcast_in_dim3A_1302 = vector.broadcast %jit3A_1300 : f32 to vector<128x128xf32>
    %select_n3A_1303 = arith.select %and3A_1298, %broadcast_in_dim3A_1301, %broadcast_in_dim3A_1302 : vector<128x128xi1>, vector<128x128xf32>
    %reduce_sum3A_1304 = vector.shape_cast %select_n3A_1303 : vector<128x128xf32> to vector<1x128x128xf32>
    %reduce_sum3A_1305 = arith.constant dense<0.000000e+00> : vector<1xf32>
    %reduce_sum3A_1306 = vector.multi_reduction <add>, %reduce_sum3A_1304, %reduce_sum3A_1305 [1, 2] : vector<1x128x128xf32> to vector<1xf32>
    %reduce_sum3A_1307 = vector.shape_cast %reduce_sum3A_1306 : vector<1xf32> to vector<1x1x1xf32>
    %reduce_sum3A_1308 = vector.extract %reduce_sum3A_1307[0, 0, 0] : f32 from vector<1x1x1xf32>
    %eq3A_1309 = arith.constant 1 : i32
    %eq3A_1310 = vector.broadcast %eq3A_1309 : i32 to vector<2x8xi32>
    %eq3A_1311 = arith.cmpi eq, %iota3A_291, %eq3A_1310 : vector<2x8xi32>
    %eq3A_1312 = arith.constant 2 : i32
    %eq3A_1313 = vector.broadcast %eq3A_1312 : i32 to vector<2x8xi32>
    %eq3A_1314 = arith.cmpi eq, %iota3A_292, %eq3A_1313 : vector<2x8xi32>
    %and3A_1315 = arith.andi %eq3A_1311, %eq3A_1314 : vector<2x8xi1>
    %jit3A_1316 = arith.constant 0.000000e+00 : f32
    %broadcast_in_dim3A_1317 = vector.broadcast %reduce_sum3A_1308 : f32 to vector<2x8xf32>
    %broadcast_in_dim3A_1318 = vector.broadcast %jit3A_1316 : f32 to vector<2x8xf32>
    %select_n3A_1319 = arith.select %and3A_1315, %broadcast_in_dim3A_1317, %broadcast_in_dim3A_1318 : vector<2x8xi1>, vector<2x8xf32>
    %add3A_1320 = arith.addf %add3A_1294, %select_n3A_1319 : vector<2x8xf32>
    %eq3A_1321 = arith.constant 3 : i32
    %eq3A_1322 = vector.broadcast %eq3A_1321 : i32 to vector<128x128xi32>
    %eq3A_1323 = arith.cmpi eq, %get3A_258, %eq3A_1322 : vector<128x128xi32>
    %and3A_1324 = arith.andi %and3A_874, %eq3A_1323 : vector<128x128xi1>
    %jit3A_1325 = arith.constant 1.000000e+00 : f32
    %jit3A_1326 = arith.constant 0.000000e+00 : f32
    %broadcast_in_dim3A_1327 = vector.broadcast %jit3A_1325 : f32 to vector<128x128xf32>
    %broadcast_in_dim3A_1328 = vector.broadcast %jit3A_1326 : f32 to vector<128x128xf32>
    %select_n3A_1329 = arith.select %and3A_1324, %broadcast_in_dim3A_1327, %broadcast_in_dim3A_1328 : vector<128x128xi1>, vector<128x128xf32>
    %reduce_sum3A_1330 = vector.shape_cast %select_n3A_1329 : vector<128x128xf32> to vector<1x128x128xf32>
    %reduce_sum3A_1331 = arith.constant dense<0.000000e+00> : vector<1xf32>
    %reduce_sum3A_1332 = vector.multi_reduction <add>, %reduce_sum3A_1330, %reduce_sum3A_1331 [1, 2] : vector<1x128x128xf32> to vector<1xf32>
    %reduce_sum3A_1333 = vector.shape_cast %reduce_sum3A_1332 : vector<1xf32> to vector<1x1x1xf32>
    %reduce_sum3A_1334 = vector.extract %reduce_sum3A_1333[0, 0, 0] : f32 from vector<1x1x1xf32>
    %eq3A_1335 = arith.constant 1 : i32
    %eq3A_1336 = vector.broadcast %eq3A_1335 : i32 to vector<2x8xi32>
    %eq3A_1337 = arith.cmpi eq, %iota3A_291, %eq3A_1336 : vector<2x8xi32>
    %eq3A_1338 = arith.constant 3 : i32
    %eq3A_1339 = vector.broadcast %eq3A_1338 : i32 to vector<2x8xi32>
    %eq3A_1340 = arith.cmpi eq, %iota3A_292, %eq3A_1339 : vector<2x8xi32>
    %and3A_1341 = arith.andi %eq3A_1337, %eq3A_1340 : vector<2x8xi1>
    %jit3A_1342 = arith.constant 0.000000e+00 : f32
    %broadcast_in_dim3A_1343 = vector.broadcast %reduce_sum3A_1334 : f32 to vector<2x8xf32>
    %broadcast_in_dim3A_1344 = vector.broadcast %jit3A_1342 : f32 to vector<2x8xf32>
    %select_n3A_1345 = arith.select %and3A_1341, %broadcast_in_dim3A_1343, %broadcast_in_dim3A_1344 : vector<2x8xi1>, vector<2x8xf32>
    %add3A_1346 = arith.addf %add3A_1320, %select_n3A_1345 : vector<2x8xf32>
    %eq3A_1347 = arith.constant 4 : i32
    %eq3A_1348 = vector.broadcast %eq3A_1347 : i32 to vector<128x128xi32>
    %eq3A_1349 = arith.cmpi eq, %get3A_258, %eq3A_1348 : vector<128x128xi32>
    %and3A_1350 = arith.andi %and3A_874, %eq3A_1349 : vector<128x128xi1>
    %jit3A_1351 = arith.constant 1.000000e+00 : f32
    %jit3A_1352 = arith.constant 0.000000e+00 : f32
    %broadcast_in_dim3A_1353 = vector.broadcast %jit3A_1351 : f32 to vector<128x128xf32>
    %broadcast_in_dim3A_1354 = vector.broadcast %jit3A_1352 : f32 to vector<128x128xf32>
    %select_n3A_1355 = arith.select %and3A_1350, %broadcast_in_dim3A_1353, %broadcast_in_dim3A_1354 : vector<128x128xi1>, vector<128x128xf32>
    %reduce_sum3A_1356 = vector.shape_cast %select_n3A_1355 : vector<128x128xf32> to vector<1x128x128xf32>
    %reduce_sum3A_1357 = arith.constant dense<0.000000e+00> : vector<1xf32>
    %reduce_sum3A_1358 = vector.multi_reduction <add>, %reduce_sum3A_1356, %reduce_sum3A_1357 [1, 2] : vector<1x128x128xf32> to vector<1xf32>
    %reduce_sum3A_1359 = vector.shape_cast %reduce_sum3A_1358 : vector<1xf32> to vector<1x1x1xf32>
    %reduce_sum3A_1360 = vector.extract %reduce_sum3A_1359[0, 0, 0] : f32 from vector<1x1x1xf32>
    %eq3A_1361 = arith.constant 1 : i32
    %eq3A_1362 = vector.broadcast %eq3A_1361 : i32 to vector<2x8xi32>
    %eq3A_1363 = arith.cmpi eq, %iota3A_291, %eq3A_1362 : vector<2x8xi32>
    %eq3A_1364 = arith.constant 4 : i32
    %eq3A_1365 = vector.broadcast %eq3A_1364 : i32 to vector<2x8xi32>
    %eq3A_1366 = arith.cmpi eq, %iota3A_292, %eq3A_1365 : vector<2x8xi32>
    %and3A_1367 = arith.andi %eq3A_1363, %eq3A_1366 : vector<2x8xi1>
    %jit3A_1368 = arith.constant 0.000000e+00 : f32
    %broadcast_in_dim3A_1369 = vector.broadcast %reduce_sum3A_1360 : f32 to vector<2x8xf32>
    %broadcast_in_dim3A_1370 = vector.broadcast %jit3A_1368 : f32 to vector<2x8xf32>
    %select_n3A_1371 = arith.select %and3A_1367, %broadcast_in_dim3A_1369, %broadcast_in_dim3A_1370 : vector<2x8xi1>, vector<2x8xf32>
    %add3A_1372 = arith.addf %add3A_1346, %select_n3A_1371 : vector<2x8xf32>
    %eq3A_1373 = arith.constant 5 : i32
    %eq3A_1374 = vector.broadcast %eq3A_1373 : i32 to vector<128x128xi32>
    %eq3A_1375 = arith.cmpi eq, %get3A_258, %eq3A_1374 : vector<128x128xi32>
    %and3A_1376 = arith.andi %and3A_874, %eq3A_1375 : vector<128x128xi1>
    %jit3A_1377 = arith.constant 1.000000e+00 : f32
    %jit3A_1378 = arith.constant 0.000000e+00 : f32
    %broadcast_in_dim3A_1379 = vector.broadcast %jit3A_1377 : f32 to vector<128x128xf32>
    %broadcast_in_dim3A_1380 = vector.broadcast %jit3A_1378 : f32 to vector<128x128xf32>
    %select_n3A_1381 = arith.select %and3A_1376, %broadcast_in_dim3A_1379, %broadcast_in_dim3A_1380 : vector<128x128xi1>, vector<128x128xf32>
    %reduce_sum3A_1382 = vector.shape_cast %select_n3A_1381 : vector<128x128xf32> to vector<1x128x128xf32>
    %reduce_sum3A_1383 = arith.constant dense<0.000000e+00> : vector<1xf32>
    %reduce_sum3A_1384 = vector.multi_reduction <add>, %reduce_sum3A_1382, %reduce_sum3A_1383 [1, 2] : vector<1x128x128xf32> to vector<1xf32>
    %reduce_sum3A_1385 = vector.shape_cast %reduce_sum3A_1384 : vector<1xf32> to vector<1x1x1xf32>
    %reduce_sum3A_1386 = vector.extract %reduce_sum3A_1385[0, 0, 0] : f32 from vector<1x1x1xf32>
    %eq3A_1387 = arith.constant 1 : i32
    %eq3A_1388 = vector.broadcast %eq3A_1387 : i32 to vector<2x8xi32>
    %eq3A_1389 = arith.cmpi eq, %iota3A_291, %eq3A_1388 : vector<2x8xi32>
    %eq3A_1390 = arith.constant 5 : i32
    %eq3A_1391 = vector.broadcast %eq3A_1390 : i32 to vector<2x8xi32>
    %eq3A_1392 = arith.cmpi eq, %iota3A_292, %eq3A_1391 : vector<2x8xi32>
    %and3A_1393 = arith.andi %eq3A_1389, %eq3A_1392 : vector<2x8xi1>
    %jit3A_1394 = arith.constant 0.000000e+00 : f32
    %broadcast_in_dim3A_1395 = vector.broadcast %reduce_sum3A_1386 : f32 to vector<2x8xf32>
    %broadcast_in_dim3A_1396 = vector.broadcast %jit3A_1394 : f32 to vector<2x8xf32>
    %select_n3A_1397 = arith.select %and3A_1393, %broadcast_in_dim3A_1395, %broadcast_in_dim3A_1396 : vector<2x8xi1>, vector<2x8xf32>
    %add3A_1398 = arith.addf %add3A_1372, %select_n3A_1397 : vector<2x8xf32>
    %eq3A_1399 = arith.constant 6 : i32
    %eq3A_1400 = vector.broadcast %eq3A_1399 : i32 to vector<128x128xi32>
    %eq3A_1401 = arith.cmpi eq, %get3A_258, %eq3A_1400 : vector<128x128xi32>
    %and3A_1402 = arith.andi %and3A_874, %eq3A_1401 : vector<128x128xi1>
    %jit3A_1403 = arith.constant 1.000000e+00 : f32
    %jit3A_1404 = arith.constant 0.000000e+00 : f32
    %broadcast_in_dim3A_1405 = vector.broadcast %jit3A_1403 : f32 to vector<128x128xf32>
    %broadcast_in_dim3A_1406 = vector.broadcast %jit3A_1404 : f32 to vector<128x128xf32>
    %select_n3A_1407 = arith.select %and3A_1402, %broadcast_in_dim3A_1405, %broadcast_in_dim3A_1406 : vector<128x128xi1>, vector<128x128xf32>
    %reduce_sum3A_1408 = vector.shape_cast %select_n3A_1407 : vector<128x128xf32> to vector<1x128x128xf32>
    %reduce_sum3A_1409 = arith.constant dense<0.000000e+00> : vector<1xf32>
    %reduce_sum3A_1410 = vector.multi_reduction <add>, %reduce_sum3A_1408, %reduce_sum3A_1409 [1, 2] : vector<1x128x128xf32> to vector<1xf32>
    %reduce_sum3A_1411 = vector.shape_cast %reduce_sum3A_1410 : vector<1xf32> to vector<1x1x1xf32>
    %reduce_sum3A_1412 = vector.extract %reduce_sum3A_1411[0, 0, 0] : f32 from vector<1x1x1xf32>
    %eq3A_1413 = arith.constant 1 : i32
    %eq3A_1414 = vector.broadcast %eq3A_1413 : i32 to vector<2x8xi32>
    %eq3A_1415 = arith.cmpi eq, %iota3A_291, %eq3A_1414 : vector<2x8xi32>
    %eq3A_1416 = arith.constant 6 : i32
    %eq3A_1417 = vector.broadcast %eq3A_1416 : i32 to vector<2x8xi32>
    %eq3A_1418 = arith.cmpi eq, %iota3A_292, %eq3A_1417 : vector<2x8xi32>
    %and3A_1419 = arith.andi %eq3A_1415, %eq3A_1418 : vector<2x8xi1>
    %jit3A_1420 = arith.constant 0.000000e+00 : f32
    %broadcast_in_dim3A_1421 = vector.broadcast %reduce_sum3A_1412 : f32 to vector<2x8xf32>
    %broadcast_in_dim3A_1422 = vector.broadcast %jit3A_1420 : f32 to vector<2x8xf32>
    %select_n3A_1423 = arith.select %and3A_1419, %broadcast_in_dim3A_1421, %broadcast_in_dim3A_1422 : vector<2x8xi1>, vector<2x8xf32>
    %add3A_1424 = arith.addf %add3A_1398, %select_n3A_1423 : vector<2x8xf32>
    %eq3A_1425 = arith.constant 7 : i32
    %eq3A_1426 = vector.broadcast %eq3A_1425 : i32 to vector<128x128xi32>
    %eq3A_1427 = arith.cmpi eq, %get3A_258, %eq3A_1426 : vector<128x128xi32>
    %and3A_1428 = arith.andi %and3A_874, %eq3A_1427 : vector<128x128xi1>
    %jit3A_1429 = arith.constant 1.000000e+00 : f32
    %jit3A_1430 = arith.constant 0.000000e+00 : f32
    %broadcast_in_dim3A_1431 = vector.broadcast %jit3A_1429 : f32 to vector<128x128xf32>
    %broadcast_in_dim3A_1432 = vector.broadcast %jit3A_1430 : f32 to vector<128x128xf32>
    %select_n3A_1433 = arith.select %and3A_1428, %broadcast_in_dim3A_1431, %broadcast_in_dim3A_1432 : vector<128x128xi1>, vector<128x128xf32>
    %reduce_sum3A_1434 = vector.shape_cast %select_n3A_1433 : vector<128x128xf32> to vector<1x128x128xf32>
    %reduce_sum3A_1435 = arith.constant dense<0.000000e+00> : vector<1xf32>
    %reduce_sum3A_1436 = vector.multi_reduction <add>, %reduce_sum3A_1434, %reduce_sum3A_1435 [1, 2] : vector<1x128x128xf32> to vector<1xf32>
    %reduce_sum3A_1437 = vector.shape_cast %reduce_sum3A_1436 : vector<1xf32> to vector<1x1x1xf32>
    %reduce_sum3A_1438 = vector.extract %reduce_sum3A_1437[0, 0, 0] : f32 from vector<1x1x1xf32>
    %eq3A_1439 = arith.constant 1 : i32
    %eq3A_1440 = vector.broadcast %eq3A_1439 : i32 to vector<2x8xi32>
    %eq3A_1441 = arith.cmpi eq, %iota3A_291, %eq3A_1440 : vector<2x8xi32>
    %eq3A_1442 = arith.constant 7 : i32
    %eq3A_1443 = vector.broadcast %eq3A_1442 : i32 to vector<2x8xi32>
    %eq3A_1444 = arith.cmpi eq, %iota3A_292, %eq3A_1443 : vector<2x8xi32>
    %and3A_1445 = arith.andi %eq3A_1441, %eq3A_1444 : vector<2x8xi1>
    %jit3A_1446 = arith.constant 0.000000e+00 : f32
    %broadcast_in_dim3A_1447 = vector.broadcast %reduce_sum3A_1438 : f32 to vector<2x8xf32>
    %broadcast_in_dim3A_1448 = vector.broadcast %jit3A_1446 : f32 to vector<2x8xf32>
    %select_n3A_1449 = arith.select %and3A_1445, %broadcast_in_dim3A_1447, %broadcast_in_dim3A_1448 : vector<2x8xi1>, vector<2x8xf32>
    %add3A_1450 = arith.addf %add3A_1424, %select_n3A_1449 : vector<2x8xf32>
    %eq3A_1451 = arith.constant 0 : i32
    %eq3A_1452 = arith.cmpi eq, %arg0, %eq3A_1451 : i32
    %convert_element_type3A_1453 = arith.extui %eq3A_1452 : i1 to i32
    %cond3A = arith.constant 0 : i32
    %cond3A_1454 = arith.cmpi ne, %convert_element_type3A_1453, %cond3A : i32
    scf.if %cond3A_1454 {
      %swap3A_1459 = arith.constant 0 : index
      %swap3A_1460 = arith.constant 0 : index
      %swap3A_1461 = vector.load %arg8[%swap3A_1459, %swap3A_1460] : memref<2x18xf32, #tpu.memory_space<vmem>>, vector<2x18xf32>
      tpu.vector_store %arg8[%swap3A_1459, %swap3A_1460], %add3A_1242 {strides = array<i32>} : memref<2x18xf32, #tpu.memory_space<vmem>>, vector<2x18xf32>,
      %swap3A_1462 = arith.constant 0 : index
      %swap3A_1463 = arith.constant 0 : index
      %swap3A_1464 = vector.load %arg9[%swap3A_1462, %swap3A_1463] : memref<2x8xf32, #tpu.memory_space<vmem>>, vector<2x8xf32>
      tpu.vector_store %arg9[%swap3A_1462, %swap3A_1463], %add3A_1450 {strides = array<i32>} : memref<2x8xf32, #tpu.memory_space<vmem>>, vector<2x8xf32>,
    } else {
    }
    %ne3A = arith.constant 0 : i32
    %ne3A_1455 = arith.cmpi ne, %arg0, %ne3A : i32
    %convert_element_type3A_1456 = arith.extui %ne3A_1455 : i1 to i32
    %cond3A_1457 = arith.constant 0 : i32
    %cond3A_1458 = arith.cmpi ne, %convert_element_type3A_1456, %cond3A_1457 : i32
    scf.if %cond3A_1458 {
      %get3A_1459 = arith.constant 0 : index
      %get3A_1460 = arith.constant 0 : index
      %get3A_1461 = vector.load %arg8[%get3A_1459, %get3A_1460] : memref<2x18xf32, #tpu.memory_space<vmem>>, vector<2x18xf32>
      %add3A_1462 = arith.addf %get3A_1461, %add3A_1242 : vector<2x18xf32>
      %swap3A_1463 = arith.constant 0 : index
      %swap3A_1464 = arith.constant 0 : index
      %swap3A_1465 = vector.load %arg8[%swap3A_1463, %swap3A_1464] : memref<2x18xf32, #tpu.memory_space<vmem>>, vector<2x18xf32>
      tpu.vector_store %arg8[%swap3A_1463, %swap3A_1464], %add3A_1462 {strides = array<i32>} : memref<2x18xf32, #tpu.memory_space<vmem>>, vector<2x18xf32>,
      %get3A_1466 = arith.constant 0 : index
      %get3A_1467 = arith.constant 0 : index
      %get3A_1468 = vector.load %arg9[%get3A_1466, %get3A_1467] : memref<2x8xf32, #tpu.memory_space<vmem>>, vector<2x8xf32>
      %add3A_1469 = arith.addf %get3A_1468, %add3A_1450 : vector<2x8xf32>
      %swap3A_1470 = arith.constant 0 : index
      %swap3A_1471 = arith.constant 0 : index
      %swap3A_1472 = vector.load %arg9[%swap3A_1470, %swap3A_1471] : memref<2x8xf32, #tpu.memory_space<vmem>>, vector<2x8xf32>
      tpu.vector_store %arg9[%swap3A_1470, %swap3A_1471], %add3A_1469 {strides = array<i32>} : memref<2x8xf32, #tpu.memory_space<vmem>>, vector<2x8xf32>,
    } else {
    }
    return
  }
  func.func @transform_0(%arg0: i32) -> (i32, i32) {
    %c0_i32 = arith.constant 0 : i32
    %c0_i32_0 = arith.constant 0 : i32
    return %arg0, %c0_i32 : i32, i32
  }
  func.func @transform_1(%arg0: i32) -> (i32, i32) {
    %c0_i32 = arith.constant 0 : i32
    %c0_i32_0 = arith.constant 0 : i32
    return %arg0, %c0_i32 : i32, i32
  }
  func.func @transform_2(%arg0: i32) -> (i32, i32) {
    %c0_i32 = arith.constant 0 : i32
    %c0_i32_0 = arith.constant 0 : i32
    return %arg0, %c0_i32 : i32, i32
  }
  func.func @transform_3(%arg0: i32) -> (i32, i32) {
    %c0_i32 = arith.constant 0 : i32
    %c0_i32_0 = arith.constant 0 : i32
    return %arg0, %c0_i32 : i32, i32
  }
  func.func @transform_4(%arg0: i32) -> (i32, i32) {
    %c0_i32 = arith.constant 0 : i32
    %c0_i32_0 = arith.constant 0 : i32
    return %arg0, %c0_i32 : i32, i32
  }
  func.func @transform_5(%arg0: i32) -> (i32, i32) {
    %c0_i32 = arith.constant 0 : i32
    %c0_i32_0 = arith.constant 0 : i32
    return %arg0, %c0_i32 : i32, i32
  }
  func.func @transform_6(%arg0: i32) -> (i32, i32) {
    %c0_i32 = arith.constant 0 : i32
    %c0_i32_0 = arith.constant 0 : i32
    return %arg0, %c0_i32 : i32, i32
  }
  func.func @transform_7(%arg0: i32) -> (i32, i32) {
    %c0_i32 = arith.constant 0 : i32
    %c0_i32_0 = arith.constant 0 : i32
    %c0_i32_1 = arith.constant 0 : i32
    return %c0_i32, %c0_i32_0 : i32, i32
  }
  func.func @transform_8(%arg0: i32) -> (i32, i32) {
    %c0_i32 = arith.constant 0 : i32
    %c0_i32_0 = arith.constant 0 : i32
    %c0_i32_1 = arith.constant 0 : i32
    return %c0_i32, %c0_i32_0 : i32, i32
  }
}

module attributes {stable_mosaic.version = 14 : i64} {
  func.func @_combine_body(%arg0: i32, %arg1: memref<1000x128xf32, #tpu.memory_space<vmem>>, %arg2: memref<1000x128xf32, #tpu.memory_space<vmem>>, %arg3: memref<2x18xf32, #tpu.memory_space<vmem>>, %arg4: memref<2x8xf32, #tpu.memory_space<vmem>>, %arg5: memref<8x128xf32, #tpu.memory_space<vmem>>, %arg6: memref<18x128xf32, #tpu.memory_space<vmem>>, %arg7: memref<1000x128xf32, #tpu.memory_space<vmem>>) attributes {dimension_semantics = [#tpu.dimension_semantics<arbitrary>], iteration_bounds = array<i64: 10>, scalar_prefetch = 0 : i64, scratch_operands = 0 : i64, tpu.core_type = #tpu.core_type<tc>, window_params = [{transform_indices = @transform_0, window_bounds = array<i64: 1000, 128>}, {transform_indices = @transform_1, window_bounds = array<i64: 1000, 128>}, {pipeline_mode = #tpu.pipeline_mode<synchronous>, transform_indices = @transform_2, window_bounds = array<i64: 2, 18>}, {pipeline_mode = #tpu.pipeline_mode<synchronous>, transform_indices = @transform_3, window_bounds = array<i64: 2, 8>}, {pipeline_mode = #tpu.pipeline_mode<synchronous>, transform_indices = @transform_4, window_bounds = array<i64: 8, 128>}, {pipeline_mode = #tpu.pipeline_mode<synchronous>, transform_indices = @transform_5, window_bounds = array<i64: 18, 128>}, {transform_indices = @transform_6, window_bounds = array<i64: 1000, 128>}]} {
    %get3A = arith.constant 0 : index
    %get3A_0 = arith.constant 0 : index
    %get3A_1 = vector.load %arg1[%get3A, %get3A_0] : memref<1000x128xf32, #tpu.memory_space<vmem>>, vector<1000x128xf32>
    %get3A_2 = arith.constant 0 : index
    %get3A_3 = arith.constant 0 : index
    %get3A_4 = vector.load %arg2[%get3A_2, %get3A_3] : memref<1000x128xf32, #tpu.memory_space<vmem>>, vector<1000x128xf32>
    %add3A = arith.addf %get3A_1, %get3A_4 : vector<1000x128xf32>
    %get3A_5 = arith.constant 0 : index
    %get3A_6 = arith.constant 0 : index
    %get3A_7 = vector.load %arg3[%get3A_5, %get3A_6] : memref<2x18xf32, #tpu.memory_space<vmem>>, vector<2x18xf32>
    %get3A_8 = arith.constant 0 : index
    %get3A_9 = arith.constant 0 : index
    %get3A_10 = vector.load %arg6[%get3A_8, %get3A_9] : memref<18x128xf32, #tpu.memory_space<vmem>>, vector<18x128xf32>
    %dot_general3A = arith.constant dense<0.000000e+00> : vector<2x128xf32>
    %dot_general3A_11 = tpu.matmul %get3A_7, %get3A_10, %dot_general3A {dimension_numbers = #tpu.dot_dimension_numbers<[1], [0], [0], [1], [0, 0, 1, 1], [], []>, transpose_lhs_hint = false} : vector<2x18xf32>, vector<18x128xf32>, vector<2x128xf32> -> vector<2x128xf32>
    %get3A_12 = arith.constant 0 : index
    %get3A_13 = arith.constant 0 : index
    %get3A_14 = vector.load %arg4[%get3A_12, %get3A_13] : memref<2x8xf32, #tpu.memory_space<vmem>>, vector<2x8xf32>
    %get3A_15 = arith.constant 0 : index
    %get3A_16 = arith.constant 0 : index
    %get3A_17 = vector.load %arg5[%get3A_15, %get3A_16] : memref<8x128xf32, #tpu.memory_space<vmem>>, vector<8x128xf32>
    %dot_general3A_18 = arith.constant dense<0.000000e+00> : vector<2x128xf32>
    %dot_general3A_19 = tpu.matmul %get3A_14, %get3A_17, %dot_general3A_18 {dimension_numbers = #tpu.dot_dimension_numbers<[1], [0], [0], [1], [0, 0, 1, 1], [], []>, transpose_lhs_hint = false} : vector<2x8xf32>, vector<8x128xf32>, vector<2x128xf32> -> vector<2x128xf32>
    %add3A_20 = arith.addf %dot_general3A_11, %dot_general3A_19 : vector<2x128xf32>
    %iota3A = tpu.iota {dimensions = array<i32: 0>} : vector<1000x128xi32>
    %eq3A = arith.constant 0 : i32
    %eq3A_21 = arith.cmpi eq, %arg0, %eq3A : i32
    %eq3A_22 = arith.constant 0 : i32
    %eq3A_23 = vector.broadcast %eq3A_22 : i32 to vector<1000x128xi32>
    %eq3A_24 = arith.cmpi eq, %iota3A, %eq3A_23 : vector<1000x128xi32>
    %and3A = vector.broadcast %eq3A_21 : i1 to vector<1000x128xi1>
    %and3A_25 = arith.andi %and3A, %eq3A_24 : vector<1000x128xi1>
    %slice3A = vector.extract_strided_slice %add3A_20 {offsets = [0, 0], sizes = [1, 128], strides = [1, 1]} : vector<2x128xf32> to vector<1x128xf32>
    %jit3A = arith.constant 0.000000e+00 : f32
    %broadcast_in_dim3A = vector.shape_cast %slice3A : vector<1x128xf32> to vector<1x128xf32>
    %broadcast_in_dim3A_26 = vector.broadcast %broadcast_in_dim3A : vector<1x128xf32> to vector<1000x128xf32>
    %broadcast_in_dim3A_27 = vector.broadcast %jit3A : f32 to vector<1000x128xf32>
    %select_n3A = arith.select %and3A_25, %broadcast_in_dim3A_26, %broadcast_in_dim3A_27 : vector<1000x128xi1>, vector<1000x128xf32>
    %add3A_28 = arith.addf %add3A, %select_n3A : vector<1000x128xf32>
    %eq3A_29 = arith.constant 1 : i32
    %eq3A_30 = vector.broadcast %eq3A_29 : i32 to vector<1000x128xi32>
    %eq3A_31 = arith.cmpi eq, %iota3A, %eq3A_30 : vector<1000x128xi32>
    %and3A_32 = vector.broadcast %eq3A_21 : i1 to vector<1000x128xi1>
    %and3A_33 = arith.andi %and3A_32, %eq3A_31 : vector<1000x128xi1>
    %slice3A_34 = vector.extract_strided_slice %add3A_20 {offsets = [1, 0], sizes = [1, 128], strides = [1, 1]} : vector<2x128xf32> to vector<1x128xf32>
    %jit3A_35 = arith.constant 0.000000e+00 : f32
    %broadcast_in_dim3A_36 = vector.shape_cast %slice3A_34 : vector<1x128xf32> to vector<1x128xf32>
    %broadcast_in_dim3A_37 = vector.broadcast %broadcast_in_dim3A_36 : vector<1x128xf32> to vector<1000x128xf32>
    %broadcast_in_dim3A_38 = vector.broadcast %jit3A_35 : f32 to vector<1000x128xf32>
    %select_n3A_39 = arith.select %and3A_33, %broadcast_in_dim3A_37, %broadcast_in_dim3A_38 : vector<1000x128xi1>, vector<1000x128xf32>
    %add3A_40 = arith.addf %add3A_28, %select_n3A_39 : vector<1000x128xf32>
    %tanh3A = math.tanh %add3A_40 : vector<1000x128xf32>
    %swap3A = arith.constant 0 : index
    %swap3A_41 = arith.constant 0 : index
    %swap3A_42 = vector.load %arg7[%swap3A, %swap3A_41] : memref<1000x128xf32, #tpu.memory_space<vmem>>, vector<1000x128xf32>
    tpu.vector_store %arg7[%swap3A, %swap3A_41], %tanh3A {strides = array<i32>} : memref<1000x128xf32, #tpu.memory_space<vmem>>, vector<1000x128xf32>,
    return
  }
  func.func @transform_0(%arg0: i32) -> (i32, i32) {
    %c0_i32 = arith.constant 0 : i32
    %c0_i32_0 = arith.constant 0 : i32
    return %arg0, %c0_i32 : i32, i32
  }
  func.func @transform_1(%arg0: i32) -> (i32, i32) {
    %c0_i32 = arith.constant 0 : i32
    %c0_i32_0 = arith.constant 0 : i32
    return %arg0, %c0_i32 : i32, i32
  }
  func.func @transform_2(%arg0: i32) -> (i32, i32) {
    %c0_i32 = arith.constant 0 : i32
    %c0_i32_0 = arith.constant 0 : i32
    %c0_i32_1 = arith.constant 0 : i32
    return %c0_i32, %c0_i32_0 : i32, i32
  }
  func.func @transform_3(%arg0: i32) -> (i32, i32) {
    %c0_i32 = arith.constant 0 : i32
    %c0_i32_0 = arith.constant 0 : i32
    %c0_i32_1 = arith.constant 0 : i32
    return %c0_i32, %c0_i32_0 : i32, i32
  }
  func.func @transform_4(%arg0: i32) -> (i32, i32) {
    %c0_i32 = arith.constant 0 : i32
    %c0_i32_0 = arith.constant 0 : i32
    %c0_i32_1 = arith.constant 0 : i32
    return %c0_i32, %c0_i32_0 : i32, i32
  }
  func.func @transform_5(%arg0: i32) -> (i32, i32) {
    %c0_i32 = arith.constant 0 : i32
    %c0_i32_0 = arith.constant 0 : i32
    %c0_i32_1 = arith.constant 0 : i32
    return %c0_i32, %c0_i32_0 : i32, i32
  }
  func.func @transform_6(%arg0: i32) -> (i32, i32) {
    %c0_i32 = arith.constant 0 : i32
    %c0_i32_0 = arith.constant 0 : i32
    return %arg0, %c0_i32 : i32, i32
  }
}

module attributes {stable_mosaic.version = 14 : i64} {
  func.func @_combine_body(%arg0: i32, %arg1: memref<1000x128xf32, #tpu.memory_space<vmem>>, %arg2: memref<1000x128xf32, #tpu.memory_space<vmem>>, %arg3: memref<2x18xf32, #tpu.memory_space<vmem>>, %arg4: memref<2x8xf32, #tpu.memory_space<vmem>>, %arg5: memref<8x128xf32, #tpu.memory_space<vmem>>, %arg6: memref<18x128xf32, #tpu.memory_space<vmem>>, %arg7: memref<1000x128xf32, #tpu.memory_space<vmem>>) attributes {dimension_semantics = [#tpu.dimension_semantics<arbitrary>], iteration_bounds = array<i64: 10>, scalar_prefetch = 0 : i64, scratch_operands = 0 : i64, tpu.core_type = #tpu.core_type<tc>, window_params = [{transform_indices = @transform_0, window_bounds = array<i64: 1000, 128>}, {transform_indices = @transform_1, window_bounds = array<i64: 1000, 128>}, {pipeline_mode = #tpu.pipeline_mode<synchronous>, transform_indices = @transform_2, window_bounds = array<i64: 2, 18>}, {pipeline_mode = #tpu.pipeline_mode<synchronous>, transform_indices = @transform_3, window_bounds = array<i64: 2, 8>}, {pipeline_mode = #tpu.pipeline_mode<synchronous>, transform_indices = @transform_4, window_bounds = array<i64: 8, 128>}, {pipeline_mode = #tpu.pipeline_mode<synchronous>, transform_indices = @transform_5, window_bounds = array<i64: 18, 128>}, {transform_indices = @transform_6, window_bounds = array<i64: 1000, 128>}]} {
    %get3A = arith.constant 0 : index
    %get3A_0 = arith.constant 0 : index
    %get3A_1 = vector.load %arg1[%get3A, %get3A_0] : memref<1000x128xf32, #tpu.memory_space<vmem>>, vector<1000x128xf32>
    %get3A_2 = arith.constant 0 : index
    %get3A_3 = arith.constant 0 : index
    %get3A_4 = vector.load %arg2[%get3A_2, %get3A_3] : memref<1000x128xf32, #tpu.memory_space<vmem>>, vector<1000x128xf32>
    %add3A = arith.addf %get3A_1, %get3A_4 : vector<1000x128xf32>
    %get3A_5 = arith.constant 0 : index
    %get3A_6 = arith.constant 0 : index
    %get3A_7 = vector.load %arg3[%get3A_5, %get3A_6] : memref<2x18xf32, #tpu.memory_space<vmem>>, vector<2x18xf32>
    %get3A_8 = arith.constant 0 : index
    %get3A_9 = arith.constant 0 : index
    %get3A_10 = vector.load %arg6[%get3A_8, %get3A_9] : memref<18x128xf32, #tpu.memory_space<vmem>>, vector<18x128xf32>
    %dot_general3A = arith.constant dense<0.000000e+00> : vector<2x128xf32>
    %dot_general3A_11 = tpu.matmul %get3A_7, %get3A_10, %dot_general3A {dimension_numbers = #tpu.dot_dimension_numbers<[1], [0], [0], [1], [0, 0, 1, 1], [], []>, transpose_lhs_hint = false} : vector<2x18xf32>, vector<18x128xf32>, vector<2x128xf32> -> vector<2x128xf32>
    %get3A_12 = arith.constant 0 : index
    %get3A_13 = arith.constant 0 : index
    %get3A_14 = vector.load %arg4[%get3A_12, %get3A_13] : memref<2x8xf32, #tpu.memory_space<vmem>>, vector<2x8xf32>
    %get3A_15 = arith.constant 0 : index
    %get3A_16 = arith.constant 0 : index
    %get3A_17 = vector.load %arg5[%get3A_15, %get3A_16] : memref<8x128xf32, #tpu.memory_space<vmem>>, vector<8x128xf32>
    %dot_general3A_18 = arith.constant dense<0.000000e+00> : vector<2x128xf32>
    %dot_general3A_19 = tpu.matmul %get3A_14, %get3A_17, %dot_general3A_18 {dimension_numbers = #tpu.dot_dimension_numbers<[1], [0], [0], [1], [0, 0, 1, 1], [], []>, transpose_lhs_hint = false} : vector<2x8xf32>, vector<8x128xf32>, vector<2x128xf32> -> vector<2x128xf32>
    %add3A_20 = arith.addf %dot_general3A_11, %dot_general3A_19 : vector<2x128xf32>
    %iota3A = tpu.iota {dimensions = array<i32: 0>} : vector<1000x128xi32>
    %eq3A = arith.constant 0 : i32
    %eq3A_21 = arith.cmpi eq, %arg0, %eq3A : i32
    %eq3A_22 = arith.constant 0 : i32
    %eq3A_23 = vector.broadcast %eq3A_22 : i32 to vector<1000x128xi32>
    %eq3A_24 = arith.cmpi eq, %iota3A, %eq3A_23 : vector<1000x128xi32>
    %and3A = vector.broadcast %eq3A_21 : i1 to vector<1000x128xi1>
    %and3A_25 = arith.andi %and3A, %eq3A_24 : vector<1000x128xi1>
    %slice3A = vector.extract_strided_slice %add3A_20 {offsets = [0, 0], sizes = [1, 128], strides = [1, 1]} : vector<2x128xf32> to vector<1x128xf32>
    %jit3A = arith.constant 0.000000e+00 : f32
    %broadcast_in_dim3A = vector.shape_cast %slice3A : vector<1x128xf32> to vector<1x128xf32>
    %broadcast_in_dim3A_26 = vector.broadcast %broadcast_in_dim3A : vector<1x128xf32> to vector<1000x128xf32>
    %broadcast_in_dim3A_27 = vector.broadcast %jit3A : f32 to vector<1000x128xf32>
    %select_n3A = arith.select %and3A_25, %broadcast_in_dim3A_26, %broadcast_in_dim3A_27 : vector<1000x128xi1>, vector<1000x128xf32>
    %add3A_28 = arith.addf %add3A, %select_n3A : vector<1000x128xf32>
    %eq3A_29 = arith.constant 1 : i32
    %eq3A_30 = vector.broadcast %eq3A_29 : i32 to vector<1000x128xi32>
    %eq3A_31 = arith.cmpi eq, %iota3A, %eq3A_30 : vector<1000x128xi32>
    %and3A_32 = vector.broadcast %eq3A_21 : i1 to vector<1000x128xi1>
    %and3A_33 = arith.andi %and3A_32, %eq3A_31 : vector<1000x128xi1>
    %slice3A_34 = vector.extract_strided_slice %add3A_20 {offsets = [1, 0], sizes = [1, 128], strides = [1, 1]} : vector<2x128xf32> to vector<1x128xf32>
    %jit3A_35 = arith.constant 0.000000e+00 : f32
    %broadcast_in_dim3A_36 = vector.shape_cast %slice3A_34 : vector<1x128xf32> to vector<1x128xf32>
    %broadcast_in_dim3A_37 = vector.broadcast %broadcast_in_dim3A_36 : vector<1x128xf32> to vector<1000x128xf32>
    %broadcast_in_dim3A_38 = vector.broadcast %jit3A_35 : f32 to vector<1000x128xf32>
    %select_n3A_39 = arith.select %and3A_33, %broadcast_in_dim3A_37, %broadcast_in_dim3A_38 : vector<1000x128xi1>, vector<1000x128xf32>
    %add3A_40 = arith.addf %add3A_28, %select_n3A_39 : vector<1000x128xf32>
    %swap3A = arith.constant 0 : index
    %swap3A_41 = arith.constant 0 : index
    %swap3A_42 = vector.load %arg7[%swap3A, %swap3A_41] : memref<1000x128xf32, #tpu.memory_space<vmem>>, vector<1000x128xf32>
    tpu.vector_store %arg7[%swap3A, %swap3A_41], %add3A_40 {strides = array<i32>} : memref<1000x128xf32, #tpu.memory_space<vmem>>, vector<1000x128xf32>,
    return
  }
  func.func @transform_0(%arg0: i32) -> (i32, i32) {
    %c0_i32 = arith.constant 0 : i32
    %c0_i32_0 = arith.constant 0 : i32
    return %arg0, %c0_i32 : i32, i32
  }
  func.func @transform_1(%arg0: i32) -> (i32, i32) {
    %c0_i32 = arith.constant 0 : i32
    %c0_i32_0 = arith.constant 0 : i32
    return %arg0, %c0_i32 : i32, i32
  }
  func.func @transform_2(%arg0: i32) -> (i32, i32) {
    %c0_i32 = arith.constant 0 : i32
    %c0_i32_0 = arith.constant 0 : i32
    %c0_i32_1 = arith.constant 0 : i32
    return %c0_i32, %c0_i32_0 : i32, i32
  }
  func.func @transform_3(%arg0: i32) -> (i32, i32) {
    %c0_i32 = arith.constant 0 : i32
    %c0_i32_0 = arith.constant 0 : i32
    %c0_i32_1 = arith.constant 0 : i32
    return %c0_i32, %c0_i32_0 : i32, i32
  }
  func.func @transform_4(%arg0: i32) -> (i32, i32) {
    %c0_i32 = arith.constant 0 : i32
    %c0_i32_0 = arith.constant 0 : i32
    %c0_i32_1 = arith.constant 0 : i32
    return %c0_i32, %c0_i32_0 : i32, i32
  }
  func.func @transform_5(%arg0: i32) -> (i32, i32) {
    %c0_i32 = arith.constant 0 : i32
    %c0_i32_0 = arith.constant 0 : i32
    %c0_i32_1 = arith.constant 0 : i32
    return %c0_i32, %c0_i32_0 : i32, i32
  }
  func.func @transform_6(%arg0: i32) -> (i32, i32) {
    %c0_i32 = arith.constant 0 : i32
    %c0_i32_0 = arith.constant 0 : i32
    return %arg0, %c0_i32 : i32, i32
  }
}

</mosaic_0001>

<sc_bundles>
// kernel: kernel.12.cloned.1.call-start
scs
__scs_entry_jumppad:
0x0: {  	(pc) =	sbr.rel $0x88, $3  }
0x1: {  	(tag) =	ssettag $0x0;
	lr =	simm.s32 $0x1  }
0x2: {  	[smem:$0x3F98] =	sst lr;
	_ =	strace $0xD0000000  }
0x3: {  	_ = 	snop  }
0x4: {  	_ = 	snop  }
0x5: {  	_ = 	snop  }
0x6: {  	_ = 	snop  }
0x7: {  	_ = 	snop  }
__scs_overlays_trampoline_lowered:
0x8: {  	[smem:$0x3FA7] =	sst s0  }
0x9: {  	[smem:$0x3FA8] =	sst s1  }
0xa: {  	[smem:$0x3FA9] =	sst s2  }
0xb: {  	[smem:$0x3FAA] =	sst s3  }
0xc: {  	[smem:$0x3FAB] =	sst s4  }
0xd: {  	[smem:$0x3FAC] =	sst s5  }
0xe: {  	[smem:$0x3FAD] =	sst s6  }
0xf: {  	[smem:$0x3FAE] =	sst s7  }
0x10: {  	[smem:$0x3FAF] =	sst s8  }
0x11: {  	[smem:$0x3FB0] =	sst s9;
	s0 =	simm.s32 @!p0 $0x0  }
0x12: {  	s1 =	sld [smem:$0x3F96];
	s0 =	simm.s32 @p0 $0x1  }
0x13: {  	[smem:$0x3FB1] =	sst s0;
	s0 =	simm.s32 @!p1 $0x0  }
0x14: {  	s2 =	sld [smem:$0x3F95];
	s0 =	simm.s32 @p1 $0x1  }
0x15: {  	[smem:$0x3FB2] =	sst s0;
	s0 =	simm.s32 @!p2 $0x0  }
0x16: {  	s3 =	sld [smem:$0x3FDB];
	s0 =	simm.s32 @p2 $0x1  }
0x17: {  	s4 =	simm.s32 $0x1BF5;
	[smem:$0x3FB4] =	sst s0  }
0x18: {  	s0 =	sld [smem:$0x3F97];
	_ =	swait.ge [sflag:s4], $0x0  }
0x19: {  	s7 =	sld [smem:$0x3F98]  }
0x1a: {  	s8 =	sadd.s32 $0xFFFFE003, lr  }
0x1b: {  	s9 =	sadd.s32 $0xFFFFFEF7, lr;
	s5 =	simm.s32 $0xFFFFFFFF;
	p2 =	slt.u32 s8, $0xFFFFF086  }
0x1c: {  	p1 =	slt.u32 s9, $0xF7A;
	s5 =	simm.s32 @!p2 $0x0  }
0x1d: {  	s5 =	simm.s32 @p1 $0x1;
	p0 =	seq.s32 s7, s2  }
0x1e: {  	s7 =	smul.u32 @!p0 $0xF7A, s2;
	p2 =	seq.s32 @!p0 s5, $0x0  }
0x1f: {  	s9 =	smul.u32 $0xF7A, s1;
	s8 =	simm.s32 @!p0 $0x1BF5;
	p2 =	por !p2, p0  }
0x20: {  	[sflag:s8] =	ssyncset.s32 @!p0 $0xFFFFF086;
	s6 =	sadd.s32 @!p0 s3, s7;
	s7 =	simm.s32 @!p0 $0x108  }
0x21: {  	s3 =	sadd.s32 s3, s9;
	s6 =	sadd.s32 @!p0 $0x88, s6;
	s7 =	simm.s32 @p2 $0x1082  }
0x22: {  	[simem:s7], [sflag:s8] =	dma.local @!p0 [hbm:s6], $0xF7A  }
0x23: {  	s9 =	sor.u32 $0xD0000000, s2;
	s6 =	simm.s32 $0x108;
	_ =	swait.ge @!p0 [sflag:s8], $0x0  }
0x24: {  	s3 =	sadd.s32 $0x88, s3;
	s6 =	simm.s32 @!p1 $0x1082;
	[sflag:s4] =	ssyncset.s32 $0xFFFFF086  }
0x25: {  	[simem:s6], [sflag:s4] =	dma.local [hbm:s3], $0xF7A  }
0x26: {  	[smem:$0x3F98] =	sst s1;
	(tag) =	ssettag s2;
	_ =	strace s9  }
0x27: {  	s1 =	sld [smem:$0x3FA8]  }
0x28: {  	s2 =	sld [smem:$0x3FA9]  }
0x29: {  	s4 =	sld [smem:$0x3FAB]  }
0x2a: {  	p0 =	seq.s32 s5, $0x0;
	s5 =	sld [smem:$0x3FAC]  }
0x2b: {  	s6 =	sld [smem:$0x3FAD]  }
0x2c: {  	s7 =	sld [smem:$0x3FAE]  }
0x2d: {  	s3 =	simm.s32 $0x108;
	s8 =	sld [smem:$0x3FAF]  }
0x2e: {  	s3 =	simm.s32 @!p0 $0x1082;
	s9 =	sld [smem:$0x3FB0]  }
0x2f: {  	lr =	sadd.s32 s0, s3;
	s0 =	sld [smem:$0x3FA7]  }
0x30: {  	s3 =	sld [smem:$0x3FAA]  }
0x31: {  	[smem:$0x3FB3] =	sst s10  }
0x32: {  	s10 =	sld [smem:$0x3FB1];
	_ =	sdelay $0x3  }
0x33: {  	p0 =	seq.s32 s10, $0x1;
	s10 =	sld [smem:$0x3FB3];
	_ =	sdelay $0x3  }
0x34: {  	[smem:$0x3FB3] =	sst s10  }
0x35: {  	s10 =	sld [smem:$0x3FB2];
	_ =	sdelay $0x3  }
0x36: {  	p1 =	seq.s32 s10, $0x1;
	s10 =	sld [smem:$0x3FB3];
	_ =	sdelay $0x3  }
0x37: {  	[smem:$0x3FB3] =	sst s10  }
0x38: {  	s10 =	sld [smem:$0x3FB4]  }
0x39: {  	_ = 	snop;
	(pc) =	sbr.ind lr, $3  }
0x3a: {  	_ = 	snop  }
0x3b: {  	_ = 	snop  }
0x3c: {  	p2 =	seq.s32 s10, $0x1;
	s10 =	sld [smem:$0x3FB3]  }
0x3d: {  	_ =	shalt  }
0x3e: {  	_ =	shalt  }
0x3f: {  	_ =	shalt  }
0x40: {  	_ =	shalt  }
0x41: {  	_ =	shalt  }
0x42: {  	_ =	shalt  }
0x43: {  	_ =	shalt  }
0x44: {  	_ =	shalt  }
0x45: {  	_ =	shalt  }
0x46: {  	_ =	shalt  }
0x47: {  	_ =	shalt  }
0x48: {  	_ =	shalt  }
0x49: {  	_ =	shalt  }
0x4a: {  	_ =	shalt  }
0x4b: {  	_ =	shalt  }
0x4c: {  	_ =	shalt  }
0x4d: {  	_ =	shalt  }
0x4e: {  	_ =	shalt  }
0x4f: {  	_ =	shalt  }
0x50: {  	_ =	shalt  }
0x51: {  	_ =	shalt  }
0x52: {  	_ =	shalt  }
0x53: {  	_ =	shalt  }
0x54: {  	_ =	shalt  }
0x55: {  	_ =	shalt  }
0x56: {  	_ =	shalt  }
0x57: {  	_ =	shalt  }
0x58: {  	_ =	shalt  }
0x59: {  	_ =	shalt  }
0x5a: {  	_ =	shalt  }
0x5b: {  	_ =	shalt  }
0x5c: {  	_ =	shalt  }
0x5d: {  	_ =	shalt  }
0x5e: {  	_ =	shalt  }
0x5f: {  	_ =	shalt  }
0x60: {  	_ =	shalt  }
0x61: {  	_ =	shalt  }
0x62: {  	_ =	shalt  }
0x63: {  	_ =	shalt  }
0x64: {  	_ =	shalt  }
0x65: {  	_ =	shalt  }
0x66: {  	_ =	shalt  }
0x67: {  	_ =	shalt  }
0x68: {  	_ =	shalt  }
0x69: {  	_ =	shalt  }
0x6a: {  	_ =	shalt  }
0x6b: {  	_ =	shalt  }
0x6c: {  	_ =	shalt  }
0x6d: {  	_ =	shalt  }
0x6e: {  	_ =	shalt  }
0x6f: {  	_ =	shalt  }
0x70: {  	_ =	shalt  }
0x71: {  	_ =	shalt  }
0x72: {  	_ =	shalt  }
0x73: {  	_ =	shalt  }
0x74: {  	_ =	shalt  }
0x75: {  	_ =	shalt  }
0x76: {  	_ =	shalt  }
0x77: {  	_ =	shalt  }
0x78: {  	_ =	shalt  }
0x79: {  	_ =	shalt  }
0x7a: {  	_ =	shalt  }
0x7b: {  	_ =	shalt  }
0x7c: {  	_ =	shalt  }
0x7d: {  	_ =	shalt  }
0x7e: {  	_ =	shalt  }
0x7f: {  	_ =	shalt  }
0x80: {  	_ =	shalt  }
0x81: {  	_ =	shalt  }
0x82: {  	_ =	shalt  }
0x83: {  	_ =	shalt  }
0x84: {  	_ =	shalt  }
0x85: {  	_ =	shalt  }
0x86: {  	_ =	shalt  }
0x87: {  	_ =	shalt  }
.Lfunc_end0:
.L_simem_size_0:
called_computation_lowered:
.L_overlay_start_0:
0x88: {  	s2 =	sld [smem:$0x3FD9]  }
0x89: {  	s3 =	sld [smem:$0x3FFE];
	_ =	sdelay $0x1  }
0x8a: {  	s1 =	srdreg.scid  }
0x8b: {  	s0 =	sand.u32 $0x1, s1  }
0x8c: {  	s17 =	sshll.u32 s0, $0xA;
	s2 =	sadd.s32 s3, s2  }
0x8d: {  	s2 =	sadd.s32 s2, s17  }
0x8e: {  	[smem:$0x3FBF] =	sst s2  }
0x8f: {  	_ = 	snop  }
0x90: {  	s2 =	sld [smem:$0x3FC9]  }
0x91: {  	s18 =	sld [smem:$0x3FD0];
	(tm) =	ssettm $0x1  }
0x92: {  	s4 =	sld [smem:$0x3FFB];
	_ =	sdelay $0x3  }
0x93: {  	_ =	strace s4  }
0x94: {  	s4 =	sld [smem:$0x3FFC];
	_ =	sdelay $0x3  }
0x95: {  	_ =	strace s4  }
0x96: {  	s4 =	sld [smem:$0x3FFD];
	_ =	sdelay $0x3  }
0x97: {  	_ =	strace s4  }
0x98: {  	_ =	strace $0x8FFFFFFF  }
0x99: {  	s19 =	sld [smem:$0x3FDB];
	_ =	sdelay $0x1  }
0x9a: {  	s5 =	simm.s32 $_scs_section_size  }
0x9b: {  	s6 =	simm.s32 $_size__tile_overlayer_lowered;
	s7 =	simm.s32 $_tile_overlayer_lowered  }
0x9c: {  	s22 =	simm.s32 $0x1BFF;
	s21 =	sshll.u32 s7, $0x1;
	s4 =	sadd.s32 s5, s19  }
0x9d: {  	s8 =	simm.s32 $0x0;
	s20 =	sshll.u32 s6, $0x1;
	s6 =	sadd.s32 s21, s4  }
0x9e: {  	[timem:s8], [sflag:s22] =	dma.local [hbm:s6], s20  }
0x9f: {  	_ =	swait.ge [sflag:s22], s20  }
0xa0: {  	s5 =	ssub.s32 $0x0, s20;
	[sflag:s22] =	ssyncset.done $0x0  }
0xa1: {  	[sflag:s22] =	ssyncadd.s32 s5;
	_ =	sdelay $0x1  }
0xa2: {  	s23 =	simm.s32 $0x1B8B  }
0xa3: {  	_ =	swait.ge [sflag:s23], $0x1  }
0xa4: {  	[sflag:s23] =	ssyncset.done $0x0  }
0xa5: {  	s25 =	simm.s32 $0x1B8E;
	s24 =	sld [smem:$0x3FFE];
	[sflag:s23] =	ssyncadd.s32 $0xFFFFFFFF  }
0xa6: {  	s26 =	simm.s32 $execute0_lowered;
	[smem:$0x3FD2] =	sst s25  }
0xa7: {  	s6 =	sshll.u32 s26, $0x1;
	_ =	strace $0x80000046;
	[dreg:$0x1] =	wrdreg $0xFFFFFFFF  }
0xa8: {  	s28 =	simm.s32 $_size_execute0_lowered;
	s4 =	sadd.s32 s4, s6;
	[dreg:$0x0] =	wrdreg $0x0  }
0xa9: {  	s6 =	sshll.u32 s28, $0x1;
	[dreg:$0x2] =	wrdreg s4  }
0xaa: {  	[dreg:$0x3] =	wrdreg s6  }
0xab: {  	[dreg:$0x4] =	wrdreg $0xC0  }
0xac: {  	_ =	task [dreg:s8], $0x5FFFF  }
0xad: {  	[dreg:$0x1] =	wrdreg $0xFFFFFFFF  }
0xae: {  	[dreg:$0x0] =	wrdreg $0x60  }
0xaf: {  	[dreg:$0x2] =	wrdreg s2  }
0xb0: {  	[dreg:$0x3] =	wrdreg s24  }
0xb1: {  	[dreg:$0x4] =	wrdreg s18  }
0xb2: {  	[dreg:$0x5] =	wrdreg $0x9  }
0xb3: {  	_ =	task.clear_ibuf [dreg:s8], $0x6FFFF;
	_ =	strace $0x90000046  }
0xb4: {  	s29 =	simm.s32 $0x9;
	_ =	strace $0x80000048  }
0xb5: {  	_ =	swait.ge [sflag:s29], $0x1  }
0xb6: {  	[sflag:s29] =	ssyncadd.s32 $0xFFFFFFFF  }
0xb7: {  	_ =	strace $0x90000048  }
0xb8: {  	_ =	sfence  }
0xb9: {  	s30 =	sld [smem:$0x0];
	_ =	sdelay $0x2  }
0xba: {  	s31 =	sshll.u32 s1, $0xD;
	s1 =	sshrl.u32 s1, $0x2  }
0xbb: {  	s3 =	sand.u32 $0x4000, s31;
	s1 =	sadd.s32 s1, s30  }
0xbc: {  	s0 =	sor.u32 s3, s0;
	s1 =	sshll.u32 s1, $0x11  }
0xbd: {  	s0 =	sor.u32 s1, s0  }
0xbe: {  	s0 =	sadd.s32 $0x8F2B, s0  }
0xbf: {  	[sflag:s0] =	ssyncadd.remote.s32 $0x1  }
0xc0: {  	_ =	sfence.sel $0xFFFF  }
0xc1: {  	[dreg:$0x0] =	wrdreg $0xFFFFFFFF;
	(pc) =	sbr.abs _section_cstart, $3  }
0xc2: {  	[dreg:$0x1] =	wrdreg $0xFFFFFFFF  }
0xc3: {  	_ =	task.clear_ibuf [dreg:s8], $0x2FFFF;
	_ =	strace $0x9FFFFFFF  }
0xc4: {  	(tm) =	ssettm $0x7FFFFFFF  }
0xc5: {  	_ =	shalt  }
tec
execute0_lowered:
.L_overlay_start_1:
0x0: {  	(tag) =	ssettag $0x1  }
0x1: {  	s1 =	rddreg [dreg:$0x0]  }
0x2: {  	s0 =	rddreg [dreg:$0x1]  }
0x3: {  	v0 =	vimm.s32 $0xFEDCBA98;
	s2 =	rddreg [dreg:$0x2];
	v1 =	vimm.s32 $0x76543210;
	v2 =	vimm.s32 $0xBA98FEDC  }
0x4: {  	s3 =	simm.s32 $0x0;
	s4 =	srdreg.scid;
	s6 =	stileid.u32;
	v3 =	vimm.s32 $0x32107654;
	v4 =	vimm.s32 $0xDCFE98BA;
	v5 =	vimm.s32 $0x54761032  }
0x5: {  	v6 =	vimm.s32 $0xEFCDAB89;
	v7 =	vimm.s32 $0x67452301;
	s11 =	simm.s32 $0x80;
	s14 =	simm.s32 $0x100;
	s15 =	simm.s32 $0x180  }
0x6: {  	s16 =	simm.s32 $0x8200;
	s17 =	simm.s32 $0xC200;
	s18 =	simm.s32 $0x1;
	v0 =	vunpack.c.l.s4.s8 v0;
	v1 =	vunpack.c.l.s4.s8 v1;
	v2 =	vunpack.c.l.s4.s8 v2  }
0x7: {  	s19 =	simm.s32 $0x2;
	s20 =	simm.s32 $0x10200;
	s21 =	simm.s32 $0x10280;
	v3 =	vunpack.c.l.s4.s8 v3;
	v4 =	vunpack.c.l.s4.s8 v4;
	v5 =	vunpack.c.l.s4.s8 v5  }
0x8: {  	s22 =	simm.s32 $0x3;
	s23 =	simm.s32 $0x4;
	s4 =	sand.u32 $0x1, s4;
	v6 =	vunpack.c.l.s4.s8 v6;
	v7 =	vunpack.c.l.s4.s8 v7;
	v0 =	vunpack.c.0.s8.s32 v0  }
0x9: {  	[smem:$0x7FF] =	sst s3;
	s5 =	sadd.s32 $0x2E00, s0;
	s7 =	ssub.s32 $0x2, s4;
	v1 =	vunpack.c.0.s8.s32 v1;
	v2 =	vunpack.c.0.s8.s32 v2;
	v3 =	vunpack.c.0.s8.s32 v3  }
0xa: {  	s9 =	sshll.u32 s6, $0x1;
	s6 =	sadd.s32 $0x7E00, s0;
	s8 =	sshrl.u32 s7, $0x1;
	v4 =	vunpack.c.0.s8.s32 v4;
	v5 =	vunpack.c.0.s8.s32 v5;
	v0 =	vand.u32 $0xF, v0  }
0xb: {  	_ =	strace $0x80000047;
	s4 =	sor.u32 s4, s9;
	v6 =	vunpack.c.0.s8.s32 v6;
	v7 =	vunpack.c.0.s8.s32 v7;
	s10 =	ssub.s32 s7, s8;
	v0 =	vcombine.low v0, v1  }
0xc: {  	s7 =	sadd.s32 $0xCE00, s0;
	s8 =	smul.u32 $0x1400, s4;
	s31 =	smax.u32 s10, $0x1;
	v1 =	vcombine.low v3, v2;
	v2 =	vcombine.low v5, v4  }
0xd: {  	s4 =	simm.s32 $0x0;
	s10 =	simm.s32 $0x5;
	[dreg:$0x4] =	wrdreg s31;
	v3 =	vcombine.low v7, v6;
	v4 =	vimm.s32 $0x0;
	v5 =	vlaneseq.u32  }
.LBB2_1:
0xe: {  	[dreg:$0x5] =	wrdreg s4;
	s25 =	simm.s32 $0x0  }
.LBB2_2:
0xf: {  	s0 =	sshll.u32 s25, $0x8  }
0x10: {  	s0 =	sadd.s32 s8, s0  }
0x11: {  	s28 =	sshrl.u32 s0, $0x3  }
0x12: {  	s29 =	simm.s32 $0x0;
	s0 =	sadd.s32 s5, s28  }
0x13: {  	[tilespmem:s29], [sflag:$0x5] =	stream.linear.gather [hbm4b:s0+s29], $0x80, $0x38;
	[tilespmem:$0x10300] =	vst v63  }
0x14: {  	_ =	swait.ge [sflag:s10], $0x80  }
0x15: {  	[sflag:s10] =	ssyncset.done $0x0  }
0x16: {  	s4 =	sadd.s32 s2, s28;
	[sflag:s10] =	ssyncadd.s32 $0xFFFFFF80  }
0x17: {  	[tilespmem:s11], [sflag:$0x5] =	stream.linear.gather [hbm4b:s4+s29], $0x80, $0x38;
	[tilespmem:$0x10300] =	vst v63  }
0x18: {  	_ =	swait.ge [sflag:s10], $0x80  }
0x19: {  	[sflag:s10] =	ssyncset.done $0x0  }
0x1a: {  	s9 =	simm.s32 $0x200;
	[sflag:s10] =	ssyncadd.s32 $0xFFFFFF80  }
0x1b: {  	[tilespmem:s9], [sflag:$0x1] =	stream.indirect.gather [hbm4b:s1+s11], $0x80, s29, s11, $0xb8;
	[tilespmem:$0x10300] =	vst v63  }
0x1c: {  	s12 =	simm.s32 $0x4200;
	s26 =	sor.u32 $0x10, s28  }
0x1d: {  	[tilespmem:s12], [sflag:$0x2] =	stream.indirect.gather [hbm4b:s1+s11], $0x80, s11, s11, $0xb8;
	[tilespmem:$0x10300] =	vst v63  }
0x1e: {  	s13 =	sadd.s32 s5, s26  }
0x1f: {  	[tilespmem:s14], [sflag:$0x5] =	stream.linear.gather [hbm4b:s13+s29], $0x80, $0x38;
	[tilespmem:$0x10300] =	vst v63  }
0x20: {  	_ =	swait.ge [sflag:s10], $0x80  }
0x21: {  	[sflag:s10] =	ssyncset.done $0x0  }
0x22: {  	s24 =	sadd.s32 s2, s26;
	[sflag:s10] =	ssyncadd.s32 $0xFFFFFF80  }
0x23: {  	[tilespmem:s15], [sflag:$0x5] =	stream.linear.gather [hbm4b:s24+s29], $0x80, $0x38;
	[tilespmem:$0x10300] =	vst v63  }
0x24: {  	_ =	swait.ge [sflag:s10], $0x80  }
0x25: {  	[sflag:s10] =	ssyncset.done $0x0  }
0x26: {  	[sflag:s10] =	ssyncadd.s32 $0xFFFFFF80  }
0x27: {  	[tilespmem:s16], [sflag:$0x3] =	stream.indirect.gather [hbm4b:s1+s11], $0x80, s14, s11, $0xb8;
	[tilespmem:$0x10300] =	vst v63  }
0x28: {  	_ = 	snop  }
0x29: {  	[tilespmem:s17], [sflag:$0x4] =	stream.indirect.gather [hbm4b:s1+s11], $0x80, s15, s11, $0xb8;
	[tilespmem:$0x10300] =	vst v63  }
0x2a: {  	_ =	swait.ge [sflag:s18], $0x4000  }
0x2b: {  	[sflag:s18] =	ssyncset.done $0x0  }
0x2c: {  	[sflag:s18] =	ssyncadd.s32 $0xFFFFC000  }
0x2d: {  	_ =	swait.ge [sflag:s19], $0x4000  }
0x2e: {  	s30 =	simm.s32 $0x4240;
	[sflag:s19] =	ssyncset.done $0x0  }
0x2f: {  	s31 =	simm.s32 $0x240;
	s0 =	simm.s32 $0x0;
	[sflag:s19] =	ssyncadd.s32 $0xFFFFC000  }
.LBB2_3:
0x30: {  	v6 =	vld [tilespmem:s30+$0x20]  }
0x31: {  	v7 =	vld [tilespmem:s31+$0x20]  }
0x32: {  	v8 =	vld [tilespmem:s30+$0x0]  }
0x33: {  	v9 =	vld [tilespmem:s31+$0x0]  }
0x34: {  	v10 =	vld [tilespmem:s30+$0x10]  }
0x35: {  	v11 =	vld [tilespmem:s30+$0xFFFFFFC0]  }
0x36: {  	v12 =	vld [tilespmem:s31+$0xFFFFFFC0]  }
0x37: {  	v13 =	vld [tilespmem:s30+$0xFFFFFFD0]  }
0x38: {  	v14 =	vld [tilespmem:s31+$0xFFFFFFD0]  }
0x39: {  	v15 =	vld [tilespmem:s30+$0xFFFFFFE0]  }
0x3a: {  	v16 =	vld [tilespmem:s31+$0xFFFFFFE0]  }
0x3b: {  	v17 =	vld [tilespmem:s30+$0xFFFFFFF0]  }
0x3c: {  	v18 =	vld [tilespmem:s31+$0xFFFFFFF0]  }
0x3d: {  	v19 =	vld [tilespmem:s31+$0x10]  }
0x3e: {  	v20 =	vld [tilespmem:s30+$0x30]  }
0x3f: {  	v21 =	vld [tilespmem:s31+$0x30];
	s4 =	sadd.s32 $0x80, s30  }
0x40: {  	s9 =	sadd.s32 $0x80, s31;
	v22 =	vld [tilespmem:s4+$0x20];
	v23 =	vsub.f32 v11, v12  }
0x41: {  	v11 =	vsub.f32 v15, v16;
	v12 =	vld [tilespmem:s9+$0x20];
	v13 =	vsub.f32 v13, v14  }
0x42: {  	v14 =	vsub.f32 v17, v18;
	v8 =	vsub.f32 v8, v9;
	v15 =	vld [tilespmem:s4+$0x0]  }
0x43: {  	v10 =	vsub.f32 v10, v19;
	v16 =	vld [tilespmem:s9+$0x0];
	v9 =	vmul.f32 v23, v23;
	v11 =	vmul.f32 v11, v11  }
0x44: {  	v6 =	vsub.f32 v6, v7;
	v7 =	vld [tilespmem:s4+$0x10];
	v13 =	vmul.f32 v13, v13;
	v14 =	vmul.f32 v14, v14  }
0x45: {  	v17 =	vld [tilespmem:s4+$0xFFFFFFC0];
	v8 =	vmul.f32 v8, v8;
	v9 =	vadd.f32 v11, v9  }
0x46: {  	v18 =	vld [tilespmem:s4+$0xFFFFFFD0];
	v10 =	vmul.f32 v10, v10;
	v11 =	vsub.f32 v20, v21;
	v13 =	vadd.f32 v14, v13  }
0x47: {  	v19 =	vld [tilespmem:s9+$0x10];
	v6 =	vmul.f32 v6, v6  }
0x48: {  	v14 =	vld [tilespmem:s9+$0xFFFFFFC0];
	v8 =	vadd.f32 v8, v9;
	v9 =	vadd.f32 v10, v13;
	v10 =	vmul.f32 v11, v11  }
0x49: {  	v11 =	vld [tilespmem:s9+$0xFFFFFFD0]  }
0x4a: {  	v13 =	vld [tilespmem:s4+$0xFFFFFFE0];
	v6 =	vadd.f32 v6, v8;
	v8 =	vadd.f32 v10, v9  }
0x4b: {  	v9 =	vld [tilespmem:s9+$0xFFFFFFE0]  }
0x4c: {  	v10 =	vld [tilespmem:s4+$0xFFFFFFF0];
	v6 =	vadd.f32 v8, v6  }
0x4d: {  	v8 =	vld [tilespmem:s9+$0xFFFFFFF0]  }
0x4e: {  	v20 =	vperm.xlane v6, v0  }
0x4f: {  	v24 =	vld [tilespmem:s9+$0x30];
	v22 =	vsub.f32 v22, v12;
	v15 =	vsub.f32 v15, v16  }
0x50: {  	v21 =	vld [tilespmem:s4+$0x30];
	v7 =	vsub.f32 v7, v19;
	s4 =	sadd.s32 $0x80, s4;
	v20 =	vadd.f32 v6, v20  }
0x51: {  	v19 =	vmul.f32 v15, v15;
	v14 =	vsub.f32 v17, v14;
	v12 =	vld [tilespmem:s4+$0x0];
	v13 =	vsub.f32 v13, v9  }
0x52: {  	s24 =	sadd.s32 $0x80, s9;
	v15 =	vld [tilespmem:s4+$0xFFFFFFC0];
	v11 =	vsub.f32 v18, v11;
	v8 =	vsub.f32 v10, v8;
	v10 =	vperm.xlane v20, v1  }
0x53: {  	v16 =	vmul.f32 v14, v14;
	v9 =	vld [tilespmem:s24+$0x20];
	v17 =	vmul.f32 v13, v13  }
0x54: {  	v18 =	vmul.f32 v11, v11;
	v11 =	vld [tilespmem:s4+$0x10];
	v8 =	vmul.f32 v8, v8;
	v10 =	vadd.f32 v20, v10  }
0x55: {  	v7 =	vmul.f32 v7, v7;
	v6 =	vld [tilespmem:s4+$0x20];
	v17 =	vadd.f32 v17, v16  }
0x56: {  	v13 =	vld [tilespmem:s24+$0x0];
	v20 =	vsub.f32 v21, v24;
	v8 =	vadd.f32 v8, v18;
	v18 =	vperm.xlane v10, v2  }
0x57: {  	v16 =	vld [tilespmem:s24+$0xFFFFFFC0];
	v21 =	vmul.f32 v22, v22;
	v19 =	vadd.f32 v19, v17  }
0x58: {  	v22 =	vld [tilespmem:s4+$0xFFFFFFF0];
	v7 =	vadd.f32 v7, v8;
	v8 =	vmul.f32 v20, v20;
	v10 =	vadd.f32 v10, v18  }
0x59: {  	v17 =	vld [tilespmem:s4+$0xFFFFFFD0]  }
0x5a: {  	v20 =	vld [tilespmem:s4+$0xFFFFFFE0];
	v19 =	vadd.f32 v21, v19;
	v21 =	vadd.f32 v8, v7;
	v24 =	vperm.xlane v10, v3  }
0x5b: {  	v25 =	vmov s29;
	v14 =	vperm.xlane v14, v4;
	v18 =	vld [tilespmem:s24+$0xFFFFFFD0]  }
0x5c: {  	v7 =	vperm.xlane v23, v4;
	v23 =	vld [tilespmem:s24+$0xFFFFFFE0];
	v19 =	vadd.f32 v21, v19;
	v21 =	vadd.f32 v10, v24  }
0x5d: {  	s12 =	simm.s32 $0x1;
	s13 =	simm.s32 $0x3;
	vm0 =	veq.s32 v25, v5;
	s9 =	simm.s32 $0x2;
	v8 =	vimm.f32 $0.0e+00;
	v24 =	vld [tilespmem:s24+$0xFFFFFFF0];
	v10 =	vimm.f32 $0.0e+00  }
.LBB2_4:
0x5e: {  	p0 =	sne.s32 s13, $0xF;
	v25 =	vld [tilespmem:s24+$0x10];
	v26 =	vperm.xlane v19, v0;
	v8 =	vsel vm0, v21, v8;
	v10 =	vsel vm0, v7, v10;
	v7 =	vmovc v14  }
0x5f: {  	v14 =	vsub.f32 v6, v9;
	v21 =	vld [tilespmem:s4+$0x30]  }
0x60: {  	v27 =	vsub.f32 v12, v13;
	s4 =	sadd.s32 $0x80, s4;
	v28 =	vld [tilespmem:s24+$0x30];
	v19 =	vadd.f32 v19, v26  }
0x61: {  	v26 =	vsub.f32 v15, v16;
	v13 =	vsub.f32 v20, v23;
	s24 =	sadd.s32 $0x80, s24;
	v6 =	vld [tilespmem:s4+$0x20]  }
0x62: {  	v15 =	vsub.f32 v17, v18;
	v9 =	vld [tilespmem:s24+$0x20];
	v16 =	vsub.f32 v22, v24;
	v17 =	vperm.xlane v19, v1  }
0x63: {  	v18 =	vmul.f32 v26, v26;
	v20 =	vmul.f32 v13, v13;
	v12 =	vld [tilespmem:s4+$0x0];
	v22 =	vsub.f32 v11, v25  }
0x64: {  	v23 =	vmul.f32 v15, v15;
	v13 =	vld [tilespmem:s24+$0x0];
	v16 =	vmul.f32 v16, v16;
	v19 =	vadd.f32 v19, v17  }
0x65: {  	v17 =	vadd.f32 v20, v18;
	v18 =	vmul.f32 v27, v27;
	v11 =	vld [tilespmem:s4+$0x10];
	v20 =	vsub.f32 v21, v28  }
0x66: {  	v22 =	vmul.f32 v22, v22;
	v15 =	vld [tilespmem:s4+$0xFFFFFFC0];
	v21 =	vadd.f32 v16, v23;
	v23 =	vperm.xlane v19, v2  }
0x67: {  	v25 =	vmul.f32 v14, v14;
	v14 =	vperm.xlane v26, v4;
	v24 =	vadd.f32 v18, v17;
	v16 =	vld [tilespmem:s24+$0xFFFFFFC0]  }
0x68: {  	v17 =	vld [tilespmem:s4+$0xFFFFFFD0];
	v21 =	vadd.f32 v22, v21;
	v22 =	vmul.f32 v20, v20;
	v26 =	vadd.f32 v19, v23  }
.Ltmp0:
0x69: {  	v18 =	vld [tilespmem:s24+$0xFFFFFFD0];
	(pc) =	sbr.rel @p0 .LBB2_4-.Ltmp0, $4  }
0x6a: {  	v19 =	vadd.f32 v25, v24;
	v20 =	vld [tilespmem:s4+$0xFFFFFFE0];
	v21 =	vadd.f32 v22, v21;
	v24 =	vperm.xlane v26, v3  }
0x6b: {  	v23 =	vld [tilespmem:s24+$0xFFFFFFE0]  }
0x6c: {  	v25 =	vmov s12;
	s12 =	smov.u32 s9;
	s9 =	smov.u32 s13;
	v22 =	vld [tilespmem:s4+$0xFFFFFFF0];
	v19 =	vadd.f32 v21, v19;
	v21 =	vadd.f32 v26, v24  }
0x6d: {  	s13 =	sadd.s32 $0x1, s13;
	vm0 =	veq.s32 v25, v5;
	v24 =	vld [tilespmem:s24+$0xFFFFFFF0]  }
0x6e: {  	v25 =	vld [tilespmem:s24+$0x10]  }
0x6f: {  	v26 =	vld [tilespmem:s4+$0x30]  }
0x70: {  	v49 =	vld [tilespmem:s24+$0x30]  }
0x71: {  	v15 =	vsub.f32 v15, v16;
	v17 =	vsub.f32 v17, v18  }
0x72: {  	v20 =	vsub.f32 v20, v23;
	v50 =	vsub.f32 v22, v24  }
0x73: {  	v12 =	vsub.f32 v12, v13;
	v51 =	vmul.f32 v15, v15;
	v17 =	vmul.f32 v17, v17  }
0x74: {  	v20 =	vmul.f32 v20, v20;
	v11 =	vsub.f32 v11, v25;
	v18 =	vmul.f32 v50, v50  }
0x75: {  	v6 =	vsub.f32 v6, v9;
	v12 =	vmul.f32 v12, v12;
	v53 =	vsub.f32 v26, v49  }
0x76: {  	v52 =	vadd.f32 v20, v51;
	v11 =	vmul.f32 v11, v11;
	v54 =	vadd.f32 v18, v17  }
0x77: {  	v6 =	vmul.f32 v6, v6  }
0x78: {  	v55 =	vmul.f32 v53, v53;
	v9 =	vadd.f32 v12, v52;
	v11 =	vadd.f32 v11, v54;
	_ =	sdelay $0x1  }
0x79: {  	v6 =	vadd.f32 v6, v9;
	v56 =	vadd.f32 v55, v11;
	_ =	sdelay $0x1  }
0x7a: {  	v6 =	vadd.f32 v56, v6  }
0x7b: {  	v57 =	vperm.xlane v19, v0  }
0x7c: {  	v58 =	vperm.xlane v6, v0  }
0x7d: {  	v9 =	vadd.f32 v19, v57  }
0x7e: {  	v6 =	vadd.f32 v6, v58  }
0x7f: {  	v59 =	vperm.xlane v9, v1  }
0x80: {  	v60 =	vperm.xlane v6, v1  }
0x81: {  	v9 =	vadd.f32 v9, v59  }
0x82: {  	v6 =	vadd.f32 v6, v60  }
0x83: {  	v11 =	vperm.xlane v9, v2  }
0x84: {  	v12 =	vperm.xlane v6, v2  }
0x85: {  	v9 =	vadd.f32 v9, v11  }
0x86: {  	v6 =	vadd.f32 v6, v12  }
0x87: {  	v8 =	vsel vm0, v21, v8;
	v7 =	vsel vm0, v7, v10;
	s24 =	sshll.u32 s0, $0x4;
	s0 =	sadd.s32 $0x1, s0;
	v11 =	vperm.xlane v9, v3  }
0x88: {  	v61 =	vmov s12;
	v62 =	vmov s9;
	p0 =	sne.s32 s0, $0x8;
	v12 =	vperm.xlane v6, v3  }
.Ltmp1:
0x89: {  	vm15 =	veq.s32 v61, v5;
	v63 =	vperm.xlane v15, v4;
	v9 =	vadd.f32 v9, v11;
	(pc) =	sbr.rel @p0 .LBB2_3-.Ltmp1, $4  }
0x8a: {  	vm1 =	veq.s32 v62, v5;
	v7 =	vsel vm15, v14, v7;
	v6 =	vadd.f32 v6, v12  }
0x8b: {  	v7 =	vsel vm1, v63, v7;
	v8 =	vsel vm15, v9, v8  }
0x8c: {  	[tilespmem:s24+$0x10280] =	vst v7;
	v6 =	vsel vm1, v6, v8  }
0x8d: {  	s30 =	sadd.s32 $0x800, s30;
	s31 =	sadd.s32 $0x800, s31;
	[tilespmem:s24+$0x10200] =	vst v6  }
0x8e: {  	s0 =	sadd.s32 s6, s28;
	s29 =	simm.s32 $0x0  }
0x8f: {  	[hbm4b:s0+s29] =	stream.linear.scatter [tilespmem:s20], [sflag:$0x5], $0x80, $0x38;
	[tilespmem:$0x10300] =	vst v63  }
0x90: {  	_ =	swait.ge [sflag:s10], $0x80  }
0x91: {  	[sflag:s10] =	ssyncset.done $0x0  }
0x92: {  	s31 =	sadd.s32 s7, s28;
	[sflag:s10] =	ssyncadd.s32 $0xFFFFFF80  }
0x93: {  	[hbm4b:s31+s29] =	stream.linear.scatter [tilespmem:s21], [sflag:$0x5], $0x80, $0x38;
	[tilespmem:$0x10300] =	vst v63  }
0x94: {  	_ =	swait.ge [sflag:s10], $0x80  }
0x95: {  	[sflag:s10] =	ssyncset.done $0x0  }
0x96: {  	[sflag:s10] =	ssyncadd.s32 $0xFFFFFF80  }
0x97: {  	_ =	swait.ge [sflag:s22], $0x4000  }
0x98: {  	[sflag:s22] =	ssyncset.done $0x0  }
0x99: {  	[sflag:s22] =	ssyncadd.s32 $0xFFFFC000  }
0x9a: {  	_ =	swait.ge [sflag:s23], $0x4000  }
0x9b: {  	s28 =	simm.s32 $0xC240;
	[sflag:s23] =	ssyncset.done $0x0  }
0x9c: {  	s30 =	simm.s32 $0x8240;
	s0 =	simm.s32 $0x0;
	[sflag:s23] =	ssyncadd.s32 $0xFFFFC000  }
.LBB2_7:
0x9d: {  	v6 =	vld [tilespmem:s28+$0x20]  }
0x9e: {  	v7 =	vld [tilespmem:s30+$0x20]  }
0x9f: {  	v8 =	vld [tilespmem:s28+$0x0]  }
0xa0: {  	v9 =	vld [tilespmem:s30+$0x0]  }
0xa1: {  	v10 =	vld [tilespmem:s28+$0x10]  }
0xa2: {  	v11 =	vld [tilespmem:s28+$0xFFFFFFC0]  }
0xa3: {  	v12 =	vld [tilespmem:s30+$0xFFFFFFC0]  }
0xa4: {  	v13 =	vld [tilespmem:s28+$0xFFFFFFD0]  }
0xa5: {  	v14 =	vld [tilespmem:s30+$0xFFFFFFD0]  }
0xa6: {  	v15 =	vld [tilespmem:s28+$0xFFFFFFE0]  }
0xa7: {  	v16 =	vld [tilespmem:s30+$0xFFFFFFE0]  }
0xa8: {  	v17 =	vld [tilespmem:s28+$0xFFFFFFF0]  }
0xa9: {  	v18 =	vld [tilespmem:s30+$0xFFFFFFF0]  }
0xaa: {  	v19 =	vld [tilespmem:s30+$0x10]  }
0xab: {  	v20 =	vld [tilespmem:s28+$0x30]  }
0xac: {  	v21 =	vld [tilespmem:s30+$0x30];
	s4 =	sadd.s32 $0x80, s28  }
0xad: {  	s9 =	sadd.s32 $0x80, s30;
	v22 =	vld [tilespmem:s4+$0x20];
	v23 =	vsub.f32 v11, v12  }
0xae: {  	v11 =	vsub.f32 v15, v16;
	v12 =	vld [tilespmem:s9+$0x20];
	v13 =	vsub.f32 v13, v14  }
0xaf: {  	v14 =	vsub.f32 v17, v18;
	v8 =	vsub.f32 v8, v9;
	v15 =	vld [tilespmem:s4+$0x0]  }
0xb0: {  	v10 =	vsub.f32 v10, v19;
	v16 =	vld [tilespmem:s9+$0x0];
	v9 =	vmul.f32 v23, v23;
	v11 =	vmul.f32 v11, v11  }
0xb1: {  	v6 =	vsub.f32 v6, v7;
	v7 =	vld [tilespmem:s4+$0x10];
	v13 =	vmul.f32 v13, v13;
	v14 =	vmul.f32 v14, v14  }
0xb2: {  	v17 =	vld [tilespmem:s4+$0xFFFFFFC0];
	v8 =	vmul.f32 v8, v8;
	v9 =	vadd.f32 v11, v9  }
0xb3: {  	v18 =	vld [tilespmem:s4+$0xFFFFFFD0];
	v10 =	vmul.f32 v10, v10;
	v11 =	vsub.f32 v20, v21;
	v13 =	vadd.f32 v14, v13  }
0xb4: {  	v19 =	vld [tilespmem:s9+$0x10];
	v6 =	vmul.f32 v6, v6  }
0xb5: {  	v14 =	vld [tilespmem:s9+$0xFFFFFFC0];
	v8 =	vadd.f32 v8, v9;
	v9 =	vadd.f32 v10, v13;
	v10 =	vmul.f32 v11, v11  }
0xb6: {  	v11 =	vld [tilespmem:s9+$0xFFFFFFD0]  }
0xb7: {  	v13 =	vld [tilespmem:s4+$0xFFFFFFE0];
	v6 =	vadd.f32 v6, v8;
	v8 =	vadd.f32 v10, v9  }
0xb8: {  	v9 =	vld [tilespmem:s9+$0xFFFFFFE0]  }
0xb9: {  	v10 =	vld [tilespmem:s4+$0xFFFFFFF0];
	v6 =	vadd.f32 v8, v6  }
0xba: {  	v8 =	vld [tilespmem:s9+$0xFFFFFFF0]  }
0xbb: {  	v20 =	vperm.xlane v6, v0  }
0xbc: {  	v24 =	vld [tilespmem:s9+$0x30];
	v22 =	vsub.f32 v22, v12;
	v15 =	vsub.f32 v15, v16  }
0xbd: {  	v21 =	vld [tilespmem:s4+$0x30];
	v7 =	vsub.f32 v7, v19;
	s4 =	sadd.s32 $0x80, s4;
	v20 =	vadd.f32 v6, v20  }
0xbe: {  	v19 =	vmul.f32 v15, v15;
	v14 =	vsub.f32 v17, v14;
	v12 =	vld [tilespmem:s4+$0x0];
	v13 =	vsub.f32 v13, v9  }
0xbf: {  	s24 =	sadd.s32 $0x80, s9;
	v15 =	vld [tilespmem:s4+$0xFFFFFFC0];
	v11 =	vsub.f32 v18, v11;
	v8 =	vsub.f32 v10, v8;
	v10 =	vperm.xlane v20, v1  }
0xc0: {  	v16 =	vmul.f32 v14, v14;
	v9 =	vld [tilespmem:s24+$0x20];
	v17 =	vmul.f32 v13, v13  }
0xc1: {  	v18 =	vmul.f32 v11, v11;
	v11 =	vld [tilespmem:s4+$0x10];
	v8 =	vmul.f32 v8, v8;
	v10 =	vadd.f32 v20, v10  }
0xc2: {  	v7 =	vmul.f32 v7, v7;
	v6 =	vld [tilespmem:s4+$0x20];
	v17 =	vadd.f32 v17, v16  }
0xc3: {  	v13 =	vld [tilespmem:s24+$0x0];
	v20 =	vsub.f32 v21, v24;
	v8 =	vadd.f32 v8, v18;
	v18 =	vperm.xlane v10, v2  }
0xc4: {  	v16 =	vld [tilespmem:s24+$0xFFFFFFC0];
	v21 =	vmul.f32 v22, v22;
	v19 =	vadd.f32 v19, v17  }
0xc5: {  	v22 =	vld [tilespmem:s4+$0xFFFFFFF0];
	v7 =	vadd.f32 v7, v8;
	v8 =	vmul.f32 v20, v20;
	v10 =	vadd.f32 v10, v18  }
0xc6: {  	v17 =	vld [tilespmem:s4+$0xFFFFFFD0]  }
0xc7: {  	v20 =	vld [tilespmem:s4+$0xFFFFFFE0];
	v19 =	vadd.f32 v21, v19;
	v21 =	vadd.f32 v8, v7;
	v24 =	vperm.xlane v10, v3  }
0xc8: {  	v25 =	vmov s29;
	v14 =	vperm.xlane v14, v4;
	v18 =	vld [tilespmem:s24+$0xFFFFFFD0]  }
0xc9: {  	v7 =	vperm.xlane v23, v4;
	v23 =	vld [tilespmem:s24+$0xFFFFFFE0];
	v19 =	vadd.f32 v21, v19;
	v21 =	vadd.f32 v10, v24  }
0xca: {  	s12 =	simm.s32 $0x1;
	s13 =	simm.s32 $0x3;
	vm0 =	veq.s32 v25, v5;
	s9 =	simm.s32 $0x2;
	v8 =	vimm.f32 $0.0e+00;
	v24 =	vld [tilespmem:s24+$0xFFFFFFF0];
	v10 =	vimm.f32 $0.0e+00  }
.LBB2_8:
0xcb: {  	p0 =	sne.s32 s13, $0xF;
	v25 =	vld [tilespmem:s24+$0x10];
	v26 =	vperm.xlane v19, v0;
	v8 =	vsel vm0, v21, v8;
	v10 =	vsel vm0, v7, v10;
	v7 =	vmovc v14  }
0xcc: {  	v14 =	vsub.f32 v6, v9;
	v21 =	vld [tilespmem:s4+$0x30]  }
0xcd: {  	v27 =	vsub.f32 v12, v13;
	s4 =	sadd.s32 $0x80, s4;
	v28 =	vld [tilespmem:s24+$0x30];
	v19 =	vadd.f32 v19, v26  }
0xce: {  	v26 =	vsub.f32 v15, v16;
	v13 =	vsub.f32 v20, v23;
	s24 =	sadd.s32 $0x80, s24;
	v6 =	vld [tilespmem:s4+$0x20]  }
0xcf: {  	v15 =	vsub.f32 v17, v18;
	v9 =	vld [tilespmem:s24+$0x20];
	v16 =	vsub.f32 v22, v24;
	v17 =	vperm.xlane v19, v1  }
0xd0: {  	v18 =	vmul.f32 v26, v26;
	v20 =	vmul.f32 v13, v13;
	v12 =	vld [tilespmem:s4+$0x0];
	v22 =	vsub.f32 v11, v25  }
0xd1: {  	v23 =	vmul.f32 v15, v15;
	v13 =	vld [tilespmem:s24+$0x0];
	v16 =	vmul.f32 v16, v16;
	v19 =	vadd.f32 v19, v17  }
0xd2: {  	v17 =	vadd.f32 v20, v18;
	v18 =	vmul.f32 v27, v27;
	v11 =	vld [tilespmem:s4+$0x10];
	v20 =	vsub.f32 v21, v28  }
0xd3: {  	v22 =	vmul.f32 v22, v22;
	v15 =	vld [tilespmem:s4+$0xFFFFFFC0];
	v21 =	vadd.f32 v16, v23;
	v23 =	vperm.xlane v19, v2  }
0xd4: {  	v25 =	vmul.f32 v14, v14;
	v14 =	vperm.xlane v26, v4;
	v24 =	vadd.f32 v18, v17;
	v16 =	vld [tilespmem:s24+$0xFFFFFFC0]  }
0xd5: {  	v17 =	vld [tilespmem:s4+$0xFFFFFFD0];
	v21 =	vadd.f32 v22, v21;
	v22 =	vmul.f32 v20, v20;
	v26 =	vadd.f32 v19, v23  }
.Ltmp2:
0xd6: {  	v18 =	vld [tilespmem:s24+$0xFFFFFFD0];
	(pc) =	sbr.rel @p0 .LBB2_8-.Ltmp2, $4  }
0xd7: {  	v19 =	vadd.f32 v25, v24;
	v20 =	vld [tilespmem:s4+$0xFFFFFFE0];
	v21 =	vadd.f32 v22, v21;
	v24 =	vperm.xlane v26, v3  }
0xd8: {  	v23 =	vld [tilespmem:s24+$0xFFFFFFE0]  }
0xd9: {  	v25 =	vmov s12;
	s12 =	smov.u32 s9;
	s9 =	smov.u32 s13;
	v22 =	vld [tilespmem:s4+$0xFFFFFFF0];
	v19 =	vadd.f32 v21, v19;
	v21 =	vadd.f32 v26, v24  }
0xda: {  	s13 =	sadd.s32 $0x1, s13;
	vm0 =	veq.s32 v25, v5;
	v24 =	vld [tilespmem:s24+$0xFFFFFFF0]  }
0xdb: {  	v25 =	vld [tilespmem:s24+$0x10]  }
0xdc: {  	v26 =	vld [tilespmem:s4+$0x30]  }
0xdd: {  	v49 =	vld [tilespmem:s24+$0x30]  }
0xde: {  	v15 =	vsub.f32 v15, v16;
	v17 =	vsub.f32 v17, v18  }
0xdf: {  	v20 =	vsub.f32 v20, v23;
	v50 =	vsub.f32 v22, v24  }
0xe0: {  	v12 =	vsub.f32 v12, v13;
	v51 =	vmul.f32 v15, v15;
	v17 =	vmul.f32 v17, v17  }
0xe1: {  	v20 =	vmul.f32 v20, v20;
	v11 =	vsub.f32 v11, v25;
	v18 =	vmul.f32 v50, v50  }
0xe2: {  	v6 =	vsub.f32 v6, v9;
	v12 =	vmul.f32 v12, v12;
	v53 =	vsub.f32 v26, v49  }
0xe3: {  	v52 =	vadd.f32 v20, v51;
	v11 =	vmul.f32 v11, v11;
	v54 =	vadd.f32 v18, v17  }
0xe4: {  	v6 =	vmul.f32 v6, v6  }
0xe5: {  	v55 =	vmul.f32 v53, v53;
	v9 =	vadd.f32 v12, v52;
	v11 =	vadd.f32 v11, v54;
	_ =	sdelay $0x1  }
0xe6: {  	v6 =	vadd.f32 v6, v9;
	v56 =	vadd.f32 v55, v11;
	_ =	sdelay $0x1  }
0xe7: {  	v6 =	vadd.f32 v56, v6  }
0xe8: {  	v57 =	vperm.xlane v19, v0  }
0xe9: {  	v58 =	vperm.xlane v6, v0  }
0xea: {  	v9 =	vadd.f32 v19, v57  }
0xeb: {  	v6 =	vadd.f32 v6, v58  }
0xec: {  	v59 =	vperm.xlane v9, v1  }
0xed: {  	v60 =	vperm.xlane v6, v1  }
0xee: {  	v9 =	vadd.f32 v9, v59  }
0xef: {  	v6 =	vadd.f32 v6, v60  }
0xf0: {  	v11 =	vperm.xlane v9, v2  }
0xf1: {  	v12 =	vperm.xlane v6, v2  }
0xf2: {  	v9 =	vadd.f32 v9, v11  }
0xf3: {  	v6 =	vadd.f32 v6, v12  }
0xf4: {  	v8 =	vsel vm0, v21, v8;
	v7 =	vsel vm0, v7, v10;
	s31 =	sshll.u32 s0, $0x4;
	s0 =	sadd.s32 $0x1, s0;
	v11 =	vperm.xlane v9, v3  }
0xf5: {  	v61 =	vmov s12;
	v62 =	vmov s9;
	p0 =	sne.s32 s0, $0x8;
	v12 =	vperm.xlane v6, v3  }
.Ltmp3:
0xf6: {  	vm15 =	veq.s32 v61, v5;
	v63 =	vperm.xlane v15, v4;
	v9 =	vadd.f32 v9, v11;
	(pc) =	sbr.rel @p0 .LBB2_7-.Ltmp3, $4  }
0xf7: {  	vm1 =	veq.s32 v62, v5;
	v7 =	vsel vm15, v14, v7;
	v6 =	vadd.f32 v6, v12  }
0xf8: {  	v7 =	vsel vm1, v63, v7;
	v8 =	vsel vm15, v9, v8  }
0xf9: {  	[tilespmem:s31+$0x10280] =	vst v7;
	v6 =	vsel vm1, v6, v8  }
0xfa: {  	s28 =	sadd.s32 $0x800, s28;
	s30 =	sadd.s32 $0x800, s30;
	[tilespmem:s31+$0x10200] =	vst v6  }
0xfb: {  	s0 =	sadd.s32 s6, s26  }
0xfc: {  	[hbm4b:s0+s3] =	stream.linear.scatter [tilespmem:s20], [sflag:$0x5], $0x80, $0x38;
	[tilespmem:$0x10300] =	vst v63  }
0xfd: {  	s25 =	sadd.s32 $0x1, s25;
	_ =	swait.ge [sflag:s10], $0x80  }
0xfe: {  	p0 =	sne.s32 s25, $0x14;
	[sflag:s10] =	ssyncset.done $0x0  }
.Ltmp4:
0xff: {  	s31 =	sadd.s32 s7, s26;
	[sflag:s10] =	ssyncadd.s32 $0xFFFFFF80;
	(pc) =	sbr.rel @p0 .LBB2_2-.Ltmp4, $4  }
0x100: {  	[hbm4b:s31+s3] =	stream.linear.scatter [tilespmem:s21], [sflag:$0x5], $0x80, $0x38;
	[tilespmem:$0x10300] =	vst v63  }
0x101: {  	_ =	swait.ge [sflag:s10], $0x80  }
0x102: {  	[sflag:s10] =	ssyncset.done $0x0  }
0x103: {  	[sflag:s10] =	ssyncadd.s32 $0xFFFFFF80  }
0x104: {  	s4 =	rddreg [dreg:$0x5]  }
0x105: {  	s0 =	rddreg [dreg:$0x4];
	s4 =	sadd.s32 $0x1, s4  }
0x106: {  	p0 =	sne.s32 s4, s0  }
.Ltmp5:
0x107: {  	_ = 	snop;
	(pc) =	sbr.rel @p0 .LBB2_1-.Ltmp5, $1  }
0x108: {  	_ =	sdelay $0x3  }
0x109: {  	_ =	sfence.sel $0x180000  }
0x10a: {  	[bflag:$0x0] =	sbarrier.arrive $0xFFFF  }
0x10b: {  	_ =	strace $0x90000047  }
0x10c: {  	s0 =	stileid.u32;
	[bflag:$0x2] =	sbarrier.arrive $0xFFFF  }
0x10d: {  	p0 =	sne.s32 s0, $0x0;
	s0 =	rddreg [dreg:$0x3]  }
0x10e: {  	s0 =	sadd.s32 @!p0 $0x100000, s0  }
0x10f: {  	[sflag:s0] =	ssyncadd.tile.s32 @!p0 $0x1;
	_ =	shalt  }
.Lfunc_end2:
_tile_overlayer_lowered:
.L_overlay_start_2:
0x110: {  	(tag) =	ssettag $0x2  }
0x111: {  	s0 =	rddreg [dreg:$0x0];
	s2 =	stileid.u32  }
0x112: {  	s1 =	rddreg [dreg:$0x1];
	p0 =	sne.s32 s2, $0x0  }
0x113: {  	s3 =	rddreg [dreg:$0x2];
	[bflag:$0x3] =	sbarrier.arrive $0xFFFF;
	s2 =	simm.s32 @!p0 $0x1C05  }
0x114: {  	[timem:s3], [sflag:s2] =	dma.local @!p0 [hbm:s0], s1  }
0x115: {  	s0 =	simm.s32 @!p0 $0x5  }
0x116: {  	_ =	swait.ge @!p0 [sflag:s0], s1  }
0x117: {  	s1 =	ssub.s32 @!p0 $0x0, s1;
	[sflag:s0] =	ssyncset.done @!p0 $0x0  }
0x118: {  	[sflag:s0] =	ssyncadd.s32 @!p0 s1  }
0x119: {  	[bflag:$0x3] =	sbarrier.arrive $0xFFFF  }
0x11a: {  	_ =	shalt  }

// kernel: kernel.15.cloned.1.call-start
scs
__scs_entry_jumppad:
0x0: {  	(pc) =	sbr.rel $0x88, $3  }
0x1: {  	(tag) =	ssettag $0x0;
	lr =	simm.s32 $0x1  }
0x2: {  	[smem:$0x3F98] =	sst lr;
	_ =	strace $0xD0000000  }
0x3: {  	_ = 	snop  }
0x4: {  	_ = 	snop  }
0x5: {  	_ = 	snop  }
0x6: {  	_ = 	snop  }
0x7: {  	_ = 	snop  }
__scs_overlays_trampoline_lowered:
0x8: {  	[smem:$0x3FA7] =	sst s0  }
0x9: {  	[smem:$0x3FA8] =	sst s1  }
0xa: {  	[smem:$0x3FA9] =	sst s2  }
0xb: {  	[smem:$0x3FAA] =	sst s3  }
0xc: {  	[smem:$0x3FAB] =	sst s4  }
0xd: {  	[smem:$0x3FAC] =	sst s5  }
0xe: {  	[smem:$0x3FAD] =	sst s6  }
0xf: {  	[smem:$0x3FAE] =	sst s7  }
0x10: {  	[smem:$0x3FAF] =	sst s8  }
0x11: {  	[smem:$0x3FB0] =	sst s9;
	s0 =	simm.s32 @!p0 $0x0  }
0x12: {  	s1 =	sld [smem:$0x3F96];
	s0 =	simm.s32 @p0 $0x1  }
0x13: {  	[smem:$0x3FB1] =	sst s0;
	s0 =	simm.s32 @!p1 $0x0  }
0x14: {  	s2 =	sld [smem:$0x3F95];
	s0 =	simm.s32 @p1 $0x1  }
0x15: {  	[smem:$0x3FB2] =	sst s0;
	s0 =	simm.s32 @!p2 $0x0  }
0x16: {  	s3 =	sld [smem:$0x3FDB];
	s0 =	simm.s32 @p2 $0x1  }
0x17: {  	s4 =	simm.s32 $0x1BF5;
	[smem:$0x3FB4] =	sst s0  }
0x18: {  	s0 =	sld [smem:$0x3F97];
	_ =	swait.ge [sflag:s4], $0x0  }
0x19: {  	s7 =	sld [smem:$0x3F98]  }
0x1a: {  	s8 =	sadd.s32 $0xFFFFE003, lr  }
0x1b: {  	s9 =	sadd.s32 $0xFFFFFEF7, lr;
	s5 =	simm.s32 $0xFFFFFFFF;
	p2 =	slt.u32 s8, $0xFFFFF086  }
0x1c: {  	p1 =	slt.u32 s9, $0xF7A;
	s5 =	simm.s32 @!p2 $0x0  }
0x1d: {  	s5 =	simm.s32 @p1 $0x1;
	p0 =	seq.s32 s7, s2  }
0x1e: {  	s7 =	smul.u32 @!p0 $0xF7A, s2;
	p2 =	seq.s32 @!p0 s5, $0x0  }
0x1f: {  	s9 =	smul.u32 $0xF7A, s1;
	s8 =	simm.s32 @!p0 $0x1BF5;
	p2 =	por !p2, p0  }
0x20: {  	[sflag:s8] =	ssyncset.s32 @!p0 $0xFFFFF086;
	s6 =	sadd.s32 @!p0 s3, s7;
	s7 =	simm.s32 @!p0 $0x108  }
0x21: {  	s3 =	sadd.s32 s3, s9;
	s6 =	sadd.s32 @!p0 $0x88, s6;
	s7 =	simm.s32 @p2 $0x1082  }
0x22: {  	[simem:s7], [sflag:s8] =	dma.local @!p0 [hbm:s6], $0xF7A  }
0x23: {  	s9 =	sor.u32 $0xD0000000, s2;
	s6 =	simm.s32 $0x108;
	_ =	swait.ge @!p0 [sflag:s8], $0x0  }
0x24: {  	s3 =	sadd.s32 $0x88, s3;
	s6 =	simm.s32 @!p1 $0x1082;
	[sflag:s4] =	ssyncset.s32 $0xFFFFF086  }
0x25: {  	[simem:s6], [sflag:s4] =	dma.local [hbm:s3], $0xF7A  }
0x26: {  	[smem:$0x3F98] =	sst s1;
	(tag) =	ssettag s2;
	_ =	strace s9  }
0x27: {  	s1 =	sld [smem:$0x3FA8]  }
0x28: {  	s2 =	sld [smem:$0x3FA9]  }
0x29: {  	s4 =	sld [smem:$0x3FAB]  }
0x2a: {  	p0 =	seq.s32 s5, $0x0;
	s5 =	sld [smem:$0x3FAC]  }
0x2b: {  	s6 =	sld [smem:$0x3FAD]  }
0x2c: {  	s7 =	sld [smem:$0x3FAE]  }
0x2d: {  	s3 =	simm.s32 $0x108;
	s8 =	sld [smem:$0x3FAF]  }
0x2e: {  	s3 =	simm.s32 @!p0 $0x1082;
	s9 =	sld [smem:$0x3FB0]  }
0x2f: {  	lr =	sadd.s32 s0, s3;
	s0 =	sld [smem:$0x3FA7]  }
0x30: {  	s3 =	sld [smem:$0x3FAA]  }
0x31: {  	[smem:$0x3FB3] =	sst s10  }
0x32: {  	s10 =	sld [smem:$0x3FB1];
	_ =	sdelay $0x3  }
0x33: {  	p0 =	seq.s32 s10, $0x1;
	s10 =	sld [smem:$0x3FB3];
	_ =	sdelay $0x3  }
0x34: {  	[smem:$0x3FB3] =	sst s10  }
0x35: {  	s10 =	sld [smem:$0x3FB2];
	_ =	sdelay $0x3  }
0x36: {  	p1 =	seq.s32 s10, $0x1;
	s10 =	sld [smem:$0x3FB3];
	_ =	sdelay $0x3  }
0x37: {  	[smem:$0x3FB3] =	sst s10  }
0x38: {  	s10 =	sld [smem:$0x3FB4]  }
0x39: {  	_ = 	snop;
	(pc) =	sbr.ind lr, $3  }
0x3a: {  	_ = 	snop  }
0x3b: {  	_ = 	snop  }
0x3c: {  	p2 =	seq.s32 s10, $0x1;
	s10 =	sld [smem:$0x3FB3]  }
0x3d: {  	_ =	shalt  }
0x3e: {  	_ =	shalt  }
0x3f: {  	_ =	shalt  }
0x40: {  	_ =	shalt  }
0x41: {  	_ =	shalt  }
0x42: {  	_ =	shalt  }
0x43: {  	_ =	shalt  }
0x44: {  	_ =	shalt  }
0x45: {  	_ =	shalt  }
0x46: {  	_ =	shalt  }
0x47: {  	_ =	shalt  }
0x48: {  	_ =	shalt  }
0x49: {  	_ =	shalt  }
0x4a: {  	_ =	shalt  }
0x4b: {  	_ =	shalt  }
0x4c: {  	_ =	shalt  }
0x4d: {  	_ =	shalt  }
0x4e: {  	_ =	shalt  }
0x4f: {  	_ =	shalt  }
0x50: {  	_ =	shalt  }
0x51: {  	_ =	shalt  }
0x52: {  	_ =	shalt  }
0x53: {  	_ =	shalt  }
0x54: {  	_ =	shalt  }
0x55: {  	_ =	shalt  }
0x56: {  	_ =	shalt  }
0x57: {  	_ =	shalt  }
0x58: {  	_ =	shalt  }
0x59: {  	_ =	shalt  }
0x5a: {  	_ =	shalt  }
0x5b: {  	_ =	shalt  }
0x5c: {  	_ =	shalt  }
0x5d: {  	_ =	shalt  }
0x5e: {  	_ =	shalt  }
0x5f: {  	_ =	shalt  }
0x60: {  	_ =	shalt  }
0x61: {  	_ =	shalt  }
0x62: {  	_ =	shalt  }
0x63: {  	_ =	shalt  }
0x64: {  	_ =	shalt  }
0x65: {  	_ =	shalt  }
0x66: {  	_ =	shalt  }
0x67: {  	_ =	shalt  }
0x68: {  	_ =	shalt  }
0x69: {  	_ =	shalt  }
0x6a: {  	_ =	shalt  }
0x6b: {  	_ =	shalt  }
0x6c: {  	_ =	shalt  }
0x6d: {  	_ =	shalt  }
0x6e: {  	_ =	shalt  }
0x6f: {  	_ =	shalt  }
0x70: {  	_ =	shalt  }
0x71: {  	_ =	shalt  }
0x72: {  	_ =	shalt  }
0x73: {  	_ =	shalt  }
0x74: {  	_ =	shalt  }
0x75: {  	_ =	shalt  }
0x76: {  	_ =	shalt  }
0x77: {  	_ =	shalt  }
0x78: {  	_ =	shalt  }
0x79: {  	_ =	shalt  }
0x7a: {  	_ =	shalt  }
0x7b: {  	_ =	shalt  }
0x7c: {  	_ =	shalt  }
0x7d: {  	_ =	shalt  }
0x7e: {  	_ =	shalt  }
0x7f: {  	_ =	shalt  }
0x80: {  	_ =	shalt  }
0x81: {  	_ =	shalt  }
0x82: {  	_ =	shalt  }
0x83: {  	_ =	shalt  }
0x84: {  	_ =	shalt  }
0x85: {  	_ =	shalt  }
0x86: {  	_ =	shalt  }
0x87: {  	_ =	shalt  }
.Lfunc_end0:
.L_simem_size_0:
called_computation.1_lowered:
.L_overlay_start_0:
0x88: {  	s2 =	sld [smem:$0x3FD9]  }
0x89: {  	s3 =	sld [smem:$0x3FFE];
	_ =	sdelay $0x1  }
0x8a: {  	s1 =	srdreg.scid  }
0x8b: {  	s0 =	sand.u32 $0x1, s1  }
0x8c: {  	s17 =	sshll.u32 s0, $0xA;
	s2 =	sadd.s32 s3, s2  }
0x8d: {  	s2 =	sadd.s32 s2, s17  }
0x8e: {  	[smem:$0x3FBF] =	sst s2  }
0x8f: {  	_ = 	snop  }
0x90: {  	s2 =	sld [smem:$0x3FD0];
	(tm) =	ssettm $0x1  }
0x91: {  	s18 =	sld [smem:$0x3FFB];
	_ =	sdelay $0x3  }
0x92: {  	_ =	strace s18  }
0x93: {  	s3 =	sld [smem:$0x3FFC];
	_ =	sdelay $0x3  }
0x94: {  	_ =	strace s3  }
0x95: {  	s3 =	sld [smem:$0x3FFD];
	_ =	sdelay $0x3  }
0x96: {  	_ =	strace s3  }
0x97: {  	_ =	strace $0x8FFFFFFF  }
0x98: {  	s19 =	sld [smem:$0x3FDB];
	_ =	sdelay $0x1  }
0x99: {  	s4 =	simm.s32 $_scs_section_size  }
0x9a: {  	s5 =	simm.s32 $_size__tile_overlayer_lowered;
	s6 =	simm.s32 $_tile_overlayer_lowered  }
0x9b: {  	s22 =	simm.s32 $0x1BFF;
	s21 =	sshll.u32 s6, $0x1;
	s3 =	sadd.s32 s4, s19  }
0x9c: {  	s7 =	simm.s32 $0x0;
	s20 =	sshll.u32 s5, $0x1;
	s5 =	sadd.s32 s21, s3  }
0x9d: {  	[timem:s7], [sflag:s22] =	dma.local [hbm:s5], s20  }
0x9e: {  	_ =	swait.ge [sflag:s22], s20  }
0x9f: {  	s4 =	ssub.s32 $0x0, s20;
	[sflag:s22] =	ssyncset.done $0x0  }
0xa0: {  	[sflag:s22] =	ssyncadd.s32 s4;
	_ =	sdelay $0x1  }
0xa1: {  	s23 =	simm.s32 $0x1B8B  }
0xa2: {  	_ =	swait.ge [sflag:s23], $0x1  }
0xa3: {  	[sflag:s23] =	ssyncset.done $0x0  }
0xa4: {  	s25 =	simm.s32 $0x1B8E;
	s24 =	sld [smem:$0x3FFE];
	[sflag:s23] =	ssyncadd.s32 $0xFFFFFFFF  }
0xa5: {  	s26 =	simm.s32 $execute0_lowered;
	[smem:$0x3FD2] =	sst s25  }
0xa6: {  	s5 =	sshll.u32 s26, $0x1;
	_ =	strace $0x80000049;
	[dreg:$0x1] =	wrdreg $0xFFFFFFFF  }
0xa7: {  	s28 =	simm.s32 $_size_execute0_lowered;
	s3 =	sadd.s32 s3, s5;
	[dreg:$0x0] =	wrdreg $0x0  }
0xa8: {  	s5 =	sshll.u32 s28, $0x1;
	[dreg:$0x2] =	wrdreg s3  }
0xa9: {  	[dreg:$0x3] =	wrdreg s5  }
0xaa: {  	[dreg:$0x4] =	wrdreg $0xC0  }
0xab: {  	_ =	task [dreg:s7], $0x5FFFF  }
0xac: {  	[dreg:$0x1] =	wrdreg $0xFFFFFFFF  }
0xad: {  	[dreg:$0x0] =	wrdreg $0x60  }
0xae: {  	[dreg:$0x2] =	wrdreg s24  }
0xaf: {  	[dreg:$0x3] =	wrdreg s2  }
0xb0: {  	[dreg:$0x4] =	wrdreg $0x83000  }
0xb1: {  	[dreg:$0x5] =	wrdreg $0x9  }
0xb2: {  	_ =	task.clear_ibuf [dreg:s7], $0x6FFFF;
	_ =	strace $0x90000049  }
0xb3: {  	s29 =	simm.s32 $0x9;
	_ =	strace $0x8000004B  }
0xb4: {  	_ =	swait.ge [sflag:s29], $0x1  }
0xb5: {  	[sflag:s29] =	ssyncadd.s32 $0xFFFFFFFF  }
0xb6: {  	_ =	strace $0x9000004B  }
0xb7: {  	_ =	sfence  }
0xb8: {  	s30 =	sld [smem:$0x0];
	_ =	sdelay $0x2  }
0xb9: {  	s31 =	sshll.u32 s1, $0xD;
	s1 =	sshrl.u32 s1, $0x2  }
0xba: {  	s3 =	sand.u32 $0x4000, s31;
	s1 =	sadd.s32 s1, s30  }
0xbb: {  	s0 =	sor.u32 s3, s0;
	s1 =	sshll.u32 s1, $0x11  }
0xbc: {  	s0 =	sor.u32 s1, s0  }
0xbd: {  	s0 =	sadd.s32 $0x8F2B, s0  }
0xbe: {  	[sflag:s0] =	ssyncadd.remote.s32 $0x1  }
0xbf: {  	_ =	sfence.sel $0xFFFF  }
0xc0: {  	[dreg:$0x0] =	wrdreg $0xFFFFFFFF;
	(pc) =	sbr.abs _section_cstart, $3  }
0xc1: {  	[dreg:$0x1] =	wrdreg $0xFFFFFFFF  }
0xc2: {  	_ =	task.clear_ibuf [dreg:s7], $0x2FFFF;
	_ =	strace $0x9FFFFFFF  }
0xc3: {  	(tm) =	ssettm $0x7FFFFFFF  }
tec
execute0_lowered:
.L_overlay_start_1:
0x0: {  	(tag) =	ssettag $0x1  }
0x1: {  	s9 =	rddreg [dreg:$0x0]  }
0x2: {  	s1 =	rddreg [dreg:$0x1]  }
0x3: {  	s3 =	rddreg [dreg:$0x2]  }
0x4: {  	s0 =	rddreg [dreg:$0x3];
	s4 =	simm.s32 $0x0;
	s5 =	srdreg.scid  }
0x5: {  	s2 =	stileid.u32;
	s16 =	simm.s32 $0x100;
	s17 =	simm.s32 $0x300  }
0x6: {  	s18 =	simm.s32 $0x180;
	s19 =	simm.s32 $0x200;
	s20 =	simm.s32 $0x280  }
0x7: {  	s21 =	simm.s32 $0x4300;
	s22 =	simm.s32 $0x1;
	s23 =	simm.s32 $0x2  }
0x8: {  	[smem:$0x7FF] =	sst s4;
	s10 =	sand.u32 $0x1, s5;
	s11 =	smul.u32 $0x2700, s2  }
0x9: {  	s5 =	sadd.s32 $0x11E00, s9;
	s6 =	sadd.s32 $0x7E00, s9;
	s7 =	sadd.s32 $0x2E00, s9  }
0xa: {  	s8 =	sadd.s32 $0xCE00, s9;
	s14 =	sshll.u32 s2, $0x1;
	s15 =	smul.u32 $0x4E000, s2  }
0xb: {  	s30 =	sshll.u32 s2, $0x6;
	_ =	strace $0x8000004A;
	s12 =	smul.u32 $0x27100, s10  }
0xc: {  	s26 =	ssub.s32 $0x2, s10;
	s28 =	sor.u32 s10, s14;
	s10 =	sor.u32 $0x1C03, s30  }
0xd: {  	s14 =	simm.s32 $0x3;
	s13 =	sshrl.u32 s26, $0x1;
	s29 =	sshrl.u32 s15, $0x2  }
0xe: {  	s15 =	simm.s32 $0x80;
	s11 =	sadd.s32 s11, s12;
	s12 =	ssub.s32 s26, s13  }
0xf: {  	s31 =	sadd.s32 s29, s3;
	s11 =	sadd.s32 s11, s9;
	s9 =	smul.u32 $0x1400, s28  }
0x10: {  	s12 =	smax.u32 s12, $0x1;
	s13 =	sshrl.u32 s31, $0x3;
	s11 =	sadd.s32 $0x14A600, s11  }
.LBB2_1:
0x11: {  	[spmem:s13], [sflag:s10] =	dma.local [hbm:s8], $0x2800  }
0x12: {  	_ =	swait.ge [sflag:s14], $0x2800  }
0x13: {  	[sflag:s14] =	ssyncset.done $0x0  }
0x14: {  	[sflag:s14] =	ssyncadd.s32 $0xFFFFD800  }
0x15: {  	s24 =	simm.s32 $0x0;
	[bflag:$0x0] =	sbarrier.arrive $0xFFFF  }
.LBB2_2:
0x16: {  	s25 =	sshll.u32 s24, $0x8  }
0x17: {  	s25 =	sadd.s32 s9, s25  }
0x18: {  	s26 =	sshrl.u32 s25, $0x3  }
0x19: {  	s25 =	simm.s32 $0x0;
	s28 =	sadd.s32 s6, s26  }
0x1a: {  	[tilespmem:s25], [sflag:$0x3] =	stream.linear.gather [hbm4b:s28+s25], $0x80, $0x38;
	[tilespmem:$0x1BB80] =	vst v63  }
0x1b: {  	_ =	swait.ge [sflag:s14], $0x80  }
0x1c: {  	[sflag:s14] =	ssyncset.done $0x0  }
0x1d: {  	s28 =	sadd.s32 s1, s26;
	[sflag:s14] =	ssyncadd.s32 $0xFFFFFF80  }
0x1e: {  	[tilespmem:s15], [sflag:$0x3] =	stream.linear.gather [hbm4b:s28+s25], $0x80, $0x38;
	[tilespmem:$0x1BB80] =	vst v63  }
0x1f: {  	_ =	swait.ge [sflag:s14], $0x80  }
0x20: {  	[sflag:s14] =	ssyncset.done $0x0  }
0x21: {  	s28 =	sadd.s32 s7, s26;
	[sflag:s14] =	ssyncadd.s32 $0xFFFFFF80  }
0x22: {  	[tilespmem:s16], [sflag:$0x3] =	stream.linear.gather [hbm4b:s28+s25], $0x80, $0x38;
	[tilespmem:$0x1BB80] =	vst v63  }
0x23: {  	_ =	swait.ge [sflag:s14], $0x80  }
0x24: {  	[sflag:s14] =	ssyncset.done $0x0  }
0x25: {  	s26 =	sor.u32 $0x10, s26;
	[sflag:s14] =	ssyncadd.s32 $0xFFFFFF80  }
0x26: {  	[tilespmem:s17], [sflag:$0x1] =	stream.indirect.gather [hbm4b:s5+s15], $0x80, s25, s15, $0xb8;
	[tilespmem:$0x1BB80] =	vst v63  }
0x27: {  	s28 =	sadd.s32 s6, s26  }
0x28: {  	[tilespmem:s18], [sflag:$0x3] =	stream.linear.gather [hbm4b:s28+s25], $0x80, $0x38;
	[tilespmem:$0x1BB80] =	vst v63  }
0x29: {  	_ =	swait.ge [sflag:s14], $0x80  }
0x2a: {  	[sflag:s14] =	ssyncset.done $0x0  }
0x2b: {  	s28 =	sadd.s32 s1, s26;
	[sflag:s14] =	ssyncadd.s32 $0xFFFFFF80  }
0x2c: {  	[tilespmem:s19], [sflag:$0x3] =	stream.linear.gather [hbm4b:s28+s25], $0x80, $0x38;
	[tilespmem:$0x1BB80] =	vst v63  }
0x2d: {  	_ =	swait.ge [sflag:s14], $0x80  }
0x2e: {  	[sflag:s14] =	ssyncset.done $0x0  }
0x2f: {  	s26 =	sadd.s32 s7, s26;
	[sflag:s14] =	ssyncadd.s32 $0xFFFFFF80  }
0x30: {  	[tilespmem:s20], [sflag:$0x3] =	stream.linear.gather [hbm4b:s26+s25], $0x80, $0x38;
	[tilespmem:$0x1BB80] =	vst v63  }
0x31: {  	_ =	swait.ge [sflag:s14], $0x80  }
0x32: {  	[sflag:s14] =	ssyncset.done $0x0  }
0x33: {  	[sflag:s14] =	ssyncadd.s32 $0xFFFFFF80  }
0x34: {  	[tilespmem:s21], [sflag:$0x2] =	stream.indirect.gather [hbm4b:s5+s15], $0x80, s18, s15, $0xb8;
	[tilespmem:$0x1BB80] =	vst v63  }
0x35: {  	_ =	swait.ge [sflag:s22], $0x4000  }
0x36: {  	[sflag:s22] =	ssyncset.done $0x0  }
0x37: {  	s28 =	simm.s32 $0x0;
	s26 =	simm.s32 $0x340;
	[sflag:s22] =	ssyncadd.s32 $0xFFFFC000  }
.LBB2_3:
0x38: {  	s29 =	sshll.u32 s28, $0x4  }
0x39: {  	v1 =	vld [tilespmem:s29+$0x100];
	_ =	sdelay $0x1  }
0x3a: {  	v5 =	vld [tilespmem:s26+$0xFFFFFFC0]  }
0x3b: {  	v7 =	vld [tilespmem:s26+$0xFFFFFFD0]  }
0x3c: {  	v6 =	vld [tilespmem:s26+$0xFFFFFFE0];
	v0 =	vmov s25  }
0x3d: {  	v3 =	vld [tilespmem:s26+$0x0];
	v0 =	vperm.xlane v1, v0  }
0x3e: {  	v4 =	vld [tilespmem:s26+$0x10]  }
0x3f: {  	v2 =	vld [tilespmem:s26+$0x20];
	v8 =	vmul.f32 v5, v0  }
0x40: {  	s30 =	simm.s32 $0x1;
	s31 =	smov.u32 s26;
	s29 =	smov.u32 s26;
	v7 =	vmul.f32 v7, v0;
	v5 =	vld [tilespmem:s26+$0x30]  }
.LBB2_4:
0x41: {  	p0 =	sne.s32 s30, $0xF;
	[tilespmem:s29+$0xFFFFFFC0] =	vst v8;
	v6 =	vmul.f32 v6, v0;
	v8 =	vld [tilespmem:s29+$0xFFFFFFF0];
	s31 =	sadd.s32 $0x80, s31  }
0x42: {  	v9 =	vld [tilespmem:s31+$0xFFFFFFC0];
	[tilespmem:s29+$0xFFFFFFD0] =	vst v7;
	v3 =	vmul.f32 v3, v0  }
0x43: {  	v7 =	vld [tilespmem:s31+$0xFFFFFFD0];
	[tilespmem:s29+$0xFFFFFFE0] =	vst v6;
	v4 =	vmul.f32 v4, v0  }
.Ltmp0:
0x44: {  	v10 =	vmov s30;
	v6 =	vld [tilespmem:s31+$0xFFFFFFE0];
	[tilespmem:s29+$0x0] =	vst v3;
	v2 =	vmul.f32 v2, v0;
	(pc) =	sbr.rel @p0 .LBB2_4-.Ltmp0, $4  }
0x45: {  	v10 =	vperm.xlane v1, v10;
	v3 =	vld [tilespmem:s31+$0x0];
	[tilespmem:s29+$0x10] =	vst v4;
	v5 =	vmul.f32 v5, v0  }
0x46: {  	v4 =	vld [tilespmem:s31+$0x10];
	v11 =	vmul.f32 v8, v0;
	[tilespmem:s29+$0x20] =	vst v2  }
0x47: {  	v0 =	vmov v10;
	v8 =	vmul.f32 v9, v10;
	v2 =	vld [tilespmem:s31+$0x20];
	[tilespmem:s29+$0x30] =	vst v5  }
0x48: {  	s30 =	sadd.s32 $0x1, s30;
	v7 =	vmul.f32 v7, v0;
	v5 =	vld [tilespmem:s31+$0x30];
	[tilespmem:s29+$0xFFFFFFF0] =	vst v11;
	s29 =	smov.u32 s31  }
0x49: {  	[tilespmem:s29+$0xFFFFFFC0] =	vst v8;
	v1 =	vmul.f32 v6, v0;
	v60 =	vld [tilespmem:s29+$0xFFFFFFF0]  }
0x4a: {  	s28 =	sadd.s32 $0x1, s28;
	[tilespmem:s29+$0xFFFFFFD0] =	vst v7;
	v3 =	vmul.f32 v3, v0  }
0x4b: {  	p0 =	sne.s32 s28, $0x8;
	[tilespmem:s29+$0xFFFFFFE0] =	vst v1;
	v61 =	vmul.f32 v4, v0  }
.Ltmp1:
0x4c: {  	[tilespmem:s29+$0x0] =	vst v3;
	v2 =	vmul.f32 v2, v0;
	(pc) =	sbr.rel @p0 .LBB2_3-.Ltmp1, $4  }
0x4d: {  	[tilespmem:s29+$0x10] =	vst v61;
	v62 =	vmul.f32 v5, v0  }
0x4e: {  	v63 =	vmul.f32 v60, v0;
	[tilespmem:s29+$0x20] =	vst v2  }
0x4f: {  	[tilespmem:s29+$0x30] =	vst v62  }
0x50: {  	s26 =	sadd.s32 $0x800, s26;
	[tilespmem:s29+$0xFFFFFFF0] =	vst v63  }
0x51: {  	[spmem:s3] =	stream.indirect.scatter.add.f32 [tilespmem:s17], [sflag:$0x3], $0x80, s15, s15, $0xb8;
	[tilespmem:$0x1BB80] =	vst v63  }
0x52: {  	_ =	swait.ge [sflag:s14], $0x4000  }
0x53: {  	[sflag:s14] =	ssyncset.done $0x0  }
0x54: {  	[sflag:s14] =	ssyncadd.s32 $0xFFFFC000  }
0x55: {  	_ =	swait.ge [sflag:s23], $0x4000  }
0x56: {  	s25 =	simm.s32 $0x0;
	[sflag:s23] =	ssyncset.done $0x0  }
0x57: {  	s26 =	simm.s32 $0x4340;
	s28 =	simm.s32 $0x0;
	[sflag:s23] =	ssyncadd.s32 $0xFFFFC000  }
.LBB2_7:
0x58: {  	s29 =	sshll.u32 s28, $0x4  }
0x59: {  	v1 =	vld [tilespmem:s29+$0x280];
	_ =	sdelay $0x1  }
0x5a: {  	v5 =	vld [tilespmem:s26+$0xFFFFFFC0]  }
0x5b: {  	v7 =	vld [tilespmem:s26+$0xFFFFFFD0]  }
0x5c: {  	v6 =	vld [tilespmem:s26+$0xFFFFFFE0];
	v0 =	vmov s25  }
0x5d: {  	v3 =	vld [tilespmem:s26+$0x0];
	v0 =	vperm.xlane v1, v0  }
0x5e: {  	v4 =	vld [tilespmem:s26+$0x10]  }
0x5f: {  	v2 =	vld [tilespmem:s26+$0x20];
	v8 =	vmul.f32 v5, v0  }
0x60: {  	s30 =	simm.s32 $0x1;
	s31 =	smov.u32 s26;
	s29 =	smov.u32 s26;
	v7 =	vmul.f32 v7, v0;
	v5 =	vld [tilespmem:s26+$0x30]  }
.LBB2_8:
0x61: {  	p0 =	sne.s32 s30, $0xF;
	[tilespmem:s29+$0xFFFFFFC0] =	vst v8;
	v6 =	vmul.f32 v6, v0;
	v8 =	vld [tilespmem:s29+$0xFFFFFFF0];
	s31 =	sadd.s32 $0x80, s31  }
0x62: {  	v9 =	vld [tilespmem:s31+$0xFFFFFFC0];
	[tilespmem:s29+$0xFFFFFFD0] =	vst v7;
	v3 =	vmul.f32 v3, v0  }
0x63: {  	v7 =	vld [tilespmem:s31+$0xFFFFFFD0];
	[tilespmem:s29+$0xFFFFFFE0] =	vst v6;
	v4 =	vmul.f32 v4, v0  }
.Ltmp2:
0x64: {  	v10 =	vmov s30;
	v6 =	vld [tilespmem:s31+$0xFFFFFFE0];
	[tilespmem:s29+$0x0] =	vst v3;
	v2 =	vmul.f32 v2, v0;
	(pc) =	sbr.rel @p0 .LBB2_8-.Ltmp2, $4  }
0x65: {  	v10 =	vperm.xlane v1, v10;
	v3 =	vld [tilespmem:s31+$0x0];
	[tilespmem:s29+$0x10] =	vst v4;
	v5 =	vmul.f32 v5, v0  }
0x66: {  	v4 =	vld [tilespmem:s31+$0x10];
	v11 =	vmul.f32 v8, v0;
	[tilespmem:s29+$0x20] =	vst v2  }
0x67: {  	v0 =	vmov v10;
	v8 =	vmul.f32 v9, v10;
	v2 =	vld [tilespmem:s31+$0x20];
	[tilespmem:s29+$0x30] =	vst v5  }
0x68: {  	s30 =	sadd.s32 $0x1, s30;
	v7 =	vmul.f32 v7, v0;
	v5 =	vld [tilespmem:s31+$0x30];
	[tilespmem:s29+$0xFFFFFFF0] =	vst v11;
	s29 =	smov.u32 s31  }
0x69: {  	[tilespmem:s29+$0xFFFFFFC0] =	vst v8;
	v1 =	vmul.f32 v6, v0;
	v60 =	vld [tilespmem:s29+$0xFFFFFFF0]  }
0x6a: {  	s28 =	sadd.s32 $0x1, s28;
	[tilespmem:s29+$0xFFFFFFD0] =	vst v7;
	v3 =	vmul.f32 v3, v0  }
0x6b: {  	p0 =	sne.s32 s28, $0x8;
	[tilespmem:s29+$0xFFFFFFE0] =	vst v1;
	v61 =	vmul.f32 v4, v0  }
.Ltmp3:
0x6c: {  	[tilespmem:s29+$0x0] =	vst v3;
	v2 =	vmul.f32 v2, v0;
	(pc) =	sbr.rel @p0 .LBB2_7-.Ltmp3, $4  }
0x6d: {  	[tilespmem:s29+$0x10] =	vst v61;
	v62 =	vmul.f32 v5, v0  }
0x6e: {  	v63 =	vmul.f32 v60, v0;
	[tilespmem:s29+$0x20] =	vst v2  }
0x6f: {  	[tilespmem:s29+$0x30] =	vst v62  }
0x70: {  	s26 =	sadd.s32 $0x800, s26;
	[tilespmem:s29+$0xFFFFFFF0] =	vst v63  }
0x71: {  	s24 =	sadd.s32 $0x1, s24  }
0x72: {  	p0 =	sne.s32 s24, $0x14  }
.Ltmp4:
0x73: {  	_ = 	snop;
	(pc) =	sbr.rel @p0 .LBB2_2-.Ltmp4, $4  }
0x74: {  	[spmem:s3] =	stream.indirect.scatter.add.f32 [tilespmem:s21], [sflag:$0x3], $0x80, s19, s15, $0xb8;
	[tilespmem:$0x1BB80] =	vst v63  }
0x75: {  	_ =	swait.ge [sflag:s14], $0x4000  }
0x76: {  	[sflag:s14] =	ssyncset.done $0x0  }
0x77: {  	[sflag:s14] =	ssyncadd.s32 $0xFFFFC000  }
0x78: {  	s4 =	sadd.s32 $0x1, s4  }
0x79: {  	p0 =	sne.s32 s4, s12  }
.Ltmp5:
0x7a: {  	[bflag:$0x0] =	sbarrier.arrive $0xFFFF;
	(pc) =	sbr.rel @p0 .LBB2_1-.Ltmp5, $4  }
0x7b: {  	[hbm:s11], [sflag:s10] =	dma.local [spmem:s13], $0x2800  }
0x7c: {  	_ =	swait.ge [sflag:s14], $0x2800  }
0x7d: {  	[sflag:s14] =	ssyncset.done $0x0  }
0x7e: {  	[sflag:s14] =	ssyncadd.s32 $0xFFFFD800  }
0x7f: {  	_ =	sfence.sel $0x180000  }
0x80: {  	[bflag:$0x0] =	sbarrier.arrive $0xFFFF  }
0x81: {  	p0 =	sne.s32 s2, $0x0;
	_ =	strace $0x9000004A  }
0x82: {  	s0 =	sadd.s32 @!p0 $0x100000, s0;
	[bflag:$0x2] =	sbarrier.arrive $0xFFFF  }
0x83: {  	[sflag:s0] =	ssyncadd.tile.s32 @!p0 $0x1;
	_ =	shalt  }
.Lfunc_end2:
_tile_overlayer_lowered:
.L_overlay_start_2:
0x84: {  	(tag) =	ssettag $0x2  }
0x85: {  	s0 =	rddreg [dreg:$0x0];
	s2 =	stileid.u32  }
0x86: {  	s1 =	rddreg [dreg:$0x1];
	p0 =	sne.s32 s2, $0x0  }
0x87: {  	s3 =	rddreg [dreg:$0x2];
	[bflag:$0x3] =	sbarrier.arrive $0xFFFF;
	s2 =	simm.s32 @!p0 $0x1C03  }
0x88: {  	[timem:s3], [sflag:s2] =	dma.local @!p0 [hbm:s0], s1  }
0x89: {  	s0 =	simm.s32 @!p0 $0x3  }
0x8a: {  	_ =	swait.ge @!p0 [sflag:s0], s1  }
0x8b: {  	s1 =	ssub.s32 @!p0 $0x0, s1;
	[sflag:s0] =	ssyncset.done @!p0 $0x0  }
0x8c: {  	[sflag:s0] =	ssyncadd.s32 @!p0 s1  }
0x8d: {  	[bflag:$0x3] =	sbarrier.arrive $0xFFFF  }
0x8e: {  	_ =	shalt  }

// kernel: kernel.18.cloned.1.call-start
scs
__scs_entry_jumppad:
0x0: {  	(pc) =	sbr.rel $0x88, $3  }
0x1: {  	(tag) =	ssettag $0x0;
	lr =	simm.s32 $0x1  }
0x2: {  	[smem:$0x3F98] =	sst lr;
	_ =	strace $0xD0000000  }
0x3: {  	_ = 	snop  }
0x4: {  	_ = 	snop  }
0x5: {  	_ = 	snop  }
0x6: {  	_ = 	snop  }
0x7: {  	_ = 	snop  }
__scs_overlays_trampoline_lowered:
0x8: {  	[smem:$0x3FA7] =	sst s0  }
0x9: {  	[smem:$0x3FA8] =	sst s1  }
0xa: {  	[smem:$0x3FA9] =	sst s2  }
0xb: {  	[smem:$0x3FAA] =	sst s3  }
0xc: {  	[smem:$0x3FAB] =	sst s4  }
0xd: {  	[smem:$0x3FAC] =	sst s5  }
0xe: {  	[smem:$0x3FAD] =	sst s6  }
0xf: {  	[smem:$0x3FAE] =	sst s7  }
0x10: {  	[smem:$0x3FAF] =	sst s8  }
0x11: {  	[smem:$0x3FB0] =	sst s9;
	s0 =	simm.s32 @!p0 $0x0  }
0x12: {  	s1 =	sld [smem:$0x3F96];
	s0 =	simm.s32 @p0 $0x1  }
0x13: {  	[smem:$0x3FB1] =	sst s0;
	s0 =	simm.s32 @!p1 $0x0  }
0x14: {  	s2 =	sld [smem:$0x3F95];
	s0 =	simm.s32 @p1 $0x1  }
0x15: {  	[smem:$0x3FB2] =	sst s0;
	s0 =	simm.s32 @!p2 $0x0  }
0x16: {  	s3 =	sld [smem:$0x3FDB];
	s0 =	simm.s32 @p2 $0x1  }
0x17: {  	s4 =	simm.s32 $0x1BF5;
	[smem:$0x3FB4] =	sst s0  }
0x18: {  	s0 =	sld [smem:$0x3F97];
	_ =	swait.ge [sflag:s4], $0x0  }
0x19: {  	s7 =	sld [smem:$0x3F98]  }
0x1a: {  	s8 =	sadd.s32 $0xFFFFE003, lr  }
0x1b: {  	s9 =	sadd.s32 $0xFFFFFEF7, lr;
	s5 =	simm.s32 $0xFFFFFFFF;
	p2 =	slt.u32 s8, $0xFFFFF086  }
0x1c: {  	p1 =	slt.u32 s9, $0xF7A;
	s5 =	simm.s32 @!p2 $0x0  }
0x1d: {  	s5 =	simm.s32 @p1 $0x1;
	p0 =	seq.s32 s7, s2  }
0x1e: {  	s7 =	smul.u32 @!p0 $0xF7A, s2;
	p2 =	seq.s32 @!p0 s5, $0x0  }
0x1f: {  	s9 =	smul.u32 $0xF7A, s1;
	s8 =	simm.s32 @!p0 $0x1BF5;
	p2 =	por !p2, p0  }
0x20: {  	[sflag:s8] =	ssyncset.s32 @!p0 $0xFFFFF086;
	s6 =	sadd.s32 @!p0 s3, s7;
	s7 =	simm.s32 @!p0 $0x108  }
0x21: {  	s3 =	sadd.s32 s3, s9;
	s6 =	sadd.s32 @!p0 $0x88, s6;
	s7 =	simm.s32 @p2 $0x1082  }
0x22: {  	[simem:s7], [sflag:s8] =	dma.local @!p0 [hbm:s6], $0xF7A  }
0x23: {  	s9 =	sor.u32 $0xD0000000, s2;
	s6 =	simm.s32 $0x108;
	_ =	swait.ge @!p0 [sflag:s8], $0x0  }
0x24: {  	s3 =	sadd.s32 $0x88, s3;
	s6 =	simm.s32 @!p1 $0x1082;
	[sflag:s4] =	ssyncset.s32 $0xFFFFF086  }
0x25: {  	[simem:s6], [sflag:s4] =	dma.local [hbm:s3], $0xF7A  }
0x26: {  	[smem:$0x3F98] =	sst s1;
	(tag) =	ssettag s2;
	_ =	strace s9  }
0x27: {  	s1 =	sld [smem:$0x3FA8]  }
0x28: {  	s2 =	sld [smem:$0x3FA9]  }
0x29: {  	s4 =	sld [smem:$0x3FAB]  }
0x2a: {  	p0 =	seq.s32 s5, $0x0;
	s5 =	sld [smem:$0x3FAC]  }
0x2b: {  	s6 =	sld [smem:$0x3FAD]  }
0x2c: {  	s7 =	sld [smem:$0x3FAE]  }
0x2d: {  	s3 =	simm.s32 $0x108;
	s8 =	sld [smem:$0x3FAF]  }
0x2e: {  	s3 =	simm.s32 @!p0 $0x1082;
	s9 =	sld [smem:$0x3FB0]  }
0x2f: {  	lr =	sadd.s32 s0, s3;
	s0 =	sld [smem:$0x3FA7]  }
0x30: {  	s3 =	sld [smem:$0x3FAA]  }
0x31: {  	[smem:$0x3FB3] =	sst s10  }
0x32: {  	s10 =	sld [smem:$0x3FB1];
	_ =	sdelay $0x3  }
0x33: {  	p0 =	seq.s32 s10, $0x1;
	s10 =	sld [smem:$0x3FB3];
	_ =	sdelay $0x3  }
0x34: {  	[smem:$0x3FB3] =	sst s10  }
0x35: {  	s10 =	sld [smem:$0x3FB2];
	_ =	sdelay $0x3  }
0x36: {  	p1 =	seq.s32 s10, $0x1;
	s10 =	sld [smem:$0x3FB3];
	_ =	sdelay $0x3  }
0x37: {  	[smem:$0x3FB3] =	sst s10  }
0x38: {  	s10 =	sld [smem:$0x3FB4]  }
0x39: {  	_ = 	snop;
	(pc) =	sbr.ind lr, $3  }
0x3a: {  	_ = 	snop  }
0x3b: {  	_ = 	snop  }
0x3c: {  	p2 =	seq.s32 s10, $0x1;
	s10 =	sld [smem:$0x3FB3]  }
0x3d: {  	_ =	shalt  }
0x3e: {  	_ =	shalt  }
0x3f: {  	_ =	shalt  }
0x40: {  	_ =	shalt  }
0x41: {  	_ =	shalt  }
0x42: {  	_ =	shalt  }
0x43: {  	_ =	shalt  }
0x44: {  	_ =	shalt  }
0x45: {  	_ =	shalt  }
0x46: {  	_ =	shalt  }
0x47: {  	_ =	shalt  }
0x48: {  	_ =	shalt  }
0x49: {  	_ =	shalt  }
0x4a: {  	_ =	shalt  }
0x4b: {  	_ =	shalt  }
0x4c: {  	_ =	shalt  }
0x4d: {  	_ =	shalt  }
0x4e: {  	_ =	shalt  }
0x4f: {  	_ =	shalt  }
0x50: {  	_ =	shalt  }
0x51: {  	_ =	shalt  }
0x52: {  	_ =	shalt  }
0x53: {  	_ =	shalt  }
0x54: {  	_ =	shalt  }
0x55: {  	_ =	shalt  }
0x56: {  	_ =	shalt  }
0x57: {  	_ =	shalt  }
0x58: {  	_ =	shalt  }
0x59: {  	_ =	shalt  }
0x5a: {  	_ =	shalt  }
0x5b: {  	_ =	shalt  }
0x5c: {  	_ =	shalt  }
0x5d: {  	_ =	shalt  }
0x5e: {  	_ =	shalt  }
0x5f: {  	_ =	shalt  }
0x60: {  	_ =	shalt  }
0x61: {  	_ =	shalt  }
0x62: {  	_ =	shalt  }
0x63: {  	_ =	shalt  }
0x64: {  	_ =	shalt  }
0x65: {  	_ =	shalt  }
0x66: {  	_ =	shalt  }
0x67: {  	_ =	shalt  }
0x68: {  	_ =	shalt  }
0x69: {  	_ =	shalt  }
0x6a: {  	_ =	shalt  }
0x6b: {  	_ =	shalt  }
0x6c: {  	_ =	shalt  }
0x6d: {  	_ =	shalt  }
0x6e: {  	_ =	shalt  }
0x6f: {  	_ =	shalt  }
0x70: {  	_ =	shalt  }
0x71: {  	_ =	shalt  }
0x72: {  	_ =	shalt  }
0x73: {  	_ =	shalt  }
0x74: {  	_ =	shalt  }
0x75: {  	_ =	shalt  }
0x76: {  	_ =	shalt  }
0x77: {  	_ =	shalt  }
0x78: {  	_ =	shalt  }
0x79: {  	_ =	shalt  }
0x7a: {  	_ =	shalt  }
0x7b: {  	_ =	shalt  }
0x7c: {  	_ =	shalt  }
0x7d: {  	_ =	shalt  }
0x7e: {  	_ =	shalt  }
0x7f: {  	_ =	shalt  }
0x80: {  	_ =	shalt  }
0x81: {  	_ =	shalt  }
0x82: {  	_ =	shalt  }
0x83: {  	_ =	shalt  }
0x84: {  	_ =	shalt  }
0x85: {  	_ =	shalt  }
0x86: {  	_ =	shalt  }
0x87: {  	_ =	shalt  }
.Lfunc_end0:
.L_simem_size_0:
called_computation.2_lowered:
.L_overlay_start_0:
0x88: {  	s2 =	sld [smem:$0x3FD9]  }
0x89: {  	s3 =	sld [smem:$0x3FFE];
	_ =	sdelay $0x1  }
0x8a: {  	s1 =	srdreg.scid  }
0x8b: {  	s0 =	sand.u32 $0x1, s1  }
0x8c: {  	s17 =	sshll.u32 s0, $0xA;
	s2 =	sadd.s32 s3, s2  }
0x8d: {  	s2 =	sadd.s32 s2, s17  }
0x8e: {  	[smem:$0x3FBF] =	sst s2  }
0x8f: {  	_ = 	snop  }
0x90: {  	s2 =	sld [smem:$0x3FD0];
	(tm) =	ssettm $0x1  }
0x91: {  	s18 =	sld [smem:$0x3FFB];
	_ =	sdelay $0x3  }
0x92: {  	_ =	strace s18  }
0x93: {  	s3 =	sld [smem:$0x3FFC];
	_ =	sdelay $0x3  }
0x94: {  	_ =	strace s3  }
0x95: {  	s3 =	sld [smem:$0x3FFD];
	_ =	sdelay $0x3  }
0x96: {  	_ =	strace s3  }
0x97: {  	_ =	strace $0x8FFFFFFF  }
0x98: {  	s19 =	sld [smem:$0x3FDB];
	_ =	sdelay $0x1  }
0x99: {  	s4 =	simm.s32 $_scs_section_size  }
0x9a: {  	s5 =	simm.s32 $_size__tile_overlayer_lowered;
	s6 =	simm.s32 $_tile_overlayer_lowered  }
0x9b: {  	s22 =	simm.s32 $0x1BFF;
	s21 =	sshll.u32 s6, $0x1;
	s3 =	sadd.s32 s4, s19  }
0x9c: {  	s7 =	simm.s32 $0x0;
	s20 =	sshll.u32 s5, $0x1;
	s5 =	sadd.s32 s21, s3  }
0x9d: {  	[timem:s7], [sflag:s22] =	dma.local [hbm:s5], s20  }
0x9e: {  	_ =	swait.ge [sflag:s22], s20  }
0x9f: {  	s4 =	ssub.s32 $0x0, s20;
	[sflag:s22] =	ssyncset.done $0x0  }
0xa0: {  	[sflag:s22] =	ssyncadd.s32 s4;
	_ =	sdelay $0x1  }
0xa1: {  	s23 =	simm.s32 $0x1B8B  }
0xa2: {  	_ =	swait.ge [sflag:s23], $0x1  }
0xa3: {  	[sflag:s23] =	ssyncset.done $0x0  }
0xa4: {  	s25 =	simm.s32 $0x1B8E;
	s24 =	sld [smem:$0x3FFE];
	[sflag:s23] =	ssyncadd.s32 $0xFFFFFFFF  }
0xa5: {  	s26 =	simm.s32 $execute0_lowered;
	[smem:$0x3FD2] =	sst s25  }
0xa6: {  	s5 =	sshll.u32 s26, $0x1;
	_ =	strace $0x8000004C;
	[dreg:$0x1] =	wrdreg $0xFFFFFFFF  }
0xa7: {  	s28 =	simm.s32 $_size_execute0_lowered;
	s3 =	sadd.s32 s3, s5;
	[dreg:$0x0] =	wrdreg $0x0  }
0xa8: {  	s5 =	sshll.u32 s28, $0x1;
	[dreg:$0x2] =	wrdreg s3  }
0xa9: {  	[dreg:$0x3] =	wrdreg s5  }
0xaa: {  	[dreg:$0x4] =	wrdreg $0xC0  }
0xab: {  	_ =	task [dreg:s7], $0x5FFFF  }
0xac: {  	[dreg:$0x1] =	wrdreg $0xFFFFFFFF  }
0xad: {  	[dreg:$0x0] =	wrdreg $0x60  }
0xae: {  	[dreg:$0x2] =	wrdreg s24  }
0xaf: {  	[dreg:$0x3] =	wrdreg s2  }
0xb0: {  	[dreg:$0x4] =	wrdreg $0x83000  }
0xb1: {  	[dreg:$0x5] =	wrdreg $0x9  }
0xb2: {  	_ =	task.clear_ibuf [dreg:s7], $0x6FFFF;
	_ =	strace $0x9000004C  }
0xb3: {  	s29 =	simm.s32 $0x9;
	_ =	strace $0x8000004E  }
0xb4: {  	_ =	swait.ge [sflag:s29], $0x1  }
0xb5: {  	[sflag:s29] =	ssyncadd.s32 $0xFFFFFFFF  }
0xb6: {  	_ =	strace $0x9000004E  }
0xb7: {  	_ =	sfence  }
0xb8: {  	s30 =	sld [smem:$0x0];
	_ =	sdelay $0x2  }
0xb9: {  	s31 =	sshll.u32 s1, $0xD;
	s1 =	sshrl.u32 s1, $0x2  }
0xba: {  	s3 =	sand.u32 $0x4000, s31;
	s1 =	sadd.s32 s1, s30  }
0xbb: {  	s0 =	sor.u32 s3, s0;
	s1 =	sshll.u32 s1, $0x11  }
0xbc: {  	s0 =	sor.u32 s1, s0  }
0xbd: {  	s0 =	sadd.s32 $0x8F2B, s0  }
0xbe: {  	[sflag:s0] =	ssyncadd.remote.s32 $0x1  }
0xbf: {  	_ =	sfence.sel $0xFFFF  }
0xc0: {  	[dreg:$0x0] =	wrdreg $0xFFFFFFFF;
	(pc) =	sbr.abs _section_cstart, $3  }
0xc1: {  	[dreg:$0x1] =	wrdreg $0xFFFFFFFF  }
0xc2: {  	_ =	task.clear_ibuf [dreg:s7], $0x2FFFF;
	_ =	strace $0x9FFFFFFF  }
0xc3: {  	(tm) =	ssettm $0x7FFFFFFF  }
tec
execute0_lowered:
.L_overlay_start_1:
0x0: {  	(tag) =	ssettag $0x1  }
0x1: {  	s9 =	rddreg [dreg:$0x0]  }
0x2: {  	s1 =	rddreg [dreg:$0x1]  }
0x3: {  	s3 =	rddreg [dreg:$0x2]  }
0x4: {  	s0 =	rddreg [dreg:$0x3];
	s4 =	simm.s32 $0x0;
	s5 =	srdreg.scid  }
0x5: {  	s2 =	stileid.u32;
	s16 =	simm.s32 $0x100;
	s17 =	simm.s32 $0x300  }
0x6: {  	s18 =	simm.s32 $0x180;
	s19 =	simm.s32 $0x200;
	s20 =	simm.s32 $0x280  }
0x7: {  	s21 =	simm.s32 $0x4300;
	s22 =	simm.s32 $0x1;
	s23 =	simm.s32 $0x2  }
0x8: {  	[smem:$0x7FF] =	sst s4;
	s10 =	sand.u32 $0x1, s5;
	s11 =	smul.u32 $0x2700, s2  }
0x9: {  	s5 =	sadd.s32 $0xF600, s9;
	s6 =	sadd.s32 $0x7E00, s9;
	s7 =	sadd.s32 $0x2E00, s9  }
0xa: {  	s8 =	sadd.s32 $0xCE00, s9;
	s14 =	sshll.u32 s2, $0x1;
	s15 =	smul.u32 $0x4E000, s2  }
0xb: {  	s30 =	sshll.u32 s2, $0x6;
	_ =	strace $0x8000004D;
	s12 =	smul.u32 $0x27100, s10  }
0xc: {  	s26 =	ssub.s32 $0x2, s10;
	s28 =	sor.u32 s10, s14;
	s10 =	sor.u32 $0x1C03, s30  }
0xd: {  	s14 =	simm.s32 $0x3;
	s13 =	sshrl.u32 s26, $0x1;
	s29 =	sshrl.u32 s15, $0x2  }
0xe: {  	s15 =	simm.s32 $0x80;
	s11 =	sadd.s32 s11, s12;
	s12 =	ssub.s32 s26, s13  }
0xf: {  	s31 =	sadd.s32 s29, s3;
	s11 =	sadd.s32 s11, s9;
	s9 =	smul.u32 $0x1400, s28  }
0x10: {  	s12 =	smax.u32 s12, $0x1;
	s13 =	sshrl.u32 s31, $0x3;
	s11 =	sadd.s32 $0x147E00, s11  }
.LBB2_1:
0x11: {  	[spmem:s13], [sflag:s10] =	dma.local [hbm:s8], $0x2800  }
0x12: {  	_ =	swait.ge [sflag:s14], $0x2800  }
0x13: {  	[sflag:s14] =	ssyncset.done $0x0  }
0x14: {  	[sflag:s14] =	ssyncadd.s32 $0xFFFFD800  }
0x15: {  	s24 =	simm.s32 $0x0;
	[bflag:$0x0] =	sbarrier.arrive $0xFFFF  }
.LBB2_2:
0x16: {  	s25 =	sshll.u32 s24, $0x8  }
0x17: {  	s25 =	sadd.s32 s9, s25  }
0x18: {  	s26 =	sshrl.u32 s25, $0x3  }
0x19: {  	s25 =	simm.s32 $0x0;
	s28 =	sadd.s32 s6, s26  }
0x1a: {  	[tilespmem:s25], [sflag:$0x3] =	stream.linear.gather [hbm4b:s28+s25], $0x80, $0x38;
	[tilespmem:$0x1BB80] =	vst v63  }
0x1b: {  	_ =	swait.ge [sflag:s14], $0x80  }
0x1c: {  	[sflag:s14] =	ssyncset.done $0x0  }
0x1d: {  	s28 =	sadd.s32 s1, s26;
	[sflag:s14] =	ssyncadd.s32 $0xFFFFFF80  }
0x1e: {  	[tilespmem:s15], [sflag:$0x3] =	stream.linear.gather [hbm4b:s28+s25], $0x80, $0x38;
	[tilespmem:$0x1BB80] =	vst v63  }
0x1f: {  	_ =	swait.ge [sflag:s14], $0x80  }
0x20: {  	[sflag:s14] =	ssyncset.done $0x0  }
0x21: {  	s28 =	sadd.s32 s7, s26;
	[sflag:s14] =	ssyncadd.s32 $0xFFFFFF80  }
0x22: {  	[tilespmem:s16], [sflag:$0x3] =	stream.linear.gather [hbm4b:s28+s25], $0x80, $0x38;
	[tilespmem:$0x1BB80] =	vst v63  }
0x23: {  	_ =	swait.ge [sflag:s14], $0x80  }
0x24: {  	[sflag:s14] =	ssyncset.done $0x0  }
0x25: {  	s26 =	sor.u32 $0x10, s26;
	[sflag:s14] =	ssyncadd.s32 $0xFFFFFF80  }
0x26: {  	[tilespmem:s17], [sflag:$0x1] =	stream.indirect.gather [hbm4b:s5+s15], $0x80, s25, s15, $0xb8;
	[tilespmem:$0x1BB80] =	vst v63  }
0x27: {  	s28 =	sadd.s32 s6, s26  }
0x28: {  	[tilespmem:s18], [sflag:$0x3] =	stream.linear.gather [hbm4b:s28+s25], $0x80, $0x38;
	[tilespmem:$0x1BB80] =	vst v63  }
0x29: {  	_ =	swait.ge [sflag:s14], $0x80  }
0x2a: {  	[sflag:s14] =	ssyncset.done $0x0  }
0x2b: {  	s28 =	sadd.s32 s1, s26;
	[sflag:s14] =	ssyncadd.s32 $0xFFFFFF80  }
0x2c: {  	[tilespmem:s19], [sflag:$0x3] =	stream.linear.gather [hbm4b:s28+s25], $0x80, $0x38;
	[tilespmem:$0x1BB80] =	vst v63  }
0x2d: {  	_ =	swait.ge [sflag:s14], $0x80  }
0x2e: {  	[sflag:s14] =	ssyncset.done $0x0  }
0x2f: {  	s26 =	sadd.s32 s7, s26;
	[sflag:s14] =	ssyncadd.s32 $0xFFFFFF80  }
0x30: {  	[tilespmem:s20], [sflag:$0x3] =	stream.linear.gather [hbm4b:s26+s25], $0x80, $0x38;
	[tilespmem:$0x1BB80] =	vst v63  }
0x31: {  	_ =	swait.ge [sflag:s14], $0x80  }
0x32: {  	[sflag:s14] =	ssyncset.done $0x0  }
0x33: {  	[sflag:s14] =	ssyncadd.s32 $0xFFFFFF80  }
0x34: {  	[tilespmem:s21], [sflag:$0x2] =	stream.indirect.gather [hbm4b:s5+s15], $0x80, s18, s15, $0xb8;
	[tilespmem:$0x1BB80] =	vst v63  }
0x35: {  	_ =	swait.ge [sflag:s22], $0x4000  }
0x36: {  	[sflag:s22] =	ssyncset.done $0x0  }
0x37: {  	s28 =	simm.s32 $0x0;
	s26 =	simm.s32 $0x340;
	[sflag:s22] =	ssyncadd.s32 $0xFFFFC000  }
.LBB2_3:
0x38: {  	s29 =	sshll.u32 s28, $0x4  }
0x39: {  	v1 =	vld [tilespmem:s29+$0x100];
	_ =	sdelay $0x1  }
0x3a: {  	v5 =	vld [tilespmem:s26+$0xFFFFFFC0]  }
0x3b: {  	v7 =	vld [tilespmem:s26+$0xFFFFFFD0]  }
0x3c: {  	v6 =	vld [tilespmem:s26+$0xFFFFFFE0];
	v0 =	vmov s25  }
0x3d: {  	v3 =	vld [tilespmem:s26+$0x0];
	v0 =	vperm.xlane v1, v0  }
0x3e: {  	v4 =	vld [tilespmem:s26+$0x10]  }
0x3f: {  	v2 =	vld [tilespmem:s26+$0x20];
	v8 =	vmul.f32 v5, v0  }
0x40: {  	s30 =	simm.s32 $0x1;
	s31 =	smov.u32 s26;
	s29 =	smov.u32 s26;
	v7 =	vmul.f32 v7, v0;
	v5 =	vld [tilespmem:s26+$0x30]  }
.LBB2_4:
0x41: {  	p0 =	sne.s32 s30, $0xF;
	[tilespmem:s29+$0xFFFFFFC0] =	vst v8;
	v6 =	vmul.f32 v6, v0;
	v8 =	vld [tilespmem:s29+$0xFFFFFFF0];
	s31 =	sadd.s32 $0x80, s31  }
0x42: {  	v9 =	vld [tilespmem:s31+$0xFFFFFFC0];
	[tilespmem:s29+$0xFFFFFFD0] =	vst v7;
	v3 =	vmul.f32 v3, v0  }
0x43: {  	v7 =	vld [tilespmem:s31+$0xFFFFFFD0];
	[tilespmem:s29+$0xFFFFFFE0] =	vst v6;
	v4 =	vmul.f32 v4, v0  }
.Ltmp0:
0x44: {  	v10 =	vmov s30;
	v6 =	vld [tilespmem:s31+$0xFFFFFFE0];
	[tilespmem:s29+$0x0] =	vst v3;
	v2 =	vmul.f32 v2, v0;
	(pc) =	sbr.rel @p0 .LBB2_4-.Ltmp0, $4  }
0x45: {  	v10 =	vperm.xlane v1, v10;
	v3 =	vld [tilespmem:s31+$0x0];
	[tilespmem:s29+$0x10] =	vst v4;
	v5 =	vmul.f32 v5, v0  }
0x46: {  	v4 =	vld [tilespmem:s31+$0x10];
	v11 =	vmul.f32 v8, v0;
	[tilespmem:s29+$0x20] =	vst v2  }
0x47: {  	v0 =	vmov v10;
	v8 =	vmul.f32 v9, v10;
	v2 =	vld [tilespmem:s31+$0x20];
	[tilespmem:s29+$0x30] =	vst v5  }
0x48: {  	s30 =	sadd.s32 $0x1, s30;
	v7 =	vmul.f32 v7, v0;
	v5 =	vld [tilespmem:s31+$0x30];
	[tilespmem:s29+$0xFFFFFFF0] =	vst v11;
	s29 =	smov.u32 s31  }
0x49: {  	[tilespmem:s29+$0xFFFFFFC0] =	vst v8;
	v1 =	vmul.f32 v6, v0;
	v60 =	vld [tilespmem:s29+$0xFFFFFFF0]  }
0x4a: {  	s28 =	sadd.s32 $0x1, s28;
	[tilespmem:s29+$0xFFFFFFD0] =	vst v7;
	v3 =	vmul.f32 v3, v0  }
0x4b: {  	p0 =	sne.s32 s28, $0x8;
	[tilespmem:s29+$0xFFFFFFE0] =	vst v1;
	v61 =	vmul.f32 v4, v0  }
.Ltmp1:
0x4c: {  	[tilespmem:s29+$0x0] =	vst v3;
	v2 =	vmul.f32 v2, v0;
	(pc) =	sbr.rel @p0 .LBB2_3-.Ltmp1, $4  }
0x4d: {  	[tilespmem:s29+$0x10] =	vst v61;
	v62 =	vmul.f32 v5, v0  }
0x4e: {  	v63 =	vmul.f32 v60, v0;
	[tilespmem:s29+$0x20] =	vst v2  }
0x4f: {  	[tilespmem:s29+$0x30] =	vst v62  }
0x50: {  	s26 =	sadd.s32 $0x800, s26;
	[tilespmem:s29+$0xFFFFFFF0] =	vst v63  }
0x51: {  	[spmem:s3] =	stream.indirect.scatter.add.f32 [tilespmem:s17], [sflag:$0x3], $0x80, s15, s15, $0xb8;
	[tilespmem:$0x1BB80] =	vst v63  }
0x52: {  	_ =	swait.ge [sflag:s14], $0x4000  }
0x53: {  	[sflag:s14] =	ssyncset.done $0x0  }
0x54: {  	[sflag:s14] =	ssyncadd.s32 $0xFFFFC000  }
0x55: {  	_ =	swait.ge [sflag:s23], $0x4000  }
0x56: {  	s25 =	simm.s32 $0x0;
	[sflag:s23] =	ssyncset.done $0x0  }
0x57: {  	s26 =	simm.s32 $0x4340;
	s28 =	simm.s32 $0x0;
	[sflag:s23] =	ssyncadd.s32 $0xFFFFC000  }
.LBB2_7:
0x58: {  	s29 =	sshll.u32 s28, $0x4  }
0x59: {  	v1 =	vld [tilespmem:s29+$0x280];
	_ =	sdelay $0x1  }
0x5a: {  	v5 =	vld [tilespmem:s26+$0xFFFFFFC0]  }
0x5b: {  	v7 =	vld [tilespmem:s26+$0xFFFFFFD0]  }
0x5c: {  	v6 =	vld [tilespmem:s26+$0xFFFFFFE0];
	v0 =	vmov s25  }
0x5d: {  	v3 =	vld [tilespmem:s26+$0x0];
	v0 =	vperm.xlane v1, v0  }
0x5e: {  	v4 =	vld [tilespmem:s26+$0x10]  }
0x5f: {  	v2 =	vld [tilespmem:s26+$0x20];
	v8 =	vmul.f32 v5, v0  }
0x60: {  	s30 =	simm.s32 $0x1;
	s31 =	smov.u32 s26;
	s29 =	smov.u32 s26;
	v7 =	vmul.f32 v7, v0;
	v5 =	vld [tilespmem:s26+$0x30]  }
.LBB2_8:
0x61: {  	p0 =	sne.s32 s30, $0xF;
	[tilespmem:s29+$0xFFFFFFC0] =	vst v8;
	v6 =	vmul.f32 v6, v0;
	v8 =	vld [tilespmem:s29+$0xFFFFFFF0];
	s31 =	sadd.s32 $0x80, s31  }
0x62: {  	v9 =	vld [tilespmem:s31+$0xFFFFFFC0];
	[tilespmem:s29+$0xFFFFFFD0] =	vst v7;
	v3 =	vmul.f32 v3, v0  }
0x63: {  	v7 =	vld [tilespmem:s31+$0xFFFFFFD0];
	[tilespmem:s29+$0xFFFFFFE0] =	vst v6;
	v4 =	vmul.f32 v4, v0  }
.Ltmp2:
0x64: {  	v10 =	vmov s30;
	v6 =	vld [tilespmem:s31+$0xFFFFFFE0];
	[tilespmem:s29+$0x0] =	vst v3;
	v2 =	vmul.f32 v2, v0;
	(pc) =	sbr.rel @p0 .LBB2_8-.Ltmp2, $4  }
0x65: {  	v10 =	vperm.xlane v1, v10;
	v3 =	vld [tilespmem:s31+$0x0];
	[tilespmem:s29+$0x10] =	vst v4;
	v5 =	vmul.f32 v5, v0  }
0x66: {  	v4 =	vld [tilespmem:s31+$0x10];
	v11 =	vmul.f32 v8, v0;
	[tilespmem:s29+$0x20] =	vst v2  }
0x67: {  	v0 =	vmov v10;
	v8 =	vmul.f32 v9, v10;
	v2 =	vld [tilespmem:s31+$0x20];
	[tilespmem:s29+$0x30] =	vst v5  }
0x68: {  	s30 =	sadd.s32 $0x1, s30;
	v7 =	vmul.f32 v7, v0;
	v5 =	vld [tilespmem:s31+$0x30];
	[tilespmem:s29+$0xFFFFFFF0] =	vst v11;
	s29 =	smov.u32 s31  }
0x69: {  	[tilespmem:s29+$0xFFFFFFC0] =	vst v8;
	v1 =	vmul.f32 v6, v0;
	v60 =	vld [tilespmem:s29+$0xFFFFFFF0]  }
0x6a: {  	s28 =	sadd.s32 $0x1, s28;
	[tilespmem:s29+$0xFFFFFFD0] =	vst v7;
	v3 =	vmul.f32 v3, v0  }
0x6b: {  	p0 =	sne.s32 s28, $0x8;
	[tilespmem:s29+$0xFFFFFFE0] =	vst v1;
	v61 =	vmul.f32 v4, v0  }
.Ltmp3:
0x6c: {  	[tilespmem:s29+$0x0] =	vst v3;
	v2 =	vmul.f32 v2, v0;
	(pc) =	sbr.rel @p0 .LBB2_7-.Ltmp3, $4  }
0x6d: {  	[tilespmem:s29+$0x10] =	vst v61;
	v62 =	vmul.f32 v5, v0  }
0x6e: {  	v63 =	vmul.f32 v60, v0;
	[tilespmem:s29+$0x20] =	vst v2  }
0x6f: {  	[tilespmem:s29+$0x30] =	vst v62  }
0x70: {  	s26 =	sadd.s32 $0x800, s26;
	[tilespmem:s29+$0xFFFFFFF0] =	vst v63  }
0x71: {  	s24 =	sadd.s32 $0x1, s24  }
0x72: {  	p0 =	sne.s32 s24, $0x14  }
.Ltmp4:
0x73: {  	_ = 	snop;
	(pc) =	sbr.rel @p0 .LBB2_2-.Ltmp4, $4  }
0x74: {  	[spmem:s3] =	stream.indirect.scatter.add.f32 [tilespmem:s21], [sflag:$0x3], $0x80, s19, s15, $0xb8;
	[tilespmem:$0x1BB80] =	vst v63  }
0x75: {  	_ =	swait.ge [sflag:s14], $0x4000  }
0x76: {  	[sflag:s14] =	ssyncset.done $0x0  }
0x77: {  	[sflag:s14] =	ssyncadd.s32 $0xFFFFC000  }
0x78: {  	s4 =	sadd.s32 $0x1, s4  }
0x79: {  	p0 =	sne.s32 s4, s12  }
.Ltmp5:
0x7a: {  	[bflag:$0x0] =	sbarrier.arrive $0xFFFF;
	(pc) =	sbr.rel @p0 .LBB2_1-.Ltmp5, $4  }
0x7b: {  	[hbm:s11], [sflag:s10] =	dma.local [spmem:s13], $0x2800  }
0x7c: {  	_ =	swait.ge [sflag:s14], $0x2800  }
0x7d: {  	[sflag:s14] =	ssyncset.done $0x0  }
0x7e: {  	[sflag:s14] =	ssyncadd.s32 $0xFFFFD800  }
0x7f: {  	_ =	sfence.sel $0x180000  }
0x80: {  	[bflag:$0x0] =	sbarrier.arrive $0xFFFF  }
0x81: {  	p0 =	sne.s32 s2, $0x0;
	_ =	strace $0x9000004D  }
0x82: {  	s0 =	sadd.s32 @!p0 $0x100000, s0;
	[bflag:$0x2] =	sbarrier.arrive $0xFFFF  }
0x83: {  	[sflag:s0] =	ssyncadd.tile.s32 @!p0 $0x1;
	_ =	shalt  }
.Lfunc_end2:
_tile_overlayer_lowered:
.L_overlay_start_2:
0x84: {  	(tag) =	ssettag $0x2  }
0x85: {  	s0 =	rddreg [dreg:$0x0];
	s2 =	stileid.u32  }
0x86: {  	s1 =	rddreg [dreg:$0x1];
	p0 =	sne.s32 s2, $0x0  }
0x87: {  	s3 =	rddreg [dreg:$0x2];
	[bflag:$0x3] =	sbarrier.arrive $0xFFFF;
	s2 =	simm.s32 @!p0 $0x1C03  }
0x88: {  	[timem:s3], [sflag:s2] =	dma.local @!p0 [hbm:s0], s1  }
0x89: {  	s0 =	simm.s32 @!p0 $0x3  }
0x8a: {  	_ =	swait.ge @!p0 [sflag:s0], s1  }
0x8b: {  	s1 =	ssub.s32 @!p0 $0x0, s1;
	[sflag:s0] =	ssyncset.done @!p0 $0x0  }
0x8c: {  	[sflag:s0] =	ssyncadd.s32 @!p0 s1  }
0x8d: {  	[bflag:$0x3] =	sbarrier.arrive $0xFFFF  }
0x8e: {  	_ =	shalt  }

</sc_bundles>
